<compile_context>
chip_gen: v7x
topology: tpu7x:2x2x1
jax: 0.10.2.dev20260603
libtpu: 0.0.44.dev20260713+nightly
codegen_flags: <defaults>
</compile_context>

<pallas_src>
import functools

import jax
import jax.numpy as jnp
from jax import lax
from jax.experimental import pallas as pl
from jax.experimental.pallas import tpu as pltpu
from jax.experimental.pallas import tpu_sc as plsc

L = 16


def _tc_xw(x, W):
    N, D = x.shape
    R = W.shape[0]
    BN = 1000

    def body(x_ref, w_ref, o_ref):
        xb = x_ref[...]
        for r in range(R):
            o_ref[r] = jnp.dot(xb, w_ref[r], preferred_element_type=jnp.float32)

    return pl.pallas_call(
        body,
        grid=(N // BN,),
        in_specs=[
            pl.BlockSpec((BN, D), lambda i: (i, 0)),
            pl.BlockSpec((R, D, D), lambda i: (0, 0, 0)),
        ],
        out_specs=pl.BlockSpec((R, BN, D), lambda i: (0, i, 0)),
        out_shape=jax.ShapeDtypeStruct((R, N, D), jnp.float32),
    )(x, W)


def _tc_out(x, W_root, bias, acc):
    N, D = x.shape
    BN = 1000

    def body(x_ref, wr_ref, b_ref, a_ref, o_ref):
        o_ref[...] = (
            jnp.dot(x_ref[...], wr_ref[...], preferred_element_type=jnp.float32)
            + b_ref[...]
            + a_ref[0]
            + a_ref[1]
        )

    return pl.pallas_call(
        body,
        grid=(N // BN,),
        in_specs=[
            pl.BlockSpec((BN, D), lambda i: (i, 0)),
            pl.BlockSpec((D, D), lambda i: (0, 0)),
            pl.BlockSpec((1, D), lambda i: (0, 0)),
            pl.BlockSpec((2, BN, D), lambda i: (0, i, 0)),
        ],
        out_specs=pl.BlockSpec((BN, D), lambda i: (i, 0)),
        out_shape=jax.ShapeDtypeStruct((N, D), jnp.float32),
    )(x, W_root, bias.reshape(1, D), acc)


def _sc_prep(E, N, R, NC, NS, CNT):
    CPT = E // NS
    CB = 4000
    NB = CPT // CB
    CH = 80
    EPT = E // (NC * NS)
    HS = 4992
    TAIL = EPT - 2 * HS
    SLAB = CNT // NS
    mesh = plsc.VectorSubcoreMesh(core_axis_name="c", subcore_axis_name="s")

    @functools.partial(
        pl.kernel,
        mesh=mesh,
        out_type=(
            jax.ShapeDtypeStruct((E,), jnp.float32),
            jax.ShapeDtypeStruct((E,), jnp.int32),
        ),
        scratch_types=[
            pltpu.VMEM((CNT,), jnp.float32),
            pltpu.VMEM((SLAB,), jnp.float32),
            pltpu.VMEM((HS,), jnp.int32),
            pltpu.VMEM((HS,), jnp.int32),
            pltpu.VMEM((HS,), jnp.int32),
            pltpu.VMEM((HS,), jnp.float32),
            pltpu.VMEM((HS,), jnp.int32),
            pltpu.VMEM((2, CH), jnp.int32),
            pltpu.VMEM((CH,), jnp.float32),
            pltpu.VMEM_SHARED((CNT,), jnp.float32),
            pltpu.SemaphoreType.DMA,
            pltpu.SemaphoreType.DMA,
        ],
        compiler_params=pltpu.CompilerParams(needs_layout_passes=False),
    )
    def k(
        et_hbm,
        dst_hbm,
        src_hbm,
        s_hbm,
        g_hbm,
        inv,
        tmp,
        b_et,
        b_dst,
        b_src,
        s_out,
        g_out,
        cidx,
        ones,
        cnt_sp,
        ssem0,
        ssem1,
    ):
        cid = lax.axis_index("c")
        sid = lax.axis_index("s")
        wid = cid * NS + sid
        zeros16 = jnp.zeros((L,), jnp.float32)
        one16 = jnp.full((L,), 1.0, jnp.float32)
        ssem = (ssem0, ssem1)

        def z(i, _):
            tmp[pl.ds(i * L, L)] = zeros16
            return _

        lax.fori_loop(0, SLAB // L, z, None)
        for q in range(CH // L):
            ones[pl.ds(q * L, L)] = one16
        pltpu.sync_copy(tmp, cnt_sp.at[pl.ds(sid * SLAB, SLAB)])
        plsc.subcore_barrier()

        cbase = sid * CPT

        def count_chunk(ch, b, guard):
            drain = lambda: pltpu.make_async_copy(
                ones, cnt_sp.at[cidx.at[b]], ssem[b]
            ).wait()
            if guard:
                pl.when(ch >= 2)(drain)
            else:
                drain()
            for q in range(CH // L):
                o = ch * CH + q * L
                c16 = b_et[pl.ds(o, L)] * N + b_dst[pl.ds(o, L)]
                cidx[b, pl.ds(q * L, L)] = c16
            pltpu.async_copy(ones, cnt_sp.at[cidx.at[b]], ssem[b], add=True)

        for blk in range(NB):
            pltpu.sync_copy(
                et_hbm.at[pl.ds(cbase + blk * CB, CB)], b_et.at[pl.ds(0, CB)]
            )
            pltpu.sync_copy(
                dst_hbm.at[pl.ds(cbase + blk * CB, CB)], b_dst.at[pl.ds(0, CB)]
            )

            @pl.loop(0, CB // CH, step=2)
            def _(ch):
                for b in range(2):
                    count_chunk(ch + b, b, blk == 0)

        for b in range(2):
            pltpu.make_async_copy(ones, cnt_sp.at[cidx.at[b]], ssem[b]).wait()
        plsc.subcore_barrier()

        pltpu.sync_copy(cnt_sp.at[pl.ds(sid * SLAB, SLAB)], tmp)

        def invert(i, _):
            c16 = tmp[pl.ds(i * L, L)]
            tmp[pl.ds(i * L, L)] = one16 / jnp.maximum(c16, one16)
            return _

        lax.fori_loop(0, SLAB // L, invert, None)
        pltpu.sync_copy(tmp, cnt_sp.at[pl.ds(sid * SLAB, SLAB)])
        plsc.subcore_barrier()
        pltpu.sync_copy(cnt_sp, inv)

        obase = wid * EPT

        def emit(nv, hb):
            def body(i, _):
                et16 = b_et[pl.ds(i * L, L)]
                c16 = et16 * N + b_dst[pl.ds(i * L, L)]
                s_out[pl.ds(i * L, L)] = plsc.load_gather(inv, [c16])
                g_out[pl.ds(i * L, L)] = et16 * N + b_src[pl.ds(i * L, L)]
                return _

            lax.fori_loop(0, nv // L, body, None)
            pltpu.sync_copy(s_out.at[pl.ds(0, nv)], s_hbm.at[pl.ds(hb, nv)])
            pltpu.sync_copy(g_out.at[pl.ds(0, nv)], g_hbm.at[pl.ds(hb, nv)])

        for h in range(2):
            hb = obase + h * HS
            pltpu.sync_copy(et_hbm.at[pl.ds(hb, HS)], b_et)
            pltpu.sync_copy(dst_hbm.at[pl.ds(hb, HS)], b_dst)
            pltpu.sync_copy(src_hbm.at[pl.ds(hb, HS)], b_src)
            emit(HS, hb)
        tb = obase + 2 * HS
        pltpu.sync_copy(et_hbm.at[pl.ds(tb, TAIL)], b_et.at[pl.ds(0, TAIL)])
        pltpu.sync_copy(dst_hbm.at[pl.ds(tb, TAIL)], b_dst.at[pl.ds(0, TAIL)])
        pltpu.sync_copy(src_hbm.at[pl.ds(tb, TAIL)], b_src.at[pl.ds(0, TAIL)])
        emit(TAIL, tb)

    return k


def _sc_main(E, N, R, NC, NS):
    EPT = E // (NC * NS)
    CH = 80
    NCHUNK = EPT // CH
    RPT = (N // NS) // 8 * 8
    REM = N - RPT * NS
    mesh = plsc.VectorSubcoreMesh(core_axis_name="c", subcore_axis_name="s")

    @functools.partial(
        pl.kernel,
        mesh=mesh,
        out_type=jax.ShapeDtypeStruct((NC, N, 128), jnp.float32),
        scratch_types=[
            pltpu.VMEM((EPT,), jnp.int32),
            pltpu.VMEM((CH, 128), jnp.float32),
            pltpu.VMEM((CH, 128), jnp.float32),
            pltpu.VMEM((CH, 128), jnp.float32),
            pltpu.VMEM((3, CH), jnp.int32),
            pltpu.VMEM((3, CH), jnp.float32),
            pltpu.VMEM_SHARED((N, 128), jnp.float32),
            pltpu.SemaphoreType.DMA,
            pltpu.SemaphoreType.DMA,
            pltpu.SemaphoreType.DMA,
            pltpu.SemaphoreType.DMA,
            pltpu.SemaphoreType.DMA,
            pltpu.SemaphoreType.DMA,
        ],
        compiler_params=pltpu.CompilerParams(needs_layout_passes=False),
    )
    def k(
        xw_hbm,
        g_hbm,
        dst_hbm,
        s_hbm,
        out_hbm,
        pre_g,
        rows0,
        rows1,
        rows2,
        dst_ix,
        s_ix,
        acc_sp,
        gsem0,
        gsem1,
        gsem2,
        ssem0,
        ssem1,
        ssem2,
    ):
        cid = lax.axis_index("c")
        sid = lax.axis_index("s")
        wid = cid * NS + sid
        tbase = wid * EPT
        zeros16 = jnp.zeros((L,), jnp.float32)
        rows = (rows0, rows1, rows2)
        gsem = (gsem0, gsem1, gsem2)
        ssem = (ssem0, ssem1, ssem2)

        def zrow(i, _):
            for j in range(8):
                rows0[i, pl.ds(j * L, L)] = zeros16
            return _

        lax.fori_loop(0, CH, zrow, None)
        nfull = RPT // CH
        for t in range(nfull):
            pltpu.sync_copy(rows0, acc_sp.at[pl.ds(sid * RPT + t * CH, CH)])
        rem = RPT - nfull * CH
        if rem:
            pltpu.sync_copy(
                rows0.at[pl.ds(0, rem)],
                acc_sp.at[pl.ds(sid * RPT + nfull * CH, rem)],
            )
        if REM:

            @pl.when(sid == NS - 1)
            def _():
                pltpu.sync_copy(
                    rows0.at[pl.ds(0, REM)], acc_sp.at[pl.ds(RPT * NS, REM)]
                )

        plsc.subcore_barrier()

        pltpu.sync_copy(g_hbm.at[pl.ds(tbase, EPT)], pre_g)

        def issue(c, b):
            pltpu.async_copy(
                xw_hbm.at[pre_g.at[pl.ds(c * CH, CH)]], rows[b], gsem[b]
            )
            pltpu.async_copy(
                dst_hbm.at[pl.ds(tbase + c * CH, CH)], dst_ix.at[b], gsem[b]
            )
            pltpu.async_copy(
                s_hbm.at[pl.ds(tbase + c * CH, CH)], s_ix.at[b], gsem[b]
            )

        def wait_in(c, b):
            pltpu.make_async_copy(
                xw_hbm.at[pre_g.at[pl.ds(c * CH, CH)]], rows[b], gsem[b]
            ).wait()
            pltpu.make_async_copy(
                dst_hbm.at[pl.ds(tbase + c * CH, CH)], dst_ix.at[b], gsem[b]
            ).wait()
            pltpu.make_async_copy(
                s_hbm.at[pl.ds(tbase + c * CH, CH)], s_ix.at[b], gsem[b]
            ).wait()

        def drain_sc(b):
            pltpu.make_async_copy(
                rows[b], acc_sp.at[dst_ix.at[b]], ssem[b]
            ).wait()

        issue(0, 0)

        def slot(c, b):
            bn = (b + 1) % 3
            pl.when(c >= 2)(lambda: drain_sc(bn))

            @pl.when(c <= NCHUNK - 2)
            def _():
                issue(c + 1, bn)

            wait_in(c, b)

            def scale(kk, _):
                sk = plsc.load_gather(
                    s_ix.at[b], [jnp.full((L,), kk, jnp.int32)]
                )
                rb = rows[b]
                for j in range(8):
                    rb[kk, pl.ds(j * L, L)] = rb[kk, pl.ds(j * L, L)] * sk
                return _

            lax.fori_loop(0, CH, scale, None)
            pltpu.async_copy(rows[b], acc_sp.at[dst_ix.at[b]], ssem[b], add=True)

        @pl.loop(0, NCHUNK - 2, step=3)
        def _(c):
            for b in range(3):
                slot(c + b, b)

        slot(NCHUNK - 2, (NCHUNK - 2) % 3)
        slot(NCHUNK - 1, (NCHUNK - 1) % 3)
        drain_sc((NCHUNK - 2) % 3)
        drain_sc((NCHUNK - 1) % 3)
        plsc.subcore_barrier()

        pltpu.sync_copy(
            acc_sp.at[pl.ds(sid * RPT, RPT)],
            out_hbm.at[cid, pl.ds(sid * RPT, RPT)],
        )
        if REM:

            @pl.when(sid == NS - 1)
            def _():
                pltpu.sync_copy(
                    acc_sp.at[pl.ds(RPT * NS, REM)],
                    out_hbm.at[cid, pl.ds(RPT * NS, REM)],
                )

    return k


def kernel(x, edge_index, edge_type, W, W_root, bias):
    N, D = x.shape
    R = W.shape[0]
    E = edge_type.shape[0]
    NC, NS = 2, 16
    CNT = 81920
    assert D == 128 and R * N <= CNT and E == 320000 and N == 10000

    src = edge_index[0]
    dst = edge_index[1]

    s, g = _sc_prep(E, N, R, NC, NS, CNT)(edge_type, dst, src)
    xw = _tc_xw(x, W).reshape(R * N, D)
    acc = _sc_main(E, N, R, NC, NS)(xw, g, dst, s)
    return _tc_out(x, W_root, bias, acc)

# --- scband reference (transcript-rebuilt; emitter-appended) ---
"""Pipeline reference for scband-mock-gnn-64158221467971 (READ-ONLY COPY).

The authoritative reference and input builder live on the scoring server;
editing this copy changes nothing except your own understanding.
"""

import jax, jax.numpy as jnp
import numpy as np

N = 10000
E = 320000
D_IN = 128
D_OUT = 128
R = 8


def setup_inputs(seed: int = 0) -> dict:
    key = jax.random.key(seed)
    ks = jax.random.split(key, 6)
    x = jax.random.normal(ks[0], (N, D_IN), dtype=jnp.float32)
    edge_index = jax.random.randint(ks[1], (2, E), 0, N, dtype=jnp.int32)
    edge_type = jax.random.randint(ks[2], (E,), 0, R, dtype=jnp.int32)
    scale = 1.0 / np.sqrt(D_IN)
    W = jax.random.normal(ks[3], (R, D_IN, D_OUT), dtype=jnp.float32) * scale
    W_root = jax.random.normal(ks[4], (D_IN, D_OUT), dtype=jnp.float32) * scale
    bias = jnp.zeros((D_OUT,), dtype=jnp.float32)
    return {"x": x, "edge_index": edge_index, "edge_type": edge_type, "W": W, "W_root": W_root, "bias": bias}


def reference(x, edge_index, edge_type, W, W_root, bias):
    # RGCNConv (PyG semantics): out_i = x_i @ W_root + bias + sum_r mean_{j in N_r(i)} (x_j @ W_r)
    src = edge_index[0]
    dst = edge_index[1]
    x_src = jnp.take(x, src, axis=0)  # gather source node features per edge
    out = x @ W_root + bias
    for r in range(R):
        mask = (edge_type == r).astype(x.dtype)
        msg = x_src * mask[:, None]
        agg = jax.ops.segment_sum(msg, dst, num_segments=N)  # scatter-add to dst
        cnt = jax.ops.segment_sum(mask, dst, num_segments=N)
        agg = agg / jnp.clip(cnt, 1.0, None)[:, None]  # per-relation mean normalization
        out = out + agg @ W[r]
    return out

if __name__ == "__main__":
    import jax
    _d = setup_inputs()
    print(jax.jit(kernel)(*tuple(_d.values())))

</pallas_src>

<mosaic_0001>
#map = affine_map<(d0, d1) -> (0)>
module attributes {stable_mosaic.version = 14 : i64} {
  func.func @k(%arg0: i32, %arg1: i32, %arg2: memref<320000xi32, #tpu.memory_space<hbm>>, %arg3: memref<320000xi32, #tpu.memory_space<hbm>>, %arg4: memref<320000xi32, #tpu.memory_space<hbm>>, %arg5: memref<320000xf32, #tpu.memory_space<hbm>>, %arg6: memref<320000xi32, #tpu.memory_space<hbm>>, %arg7: memref<81920xf32, #tpu.memory_space<vmem>>, %arg8: memref<5120xf32, #tpu.memory_space<vmem>>, %arg9: memref<4992xi32, #tpu.memory_space<vmem>>, %arg10: memref<4992xi32, #tpu.memory_space<vmem>>, %arg11: memref<4992xi32, #tpu.memory_space<vmem>>, %arg12: memref<4992xf32, #tpu.memory_space<vmem>>, %arg13: memref<4992xi32, #tpu.memory_space<vmem>>, %arg14: memref<2x80xi32, #tpu.memory_space<vmem>>, %arg15: memref<80xf32, #tpu.memory_space<vmem>>, %arg16: memref<81920xf32, #tpu.memory_space<vmem_shared>>, %arg17: memref<!tpu.dma_semaphore, #tpu.memory_space<semaphore_mem>>, %arg18: memref<!tpu.dma_semaphore, #tpu.memory_space<semaphore_mem>>) attributes {dimension_semantics = [#tpu.dimension_semantics<core_parallel>, #tpu.dimension_semantics<subcore_parallel>], iteration_bounds = array<i64: 2, 16>, scalar_prefetch = 0 : i64, scratch_operands = 12 : i64, tpu.core_type = #tpu.core_type<sc_vector_subcore>, window_params = [{transform_indices = #map}, {transform_indices = #map}, {transform_indices = #map}, {transform_indices = #map}, {transform_indices = #map}]} {
    %mul3A = arith.constant 16 : i32
    %mul3A_0 = arith.muli %arg0, %mul3A : i32
    %add3A = arith.addi %mul3A_0, %arg1 : i32
    %broadcast_in_dim3A = arith.constant 0.000000e+00 : f32
    %broadcast_in_dim3A_1 = vector.broadcast %broadcast_in_dim3A : f32 to vector<16xf32>
    %broadcast_in_dim3A_2 = arith.constant 1.000000e+00 : f32
    %broadcast_in_dim3A_3 = vector.broadcast %broadcast_in_dim3A_2 : f32 to vector<16xf32>
    %scan3A = arith.constant 0 : i32
    %scan3A_4 = arith.constant 320 : i32
    %scan3A_5 = arith.addi %scan3A, %scan3A_4 : i32
    %scan3A_6 = arith.constant 1 : i32
    scf.for %scan3A_135 = %scan3A to %scan3A_5 step %scan3A_6  : i32 {
      %mul3A_136 = arith.constant 16 : i32
      %mul3A_137 = arith.muli %scan3A_135, %mul3A_136 : i32
      %swap3A_138 = arith.index_cast %mul3A_137 : i32 to index
      %swap3A_139 = tpu.vector_load %arg8[%swap3A_138] {strides = array<i32>} : memref<5120xf32, #tpu.memory_space<vmem>>, vector<16xf32>,
      tpu.vector_store %arg8[%swap3A_138], %broadcast_in_dim3A_1 {strides = array<i32>} : memref<5120xf32, #tpu.memory_space<vmem>>, vector<16xf32>,
    }
    %scan3A_7 = arith.constant 320 : i32
    %swap3A = arith.constant 0 : index
    %swap3A_8 = tpu.vector_load %arg15[%swap3A] {strides = array<i32>} : memref<80xf32, #tpu.memory_space<vmem>>, vector<16xf32>,
    tpu.vector_store %arg15[%swap3A], %broadcast_in_dim3A_3 {strides = array<i32>} : memref<80xf32, #tpu.memory_space<vmem>>, vector<16xf32>,
    %swap3A_9 = arith.constant 16 : index
    %swap3A_10 = tpu.vector_load %arg15[%swap3A_9] {strides = array<i32>} : memref<80xf32, #tpu.memory_space<vmem>>, vector<16xf32>,
    tpu.vector_store %arg15[%swap3A_9], %broadcast_in_dim3A_3 {strides = array<i32>} : memref<80xf32, #tpu.memory_space<vmem>>, vector<16xf32>,
    %swap3A_11 = arith.constant 32 : index
    %swap3A_12 = tpu.vector_load %arg15[%swap3A_11] {strides = array<i32>} : memref<80xf32, #tpu.memory_space<vmem>>, vector<16xf32>,
    tpu.vector_store %arg15[%swap3A_11], %broadcast_in_dim3A_3 {strides = array<i32>} : memref<80xf32, #tpu.memory_space<vmem>>, vector<16xf32>,
    %swap3A_13 = arith.constant 48 : index
    %swap3A_14 = tpu.vector_load %arg15[%swap3A_13] {strides = array<i32>} : memref<80xf32, #tpu.memory_space<vmem>>, vector<16xf32>,
    tpu.vector_store %arg15[%swap3A_13], %broadcast_in_dim3A_3 {strides = array<i32>} : memref<80xf32, #tpu.memory_space<vmem>>, vector<16xf32>,
    %swap3A_15 = arith.constant 64 : index
    %swap3A_16 = tpu.vector_load %arg15[%swap3A_15] {strides = array<i32>} : memref<80xf32, #tpu.memory_space<vmem>>, vector<16xf32>,
    tpu.vector_store %arg15[%swap3A_15], %broadcast_in_dim3A_3 {strides = array<i32>} : memref<80xf32, #tpu.memory_space<vmem>>, vector<16xf32>,
    %mul3A_17 = arith.constant 5120 : i32
    %mul3A_18 = arith.muli %arg1, %mul3A_17 : i32
    "tpu.region"() ({
      %run_scoped3A = tpu.sem_alloc : memref<!tpu.dma_semaphore, #tpu.memory_space<semaphore_mem>>
      %dma_start3A = tpu.memref_slice %arg16[%mul3A_18] : memref<81920xf32, #tpu.memory_space<vmem_shared>> -> memref<5120xf32, #tpu.memory_space<vmem_shared>>
      %dma_start3A_135 = tpu.memref_slice %arg16[%mul3A_18] : memref<81920xf32, #tpu.memory_space<vmem_shared>> -> memref<5120xf32, #tpu.memory_space<vmem_shared>>
      tpu.enqueue_dma source(%arg8 : memref<5120xf32, #tpu.memory_space<vmem>>) target(%dma_start3A_135 : memref<5120xf32, #tpu.memory_space<vmem_shared>>) target_semaphore(%run_scoped3A : memref<!tpu.dma_semaphore, #tpu.memory_space<semaphore_mem>>)
      %dma_wait3A_136 = tpu.memref_slice %arg16[%mul3A_18] : memref<81920xf32, #tpu.memory_space<vmem_shared>> -> memref<5120xf32, #tpu.memory_space<vmem_shared>>
      %dma_wait3A_137 = tpu.memref_slice %arg16[%mul3A_18] : memref<81920xf32, #tpu.memory_space<vmem_shared>> -> memref<5120xf32, #tpu.memory_space<vmem_shared>>
      tpu.wait_dma2 semaphore(%run_scoped3A : memref<!tpu.dma_semaphore, #tpu.memory_space<semaphore_mem>>) src(%arg8 : memref<5120xf32, #tpu.memory_space<vmem>>) dst(%dma_wait3A_137 : memref<5120xf32, #tpu.memory_space<vmem_shared>>)
      tpu.yield
    }) : () -> ()
    %barrier3A = arith.constant 0 : index
    tpu.barrier barrier_id(%barrier3A)
    %mul3A_19 = arith.constant 20000 : i32
    %mul3A_20 = arith.muli %arg1, %mul3A_19 : i32
    %add3A_21 = arith.constant 0 : i32
    %add3A_22 = arith.addi %mul3A_20, %add3A_21 : i32
    "tpu.region"() ({
      %run_scoped3A = tpu.sem_alloc : memref<!tpu.dma_semaphore, #tpu.memory_space<semaphore_mem>>
      %dma_start3A = arith.constant 0 : i32
      %dma_start3A_135 = tpu.memref_slice %arg9[%dma_start3A] : memref<4992xi32, #tpu.memory_space<vmem>> -> memref<4000xi32, #tpu.memory_space<vmem>>
      %dma_start3A_136 = tpu.memref_slice %arg2[%add3A_22] : memref<320000xi32, #tpu.memory_space<hbm>> -> memref<4000xi32, #tpu.memory_space<hbm>>
      %dma_start3A_137 = arith.constant 0 : i32
      %dma_start3A_138 = tpu.memref_slice %arg9[%dma_start3A_137] : memref<4992xi32, #tpu.memory_space<vmem>> -> memref<4000xi32, #tpu.memory_space<vmem>>
      %dma_start3A_139 = tpu.memref_slice %arg2[%add3A_22] : memref<320000xi32, #tpu.memory_space<hbm>> -> memref<4000xi32, #tpu.memory_space<hbm>>
      tpu.enqueue_dma source(%dma_start3A_139 : memref<4000xi32, #tpu.memory_space<hbm>>) target(%dma_start3A_138 : memref<4000xi32, #tpu.memory_space<vmem>>) target_semaphore(%run_scoped3A : memref<!tpu.dma_semaphore, #tpu.memory_space<semaphore_mem>>)
      %dma_wait3A_140 = arith.constant 0 : i32
      %dma_wait3A_141 = tpu.memref_slice %arg9[%dma_wait3A_140] : memref<4992xi32, #tpu.memory_space<vmem>> -> memref<4000xi32, #tpu.memory_space<vmem>>
      %dma_wait3A_142 = tpu.memref_slice %arg2[%add3A_22] : memref<320000xi32, #tpu.memory_space<hbm>> -> memref<4000xi32, #tpu.memory_space<hbm>>
      %dma_wait3A_143 = arith.constant 0 : i32
      %dma_wait3A_144 = tpu.memref_slice %arg9[%dma_wait3A_143] : memref<4992xi32, #tpu.memory_space<vmem>> -> memref<4000xi32, #tpu.memory_space<vmem>>
      %dma_wait3A_145 = tpu.memref_slice %arg2[%add3A_22] : memref<320000xi32, #tpu.memory_space<hbm>> -> memref<4000xi32, #tpu.memory_space<hbm>>
      tpu.wait_dma2 semaphore(%run_scoped3A : memref<!tpu.dma_semaphore, #tpu.memory_space<semaphore_mem>>) src(%dma_wait3A_145 : memref<4000xi32, #tpu.memory_space<hbm>>) dst(%dma_wait3A_144 : memref<4000xi32, #tpu.memory_space<vmem>>)
      tpu.yield
    }) : () -> ()
    %add3A_23 = arith.constant 0 : i32
    %add3A_24 = arith.addi %mul3A_20, %add3A_23 : i32
    "tpu.region"() ({
      %run_scoped3A = tpu.sem_alloc : memref<!tpu.dma_semaphore, #tpu.memory_space<semaphore_mem>>
      %dma_start3A = arith.constant 0 : i32
      %dma_start3A_135 = tpu.memref_slice %arg10[%dma_start3A] : memref<4992xi32, #tpu.memory_space<vmem>> -> memref<4000xi32, #tpu.memory_space<vmem>>
      %dma_start3A_136 = tpu.memref_slice %arg3[%add3A_24] : memref<320000xi32, #tpu.memory_space<hbm>> -> memref<4000xi32, #tpu.memory_space<hbm>>
      %dma_start3A_137 = arith.constant 0 : i32
      %dma_start3A_138 = tpu.memref_slice %arg10[%dma_start3A_137] : memref<4992xi32, #tpu.memory_space<vmem>> -> memref<4000xi32, #tpu.memory_space<vmem>>
      %dma_start3A_139 = tpu.memref_slice %arg3[%add3A_24] : memref<320000xi32, #tpu.memory_space<hbm>> -> memref<4000xi32, #tpu.memory_space<hbm>>
      tpu.enqueue_dma source(%dma_start3A_139 : memref<4000xi32, #tpu.memory_space<hbm>>) target(%dma_start3A_138 : memref<4000xi32, #tpu.memory_space<vmem>>) target_semaphore(%run_scoped3A : memref<!tpu.dma_semaphore, #tpu.memory_space<semaphore_mem>>)
      %dma_wait3A_140 = arith.constant 0 : i32
      %dma_wait3A_141 = tpu.memref_slice %arg10[%dma_wait3A_140] : memref<4992xi32, #tpu.memory_space<vmem>> -> memref<4000xi32, #tpu.memory_space<vmem>>
      %dma_wait3A_142 = tpu.memref_slice %arg3[%add3A_24] : memref<320000xi32, #tpu.memory_space<hbm>> -> memref<4000xi32, #tpu.memory_space<hbm>>
      %dma_wait3A_143 = arith.constant 0 : i32
      %dma_wait3A_144 = tpu.memref_slice %arg10[%dma_wait3A_143] : memref<4992xi32, #tpu.memory_space<vmem>> -> memref<4000xi32, #tpu.memory_space<vmem>>
      %dma_wait3A_145 = tpu.memref_slice %arg3[%add3A_24] : memref<320000xi32, #tpu.memory_space<hbm>> -> memref<4000xi32, #tpu.memory_space<hbm>>
      tpu.wait_dma2 semaphore(%run_scoped3A : memref<!tpu.dma_semaphore, #tpu.memory_space<semaphore_mem>>) src(%dma_wait3A_145 : memref<4000xi32, #tpu.memory_space<hbm>>) dst(%dma_wait3A_144 : memref<4000xi32, #tpu.memory_space<vmem>>)
      tpu.yield
    }) : () -> ()
    %scan3A_25 = arith.constant 0 : i32
    %scan3A_26 = arith.constant 25 : i32
    %scan3A_27 = arith.addi %scan3A_25, %scan3A_26 : i32
    %scan3A_28 = arith.constant 1 : i32
    scf.for %scan3A_135 = %scan3A_25 to %scan3A_27 step %scan3A_28  : i32 {
      %mul3A_136 = arith.constant 2 : i32
      %mul3A_137 = arith.muli %scan3A_135, %mul3A_136 : i32
      %add3A_138 = arith.constant 0 : i32
      %add3A_139 = arith.addi %add3A_138, %mul3A_137 : i32
      %add3A_140 = arith.constant 0 : i32
      %add3A_141 = arith.addi %add3A_139, %add3A_140 : i32
      %ge3A = arith.constant 2 : i32
      %ge3A_142 = arith.cmpi sge, %add3A_141, %ge3A : i32
      %convert_element_type3A = arith.extui %ge3A_142 : i1 to i32
      %cond3A = arith.constant 0 : i32
      %cond3A_143 = arith.cmpi ne, %convert_element_type3A, %cond3A : i32
      scf.if %cond3A_143 {
        %dma_wait3A_322 = arith.constant 0 : i32
        %dma_wait3A_323 = arith.constant 0 : i32
        %dma_wait3A_324 = tpu.memref_slice %arg14[%dma_wait3A_322, %dma_wait3A_323] : memref<2x80xi32, #tpu.memory_space<vmem>> -> memref<1x80xi32, #tpu.memory_space<vmem>>
        %dma_wait3A_325 = tpu.memref_squeeze %dma_wait3A_324 : memref<1x80xi32, #tpu.memory_space<vmem>> -> memref<80xi32, #tpu.memory_space<vmem>>
        %dma_wait3A_326 = arith.constant 0 : i32
        %dma_wait3A_327 = tpu.memref_slice %arg16[%dma_wait3A_326] : memref<81920xf32, #tpu.memory_space<vmem_shared>> -> memref<81920xf32, #tpu.memory_space<vmem_shared>>
        tpu.wait_indirect_dma semaphore(%arg17 : memref<!tpu.dma_semaphore, #tpu.memory_space<semaphore_mem>>) src(%arg15 : memref<80xf32, #tpu.memory_space<vmem>>) dst(%dma_wait3A_327 : memref<81920xf32, #tpu.memory_space<vmem_shared>>)
      } else {
      }
      %mul3A_144 = arith.constant 80 : i32
      %mul3A_145 = arith.muli %add3A_141, %mul3A_144 : i32
      %add3A_146 = arith.constant 0 : i32
      %add3A_147 = arith.addi %mul3A_145, %add3A_146 : i32
      %get3A_148 = arith.index_cast %add3A_147 : i32 to index
      %get3A_149 = tpu.vector_load %arg9[%get3A_148] {strides = array<i32>} : memref<4992xi32, #tpu.memory_space<vmem>>, vector<16xi32>,
      %mul3A_150 = arith.constant 10000 : i32
      %mul3A_151 = vector.broadcast %mul3A_150 : i32 to vector<16xi32>
      %mul3A_152 = arith.muli %get3A_149, %mul3A_151 : vector<16xi32>
      %get3A_153 = arith.index_cast %add3A_147 : i32 to index
      %get3A_154 = tpu.vector_load %arg10[%get3A_153] {strides = array<i32>} : memref<4992xi32, #tpu.memory_space<vmem>>, vector<16xi32>,
      %add3A_155 = arith.addi %mul3A_152, %get3A_154 : vector<16xi32>
      %swap3A_156 = arith.constant 0 : i32
      %swap3A_157 = arith.index_cast %swap3A_156 : i32 to index
      %swap3A_158 = arith.constant 0 : index
      %swap3A_159 = tpu.vector_load %arg14[%swap3A_157, %swap3A_158] {strides = array<i32>} : memref<2x80xi32, #tpu.memory_space<vmem>>, vector<16xi32>,
      tpu.vector_store %arg14[%swap3A_157, %swap3A_158], %add3A_155 {strides = array<i32>} : memref<2x80xi32, #tpu.memory_space<vmem>>, vector<16xi32>,
      %mul3A_160 = arith.constant 80 : i32
      %mul3A_161 = arith.muli %add3A_141, %mul3A_160 : i32
      %add3A_162 = arith.constant 16 : i32
      %add3A_163 = arith.addi %mul3A_161, %add3A_162 : i32
      %get3A_164 = arith.index_cast %add3A_163 : i32 to index
      %get3A_165 = tpu.vector_load %arg9[%get3A_164] {strides = array<i32>} : memref<4992xi32, #tpu.memory_space<vmem>>, vector<16xi32>,
      %mul3A_166 = arith.constant 10000 : i32
      %mul3A_167 = vector.broadcast %mul3A_166 : i32 to vector<16xi32>
      %mul3A_168 = arith.muli %get3A_165, %mul3A_167 : vector<16xi32>
      %get3A_169 = arith.index_cast %add3A_163 : i32 to index
      %get3A_170 = tpu.vector_load %arg10[%get3A_169] {strides = array<i32>} : memref<4992xi32, #tpu.memory_space<vmem>>, vector<16xi32>,
      %add3A_171 = arith.addi %mul3A_168, %get3A_170 : vector<16xi32>
      %swap3A_172 = arith.constant 0 : i32
      %swap3A_173 = arith.index_cast %swap3A_172 : i32 to index
      %swap3A_174 = arith.constant 16 : index
      %swap3A_175 = tpu.vector_load %arg14[%swap3A_173, %swap3A_174] {strides = array<i32>} : memref<2x80xi32, #tpu.memory_space<vmem>>, vector<16xi32>,
      tpu.vector_store %arg14[%swap3A_173, %swap3A_174], %add3A_171 {strides = array<i32>} : memref<2x80xi32, #tpu.memory_space<vmem>>, vector<16xi32>,
      %mul3A_176 = arith.constant 80 : i32
      %mul3A_177 = arith.muli %add3A_141, %mul3A_176 : i32
      %add3A_178 = arith.constant 32 : i32
      %add3A_179 = arith.addi %mul3A_177, %add3A_178 : i32
      %get3A_180 = arith.index_cast %add3A_179 : i32 to index
      %get3A_181 = tpu.vector_load %arg9[%get3A_180] {strides = array<i32>} : memref<4992xi32, #tpu.memory_space<vmem>>, vector<16xi32>,
      %mul3A_182 = arith.constant 10000 : i32
      %mul3A_183 = vector.broadcast %mul3A_182 : i32 to vector<16xi32>
      %mul3A_184 = arith.muli %get3A_181, %mul3A_183 : vector<16xi32>
      %get3A_185 = arith.index_cast %add3A_179 : i32 to index
      %get3A_186 = tpu.vector_load %arg10[%get3A_185] {strides = array<i32>} : memref<4992xi32, #tpu.memory_space<vmem>>, vector<16xi32>,
      %add3A_187 = arith.addi %mul3A_184, %get3A_186 : vector<16xi32>
      %swap3A_188 = arith.constant 0 : i32
      %swap3A_189 = arith.index_cast %swap3A_188 : i32 to index
      %swap3A_190 = arith.constant 32 : index
      %swap3A_191 = tpu.vector_load %arg14[%swap3A_189, %swap3A_190] {strides = array<i32>} : memref<2x80xi32, #tpu.memory_space<vmem>>, vector<16xi32>,
      tpu.vector_store %arg14[%swap3A_189, %swap3A_190], %add3A_187 {strides = array<i32>} : memref<2x80xi32, #tpu.memory_space<vmem>>, vector<16xi32>,
      %mul3A_192 = arith.constant 80 : i32
      %mul3A_193 = arith.muli %add3A_141, %mul3A_192 : i32
      %add3A_194 = arith.constant 48 : i32
      %add3A_195 = arith.addi %mul3A_193, %add3A_194 : i32
      %get3A_196 = arith.index_cast %add3A_195 : i32 to index
      %get3A_197 = tpu.vector_load %arg9[%get3A_196] {strides = array<i32>} : memref<4992xi32, #tpu.memory_space<vmem>>, vector<16xi32>,
      %mul3A_198 = arith.constant 10000 : i32
      %mul3A_199 = vector.broadcast %mul3A_198 : i32 to vector<16xi32>
      %mul3A_200 = arith.muli %get3A_197, %mul3A_199 : vector<16xi32>
      %get3A_201 = arith.index_cast %add3A_195 : i32 to index
      %get3A_202 = tpu.vector_load %arg10[%get3A_201] {strides = array<i32>} : memref<4992xi32, #tpu.memory_space<vmem>>, vector<16xi32>,
      %add3A_203 = arith.addi %mul3A_200, %get3A_202 : vector<16xi32>
      %swap3A_204 = arith.constant 0 : i32
      %swap3A_205 = arith.index_cast %swap3A_204 : i32 to index
      %swap3A_206 = arith.constant 48 : index
      %swap3A_207 = tpu.vector_load %arg14[%swap3A_205, %swap3A_206] {strides = array<i32>} : memref<2x80xi32, #tpu.memory_space<vmem>>, vector<16xi32>,
      tpu.vector_store %arg14[%swap3A_205, %swap3A_206], %add3A_203 {strides = array<i32>} : memref<2x80xi32, #tpu.memory_space<vmem>>, vector<16xi32>,
      %mul3A_208 = arith.constant 80 : i32
      %mul3A_209 = arith.muli %add3A_141, %mul3A_208 : i32
      %add3A_210 = arith.constant 64 : i32
      %add3A_211 = arith.addi %mul3A_209, %add3A_210 : i32
      %get3A_212 = arith.index_cast %add3A_211 : i32 to index
      %get3A_213 = tpu.vector_load %arg9[%get3A_212] {strides = array<i32>} : memref<4992xi32, #tpu.memory_space<vmem>>, vector<16xi32>,
      %mul3A_214 = arith.constant 10000 : i32
      %mul3A_215 = vector.broadcast %mul3A_214 : i32 to vector<16xi32>
      %mul3A_216 = arith.muli %get3A_213, %mul3A_215 : vector<16xi32>
      %get3A_217 = arith.index_cast %add3A_211 : i32 to index
      %get3A_218 = tpu.vector_load %arg10[%get3A_217] {strides = array<i32>} : memref<4992xi32, #tpu.memory_space<vmem>>, vector<16xi32>,
      %add3A_219 = arith.addi %mul3A_216, %get3A_218 : vector<16xi32>
      %swap3A_220 = arith.constant 0 : i32
      %swap3A_221 = arith.index_cast %swap3A_220 : i32 to index
      %swap3A_222 = arith.constant 64 : index
      %swap3A_223 = tpu.vector_load %arg14[%swap3A_221, %swap3A_222] {strides = array<i32>} : memref<2x80xi32, #tpu.memory_space<vmem>>, vector<16xi32>,
      tpu.vector_store %arg14[%swap3A_221, %swap3A_222], %add3A_219 {strides = array<i32>} : memref<2x80xi32, #tpu.memory_space<vmem>>, vector<16xi32>,
      %dma_start3A = arith.constant 0 : i32
      %dma_start3A_224 = arith.constant 0 : i32
      %dma_start3A_225 = tpu.memref_slice %arg14[%dma_start3A, %dma_start3A_224] : memref<2x80xi32, #tpu.memory_space<vmem>> -> memref<1x80xi32, #tpu.memory_space<vmem>>
      %dma_start3A_226 = tpu.memref_squeeze %dma_start3A_225 : memref<1x80xi32, #tpu.memory_space<vmem>> -> memref<80xi32, #tpu.memory_space<vmem>>
      %dma_start3A_227 = arith.constant 0 : i32
      %dma_start3A_228 = tpu.memref_slice %arg16[%dma_start3A_227] : memref<81920xf32, #tpu.memory_space<vmem_shared>> -> memref<81920xf32, #tpu.memory_space<vmem_shared>>
      tpu.enqueue_indirect_dma source(%arg15 : memref<80xf32, #tpu.memory_space<vmem>>) target(%dma_start3A_228 : memref<81920xf32, #tpu.memory_space<vmem_shared>>) offsets(%dma_start3A_226 : memref<80xi32, #tpu.memory_space<vmem>>) semaphore(%arg17 : memref<!tpu.dma_semaphore, #tpu.memory_space<semaphore_mem>>) {add = true}
      %add3A_229 = arith.constant 1 : i32
      %add3A_230 = arith.addi %add3A_139, %add3A_229 : i32
      %ge3A_231 = arith.constant 2 : i32
      %ge3A_232 = arith.cmpi sge, %add3A_230, %ge3A_231 : i32
      %convert_element_type3A_233 = arith.extui %ge3A_232 : i1 to i32
      %cond3A_234 = arith.constant 0 : i32
      %cond3A_235 = arith.cmpi ne, %convert_element_type3A_233, %cond3A_234 : i32
      scf.if %cond3A_235 {
        %dma_wait3A_322 = arith.constant 1 : i32
        %dma_wait3A_323 = arith.constant 0 : i32
        %dma_wait3A_324 = tpu.memref_slice %arg14[%dma_wait3A_322, %dma_wait3A_323] : memref<2x80xi32, #tpu.memory_space<vmem>> -> memref<1x80xi32, #tpu.memory_space<vmem>>
        %dma_wait3A_325 = tpu.memref_squeeze %dma_wait3A_324 : memref<1x80xi32, #tpu.memory_space<vmem>> -> memref<80xi32, #tpu.memory_space<vmem>>
        %dma_wait3A_326 = arith.constant 0 : i32
        %dma_wait3A_327 = tpu.memref_slice %arg16[%dma_wait3A_326] : memref<81920xf32, #tpu.memory_space<vmem_shared>> -> memref<81920xf32, #tpu.memory_space<vmem_shared>>
        tpu.wait_indirect_dma semaphore(%arg18 : memref<!tpu.dma_semaphore, #tpu.memory_space<semaphore_mem>>) src(%arg15 : memref<80xf32, #tpu.memory_space<vmem>>) dst(%dma_wait3A_327 : memref<81920xf32, #tpu.memory_space<vmem_shared>>)
      } else {
      }
      %mul3A_236 = arith.constant 80 : i32
      %mul3A_237 = arith.muli %add3A_230, %mul3A_236 : i32
      %add3A_238 = arith.constant 0 : i32
      %add3A_239 = arith.addi %mul3A_237, %add3A_238 : i32
      %get3A_240 = arith.index_cast %add3A_239 : i32 to index
      %get3A_241 = tpu.vector_load %arg9[%get3A_240] {strides = array<i32>} : memref<4992xi32, #tpu.memory_space<vmem>>, vector<16xi32>,
      %mul3A_242 = arith.constant 10000 : i32
      %mul3A_243 = vector.broadcast %mul3A_242 : i32 to vector<16xi32>
      %mul3A_244 = arith.muli %get3A_241, %mul3A_243 : vector<16xi32>
      %get3A_245 = arith.index_cast %add3A_239 : i32 to index
      %get3A_246 = tpu.vector_load %arg10[%get3A_245] {strides = array<i32>} : memref<4992xi32, #tpu.memory_space<vmem>>, vector<16xi32>,
      %add3A_247 = arith.addi %mul3A_244, %get3A_246 : vector<16xi32>
      %swap3A_248 = arith.constant 1 : i32
      %swap3A_249 = arith.index_cast %swap3A_248 : i32 to index
      %swap3A_250 = arith.constant 0 : index
      %swap3A_251 = tpu.vector_load %arg14[%swap3A_249, %swap3A_250] {strides = array<i32>} : memref<2x80xi32, #tpu.memory_space<vmem>>, vector<16xi32>,
      tpu.vector_store %arg14[%swap3A_249, %swap3A_250], %add3A_247 {strides = array<i32>} : memref<2x80xi32, #tpu.memory_space<vmem>>, vector<16xi32>,
      %mul3A_252 = arith.constant 80 : i32
      %mul3A_253 = arith.muli %add3A_230, %mul3A_252 : i32
      %add3A_254 = arith.constant 16 : i32
      %add3A_255 = arith.addi %mul3A_253, %add3A_254 : i32
      %get3A_256 = arith.index_cast %add3A_255 : i32 to index
      %get3A_257 = tpu.vector_load %arg9[%get3A_256] {strides = array<i32>} : memref<4992xi32, #tpu.memory_space<vmem>>, vector<16xi32>,
      %mul3A_258 = arith.constant 10000 : i32
      %mul3A_259 = vector.broadcast %mul3A_258 : i32 to vector<16xi32>
      %mul3A_260 = arith.muli %get3A_257, %mul3A_259 : vector<16xi32>
      %get3A_261 = arith.index_cast %add3A_255 : i32 to index
      %get3A_262 = tpu.vector_load %arg10[%get3A_261] {strides = array<i32>} : memref<4992xi32, #tpu.memory_space<vmem>>, vector<16xi32>,
      %add3A_263 = arith.addi %mul3A_260, %get3A_262 : vector<16xi32>
      %swap3A_264 = arith.constant 1 : i32
      %swap3A_265 = arith.index_cast %swap3A_264 : i32 to index
      %swap3A_266 = arith.constant 16 : index
      %swap3A_267 = tpu.vector_load %arg14[%swap3A_265, %swap3A_266] {strides = array<i32>} : memref<2x80xi32, #tpu.memory_space<vmem>>, vector<16xi32>,
      tpu.vector_store %arg14[%swap3A_265, %swap3A_266], %add3A_263 {strides = array<i32>} : memref<2x80xi32, #tpu.memory_space<vmem>>, vector<16xi32>,
      %mul3A_268 = arith.constant 80 : i32
      %mul3A_269 = arith.muli %add3A_230, %mul3A_268 : i32
      %add3A_270 = arith.constant 32 : i32
      %add3A_271 = arith.addi %mul3A_269, %add3A_270 : i32
      %get3A_272 = arith.index_cast %add3A_271 : i32 to index
      %get3A_273 = tpu.vector_load %arg9[%get3A_272] {strides = array<i32>} : memref<4992xi32, #tpu.memory_space<vmem>>, vector<16xi32>,
      %mul3A_274 = arith.constant 10000 : i32
      %mul3A_275 = vector.broadcast %mul3A_274 : i32 to vector<16xi32>
      %mul3A_276 = arith.muli %get3A_273, %mul3A_275 : vector<16xi32>
      %get3A_277 = arith.index_cast %add3A_271 : i32 to index
      %get3A_278 = tpu.vector_load %arg10[%get3A_277] {strides = array<i32>} : memref<4992xi32, #tpu.memory_space<vmem>>, vector<16xi32>,
      %add3A_279 = arith.addi %mul3A_276, %get3A_278 : vector<16xi32>
      %swap3A_280 = arith.constant 1 : i32
      %swap3A_281 = arith.index_cast %swap3A_280 : i32 to index
      %swap3A_282 = arith.constant 32 : index
      %swap3A_283 = tpu.vector_load %arg14[%swap3A_281, %swap3A_282] {strides = array<i32>} : memref<2x80xi32, #tpu.memory_space<vmem>>, vector<16xi32>,
      tpu.vector_store %arg14[%swap3A_281, %swap3A_282], %add3A_279 {strides = array<i32>} : memref<2x80xi32, #tpu.memory_space<vmem>>, vector<16xi32>,
      %mul3A_284 = arith.constant 80 : i32
      %mul3A_285 = arith.muli %add3A_230, %mul3A_284 : i32
      %add3A_286 = arith.constant 48 : i32
      %add3A_287 = arith.addi %mul3A_285, %add3A_286 : i32
      %get3A_288 = arith.index_cast %add3A_287 : i32 to index
      %get3A_289 = tpu.vector_load %arg9[%get3A_288] {strides = array<i32>} : memref<4992xi32, #tpu.memory_space<vmem>>, vector<16xi32>,
      %mul3A_290 = arith.constant 10000 : i32
      %mul3A_291 = vector.broadcast %mul3A_290 : i32 to vector<16xi32>
      %mul3A_292 = arith.muli %get3A_289, %mul3A_291 : vector<16xi32>
      %get3A_293 = arith.index_cast %add3A_287 : i32 to index
      %get3A_294 = tpu.vector_load %arg10[%get3A_293] {strides = array<i32>} : memref<4992xi32, #tpu.memory_space<vmem>>, vector<16xi32>,
      %add3A_295 = arith.addi %mul3A_292, %get3A_294 : vector<16xi32>
      %swap3A_296 = arith.constant 1 : i32
      %swap3A_297 = arith.index_cast %swap3A_296 : i32 to index
      %swap3A_298 = arith.constant 48 : index
      %swap3A_299 = tpu.vector_load %arg14[%swap3A_297, %swap3A_298] {strides = array<i32>} : memref<2x80xi32, #tpu.memory_space<vmem>>, vector<16xi32>,
      tpu.vector_store %arg14[%swap3A_297, %swap3A_298], %add3A_295 {strides = array<i32>} : memref<2x80xi32, #tpu.memory_space<vmem>>, vector<16xi32>,
      %mul3A_300 = arith.constant 80 : i32
      %mul3A_301 = arith.muli %add3A_230, %mul3A_300 : i32
      %add3A_302 = arith.constant 64 : i32
      %add3A_303 = arith.addi %mul3A_301, %add3A_302 : i32
      %get3A_304 = arith.index_cast %add3A_303 : i32 to index
      %get3A_305 = tpu.vector_load %arg9[%get3A_304] {strides = array<i32>} : memref<4992xi32, #tpu.memory_space<vmem>>, vector<16xi32>,
      %mul3A_306 = arith.constant 10000 : i32
      %mul3A_307 = vector.broadcast %mul3A_306 : i32 to vector<16xi32>
      %mul3A_308 = arith.muli %get3A_305, %mul3A_307 : vector<16xi32>
      %get3A_309 = arith.index_cast %add3A_303 : i32 to index
      %get3A_310 = tpu.vector_load %arg10[%get3A_309] {strides = array<i32>} : memref<4992xi32, #tpu.memory_space<vmem>>, vector<16xi32>,
      %add3A_311 = arith.addi %mul3A_308, %get3A_310 : vector<16xi32>
      %swap3A_312 = arith.constant 1 : i32
      %swap3A_313 = arith.index_cast %swap3A_312 : i32 to index
      %swap3A_314 = arith.constant 64 : index
      %swap3A_315 = tpu.vector_load %arg14[%swap3A_313, %swap3A_314] {strides = array<i32>} : memref<2x80xi32, #tpu.memory_space<vmem>>, vector<16xi32>,
      tpu.vector_store %arg14[%swap3A_313, %swap3A_314], %add3A_311 {strides = array<i32>} : memref<2x80xi32, #tpu.memory_space<vmem>>, vector<16xi32>,
      %dma_start3A_316 = arith.constant 1 : i32
      %dma_start3A_317 = arith.constant 0 : i32
      %dma_start3A_318 = tpu.memref_slice %arg14[%dma_start3A_316, %dma_start3A_317] : memref<2x80xi32, #tpu.memory_space<vmem>> -> memref<1x80xi32, #tpu.memory_space<vmem>>
      %dma_start3A_319 = tpu.memref_squeeze %dma_start3A_318 : memref<1x80xi32, #tpu.memory_space<vmem>> -> memref<80xi32, #tpu.memory_space<vmem>>
      %dma_start3A_320 = arith.constant 0 : i32
      %dma_start3A_321 = tpu.memref_slice %arg16[%dma_start3A_320] : memref<81920xf32, #tpu.memory_space<vmem_shared>> -> memref<81920xf32, #tpu.memory_space<vmem_shared>>
      tpu.enqueue_indirect_dma source(%arg15 : memref<80xf32, #tpu.memory_space<vmem>>) target(%dma_start3A_321 : memref<81920xf32, #tpu.memory_space<vmem_shared>>) offsets(%dma_start3A_319 : memref<80xi32, #tpu.memory_space<vmem>>) semaphore(%arg18 : memref<!tpu.dma_semaphore, #tpu.memory_space<semaphore_mem>>) {add = true}
    }
    %scan3A_29 = arith.constant 25 : i32
    %add3A_30 = arith.constant 4000 : i32
    %add3A_31 = arith.addi %mul3A_20, %add3A_30 : i32
    "tpu.region"() ({
      %run_scoped3A = tpu.sem_alloc : memref<!tpu.dma_semaphore, #tpu.memory_space<semaphore_mem>>
      %dma_start3A = arith.constant 0 : i32
      %dma_start3A_135 = tpu.memref_slice %arg9[%dma_start3A] : memref<4992xi32, #tpu.memory_space<vmem>> -> memref<4000xi32, #tpu.memory_space<vmem>>
      %dma_start3A_136 = tpu.memref_slice %arg2[%add3A_31] : memref<320000xi32, #tpu.memory_space<hbm>> -> memref<4000xi32, #tpu.memory_space<hbm>>
      %dma_start3A_137 = arith.constant 0 : i32
      %dma_start3A_138 = tpu.memref_slice %arg9[%dma_start3A_137] : memref<4992xi32, #tpu.memory_space<vmem>> -> memref<4000xi32, #tpu.memory_space<vmem>>
      %dma_start3A_139 = tpu.memref_slice %arg2[%add3A_31] : memref<320000xi32, #tpu.memory_space<hbm>> -> memref<4000xi32, #tpu.memory_space<hbm>>
      tpu.enqueue_dma source(%dma_start3A_139 : memref<4000xi32, #tpu.memory_space<hbm>>) target(%dma_start3A_138 : memref<4000xi32, #tpu.memory_space<vmem>>) target_semaphore(%run_scoped3A : memref<!tpu.dma_semaphore, #tpu.memory_space<semaphore_mem>>)
      %dma_wait3A_140 = arith.constant 0 : i32
      %dma_wait3A_141 = tpu.memref_slice %arg9[%dma_wait3A_140] : memref<4992xi32, #tpu.memory_space<vmem>> -> memref<4000xi32, #tpu.memory_space<vmem>>
      %dma_wait3A_142 = tpu.memref_slice %arg2[%add3A_31] : memref<320000xi32, #tpu.memory_space<hbm>> -> memref<4000xi32, #tpu.memory_space<hbm>>
      %dma_wait3A_143 = arith.constant 0 : i32
      %dma_wait3A_144 = tpu.memref_slice %arg9[%dma_wait3A_143] : memref<4992xi32, #tpu.memory_space<vmem>> -> memref<4000xi32, #tpu.memory_space<vmem>>
      %dma_wait3A_145 = tpu.memref_slice %arg2[%add3A_31] : memref<320000xi32, #tpu.memory_space<hbm>> -> memref<4000xi32, #tpu.memory_space<hbm>>
      tpu.wait_dma2 semaphore(%run_scoped3A : memref<!tpu.dma_semaphore, #tpu.memory_space<semaphore_mem>>) src(%dma_wait3A_145 : memref<4000xi32, #tpu.memory_space<hbm>>) dst(%dma_wait3A_144 : memref<4000xi32, #tpu.memory_space<vmem>>)
      tpu.yield
    }) : () -> ()
    %add3A_32 = arith.constant 4000 : i32
    %add3A_33 = arith.addi %mul3A_20, %add3A_32 : i32
    "tpu.region"() ({
      %run_scoped3A = tpu.sem_alloc : memref<!tpu.dma_semaphore, #tpu.memory_space<semaphore_mem>>
      %dma_start3A = arith.constant 0 : i32
      %dma_start3A_135 = tpu.memref_slice %arg10[%dma_start3A] : memref<4992xi32, #tpu.memory_space<vmem>> -> memref<4000xi32, #tpu.memory_space<vmem>>
      %dma_start3A_136 = tpu.memref_slice %arg3[%add3A_33] : memref<320000xi32, #tpu.memory_space<hbm>> -> memref<4000xi32, #tpu.memory_space<hbm>>
      %dma_start3A_137 = arith.constant 0 : i32
      %dma_start3A_138 = tpu.memref_slice %arg10[%dma_start3A_137] : memref<4992xi32, #tpu.memory_space<vmem>> -> memref<4000xi32, #tpu.memory_space<vmem>>
      %dma_start3A_139 = tpu.memref_slice %arg3[%add3A_33] : memref<320000xi32, #tpu.memory_space<hbm>> -> memref<4000xi32, #tpu.memory_space<hbm>>
      tpu.enqueue_dma source(%dma_start3A_139 : memref<4000xi32, #tpu.memory_space<hbm>>) target(%dma_start3A_138 : memref<4000xi32, #tpu.memory_space<vmem>>) target_semaphore(%run_scoped3A : memref<!tpu.dma_semaphore, #tpu.memory_space<semaphore_mem>>)
      %dma_wait3A_140 = arith.constant 0 : i32
      %dma_wait3A_141 = tpu.memref_slice %arg10[%dma_wait3A_140] : memref<4992xi32, #tpu.memory_space<vmem>> -> memref<4000xi32, #tpu.memory_space<vmem>>
      %dma_wait3A_142 = tpu.memref_slice %arg3[%add3A_33] : memref<320000xi32, #tpu.memory_space<hbm>> -> memref<4000xi32, #tpu.memory_space<hbm>>
      %dma_wait3A_143 = arith.constant 0 : i32
      %dma_wait3A_144 = tpu.memref_slice %arg10[%dma_wait3A_143] : memref<4992xi32, #tpu.memory_space<vmem>> -> memref<4000xi32, #tpu.memory_space<vmem>>
      %dma_wait3A_145 = tpu.memref_slice %arg3[%add3A_33] : memref<320000xi32, #tpu.memory_space<hbm>> -> memref<4000xi32, #tpu.memory_space<hbm>>
      tpu.wait_dma2 semaphore(%run_scoped3A : memref<!tpu.dma_semaphore, #tpu.memory_space<semaphore_mem>>) src(%dma_wait3A_145 : memref<4000xi32, #tpu.memory_space<hbm>>) dst(%dma_wait3A_144 : memref<4000xi32, #tpu.memory_space<vmem>>)
      tpu.yield
    }) : () -> ()
    %scan3A_34 = arith.constant 0 : i32
    %scan3A_35 = arith.constant 25 : i32
    %scan3A_36 = arith.addi %scan3A_34, %scan3A_35 : i32
    %scan3A_37 = arith.constant 1 : i32
    scf.for %scan3A_135 = %scan3A_34 to %scan3A_36 step %scan3A_37  : i32 {
      %mul3A_136 = arith.constant 2 : i32
      %mul3A_137 = arith.muli %scan3A_135, %mul3A_136 : i32
      %add3A_138 = arith.constant 0 : i32
      %add3A_139 = arith.addi %add3A_138, %mul3A_137 : i32
      %add3A_140 = arith.constant 0 : i32
      %add3A_141 = arith.addi %add3A_139, %add3A_140 : i32
      %dma_wait3A_142 = arith.constant 0 : i32
      %dma_wait3A_143 = arith.constant 0 : i32
      %dma_wait3A_144 = tpu.memref_slice %arg14[%dma_wait3A_142, %dma_wait3A_143] : memref<2x80xi32, #tpu.memory_space<vmem>> -> memref<1x80xi32, #tpu.memory_space<vmem>>
      %dma_wait3A_145 = tpu.memref_squeeze %dma_wait3A_144 : memref<1x80xi32, #tpu.memory_space<vmem>> -> memref<80xi32, #tpu.memory_space<vmem>>
      %dma_wait3A_146 = arith.constant 0 : i32
      %dma_wait3A_147 = tpu.memref_slice %arg16[%dma_wait3A_146] : memref<81920xf32, #tpu.memory_space<vmem_shared>> -> memref<81920xf32, #tpu.memory_space<vmem_shared>>
      tpu.wait_indirect_dma semaphore(%arg17 : memref<!tpu.dma_semaphore, #tpu.memory_space<semaphore_mem>>) src(%arg15 : memref<80xf32, #tpu.memory_space<vmem>>) dst(%dma_wait3A_147 : memref<81920xf32, #tpu.memory_space<vmem_shared>>)
      %mul3A_148 = arith.constant 80 : i32
      %mul3A_149 = arith.muli %add3A_141, %mul3A_148 : i32
      %add3A_150 = arith.constant 0 : i32
      %add3A_151 = arith.addi %mul3A_149, %add3A_150 : i32
      %get3A_152 = arith.index_cast %add3A_151 : i32 to index
      %get3A_153 = tpu.vector_load %arg9[%get3A_152] {strides = array<i32>} : memref<4992xi32, #tpu.memory_space<vmem>>, vector<16xi32>,
      %mul3A_154 = arith.constant 10000 : i32
      %mul3A_155 = vector.broadcast %mul3A_154 : i32 to vector<16xi32>
      %mul3A_156 = arith.muli %get3A_153, %mul3A_155 : vector<16xi32>
      %get3A_157 = arith.index_cast %add3A_151 : i32 to index
      %get3A_158 = tpu.vector_load %arg10[%get3A_157] {strides = array<i32>} : memref<4992xi32, #tpu.memory_space<vmem>>, vector<16xi32>,
      %add3A_159 = arith.addi %mul3A_156, %get3A_158 : vector<16xi32>
      %swap3A_160 = arith.constant 0 : i32
      %swap3A_161 = arith.index_cast %swap3A_160 : i32 to index
      %swap3A_162 = arith.constant 0 : index
      %swap3A_163 = tpu.vector_load %arg14[%swap3A_161, %swap3A_162] {strides = array<i32>} : memref<2x80xi32, #tpu.memory_space<vmem>>, vector<16xi32>,
      tpu.vector_store %arg14[%swap3A_161, %swap3A_162], %add3A_159 {strides = array<i32>} : memref<2x80xi32, #tpu.memory_space<vmem>>, vector<16xi32>,
      %mul3A_164 = arith.constant 80 : i32
      %mul3A_165 = arith.muli %add3A_141, %mul3A_164 : i32
      %add3A_166 = arith.constant 16 : i32
      %add3A_167 = arith.addi %mul3A_165, %add3A_166 : i32
      %get3A_168 = arith.index_cast %add3A_167 : i32 to index
      %get3A_169 = tpu.vector_load %arg9[%get3A_168] {strides = array<i32>} : memref<4992xi32, #tpu.memory_space<vmem>>, vector<16xi32>,
      %mul3A_170 = arith.constant 10000 : i32
      %mul3A_171 = vector.broadcast %mul3A_170 : i32 to vector<16xi32>
      %mul3A_172 = arith.muli %get3A_169, %mul3A_171 : vector<16xi32>
      %get3A_173 = arith.index_cast %add3A_167 : i32 to index
      %get3A_174 = tpu.vector_load %arg10[%get3A_173] {strides = array<i32>} : memref<4992xi32, #tpu.memory_space<vmem>>, vector<16xi32>,
      %add3A_175 = arith.addi %mul3A_172, %get3A_174 : vector<16xi32>
      %swap3A_176 = arith.constant 0 : i32
      %swap3A_177 = arith.index_cast %swap3A_176 : i32 to index
      %swap3A_178 = arith.constant 16 : index
      %swap3A_179 = tpu.vector_load %arg14[%swap3A_177, %swap3A_178] {strides = array<i32>} : memref<2x80xi32, #tpu.memory_space<vmem>>, vector<16xi32>,
      tpu.vector_store %arg14[%swap3A_177, %swap3A_178], %add3A_175 {strides = array<i32>} : memref<2x80xi32, #tpu.memory_space<vmem>>, vector<16xi32>,
      %mul3A_180 = arith.constant 80 : i32
      %mul3A_181 = arith.muli %add3A_141, %mul3A_180 : i32
      %add3A_182 = arith.constant 32 : i32
      %add3A_183 = arith.addi %mul3A_181, %add3A_182 : i32
      %get3A_184 = arith.index_cast %add3A_183 : i32 to index
      %get3A_185 = tpu.vector_load %arg9[%get3A_184] {strides = array<i32>} : memref<4992xi32, #tpu.memory_space<vmem>>, vector<16xi32>,
      %mul3A_186 = arith.constant 10000 : i32
      %mul3A_187 = vector.broadcast %mul3A_186 : i32 to vector<16xi32>
      %mul3A_188 = arith.muli %get3A_185, %mul3A_187 : vector<16xi32>
      %get3A_189 = arith.index_cast %add3A_183 : i32 to index
      %get3A_190 = tpu.vector_load %arg10[%get3A_189] {strides = array<i32>} : memref<4992xi32, #tpu.memory_space<vmem>>, vector<16xi32>,
      %add3A_191 = arith.addi %mul3A_188, %get3A_190 : vector<16xi32>
      %swap3A_192 = arith.constant 0 : i32
      %swap3A_193 = arith.index_cast %swap3A_192 : i32 to index
      %swap3A_194 = arith.constant 32 : index
      %swap3A_195 = tpu.vector_load %arg14[%swap3A_193, %swap3A_194] {strides = array<i32>} : memref<2x80xi32, #tpu.memory_space<vmem>>, vector<16xi32>,
      tpu.vector_store %arg14[%swap3A_193, %swap3A_194], %add3A_191 {strides = array<i32>} : memref<2x80xi32, #tpu.memory_space<vmem>>, vector<16xi32>,
      %mul3A_196 = arith.constant 80 : i32
      %mul3A_197 = arith.muli %add3A_141, %mul3A_196 : i32
      %add3A_198 = arith.constant 48 : i32
      %add3A_199 = arith.addi %mul3A_197, %add3A_198 : i32
      %get3A_200 = arith.index_cast %add3A_199 : i32 to index
      %get3A_201 = tpu.vector_load %arg9[%get3A_200] {strides = array<i32>} : memref<4992xi32, #tpu.memory_space<vmem>>, vector<16xi32>,
      %mul3A_202 = arith.constant 10000 : i32
      %mul3A_203 = vector.broadcast %mul3A_202 : i32 to vector<16xi32>
      %mul3A_204 = arith.muli %get3A_201, %mul3A_203 : vector<16xi32>
      %get3A_205 = arith.index_cast %add3A_199 : i32 to index
      %get3A_206 = tpu.vector_load %arg10[%get3A_205] {strides = array<i32>} : memref<4992xi32, #tpu.memory_space<vmem>>, vector<16xi32>,
      %add3A_207 = arith.addi %mul3A_204, %get3A_206 : vector<16xi32>
      %swap3A_208 = arith.constant 0 : i32
      %swap3A_209 = arith.index_cast %swap3A_208 : i32 to index
      %swap3A_210 = arith.constant 48 : index
      %swap3A_211 = tpu.vector_load %arg14[%swap3A_209, %swap3A_210] {strides = array<i32>} : memref<2x80xi32, #tpu.memory_space<vmem>>, vector<16xi32>,
      tpu.vector_store %arg14[%swap3A_209, %swap3A_210], %add3A_207 {strides = array<i32>} : memref<2x80xi32, #tpu.memory_space<vmem>>, vector<16xi32>,
      %mul3A_212 = arith.constant 80 : i32
      %mul3A_213 = arith.muli %add3A_141, %mul3A_212 : i32
      %add3A_214 = arith.constant 64 : i32
      %add3A_215 = arith.addi %mul3A_213, %add3A_214 : i32
      %get3A_216 = arith.index_cast %add3A_215 : i32 to index
      %get3A_217 = tpu.vector_load %arg9[%get3A_216] {strides = array<i32>} : memref<4992xi32, #tpu.memory_space<vmem>>, vector<16xi32>,
      %mul3A_218 = arith.constant 10000 : i32
      %mul3A_219 = vector.broadcast %mul3A_218 : i32 to vector<16xi32>
      %mul3A_220 = arith.muli %get3A_217, %mul3A_219 : vector<16xi32>
      %get3A_221 = arith.index_cast %add3A_215 : i32 to index
      %get3A_222 = tpu.vector_load %arg10[%get3A_221] {strides = array<i32>} : memref<4992xi32, #tpu.memory_space<vmem>>, vector<16xi32>,
      %add3A_223 = arith.addi %mul3A_220, %get3A_222 : vector<16xi32>
      %swap3A_224 = arith.constant 0 : i32
      %swap3A_225 = arith.index_cast %swap3A_224 : i32 to index
      %swap3A_226 = arith.constant 64 : index
      %swap3A_227 = tpu.vector_load %arg14[%swap3A_225, %swap3A_226] {strides = array<i32>} : memref<2x80xi32, #tpu.memory_space<vmem>>, vector<16xi32>,
      tpu.vector_store %arg14[%swap3A_225, %swap3A_226], %add3A_223 {strides = array<i32>} : memref<2x80xi32, #tpu.memory_space<vmem>>, vector<16xi32>,
      %dma_start3A = arith.constant 0 : i32
      %dma_start3A_228 = arith.constant 0 : i32
      %dma_start3A_229 = tpu.memref_slice %arg14[%dma_start3A, %dma_start3A_228] : memref<2x80xi32, #tpu.memory_space<vmem>> -> memref<1x80xi32, #tpu.memory_space<vmem>>
      %dma_start3A_230 = tpu.memref_squeeze %dma_start3A_229 : memref<1x80xi32, #tpu.memory_space<vmem>> -> memref<80xi32, #tpu.memory_space<vmem>>
      %dma_start3A_231 = arith.constant 0 : i32
      %dma_start3A_232 = tpu.memref_slice %arg16[%dma_start3A_231] : memref<81920xf32, #tpu.memory_space<vmem_shared>> -> memref<81920xf32, #tpu.memory_space<vmem_shared>>
      tpu.enqueue_indirect_dma source(%arg15 : memref<80xf32, #tpu.memory_space<vmem>>) target(%dma_start3A_232 : memref<81920xf32, #tpu.memory_space<vmem_shared>>) offsets(%dma_start3A_230 : memref<80xi32, #tpu.memory_space<vmem>>) semaphore(%arg17 : memref<!tpu.dma_semaphore, #tpu.memory_space<semaphore_mem>>) {add = true}
      %add3A_233 = arith.constant 1 : i32
      %add3A_234 = arith.addi %add3A_139, %add3A_233 : i32
      %dma_wait3A_235 = arith.constant 1 : i32
      %dma_wait3A_236 = arith.constant 0 : i32
      %dma_wait3A_237 = tpu.memref_slice %arg14[%dma_wait3A_235, %dma_wait3A_236] : memref<2x80xi32, #tpu.memory_space<vmem>> -> memref<1x80xi32, #tpu.memory_space<vmem>>
      %dma_wait3A_238 = tpu.memref_squeeze %dma_wait3A_237 : memref<1x80xi32, #tpu.memory_space<vmem>> -> memref<80xi32, #tpu.memory_space<vmem>>
      %dma_wait3A_239 = arith.constant 0 : i32
      %dma_wait3A_240 = tpu.memref_slice %arg16[%dma_wait3A_239] : memref<81920xf32, #tpu.memory_space<vmem_shared>> -> memref<81920xf32, #tpu.memory_space<vmem_shared>>
      tpu.wait_indirect_dma semaphore(%arg18 : memref<!tpu.dma_semaphore, #tpu.memory_space<semaphore_mem>>) src(%arg15 : memref<80xf32, #tpu.memory_space<vmem>>) dst(%dma_wait3A_240 : memref<81920xf32, #tpu.memory_space<vmem_shared>>)
      %mul3A_241 = arith.constant 80 : i32
      %mul3A_242 = arith.muli %add3A_234, %mul3A_241 : i32
      %add3A_243 = arith.constant 0 : i32
      %add3A_244 = arith.addi %mul3A_242, %add3A_243 : i32
      %get3A_245 = arith.index_cast %add3A_244 : i32 to index
      %get3A_246 = tpu.vector_load %arg9[%get3A_245] {strides = array<i32>} : memref<4992xi32, #tpu.memory_space<vmem>>, vector<16xi32>,
      %mul3A_247 = arith.constant 10000 : i32
      %mul3A_248 = vector.broadcast %mul3A_247 : i32 to vector<16xi32>
      %mul3A_249 = arith.muli %get3A_246, %mul3A_248 : vector<16xi32>
      %get3A_250 = arith.index_cast %add3A_244 : i32 to index
      %get3A_251 = tpu.vector_load %arg10[%get3A_250] {strides = array<i32>} : memref<4992xi32, #tpu.memory_space<vmem>>, vector<16xi32>,
      %add3A_252 = arith.addi %mul3A_249, %get3A_251 : vector<16xi32>
      %swap3A_253 = arith.constant 1 : i32
      %swap3A_254 = arith.index_cast %swap3A_253 : i32 to index
      %swap3A_255 = arith.constant 0 : index
      %swap3A_256 = tpu.vector_load %arg14[%swap3A_254, %swap3A_255] {strides = array<i32>} : memref<2x80xi32, #tpu.memory_space<vmem>>, vector<16xi32>,
      tpu.vector_store %arg14[%swap3A_254, %swap3A_255], %add3A_252 {strides = array<i32>} : memref<2x80xi32, #tpu.memory_space<vmem>>, vector<16xi32>,
      %mul3A_257 = arith.constant 80 : i32
      %mul3A_258 = arith.muli %add3A_234, %mul3A_257 : i32
      %add3A_259 = arith.constant 16 : i32
      %add3A_260 = arith.addi %mul3A_258, %add3A_259 : i32
      %get3A_261 = arith.index_cast %add3A_260 : i32 to index
      %get3A_262 = tpu.vector_load %arg9[%get3A_261] {strides = array<i32>} : memref<4992xi32, #tpu.memory_space<vmem>>, vector<16xi32>,
      %mul3A_263 = arith.constant 10000 : i32
      %mul3A_264 = vector.broadcast %mul3A_263 : i32 to vector<16xi32>
      %mul3A_265 = arith.muli %get3A_262, %mul3A_264 : vector<16xi32>
      %get3A_266 = arith.index_cast %add3A_260 : i32 to index
      %get3A_267 = tpu.vector_load %arg10[%get3A_266] {strides = array<i32>} : memref<4992xi32, #tpu.memory_space<vmem>>, vector<16xi32>,
      %add3A_268 = arith.addi %mul3A_265, %get3A_267 : vector<16xi32>
      %swap3A_269 = arith.constant 1 : i32
      %swap3A_270 = arith.index_cast %swap3A_269 : i32 to index
      %swap3A_271 = arith.constant 16 : index
      %swap3A_272 = tpu.vector_load %arg14[%swap3A_270, %swap3A_271] {strides = array<i32>} : memref<2x80xi32, #tpu.memory_space<vmem>>, vector<16xi32>,
      tpu.vector_store %arg14[%swap3A_270, %swap3A_271], %add3A_268 {strides = array<i32>} : memref<2x80xi32, #tpu.memory_space<vmem>>, vector<16xi32>,
      %mul3A_273 = arith.constant 80 : i32
      %mul3A_274 = arith.muli %add3A_234, %mul3A_273 : i32
      %add3A_275 = arith.constant 32 : i32
      %add3A_276 = arith.addi %mul3A_274, %add3A_275 : i32
      %get3A_277 = arith.index_cast %add3A_276 : i32 to index
      %get3A_278 = tpu.vector_load %arg9[%get3A_277] {strides = array<i32>} : memref<4992xi32, #tpu.memory_space<vmem>>, vector<16xi32>,
      %mul3A_279 = arith.constant 10000 : i32
      %mul3A_280 = vector.broadcast %mul3A_279 : i32 to vector<16xi32>
      %mul3A_281 = arith.muli %get3A_278, %mul3A_280 : vector<16xi32>
      %get3A_282 = arith.index_cast %add3A_276 : i32 to index
      %get3A_283 = tpu.vector_load %arg10[%get3A_282] {strides = array<i32>} : memref<4992xi32, #tpu.memory_space<vmem>>, vector<16xi32>,
      %add3A_284 = arith.addi %mul3A_281, %get3A_283 : vector<16xi32>
      %swap3A_285 = arith.constant 1 : i32
      %swap3A_286 = arith.index_cast %swap3A_285 : i32 to index
      %swap3A_287 = arith.constant 32 : index
      %swap3A_288 = tpu.vector_load %arg14[%swap3A_286, %swap3A_287] {strides = array<i32>} : memref<2x80xi32, #tpu.memory_space<vmem>>, vector<16xi32>,
      tpu.vector_store %arg14[%swap3A_286, %swap3A_287], %add3A_284 {strides = array<i32>} : memref<2x80xi32, #tpu.memory_space<vmem>>, vector<16xi32>,
      %mul3A_289 = arith.constant 80 : i32
      %mul3A_290 = arith.muli %add3A_234, %mul3A_289 : i32
      %add3A_291 = arith.constant 48 : i32
      %add3A_292 = arith.addi %mul3A_290, %add3A_291 : i32
      %get3A_293 = arith.index_cast %add3A_292 : i32 to index
      %get3A_294 = tpu.vector_load %arg9[%get3A_293] {strides = array<i32>} : memref<4992xi32, #tpu.memory_space<vmem>>, vector<16xi32>,
      %mul3A_295 = arith.constant 10000 : i32
      %mul3A_296 = vector.broadcast %mul3A_295 : i32 to vector<16xi32>
      %mul3A_297 = arith.muli %get3A_294, %mul3A_296 : vector<16xi32>
      %get3A_298 = arith.index_cast %add3A_292 : i32 to index
      %get3A_299 = tpu.vector_load %arg10[%get3A_298] {strides = array<i32>} : memref<4992xi32, #tpu.memory_space<vmem>>, vector<16xi32>,
      %add3A_300 = arith.addi %mul3A_297, %get3A_299 : vector<16xi32>
      %swap3A_301 = arith.constant 1 : i32
      %swap3A_302 = arith.index_cast %swap3A_301 : i32 to index
      %swap3A_303 = arith.constant 48 : index
      %swap3A_304 = tpu.vector_load %arg14[%swap3A_302, %swap3A_303] {strides = array<i32>} : memref<2x80xi32, #tpu.memory_space<vmem>>, vector<16xi32>,
      tpu.vector_store %arg14[%swap3A_302, %swap3A_303], %add3A_300 {strides = array<i32>} : memref<2x80xi32, #tpu.memory_space<vmem>>, vector<16xi32>,
      %mul3A_305 = arith.constant 80 : i32
      %mul3A_306 = arith.muli %add3A_234, %mul3A_305 : i32
      %add3A_307 = arith.constant 64 : i32
      %add3A_308 = arith.addi %mul3A_306, %add3A_307 : i32
      %get3A_309 = arith.index_cast %add3A_308 : i32 to index
      %get3A_310 = tpu.vector_load %arg9[%get3A_309] {strides = array<i32>} : memref<4992xi32, #tpu.memory_space<vmem>>, vector<16xi32>,
      %mul3A_311 = arith.constant 10000 : i32
      %mul3A_312 = vector.broadcast %mul3A_311 : i32 to vector<16xi32>
      %mul3A_313 = arith.muli %get3A_310, %mul3A_312 : vector<16xi32>
      %get3A_314 = arith.index_cast %add3A_308 : i32 to index
      %get3A_315 = tpu.vector_load %arg10[%get3A_314] {strides = array<i32>} : memref<4992xi32, #tpu.memory_space<vmem>>, vector<16xi32>,
      %add3A_316 = arith.addi %mul3A_313, %get3A_315 : vector<16xi32>
      %swap3A_317 = arith.constant 1 : i32
      %swap3A_318 = arith.index_cast %swap3A_317 : i32 to index
      %swap3A_319 = arith.constant 64 : index
      %swap3A_320 = tpu.vector_load %arg14[%swap3A_318, %swap3A_319] {strides = array<i32>} : memref<2x80xi32, #tpu.memory_space<vmem>>, vector<16xi32>,
      tpu.vector_store %arg14[%swap3A_318, %swap3A_319], %add3A_316 {strides = array<i32>} : memref<2x80xi32, #tpu.memory_space<vmem>>, vector<16xi32>,
      %dma_start3A_321 = arith.constant 1 : i32
      %dma_start3A_322 = arith.constant 0 : i32
      %dma_start3A_323 = tpu.memref_slice %arg14[%dma_start3A_321, %dma_start3A_322] : memref<2x80xi32, #tpu.memory_space<vmem>> -> memref<1x80xi32, #tpu.memory_space<vmem>>
      %dma_start3A_324 = tpu.memref_squeeze %dma_start3A_323 : memref<1x80xi32, #tpu.memory_space<vmem>> -> memref<80xi32, #tpu.memory_space<vmem>>
      %dma_start3A_325 = arith.constant 0 : i32
      %dma_start3A_326 = tpu.memref_slice %arg16[%dma_start3A_325] : memref<81920xf32, #tpu.memory_space<vmem_shared>> -> memref<81920xf32, #tpu.memory_space<vmem_shared>>
      tpu.enqueue_indirect_dma source(%arg15 : memref<80xf32, #tpu.memory_space<vmem>>) target(%dma_start3A_326 : memref<81920xf32, #tpu.memory_space<vmem_shared>>) offsets(%dma_start3A_324 : memref<80xi32, #tpu.memory_space<vmem>>) semaphore(%arg18 : memref<!tpu.dma_semaphore, #tpu.memory_space<semaphore_mem>>) {add = true}
    }
    %scan3A_38 = arith.constant 25 : i32
    %add3A_39 = arith.constant 8000 : i32
    %add3A_40 = arith.addi %mul3A_20, %add3A_39 : i32
    "tpu.region"() ({
      %run_scoped3A = tpu.sem_alloc : memref<!tpu.dma_semaphore, #tpu.memory_space<semaphore_mem>>
      %dma_start3A = arith.constant 0 : i32
      %dma_start3A_135 = tpu.memref_slice %arg9[%dma_start3A] : memref<4992xi32, #tpu.memory_space<vmem>> -> memref<4000xi32, #tpu.memory_space<vmem>>
      %dma_start3A_136 = tpu.memref_slice %arg2[%add3A_40] : memref<320000xi32, #tpu.memory_space<hbm>> -> memref<4000xi32, #tpu.memory_space<hbm>>
      %dma_start3A_137 = arith.constant 0 : i32
      %dma_start3A_138 = tpu.memref_slice %arg9[%dma_start3A_137] : memref<4992xi32, #tpu.memory_space<vmem>> -> memref<4000xi32, #tpu.memory_space<vmem>>
      %dma_start3A_139 = tpu.memref_slice %arg2[%add3A_40] : memref<320000xi32, #tpu.memory_space<hbm>> -> memref<4000xi32, #tpu.memory_space<hbm>>
      tpu.enqueue_dma source(%dma_start3A_139 : memref<4000xi32, #tpu.memory_space<hbm>>) target(%dma_start3A_138 : memref<4000xi32, #tpu.memory_space<vmem>>) target_semaphore(%run_scoped3A : memref<!tpu.dma_semaphore, #tpu.memory_space<semaphore_mem>>)
      %dma_wait3A_140 = arith.constant 0 : i32
      %dma_wait3A_141 = tpu.memref_slice %arg9[%dma_wait3A_140] : memref<4992xi32, #tpu.memory_space<vmem>> -> memref<4000xi32, #tpu.memory_space<vmem>>
      %dma_wait3A_142 = tpu.memref_slice %arg2[%add3A_40] : memref<320000xi32, #tpu.memory_space<hbm>> -> memref<4000xi32, #tpu.memory_space<hbm>>
      %dma_wait3A_143 = arith.constant 0 : i32
      %dma_wait3A_144 = tpu.memref_slice %arg9[%dma_wait3A_143] : memref<4992xi32, #tpu.memory_space<vmem>> -> memref<4000xi32, #tpu.memory_space<vmem>>
      %dma_wait3A_145 = tpu.memref_slice %arg2[%add3A_40] : memref<320000xi32, #tpu.memory_space<hbm>> -> memref<4000xi32, #tpu.memory_space<hbm>>
      tpu.wait_dma2 semaphore(%run_scoped3A : memref<!tpu.dma_semaphore, #tpu.memory_space<semaphore_mem>>) src(%dma_wait3A_145 : memref<4000xi32, #tpu.memory_space<hbm>>) dst(%dma_wait3A_144 : memref<4000xi32, #tpu.memory_space<vmem>>)
      tpu.yield
    }) : () -> ()
    %add3A_41 = arith.constant 8000 : i32
    %add3A_42 = arith.addi %mul3A_20, %add3A_41 : i32
    "tpu.region"() ({
      %run_scoped3A = tpu.sem_alloc : memref<!tpu.dma_semaphore, #tpu.memory_space<semaphore_mem>>
      %dma_start3A = arith.constant 0 : i32
      %dma_start3A_135 = tpu.memref_slice %arg10[%dma_start3A] : memref<4992xi32, #tpu.memory_space<vmem>> -> memref<4000xi32, #tpu.memory_space<vmem>>
      %dma_start3A_136 = tpu.memref_slice %arg3[%add3A_42] : memref<320000xi32, #tpu.memory_space<hbm>> -> memref<4000xi32, #tpu.memory_space<hbm>>
      %dma_start3A_137 = arith.constant 0 : i32
      %dma_start3A_138 = tpu.memref_slice %arg10[%dma_start3A_137] : memref<4992xi32, #tpu.memory_space<vmem>> -> memref<4000xi32, #tpu.memory_space<vmem>>
      %dma_start3A_139 = tpu.memref_slice %arg3[%add3A_42] : memref<320000xi32, #tpu.memory_space<hbm>> -> memref<4000xi32, #tpu.memory_space<hbm>>
      tpu.enqueue_dma source(%dma_start3A_139 : memref<4000xi32, #tpu.memory_space<hbm>>) target(%dma_start3A_138 : memref<4000xi32, #tpu.memory_space<vmem>>) target_semaphore(%run_scoped3A : memref<!tpu.dma_semaphore, #tpu.memory_space<semaphore_mem>>)
      %dma_wait3A_140 = arith.constant 0 : i32
      %dma_wait3A_141 = tpu.memref_slice %arg10[%dma_wait3A_140] : memref<4992xi32, #tpu.memory_space<vmem>> -> memref<4000xi32, #tpu.memory_space<vmem>>
      %dma_wait3A_142 = tpu.memref_slice %arg3[%add3A_42] : memref<320000xi32, #tpu.memory_space<hbm>> -> memref<4000xi32, #tpu.memory_space<hbm>>
      %dma_wait3A_143 = arith.constant 0 : i32
      %dma_wait3A_144 = tpu.memref_slice %arg10[%dma_wait3A_143] : memref<4992xi32, #tpu.memory_space<vmem>> -> memref<4000xi32, #tpu.memory_space<vmem>>
      %dma_wait3A_145 = tpu.memref_slice %arg3[%add3A_42] : memref<320000xi32, #tpu.memory_space<hbm>> -> memref<4000xi32, #tpu.memory_space<hbm>>
      tpu.wait_dma2 semaphore(%run_scoped3A : memref<!tpu.dma_semaphore, #tpu.memory_space<semaphore_mem>>) src(%dma_wait3A_145 : memref<4000xi32, #tpu.memory_space<hbm>>) dst(%dma_wait3A_144 : memref<4000xi32, #tpu.memory_space<vmem>>)
      tpu.yield
    }) : () -> ()
    %scan3A_43 = arith.constant 0 : i32
    %scan3A_44 = arith.constant 25 : i32
    %scan3A_45 = arith.addi %scan3A_43, %scan3A_44 : i32
    %scan3A_46 = arith.constant 1 : i32
    scf.for %scan3A_135 = %scan3A_43 to %scan3A_45 step %scan3A_46  : i32 {
      %mul3A_136 = arith.constant 2 : i32
      %mul3A_137 = arith.muli %scan3A_135, %mul3A_136 : i32
      %add3A_138 = arith.constant 0 : i32
      %add3A_139 = arith.addi %add3A_138, %mul3A_137 : i32
      %add3A_140 = arith.constant 0 : i32
      %add3A_141 = arith.addi %add3A_139, %add3A_140 : i32
      %dma_wait3A_142 = arith.constant 0 : i32
      %dma_wait3A_143 = arith.constant 0 : i32
      %dma_wait3A_144 = tpu.memref_slice %arg14[%dma_wait3A_142, %dma_wait3A_143] : memref<2x80xi32, #tpu.memory_space<vmem>> -> memref<1x80xi32, #tpu.memory_space<vmem>>
      %dma_wait3A_145 = tpu.memref_squeeze %dma_wait3A_144 : memref<1x80xi32, #tpu.memory_space<vmem>> -> memref<80xi32, #tpu.memory_space<vmem>>
      %dma_wait3A_146 = arith.constant 0 : i32
      %dma_wait3A_147 = tpu.memref_slice %arg16[%dma_wait3A_146] : memref<81920xf32, #tpu.memory_space<vmem_shared>> -> memref<81920xf32, #tpu.memory_space<vmem_shared>>
      tpu.wait_indirect_dma semaphore(%arg17 : memref<!tpu.dma_semaphore, #tpu.memory_space<semaphore_mem>>) src(%arg15 : memref<80xf32, #tpu.memory_space<vmem>>) dst(%dma_wait3A_147 : memref<81920xf32, #tpu.memory_space<vmem_shared>>)
      %mul3A_148 = arith.constant 80 : i32
      %mul3A_149 = arith.muli %add3A_141, %mul3A_148 : i32
      %add3A_150 = arith.constant 0 : i32
      %add3A_151 = arith.addi %mul3A_149, %add3A_150 : i32
      %get3A_152 = arith.index_cast %add3A_151 : i32 to index
      %get3A_153 = tpu.vector_load %arg9[%get3A_152] {strides = array<i32>} : memref<4992xi32, #tpu.memory_space<vmem>>, vector<16xi32>,
      %mul3A_154 = arith.constant 10000 : i32
      %mul3A_155 = vector.broadcast %mul3A_154 : i32 to vector<16xi32>
      %mul3A_156 = arith.muli %get3A_153, %mul3A_155 : vector<16xi32>
      %get3A_157 = arith.index_cast %add3A_151 : i32 to index
      %get3A_158 = tpu.vector_load %arg10[%get3A_157] {strides = array<i32>} : memref<4992xi32, #tpu.memory_space<vmem>>, vector<16xi32>,
      %add3A_159 = arith.addi %mul3A_156, %get3A_158 : vector<16xi32>
      %swap3A_160 = arith.constant 0 : i32
      %swap3A_161 = arith.index_cast %swap3A_160 : i32 to index
      %swap3A_162 = arith.constant 0 : index
      %swap3A_163 = tpu.vector_load %arg14[%swap3A_161, %swap3A_162] {strides = array<i32>} : memref<2x80xi32, #tpu.memory_space<vmem>>, vector<16xi32>,
      tpu.vector_store %arg14[%swap3A_161, %swap3A_162], %add3A_159 {strides = array<i32>} : memref<2x80xi32, #tpu.memory_space<vmem>>, vector<16xi32>,
      %mul3A_164 = arith.constant 80 : i32
      %mul3A_165 = arith.muli %add3A_141, %mul3A_164 : i32
      %add3A_166 = arith.constant 16 : i32
      %add3A_167 = arith.addi %mul3A_165, %add3A_166 : i32
      %get3A_168 = arith.index_cast %add3A_167 : i32 to index
      %get3A_169 = tpu.vector_load %arg9[%get3A_168] {strides = array<i32>} : memref<4992xi32, #tpu.memory_space<vmem>>, vector<16xi32>,
      %mul3A_170 = arith.constant 10000 : i32
      %mul3A_171 = vector.broadcast %mul3A_170 : i32 to vector<16xi32>
      %mul3A_172 = arith.muli %get3A_169, %mul3A_171 : vector<16xi32>
      %get3A_173 = arith.index_cast %add3A_167 : i32 to index
      %get3A_174 = tpu.vector_load %arg10[%get3A_173] {strides = array<i32>} : memref<4992xi32, #tpu.memory_space<vmem>>, vector<16xi32>,
      %add3A_175 = arith.addi %mul3A_172, %get3A_174 : vector<16xi32>
      %swap3A_176 = arith.constant 0 : i32
      %swap3A_177 = arith.index_cast %swap3A_176 : i32 to index
      %swap3A_178 = arith.constant 16 : index
      %swap3A_179 = tpu.vector_load %arg14[%swap3A_177, %swap3A_178] {strides = array<i32>} : memref<2x80xi32, #tpu.memory_space<vmem>>, vector<16xi32>,
      tpu.vector_store %arg14[%swap3A_177, %swap3A_178], %add3A_175 {strides = array<i32>} : memref<2x80xi32, #tpu.memory_space<vmem>>, vector<16xi32>,
      %mul3A_180 = arith.constant 80 : i32
      %mul3A_181 = arith.muli %add3A_141, %mul3A_180 : i32
      %add3A_182 = arith.constant 32 : i32
      %add3A_183 = arith.addi %mul3A_181, %add3A_182 : i32
      %get3A_184 = arith.index_cast %add3A_183 : i32 to index
      %get3A_185 = tpu.vector_load %arg9[%get3A_184] {strides = array<i32>} : memref<4992xi32, #tpu.memory_space<vmem>>, vector<16xi32>,
      %mul3A_186 = arith.constant 10000 : i32
      %mul3A_187 = vector.broadcast %mul3A_186 : i32 to vector<16xi32>
      %mul3A_188 = arith.muli %get3A_185, %mul3A_187 : vector<16xi32>
      %get3A_189 = arith.index_cast %add3A_183 : i32 to index
      %get3A_190 = tpu.vector_load %arg10[%get3A_189] {strides = array<i32>} : memref<4992xi32, #tpu.memory_space<vmem>>, vector<16xi32>,
      %add3A_191 = arith.addi %mul3A_188, %get3A_190 : vector<16xi32>
      %swap3A_192 = arith.constant 0 : i32
      %swap3A_193 = arith.index_cast %swap3A_192 : i32 to index
      %swap3A_194 = arith.constant 32 : index
      %swap3A_195 = tpu.vector_load %arg14[%swap3A_193, %swap3A_194] {strides = array<i32>} : memref<2x80xi32, #tpu.memory_space<vmem>>, vector<16xi32>,
      tpu.vector_store %arg14[%swap3A_193, %swap3A_194], %add3A_191 {strides = array<i32>} : memref<2x80xi32, #tpu.memory_space<vmem>>, vector<16xi32>,
      %mul3A_196 = arith.constant 80 : i32
      %mul3A_197 = arith.muli %add3A_141, %mul3A_196 : i32
      %add3A_198 = arith.constant 48 : i32
      %add3A_199 = arith.addi %mul3A_197, %add3A_198 : i32
      %get3A_200 = arith.index_cast %add3A_199 : i32 to index
      %get3A_201 = tpu.vector_load %arg9[%get3A_200] {strides = array<i32>} : memref<4992xi32, #tpu.memory_space<vmem>>, vector<16xi32>,
      %mul3A_202 = arith.constant 10000 : i32
      %mul3A_203 = vector.broadcast %mul3A_202 : i32 to vector<16xi32>
      %mul3A_204 = arith.muli %get3A_201, %mul3A_203 : vector<16xi32>
      %get3A_205 = arith.index_cast %add3A_199 : i32 to index
      %get3A_206 = tpu.vector_load %arg10[%get3A_205] {strides = array<i32>} : memref<4992xi32, #tpu.memory_space<vmem>>, vector<16xi32>,
      %add3A_207 = arith.addi %mul3A_204, %get3A_206 : vector<16xi32>
      %swap3A_208 = arith.constant 0 : i32
      %swap3A_209 = arith.index_cast %swap3A_208 : i32 to index
      %swap3A_210 = arith.constant 48 : index
      %swap3A_211 = tpu.vector_load %arg14[%swap3A_209, %swap3A_210] {strides = array<i32>} : memref<2x80xi32, #tpu.memory_space<vmem>>, vector<16xi32>,
      tpu.vector_store %arg14[%swap3A_209, %swap3A_210], %add3A_207 {strides = array<i32>} : memref<2x80xi32, #tpu.memory_space<vmem>>, vector<16xi32>,
      %mul3A_212 = arith.constant 80 : i32
      %mul3A_213 = arith.muli %add3A_141, %mul3A_212 : i32
      %add3A_214 = arith.constant 64 : i32
      %add3A_215 = arith.addi %mul3A_213, %add3A_214 : i32
      %get3A_216 = arith.index_cast %add3A_215 : i32 to index
      %get3A_217 = tpu.vector_load %arg9[%get3A_216] {strides = array<i32>} : memref<4992xi32, #tpu.memory_space<vmem>>, vector<16xi32>,
      %mul3A_218 = arith.constant 10000 : i32
      %mul3A_219 = vector.broadcast %mul3A_218 : i32 to vector<16xi32>
      %mul3A_220 = arith.muli %get3A_217, %mul3A_219 : vector<16xi32>
      %get3A_221 = arith.index_cast %add3A_215 : i32 to index
      %get3A_222 = tpu.vector_load %arg10[%get3A_221] {strides = array<i32>} : memref<4992xi32, #tpu.memory_space<vmem>>, vector<16xi32>,
      %add3A_223 = arith.addi %mul3A_220, %get3A_222 : vector<16xi32>
      %swap3A_224 = arith.constant 0 : i32
      %swap3A_225 = arith.index_cast %swap3A_224 : i32 to index
      %swap3A_226 = arith.constant 64 : index
      %swap3A_227 = tpu.vector_load %arg14[%swap3A_225, %swap3A_226] {strides = array<i32>} : memref<2x80xi32, #tpu.memory_space<vmem>>, vector<16xi32>,
      tpu.vector_store %arg14[%swap3A_225, %swap3A_226], %add3A_223 {strides = array<i32>} : memref<2x80xi32, #tpu.memory_space<vmem>>, vector<16xi32>,
      %dma_start3A = arith.constant 0 : i32
      %dma_start3A_228 = arith.constant 0 : i32
      %dma_start3A_229 = tpu.memref_slice %arg14[%dma_start3A, %dma_start3A_228] : memref<2x80xi32, #tpu.memory_space<vmem>> -> memref<1x80xi32, #tpu.memory_space<vmem>>
      %dma_start3A_230 = tpu.memref_squeeze %dma_start3A_229 : memref<1x80xi32, #tpu.memory_space<vmem>> -> memref<80xi32, #tpu.memory_space<vmem>>
      %dma_start3A_231 = arith.constant 0 : i32
      %dma_start3A_232 = tpu.memref_slice %arg16[%dma_start3A_231] : memref<81920xf32, #tpu.memory_space<vmem_shared>> -> memref<81920xf32, #tpu.memory_space<vmem_shared>>
      tpu.enqueue_indirect_dma source(%arg15 : memref<80xf32, #tpu.memory_space<vmem>>) target(%dma_start3A_232 : memref<81920xf32, #tpu.memory_space<vmem_shared>>) offsets(%dma_start3A_230 : memref<80xi32, #tpu.memory_space<vmem>>) semaphore(%arg17 : memref<!tpu.dma_semaphore, #tpu.memory_space<semaphore_mem>>) {add = true}
      %add3A_233 = arith.constant 1 : i32
      %add3A_234 = arith.addi %add3A_139, %add3A_233 : i32
      %dma_wait3A_235 = arith.constant 1 : i32
      %dma_wait3A_236 = arith.constant 0 : i32
      %dma_wait3A_237 = tpu.memref_slice %arg14[%dma_wait3A_235, %dma_wait3A_236] : memref<2x80xi32, #tpu.memory_space<vmem>> -> memref<1x80xi32, #tpu.memory_space<vmem>>
      %dma_wait3A_238 = tpu.memref_squeeze %dma_wait3A_237 : memref<1x80xi32, #tpu.memory_space<vmem>> -> memref<80xi32, #tpu.memory_space<vmem>>
      %dma_wait3A_239 = arith.constant 0 : i32
      %dma_wait3A_240 = tpu.memref_slice %arg16[%dma_wait3A_239] : memref<81920xf32, #tpu.memory_space<vmem_shared>> -> memref<81920xf32, #tpu.memory_space<vmem_shared>>
      tpu.wait_indirect_dma semaphore(%arg18 : memref<!tpu.dma_semaphore, #tpu.memory_space<semaphore_mem>>) src(%arg15 : memref<80xf32, #tpu.memory_space<vmem>>) dst(%dma_wait3A_240 : memref<81920xf32, #tpu.memory_space<vmem_shared>>)
      %mul3A_241 = arith.constant 80 : i32
      %mul3A_242 = arith.muli %add3A_234, %mul3A_241 : i32
      %add3A_243 = arith.constant 0 : i32
      %add3A_244 = arith.addi %mul3A_242, %add3A_243 : i32
      %get3A_245 = arith.index_cast %add3A_244 : i32 to index
      %get3A_246 = tpu.vector_load %arg9[%get3A_245] {strides = array<i32>} : memref<4992xi32, #tpu.memory_space<vmem>>, vector<16xi32>,
      %mul3A_247 = arith.constant 10000 : i32
      %mul3A_248 = vector.broadcast %mul3A_247 : i32 to vector<16xi32>
      %mul3A_249 = arith.muli %get3A_246, %mul3A_248 : vector<16xi32>
      %get3A_250 = arith.index_cast %add3A_244 : i32 to index
      %get3A_251 = tpu.vector_load %arg10[%get3A_250] {strides = array<i32>} : memref<4992xi32, #tpu.memory_space<vmem>>, vector<16xi32>,
      %add3A_252 = arith.addi %mul3A_249, %get3A_251 : vector<16xi32>
      %swap3A_253 = arith.constant 1 : i32
      %swap3A_254 = arith.index_cast %swap3A_253 : i32 to index
      %swap3A_255 = arith.constant 0 : index
      %swap3A_256 = tpu.vector_load %arg14[%swap3A_254, %swap3A_255] {strides = array<i32>} : memref<2x80xi32, #tpu.memory_space<vmem>>, vector<16xi32>,
      tpu.vector_store %arg14[%swap3A_254, %swap3A_255], %add3A_252 {strides = array<i32>} : memref<2x80xi32, #tpu.memory_space<vmem>>, vector<16xi32>,
      %mul3A_257 = arith.constant 80 : i32
      %mul3A_258 = arith.muli %add3A_234, %mul3A_257 : i32
      %add3A_259 = arith.constant 16 : i32
      %add3A_260 = arith.addi %mul3A_258, %add3A_259 : i32
      %get3A_261 = arith.index_cast %add3A_260 : i32 to index
      %get3A_262 = tpu.vector_load %arg9[%get3A_261] {strides = array<i32>} : memref<4992xi32, #tpu.memory_space<vmem>>, vector<16xi32>,
      %mul3A_263 = arith.constant 10000 : i32
      %mul3A_264 = vector.broadcast %mul3A_263 : i32 to vector<16xi32>
      %mul3A_265 = arith.muli %get3A_262, %mul3A_264 : vector<16xi32>
      %get3A_266 = arith.index_cast %add3A_260 : i32 to index
      %get3A_267 = tpu.vector_load %arg10[%get3A_266] {strides = array<i32>} : memref<4992xi32, #tpu.memory_space<vmem>>, vector<16xi32>,
      %add3A_268 = arith.addi %mul3A_265, %get3A_267 : vector<16xi32>
      %swap3A_269 = arith.constant 1 : i32
      %swap3A_270 = arith.index_cast %swap3A_269 : i32 to index
      %swap3A_271 = arith.constant 16 : index
      %swap3A_272 = tpu.vector_load %arg14[%swap3A_270, %swap3A_271] {strides = array<i32>} : memref<2x80xi32, #tpu.memory_space<vmem>>, vector<16xi32>,
      tpu.vector_store %arg14[%swap3A_270, %swap3A_271], %add3A_268 {strides = array<i32>} : memref<2x80xi32, #tpu.memory_space<vmem>>, vector<16xi32>,
      %mul3A_273 = arith.constant 80 : i32
      %mul3A_274 = arith.muli %add3A_234, %mul3A_273 : i32
      %add3A_275 = arith.constant 32 : i32
      %add3A_276 = arith.addi %mul3A_274, %add3A_275 : i32
      %get3A_277 = arith.index_cast %add3A_276 : i32 to index
      %get3A_278 = tpu.vector_load %arg9[%get3A_277] {strides = array<i32>} : memref<4992xi32, #tpu.memory_space<vmem>>, vector<16xi32>,
      %mul3A_279 = arith.constant 10000 : i32
      %mul3A_280 = vector.broadcast %mul3A_279 : i32 to vector<16xi32>
      %mul3A_281 = arith.muli %get3A_278, %mul3A_280 : vector<16xi32>
      %get3A_282 = arith.index_cast %add3A_276 : i32 to index
      %get3A_283 = tpu.vector_load %arg10[%get3A_282] {strides = array<i32>} : memref<4992xi32, #tpu.memory_space<vmem>>, vector<16xi32>,
      %add3A_284 = arith.addi %mul3A_281, %get3A_283 : vector<16xi32>
      %swap3A_285 = arith.constant 1 : i32
      %swap3A_286 = arith.index_cast %swap3A_285 : i32 to index
      %swap3A_287 = arith.constant 32 : index
      %swap3A_288 = tpu.vector_load %arg14[%swap3A_286, %swap3A_287] {strides = array<i32>} : memref<2x80xi32, #tpu.memory_space<vmem>>, vector<16xi32>,
      tpu.vector_store %arg14[%swap3A_286, %swap3A_287], %add3A_284 {strides = array<i32>} : memref<2x80xi32, #tpu.memory_space<vmem>>, vector<16xi32>,
      %mul3A_289 = arith.constant 80 : i32
      %mul3A_290 = arith.muli %add3A_234, %mul3A_289 : i32
      %add3A_291 = arith.constant 48 : i32
      %add3A_292 = arith.addi %mul3A_290, %add3A_291 : i32
      %get3A_293 = arith.index_cast %add3A_292 : i32 to index
      %get3A_294 = tpu.vector_load %arg9[%get3A_293] {strides = array<i32>} : memref<4992xi32, #tpu.memory_space<vmem>>, vector<16xi32>,
      %mul3A_295 = arith.constant 10000 : i32
      %mul3A_296 = vector.broadcast %mul3A_295 : i32 to vector<16xi32>
      %mul3A_297 = arith.muli %get3A_294, %mul3A_296 : vector<16xi32>
      %get3A_298 = arith.index_cast %add3A_292 : i32 to index
      %get3A_299 = tpu.vector_load %arg10[%get3A_298] {strides = array<i32>} : memref<4992xi32, #tpu.memory_space<vmem>>, vector<16xi32>,
      %add3A_300 = arith.addi %mul3A_297, %get3A_299 : vector<16xi32>
      %swap3A_301 = arith.constant 1 : i32
      %swap3A_302 = arith.index_cast %swap3A_301 : i32 to index
      %swap3A_303 = arith.constant 48 : index
      %swap3A_304 = tpu.vector_load %arg14[%swap3A_302, %swap3A_303] {strides = array<i32>} : memref<2x80xi32, #tpu.memory_space<vmem>>, vector<16xi32>,
      tpu.vector_store %arg14[%swap3A_302, %swap3A_303], %add3A_300 {strides = array<i32>} : memref<2x80xi32, #tpu.memory_space<vmem>>, vector<16xi32>,
      %mul3A_305 = arith.constant 80 : i32
      %mul3A_306 = arith.muli %add3A_234, %mul3A_305 : i32
      %add3A_307 = arith.constant 64 : i32
      %add3A_308 = arith.addi %mul3A_306, %add3A_307 : i32
      %get3A_309 = arith.index_cast %add3A_308 : i32 to index
      %get3A_310 = tpu.vector_load %arg9[%get3A_309] {strides = array<i32>} : memref<4992xi32, #tpu.memory_space<vmem>>, vector<16xi32>,
      %mul3A_311 = arith.constant 10000 : i32
      %mul3A_312 = vector.broadcast %mul3A_311 : i32 to vector<16xi32>
      %mul3A_313 = arith.muli %get3A_310, %mul3A_312 : vector<16xi32>
      %get3A_314 = arith.index_cast %add3A_308 : i32 to index
      %get3A_315 = tpu.vector_load %arg10[%get3A_314] {strides = array<i32>} : memref<4992xi32, #tpu.memory_space<vmem>>, vector<16xi32>,
      %add3A_316 = arith.addi %mul3A_313, %get3A_315 : vector<16xi32>
      %swap3A_317 = arith.constant 1 : i32
      %swap3A_318 = arith.index_cast %swap3A_317 : i32 to index
      %swap3A_319 = arith.constant 64 : index
      %swap3A_320 = tpu.vector_load %arg14[%swap3A_318, %swap3A_319] {strides = array<i32>} : memref<2x80xi32, #tpu.memory_space<vmem>>, vector<16xi32>,
      tpu.vector_store %arg14[%swap3A_318, %swap3A_319], %add3A_316 {strides = array<i32>} : memref<2x80xi32, #tpu.memory_space<vmem>>, vector<16xi32>,
      %dma_start3A_321 = arith.constant 1 : i32
      %dma_start3A_322 = arith.constant 0 : i32
      %dma_start3A_323 = tpu.memref_slice %arg14[%dma_start3A_321, %dma_start3A_322] : memref<2x80xi32, #tpu.memory_space<vmem>> -> memref<1x80xi32, #tpu.memory_space<vmem>>
      %dma_start3A_324 = tpu.memref_squeeze %dma_start3A_323 : memref<1x80xi32, #tpu.memory_space<vmem>> -> memref<80xi32, #tpu.memory_space<vmem>>
      %dma_start3A_325 = arith.constant 0 : i32
      %dma_start3A_326 = tpu.memref_slice %arg16[%dma_start3A_325] : memref<81920xf32, #tpu.memory_space<vmem_shared>> -> memref<81920xf32, #tpu.memory_space<vmem_shared>>
      tpu.enqueue_indirect_dma source(%arg15 : memref<80xf32, #tpu.memory_space<vmem>>) target(%dma_start3A_326 : memref<81920xf32, #tpu.memory_space<vmem_shared>>) offsets(%dma_start3A_324 : memref<80xi32, #tpu.memory_space<vmem>>) semaphore(%arg18 : memref<!tpu.dma_semaphore, #tpu.memory_space<semaphore_mem>>) {add = true}
    }
    %scan3A_47 = arith.constant 25 : i32
    %add3A_48 = arith.constant 12000 : i32
    %add3A_49 = arith.addi %mul3A_20, %add3A_48 : i32
    "tpu.region"() ({
      %run_scoped3A = tpu.sem_alloc : memref<!tpu.dma_semaphore, #tpu.memory_space<semaphore_mem>>
      %dma_start3A = arith.constant 0 : i32
      %dma_start3A_135 = tpu.memref_slice %arg9[%dma_start3A] : memref<4992xi32, #tpu.memory_space<vmem>> -> memref<4000xi32, #tpu.memory_space<vmem>>
      %dma_start3A_136 = tpu.memref_slice %arg2[%add3A_49] : memref<320000xi32, #tpu.memory_space<hbm>> -> memref<4000xi32, #tpu.memory_space<hbm>>
      %dma_start3A_137 = arith.constant 0 : i32
      %dma_start3A_138 = tpu.memref_slice %arg9[%dma_start3A_137] : memref<4992xi32, #tpu.memory_space<vmem>> -> memref<4000xi32, #tpu.memory_space<vmem>>
      %dma_start3A_139 = tpu.memref_slice %arg2[%add3A_49] : memref<320000xi32, #tpu.memory_space<hbm>> -> memref<4000xi32, #tpu.memory_space<hbm>>
      tpu.enqueue_dma source(%dma_start3A_139 : memref<4000xi32, #tpu.memory_space<hbm>>) target(%dma_start3A_138 : memref<4000xi32, #tpu.memory_space<vmem>>) target_semaphore(%run_scoped3A : memref<!tpu.dma_semaphore, #tpu.memory_space<semaphore_mem>>)
      %dma_wait3A_140 = arith.constant 0 : i32
      %dma_wait3A_141 = tpu.memref_slice %arg9[%dma_wait3A_140] : memref<4992xi32, #tpu.memory_space<vmem>> -> memref<4000xi32, #tpu.memory_space<vmem>>
      %dma_wait3A_142 = tpu.memref_slice %arg2[%add3A_49] : memref<320000xi32, #tpu.memory_space<hbm>> -> memref<4000xi32, #tpu.memory_space<hbm>>
      %dma_wait3A_143 = arith.constant 0 : i32
      %dma_wait3A_144 = tpu.memref_slice %arg9[%dma_wait3A_143] : memref<4992xi32, #tpu.memory_space<vmem>> -> memref<4000xi32, #tpu.memory_space<vmem>>
      %dma_wait3A_145 = tpu.memref_slice %arg2[%add3A_49] : memref<320000xi32, #tpu.memory_space<hbm>> -> memref<4000xi32, #tpu.memory_space<hbm>>
      tpu.wait_dma2 semaphore(%run_scoped3A : memref<!tpu.dma_semaphore, #tpu.memory_space<semaphore_mem>>) src(%dma_wait3A_145 : memref<4000xi32, #tpu.memory_space<hbm>>) dst(%dma_wait3A_144 : memref<4000xi32, #tpu.memory_space<vmem>>)
      tpu.yield
    }) : () -> ()
    %add3A_50 = arith.constant 12000 : i32
    %add3A_51 = arith.addi %mul3A_20, %add3A_50 : i32
    "tpu.region"() ({
      %run_scoped3A = tpu.sem_alloc : memref<!tpu.dma_semaphore, #tpu.memory_space<semaphore_mem>>
      %dma_start3A = arith.constant 0 : i32
      %dma_start3A_135 = tpu.memref_slice %arg10[%dma_start3A] : memref<4992xi32, #tpu.memory_space<vmem>> -> memref<4000xi32, #tpu.memory_space<vmem>>
      %dma_start3A_136 = tpu.memref_slice %arg3[%add3A_51] : memref<320000xi32, #tpu.memory_space<hbm>> -> memref<4000xi32, #tpu.memory_space<hbm>>
      %dma_start3A_137 = arith.constant 0 : i32
      %dma_start3A_138 = tpu.memref_slice %arg10[%dma_start3A_137] : memref<4992xi32, #tpu.memory_space<vmem>> -> memref<4000xi32, #tpu.memory_space<vmem>>
      %dma_start3A_139 = tpu.memref_slice %arg3[%add3A_51] : memref<320000xi32, #tpu.memory_space<hbm>> -> memref<4000xi32, #tpu.memory_space<hbm>>
      tpu.enqueue_dma source(%dma_start3A_139 : memref<4000xi32, #tpu.memory_space<hbm>>) target(%dma_start3A_138 : memref<4000xi32, #tpu.memory_space<vmem>>) target_semaphore(%run_scoped3A : memref<!tpu.dma_semaphore, #tpu.memory_space<semaphore_mem>>)
      %dma_wait3A_140 = arith.constant 0 : i32
      %dma_wait3A_141 = tpu.memref_slice %arg10[%dma_wait3A_140] : memref<4992xi32, #tpu.memory_space<vmem>> -> memref<4000xi32, #tpu.memory_space<vmem>>
      %dma_wait3A_142 = tpu.memref_slice %arg3[%add3A_51] : memref<320000xi32, #tpu.memory_space<hbm>> -> memref<4000xi32, #tpu.memory_space<hbm>>
      %dma_wait3A_143 = arith.constant 0 : i32
      %dma_wait3A_144 = tpu.memref_slice %arg10[%dma_wait3A_143] : memref<4992xi32, #tpu.memory_space<vmem>> -> memref<4000xi32, #tpu.memory_space<vmem>>
      %dma_wait3A_145 = tpu.memref_slice %arg3[%add3A_51] : memref<320000xi32, #tpu.memory_space<hbm>> -> memref<4000xi32, #tpu.memory_space<hbm>>
      tpu.wait_dma2 semaphore(%run_scoped3A : memref<!tpu.dma_semaphore, #tpu.memory_space<semaphore_mem>>) src(%dma_wait3A_145 : memref<4000xi32, #tpu.memory_space<hbm>>) dst(%dma_wait3A_144 : memref<4000xi32, #tpu.memory_space<vmem>>)
      tpu.yield
    }) : () -> ()
    %scan3A_52 = arith.constant 0 : i32
    %scan3A_53 = arith.constant 25 : i32
    %scan3A_54 = arith.addi %scan3A_52, %scan3A_53 : i32
    %scan3A_55 = arith.constant 1 : i32
    scf.for %scan3A_135 = %scan3A_52 to %scan3A_54 step %scan3A_55  : i32 {
      %mul3A_136 = arith.constant 2 : i32
      %mul3A_137 = arith.muli %scan3A_135, %mul3A_136 : i32
      %add3A_138 = arith.constant 0 : i32
      %add3A_139 = arith.addi %add3A_138, %mul3A_137 : i32
      %add3A_140 = arith.constant 0 : i32
      %add3A_141 = arith.addi %add3A_139, %add3A_140 : i32
      %dma_wait3A_142 = arith.constant 0 : i32
      %dma_wait3A_143 = arith.constant 0 : i32
      %dma_wait3A_144 = tpu.memref_slice %arg14[%dma_wait3A_142, %dma_wait3A_143] : memref<2x80xi32, #tpu.memory_space<vmem>> -> memref<1x80xi32, #tpu.memory_space<vmem>>
      %dma_wait3A_145 = tpu.memref_squeeze %dma_wait3A_144 : memref<1x80xi32, #tpu.memory_space<vmem>> -> memref<80xi32, #tpu.memory_space<vmem>>
      %dma_wait3A_146 = arith.constant 0 : i32
      %dma_wait3A_147 = tpu.memref_slice %arg16[%dma_wait3A_146] : memref<81920xf32, #tpu.memory_space<vmem_shared>> -> memref<81920xf32, #tpu.memory_space<vmem_shared>>
      tpu.wait_indirect_dma semaphore(%arg17 : memref<!tpu.dma_semaphore, #tpu.memory_space<semaphore_mem>>) src(%arg15 : memref<80xf32, #tpu.memory_space<vmem>>) dst(%dma_wait3A_147 : memref<81920xf32, #tpu.memory_space<vmem_shared>>)
      %mul3A_148 = arith.constant 80 : i32
      %mul3A_149 = arith.muli %add3A_141, %mul3A_148 : i32
      %add3A_150 = arith.constant 0 : i32
      %add3A_151 = arith.addi %mul3A_149, %add3A_150 : i32
      %get3A_152 = arith.index_cast %add3A_151 : i32 to index
      %get3A_153 = tpu.vector_load %arg9[%get3A_152] {strides = array<i32>} : memref<4992xi32, #tpu.memory_space<vmem>>, vector<16xi32>,
      %mul3A_154 = arith.constant 10000 : i32
      %mul3A_155 = vector.broadcast %mul3A_154 : i32 to vector<16xi32>
      %mul3A_156 = arith.muli %get3A_153, %mul3A_155 : vector<16xi32>
      %get3A_157 = arith.index_cast %add3A_151 : i32 to index
      %get3A_158 = tpu.vector_load %arg10[%get3A_157] {strides = array<i32>} : memref<4992xi32, #tpu.memory_space<vmem>>, vector<16xi32>,
      %add3A_159 = arith.addi %mul3A_156, %get3A_158 : vector<16xi32>
      %swap3A_160 = arith.constant 0 : i32
      %swap3A_161 = arith.index_cast %swap3A_160 : i32 to index
      %swap3A_162 = arith.constant 0 : index
      %swap3A_163 = tpu.vector_load %arg14[%swap3A_161, %swap3A_162] {strides = array<i32>} : memref<2x80xi32, #tpu.memory_space<vmem>>, vector<16xi32>,
      tpu.vector_store %arg14[%swap3A_161, %swap3A_162], %add3A_159 {strides = array<i32>} : memref<2x80xi32, #tpu.memory_space<vmem>>, vector<16xi32>,
      %mul3A_164 = arith.constant 80 : i32
      %mul3A_165 = arith.muli %add3A_141, %mul3A_164 : i32
      %add3A_166 = arith.constant 16 : i32
      %add3A_167 = arith.addi %mul3A_165, %add3A_166 : i32
      %get3A_168 = arith.index_cast %add3A_167 : i32 to index
      %get3A_169 = tpu.vector_load %arg9[%get3A_168] {strides = array<i32>} : memref<4992xi32, #tpu.memory_space<vmem>>, vector<16xi32>,
      %mul3A_170 = arith.constant 10000 : i32
      %mul3A_171 = vector.broadcast %mul3A_170 : i32 to vector<16xi32>
      %mul3A_172 = arith.muli %get3A_169, %mul3A_171 : vector<16xi32>
      %get3A_173 = arith.index_cast %add3A_167 : i32 to index
      %get3A_174 = tpu.vector_load %arg10[%get3A_173] {strides = array<i32>} : memref<4992xi32, #tpu.memory_space<vmem>>, vector<16xi32>,
      %add3A_175 = arith.addi %mul3A_172, %get3A_174 : vector<16xi32>
      %swap3A_176 = arith.constant 0 : i32
      %swap3A_177 = arith.index_cast %swap3A_176 : i32 to index
      %swap3A_178 = arith.constant 16 : index
      %swap3A_179 = tpu.vector_load %arg14[%swap3A_177, %swap3A_178] {strides = array<i32>} : memref<2x80xi32, #tpu.memory_space<vmem>>, vector<16xi32>,
      tpu.vector_store %arg14[%swap3A_177, %swap3A_178], %add3A_175 {strides = array<i32>} : memref<2x80xi32, #tpu.memory_space<vmem>>, vector<16xi32>,
      %mul3A_180 = arith.constant 80 : i32
      %mul3A_181 = arith.muli %add3A_141, %mul3A_180 : i32
      %add3A_182 = arith.constant 32 : i32
      %add3A_183 = arith.addi %mul3A_181, %add3A_182 : i32
      %get3A_184 = arith.index_cast %add3A_183 : i32 to index
      %get3A_185 = tpu.vector_load %arg9[%get3A_184] {strides = array<i32>} : memref<4992xi32, #tpu.memory_space<vmem>>, vector<16xi32>,
      %mul3A_186 = arith.constant 10000 : i32
      %mul3A_187 = vector.broadcast %mul3A_186 : i32 to vector<16xi32>
      %mul3A_188 = arith.muli %get3A_185, %mul3A_187 : vector<16xi32>
      %get3A_189 = arith.index_cast %add3A_183 : i32 to index
      %get3A_190 = tpu.vector_load %arg10[%get3A_189] {strides = array<i32>} : memref<4992xi32, #tpu.memory_space<vmem>>, vector<16xi32>,
      %add3A_191 = arith.addi %mul3A_188, %get3A_190 : vector<16xi32>
      %swap3A_192 = arith.constant 0 : i32
      %swap3A_193 = arith.index_cast %swap3A_192 : i32 to index
      %swap3A_194 = arith.constant 32 : index
      %swap3A_195 = tpu.vector_load %arg14[%swap3A_193, %swap3A_194] {strides = array<i32>} : memref<2x80xi32, #tpu.memory_space<vmem>>, vector<16xi32>,
      tpu.vector_store %arg14[%swap3A_193, %swap3A_194], %add3A_191 {strides = array<i32>} : memref<2x80xi32, #tpu.memory_space<vmem>>, vector<16xi32>,
      %mul3A_196 = arith.constant 80 : i32
      %mul3A_197 = arith.muli %add3A_141, %mul3A_196 : i32
      %add3A_198 = arith.constant 48 : i32
      %add3A_199 = arith.addi %mul3A_197, %add3A_198 : i32
      %get3A_200 = arith.index_cast %add3A_199 : i32 to index
      %get3A_201 = tpu.vector_load %arg9[%get3A_200] {strides = array<i32>} : memref<4992xi32, #tpu.memory_space<vmem>>, vector<16xi32>,
      %mul3A_202 = arith.constant 10000 : i32
      %mul3A_203 = vector.broadcast %mul3A_202 : i32 to vector<16xi32>
      %mul3A_204 = arith.muli %get3A_201, %mul3A_203 : vector<16xi32>
      %get3A_205 = arith.index_cast %add3A_199 : i32 to index
      %get3A_206 = tpu.vector_load %arg10[%get3A_205] {strides = array<i32>} : memref<4992xi32, #tpu.memory_space<vmem>>, vector<16xi32>,
      %add3A_207 = arith.addi %mul3A_204, %get3A_206 : vector<16xi32>
      %swap3A_208 = arith.constant 0 : i32
      %swap3A_209 = arith.index_cast %swap3A_208 : i32 to index
      %swap3A_210 = arith.constant 48 : index
      %swap3A_211 = tpu.vector_load %arg14[%swap3A_209, %swap3A_210] {strides = array<i32>} : memref<2x80xi32, #tpu.memory_space<vmem>>, vector<16xi32>,
      tpu.vector_store %arg14[%swap3A_209, %swap3A_210], %add3A_207 {strides = array<i32>} : memref<2x80xi32, #tpu.memory_space<vmem>>, vector<16xi32>,
      %mul3A_212 = arith.constant 80 : i32
      %mul3A_213 = arith.muli %add3A_141, %mul3A_212 : i32
      %add3A_214 = arith.constant 64 : i32
      %add3A_215 = arith.addi %mul3A_213, %add3A_214 : i32
      %get3A_216 = arith.index_cast %add3A_215 : i32 to index
      %get3A_217 = tpu.vector_load %arg9[%get3A_216] {strides = array<i32>} : memref<4992xi32, #tpu.memory_space<vmem>>, vector<16xi32>,
      %mul3A_218 = arith.constant 10000 : i32
      %mul3A_219 = vector.broadcast %mul3A_218 : i32 to vector<16xi32>
      %mul3A_220 = arith.muli %get3A_217, %mul3A_219 : vector<16xi32>
      %get3A_221 = arith.index_cast %add3A_215 : i32 to index
      %get3A_222 = tpu.vector_load %arg10[%get3A_221] {strides = array<i32>} : memref<4992xi32, #tpu.memory_space<vmem>>, vector<16xi32>,
      %add3A_223 = arith.addi %mul3A_220, %get3A_222 : vector<16xi32>
      %swap3A_224 = arith.constant 0 : i32
      %swap3A_225 = arith.index_cast %swap3A_224 : i32 to index
      %swap3A_226 = arith.constant 64 : index
      %swap3A_227 = tpu.vector_load %arg14[%swap3A_225, %swap3A_226] {strides = array<i32>} : memref<2x80xi32, #tpu.memory_space<vmem>>, vector<16xi32>,
      tpu.vector_store %arg14[%swap3A_225, %swap3A_226], %add3A_223 {strides = array<i32>} : memref<2x80xi32, #tpu.memory_space<vmem>>, vector<16xi32>,
      %dma_start3A = arith.constant 0 : i32
      %dma_start3A_228 = arith.constant 0 : i32
      %dma_start3A_229 = tpu.memref_slice %arg14[%dma_start3A, %dma_start3A_228] : memref<2x80xi32, #tpu.memory_space<vmem>> -> memref<1x80xi32, #tpu.memory_space<vmem>>
      %dma_start3A_230 = tpu.memref_squeeze %dma_start3A_229 : memref<1x80xi32, #tpu.memory_space<vmem>> -> memref<80xi32, #tpu.memory_space<vmem>>
      %dma_start3A_231 = arith.constant 0 : i32
      %dma_start3A_232 = tpu.memref_slice %arg16[%dma_start3A_231] : memref<81920xf32, #tpu.memory_space<vmem_shared>> -> memref<81920xf32, #tpu.memory_space<vmem_shared>>
      tpu.enqueue_indirect_dma source(%arg15 : memref<80xf32, #tpu.memory_space<vmem>>) target(%dma_start3A_232 : memref<81920xf32, #tpu.memory_space<vmem_shared>>) offsets(%dma_start3A_230 : memref<80xi32, #tpu.memory_space<vmem>>) semaphore(%arg17 : memref<!tpu.dma_semaphore, #tpu.memory_space<semaphore_mem>>) {add = true}
      %add3A_233 = arith.constant 1 : i32
      %add3A_234 = arith.addi %add3A_139, %add3A_233 : i32
      %dma_wait3A_235 = arith.constant 1 : i32
      %dma_wait3A_236 = arith.constant 0 : i32
      %dma_wait3A_237 = tpu.memref_slice %arg14[%dma_wait3A_235, %dma_wait3A_236] : memref<2x80xi32, #tpu.memory_space<vmem>> -> memref<1x80xi32, #tpu.memory_space<vmem>>
      %dma_wait3A_238 = tpu.memref_squeeze %dma_wait3A_237 : memref<1x80xi32, #tpu.memory_space<vmem>> -> memref<80xi32, #tpu.memory_space<vmem>>
      %dma_wait3A_239 = arith.constant 0 : i32
      %dma_wait3A_240 = tpu.memref_slice %arg16[%dma_wait3A_239] : memref<81920xf32, #tpu.memory_space<vmem_shared>> -> memref<81920xf32, #tpu.memory_space<vmem_shared>>
      tpu.wait_indirect_dma semaphore(%arg18 : memref<!tpu.dma_semaphore, #tpu.memory_space<semaphore_mem>>) src(%arg15 : memref<80xf32, #tpu.memory_space<vmem>>) dst(%dma_wait3A_240 : memref<81920xf32, #tpu.memory_space<vmem_shared>>)
      %mul3A_241 = arith.constant 80 : i32
      %mul3A_242 = arith.muli %add3A_234, %mul3A_241 : i32
      %add3A_243 = arith.constant 0 : i32
      %add3A_244 = arith.addi %mul3A_242, %add3A_243 : i32
      %get3A_245 = arith.index_cast %add3A_244 : i32 to index
      %get3A_246 = tpu.vector_load %arg9[%get3A_245] {strides = array<i32>} : memref<4992xi32, #tpu.memory_space<vmem>>, vector<16xi32>,
      %mul3A_247 = arith.constant 10000 : i32
      %mul3A_248 = vector.broadcast %mul3A_247 : i32 to vector<16xi32>
      %mul3A_249 = arith.muli %get3A_246, %mul3A_248 : vector<16xi32>
      %get3A_250 = arith.index_cast %add3A_244 : i32 to index
      %get3A_251 = tpu.vector_load %arg10[%get3A_250] {strides = array<i32>} : memref<4992xi32, #tpu.memory_space<vmem>>, vector<16xi32>,
      %add3A_252 = arith.addi %mul3A_249, %get3A_251 : vector<16xi32>
      %swap3A_253 = arith.constant 1 : i32
      %swap3A_254 = arith.index_cast %swap3A_253 : i32 to index
      %swap3A_255 = arith.constant 0 : index
      %swap3A_256 = tpu.vector_load %arg14[%swap3A_254, %swap3A_255] {strides = array<i32>} : memref<2x80xi32, #tpu.memory_space<vmem>>, vector<16xi32>,
      tpu.vector_store %arg14[%swap3A_254, %swap3A_255], %add3A_252 {strides = array<i32>} : memref<2x80xi32, #tpu.memory_space<vmem>>, vector<16xi32>,
      %mul3A_257 = arith.constant 80 : i32
      %mul3A_258 = arith.muli %add3A_234, %mul3A_257 : i32
      %add3A_259 = arith.constant 16 : i32
      %add3A_260 = arith.addi %mul3A_258, %add3A_259 : i32
      %get3A_261 = arith.index_cast %add3A_260 : i32 to index
      %get3A_262 = tpu.vector_load %arg9[%get3A_261] {strides = array<i32>} : memref<4992xi32, #tpu.memory_space<vmem>>, vector<16xi32>,
      %mul3A_263 = arith.constant 10000 : i32
      %mul3A_264 = vector.broadcast %mul3A_263 : i32 to vector<16xi32>
      %mul3A_265 = arith.muli %get3A_262, %mul3A_264 : vector<16xi32>
      %get3A_266 = arith.index_cast %add3A_260 : i32 to index
      %get3A_267 = tpu.vector_load %arg10[%get3A_266] {strides = array<i32>} : memref<4992xi32, #tpu.memory_space<vmem>>, vector<16xi32>,
      %add3A_268 = arith.addi %mul3A_265, %get3A_267 : vector<16xi32>
      %swap3A_269 = arith.constant 1 : i32
      %swap3A_270 = arith.index_cast %swap3A_269 : i32 to index
      %swap3A_271 = arith.constant 16 : index
      %swap3A_272 = tpu.vector_load %arg14[%swap3A_270, %swap3A_271] {strides = array<i32>} : memref<2x80xi32, #tpu.memory_space<vmem>>, vector<16xi32>,
      tpu.vector_store %arg14[%swap3A_270, %swap3A_271], %add3A_268 {strides = array<i32>} : memref<2x80xi32, #tpu.memory_space<vmem>>, vector<16xi32>,
      %mul3A_273 = arith.constant 80 : i32
      %mul3A_274 = arith.muli %add3A_234, %mul3A_273 : i32
      %add3A_275 = arith.constant 32 : i32
      %add3A_276 = arith.addi %mul3A_274, %add3A_275 : i32
      %get3A_277 = arith.index_cast %add3A_276 : i32 to index
      %get3A_278 = tpu.vector_load %arg9[%get3A_277] {strides = array<i32>} : memref<4992xi32, #tpu.memory_space<vmem>>, vector<16xi32>,
      %mul3A_279 = arith.constant 10000 : i32
      %mul3A_280 = vector.broadcast %mul3A_279 : i32 to vector<16xi32>
      %mul3A_281 = arith.muli %get3A_278, %mul3A_280 : vector<16xi32>
      %get3A_282 = arith.index_cast %add3A_276 : i32 to index
      %get3A_283 = tpu.vector_load %arg10[%get3A_282] {strides = array<i32>} : memref<4992xi32, #tpu.memory_space<vmem>>, vector<16xi32>,
      %add3A_284 = arith.addi %mul3A_281, %get3A_283 : vector<16xi32>
      %swap3A_285 = arith.constant 1 : i32
      %swap3A_286 = arith.index_cast %swap3A_285 : i32 to index
      %swap3A_287 = arith.constant 32 : index
      %swap3A_288 = tpu.vector_load %arg14[%swap3A_286, %swap3A_287] {strides = array<i32>} : memref<2x80xi32, #tpu.memory_space<vmem>>, vector<16xi32>,
      tpu.vector_store %arg14[%swap3A_286, %swap3A_287], %add3A_284 {strides = array<i32>} : memref<2x80xi32, #tpu.memory_space<vmem>>, vector<16xi32>,
      %mul3A_289 = arith.constant 80 : i32
      %mul3A_290 = arith.muli %add3A_234, %mul3A_289 : i32
      %add3A_291 = arith.constant 48 : i32
      %add3A_292 = arith.addi %mul3A_290, %add3A_291 : i32
      %get3A_293 = arith.index_cast %add3A_292 : i32 to index
      %get3A_294 = tpu.vector_load %arg9[%get3A_293] {strides = array<i32>} : memref<4992xi32, #tpu.memory_space<vmem>>, vector<16xi32>,
      %mul3A_295 = arith.constant 10000 : i32
      %mul3A_296 = vector.broadcast %mul3A_295 : i32 to vector<16xi32>
      %mul3A_297 = arith.muli %get3A_294, %mul3A_296 : vector<16xi32>
      %get3A_298 = arith.index_cast %add3A_292 : i32 to index
      %get3A_299 = tpu.vector_load %arg10[%get3A_298] {strides = array<i32>} : memref<4992xi32, #tpu.memory_space<vmem>>, vector<16xi32>,
      %add3A_300 = arith.addi %mul3A_297, %get3A_299 : vector<16xi32>
      %swap3A_301 = arith.constant 1 : i32
      %swap3A_302 = arith.index_cast %swap3A_301 : i32 to index
      %swap3A_303 = arith.constant 48 : index
      %swap3A_304 = tpu.vector_load %arg14[%swap3A_302, %swap3A_303] {strides = array<i32>} : memref<2x80xi32, #tpu.memory_space<vmem>>, vector<16xi32>,
      tpu.vector_store %arg14[%swap3A_302, %swap3A_303], %add3A_300 {strides = array<i32>} : memref<2x80xi32, #tpu.memory_space<vmem>>, vector<16xi32>,
      %mul3A_305 = arith.constant 80 : i32
      %mul3A_306 = arith.muli %add3A_234, %mul3A_305 : i32
      %add3A_307 = arith.constant 64 : i32
      %add3A_308 = arith.addi %mul3A_306, %add3A_307 : i32
      %get3A_309 = arith.index_cast %add3A_308 : i32 to index
      %get3A_310 = tpu.vector_load %arg9[%get3A_309] {strides = array<i32>} : memref<4992xi32, #tpu.memory_space<vmem>>, vector<16xi32>,
      %mul3A_311 = arith.constant 10000 : i32
      %mul3A_312 = vector.broadcast %mul3A_311 : i32 to vector<16xi32>
      %mul3A_313 = arith.muli %get3A_310, %mul3A_312 : vector<16xi32>
      %get3A_314 = arith.index_cast %add3A_308 : i32 to index
      %get3A_315 = tpu.vector_load %arg10[%get3A_314] {strides = array<i32>} : memref<4992xi32, #tpu.memory_space<vmem>>, vector<16xi32>,
      %add3A_316 = arith.addi %mul3A_313, %get3A_315 : vector<16xi32>
      %swap3A_317 = arith.constant 1 : i32
      %swap3A_318 = arith.index_cast %swap3A_317 : i32 to index
      %swap3A_319 = arith.constant 64 : index
      %swap3A_320 = tpu.vector_load %arg14[%swap3A_318, %swap3A_319] {strides = array<i32>} : memref<2x80xi32, #tpu.memory_space<vmem>>, vector<16xi32>,
      tpu.vector_store %arg14[%swap3A_318, %swap3A_319], %add3A_316 {strides = array<i32>} : memref<2x80xi32, #tpu.memory_space<vmem>>, vector<16xi32>,
      %dma_start3A_321 = arith.constant 1 : i32
      %dma_start3A_322 = arith.constant 0 : i32
      %dma_start3A_323 = tpu.memref_slice %arg14[%dma_start3A_321, %dma_start3A_322] : memref<2x80xi32, #tpu.memory_space<vmem>> -> memref<1x80xi32, #tpu.memory_space<vmem>>
      %dma_start3A_324 = tpu.memref_squeeze %dma_start3A_323 : memref<1x80xi32, #tpu.memory_space<vmem>> -> memref<80xi32, #tpu.memory_space<vmem>>
      %dma_start3A_325 = arith.constant 0 : i32
      %dma_start3A_326 = tpu.memref_slice %arg16[%dma_start3A_325] : memref<81920xf32, #tpu.memory_space<vmem_shared>> -> memref<81920xf32, #tpu.memory_space<vmem_shared>>
      tpu.enqueue_indirect_dma source(%arg15 : memref<80xf32, #tpu.memory_space<vmem>>) target(%dma_start3A_326 : memref<81920xf32, #tpu.memory_space<vmem_shared>>) offsets(%dma_start3A_324 : memref<80xi32, #tpu.memory_space<vmem>>) semaphore(%arg18 : memref<!tpu.dma_semaphore, #tpu.memory_space<semaphore_mem>>) {add = true}
    }
    %scan3A_56 = arith.constant 25 : i32
    %add3A_57 = arith.constant 16000 : i32
    %add3A_58 = arith.addi %mul3A_20, %add3A_57 : i32
    "tpu.region"() ({
      %run_scoped3A = tpu.sem_alloc : memref<!tpu.dma_semaphore, #tpu.memory_space<semaphore_mem>>
      %dma_start3A = arith.constant 0 : i32
      %dma_start3A_135 = tpu.memref_slice %arg9[%dma_start3A] : memref<4992xi32, #tpu.memory_space<vmem>> -> memref<4000xi32, #tpu.memory_space<vmem>>
      %dma_start3A_136 = tpu.memref_slice %arg2[%add3A_58] : memref<320000xi32, #tpu.memory_space<hbm>> -> memref<4000xi32, #tpu.memory_space<hbm>>
      %dma_start3A_137 = arith.constant 0 : i32
      %dma_start3A_138 = tpu.memref_slice %arg9[%dma_start3A_137] : memref<4992xi32, #tpu.memory_space<vmem>> -> memref<4000xi32, #tpu.memory_space<vmem>>
      %dma_start3A_139 = tpu.memref_slice %arg2[%add3A_58] : memref<320000xi32, #tpu.memory_space<hbm>> -> memref<4000xi32, #tpu.memory_space<hbm>>
      tpu.enqueue_dma source(%dma_start3A_139 : memref<4000xi32, #tpu.memory_space<hbm>>) target(%dma_start3A_138 : memref<4000xi32, #tpu.memory_space<vmem>>) target_semaphore(%run_scoped3A : memref<!tpu.dma_semaphore, #tpu.memory_space<semaphore_mem>>)
      %dma_wait3A_140 = arith.constant 0 : i32
      %dma_wait3A_141 = tpu.memref_slice %arg9[%dma_wait3A_140] : memref<4992xi32, #tpu.memory_space<vmem>> -> memref<4000xi32, #tpu.memory_space<vmem>>
      %dma_wait3A_142 = tpu.memref_slice %arg2[%add3A_58] : memref<320000xi32, #tpu.memory_space<hbm>> -> memref<4000xi32, #tpu.memory_space<hbm>>
      %dma_wait3A_143 = arith.constant 0 : i32
      %dma_wait3A_144 = tpu.memref_slice %arg9[%dma_wait3A_143] : memref<4992xi32, #tpu.memory_space<vmem>> -> memref<4000xi32, #tpu.memory_space<vmem>>
      %dma_wait3A_145 = tpu.memref_slice %arg2[%add3A_58] : memref<320000xi32, #tpu.memory_space<hbm>> -> memref<4000xi32, #tpu.memory_space<hbm>>
      tpu.wait_dma2 semaphore(%run_scoped3A : memref<!tpu.dma_semaphore, #tpu.memory_space<semaphore_mem>>) src(%dma_wait3A_145 : memref<4000xi32, #tpu.memory_space<hbm>>) dst(%dma_wait3A_144 : memref<4000xi32, #tpu.memory_space<vmem>>)
      tpu.yield
    }) : () -> ()
    %add3A_59 = arith.constant 16000 : i32
    %add3A_60 = arith.addi %mul3A_20, %add3A_59 : i32
    "tpu.region"() ({
      %run_scoped3A = tpu.sem_alloc : memref<!tpu.dma_semaphore, #tpu.memory_space<semaphore_mem>>
      %dma_start3A = arith.constant 0 : i32
      %dma_start3A_135 = tpu.memref_slice %arg10[%dma_start3A] : memref<4992xi32, #tpu.memory_space<vmem>> -> memref<4000xi32, #tpu.memory_space<vmem>>
      %dma_start3A_136 = tpu.memref_slice %arg3[%add3A_60] : memref<320000xi32, #tpu.memory_space<hbm>> -> memref<4000xi32, #tpu.memory_space<hbm>>
      %dma_start3A_137 = arith.constant 0 : i32
      %dma_start3A_138 = tpu.memref_slice %arg10[%dma_start3A_137] : memref<4992xi32, #tpu.memory_space<vmem>> -> memref<4000xi32, #tpu.memory_space<vmem>>
      %dma_start3A_139 = tpu.memref_slice %arg3[%add3A_60] : memref<320000xi32, #tpu.memory_space<hbm>> -> memref<4000xi32, #tpu.memory_space<hbm>>
      tpu.enqueue_dma source(%dma_start3A_139 : memref<4000xi32, #tpu.memory_space<hbm>>) target(%dma_start3A_138 : memref<4000xi32, #tpu.memory_space<vmem>>) target_semaphore(%run_scoped3A : memref<!tpu.dma_semaphore, #tpu.memory_space<semaphore_mem>>)
      %dma_wait3A_140 = arith.constant 0 : i32
      %dma_wait3A_141 = tpu.memref_slice %arg10[%dma_wait3A_140] : memref<4992xi32, #tpu.memory_space<vmem>> -> memref<4000xi32, #tpu.memory_space<vmem>>
      %dma_wait3A_142 = tpu.memref_slice %arg3[%add3A_60] : memref<320000xi32, #tpu.memory_space<hbm>> -> memref<4000xi32, #tpu.memory_space<hbm>>
      %dma_wait3A_143 = arith.constant 0 : i32
      %dma_wait3A_144 = tpu.memref_slice %arg10[%dma_wait3A_143] : memref<4992xi32, #tpu.memory_space<vmem>> -> memref<4000xi32, #tpu.memory_space<vmem>>
      %dma_wait3A_145 = tpu.memref_slice %arg3[%add3A_60] : memref<320000xi32, #tpu.memory_space<hbm>> -> memref<4000xi32, #tpu.memory_space<hbm>>
      tpu.wait_dma2 semaphore(%run_scoped3A : memref<!tpu.dma_semaphore, #tpu.memory_space<semaphore_mem>>) src(%dma_wait3A_145 : memref<4000xi32, #tpu.memory_space<hbm>>) dst(%dma_wait3A_144 : memref<4000xi32, #tpu.memory_space<vmem>>)
      tpu.yield
    }) : () -> ()
    %scan3A_61 = arith.constant 0 : i32
    %scan3A_62 = arith.constant 25 : i32
    %scan3A_63 = arith.addi %scan3A_61, %scan3A_62 : i32
    %scan3A_64 = arith.constant 1 : i32
    scf.for %scan3A_135 = %scan3A_61 to %scan3A_63 step %scan3A_64  : i32 {
      %mul3A_136 = arith.constant 2 : i32
      %mul3A_137 = arith.muli %scan3A_135, %mul3A_136 : i32
      %add3A_138 = arith.constant 0 : i32
      %add3A_139 = arith.addi %add3A_138, %mul3A_137 : i32
      %add3A_140 = arith.constant 0 : i32
      %add3A_141 = arith.addi %add3A_139, %add3A_140 : i32
      %dma_wait3A_142 = arith.constant 0 : i32
      %dma_wait3A_143 = arith.constant 0 : i32
      %dma_wait3A_144 = tpu.memref_slice %arg14[%dma_wait3A_142, %dma_wait3A_143] : memref<2x80xi32, #tpu.memory_space<vmem>> -> memref<1x80xi32, #tpu.memory_space<vmem>>
      %dma_wait3A_145 = tpu.memref_squeeze %dma_wait3A_144 : memref<1x80xi32, #tpu.memory_space<vmem>> -> memref<80xi32, #tpu.memory_space<vmem>>
      %dma_wait3A_146 = arith.constant 0 : i32
      %dma_wait3A_147 = tpu.memref_slice %arg16[%dma_wait3A_146] : memref<81920xf32, #tpu.memory_space<vmem_shared>> -> memref<81920xf32, #tpu.memory_space<vmem_shared>>
      tpu.wait_indirect_dma semaphore(%arg17 : memref<!tpu.dma_semaphore, #tpu.memory_space<semaphore_mem>>) src(%arg15 : memref<80xf32, #tpu.memory_space<vmem>>) dst(%dma_wait3A_147 : memref<81920xf32, #tpu.memory_space<vmem_shared>>)
      %mul3A_148 = arith.constant 80 : i32
      %mul3A_149 = arith.muli %add3A_141, %mul3A_148 : i32
      %add3A_150 = arith.constant 0 : i32
      %add3A_151 = arith.addi %mul3A_149, %add3A_150 : i32
      %get3A_152 = arith.index_cast %add3A_151 : i32 to index
      %get3A_153 = tpu.vector_load %arg9[%get3A_152] {strides = array<i32>} : memref<4992xi32, #tpu.memory_space<vmem>>, vector<16xi32>,
      %mul3A_154 = arith.constant 10000 : i32
      %mul3A_155 = vector.broadcast %mul3A_154 : i32 to vector<16xi32>
      %mul3A_156 = arith.muli %get3A_153, %mul3A_155 : vector<16xi32>
      %get3A_157 = arith.index_cast %add3A_151 : i32 to index
      %get3A_158 = tpu.vector_load %arg10[%get3A_157] {strides = array<i32>} : memref<4992xi32, #tpu.memory_space<vmem>>, vector<16xi32>,
      %add3A_159 = arith.addi %mul3A_156, %get3A_158 : vector<16xi32>
      %swap3A_160 = arith.constant 0 : i32
      %swap3A_161 = arith.index_cast %swap3A_160 : i32 to index
      %swap3A_162 = arith.constant 0 : index
      %swap3A_163 = tpu.vector_load %arg14[%swap3A_161, %swap3A_162] {strides = array<i32>} : memref<2x80xi32, #tpu.memory_space<vmem>>, vector<16xi32>,
      tpu.vector_store %arg14[%swap3A_161, %swap3A_162], %add3A_159 {strides = array<i32>} : memref<2x80xi32, #tpu.memory_space<vmem>>, vector<16xi32>,
      %mul3A_164 = arith.constant 80 : i32
      %mul3A_165 = arith.muli %add3A_141, %mul3A_164 : i32
      %add3A_166 = arith.constant 16 : i32
      %add3A_167 = arith.addi %mul3A_165, %add3A_166 : i32
      %get3A_168 = arith.index_cast %add3A_167 : i32 to index
      %get3A_169 = tpu.vector_load %arg9[%get3A_168] {strides = array<i32>} : memref<4992xi32, #tpu.memory_space<vmem>>, vector<16xi32>,
      %mul3A_170 = arith.constant 10000 : i32
      %mul3A_171 = vector.broadcast %mul3A_170 : i32 to vector<16xi32>
      %mul3A_172 = arith.muli %get3A_169, %mul3A_171 : vector<16xi32>
      %get3A_173 = arith.index_cast %add3A_167 : i32 to index
      %get3A_174 = tpu.vector_load %arg10[%get3A_173] {strides = array<i32>} : memref<4992xi32, #tpu.memory_space<vmem>>, vector<16xi32>,
      %add3A_175 = arith.addi %mul3A_172, %get3A_174 : vector<16xi32>
      %swap3A_176 = arith.constant 0 : i32
      %swap3A_177 = arith.index_cast %swap3A_176 : i32 to index
      %swap3A_178 = arith.constant 16 : index
      %swap3A_179 = tpu.vector_load %arg14[%swap3A_177, %swap3A_178] {strides = array<i32>} : memref<2x80xi32, #tpu.memory_space<vmem>>, vector<16xi32>,
      tpu.vector_store %arg14[%swap3A_177, %swap3A_178], %add3A_175 {strides = array<i32>} : memref<2x80xi32, #tpu.memory_space<vmem>>, vector<16xi32>,
      %mul3A_180 = arith.constant 80 : i32
      %mul3A_181 = arith.muli %add3A_141, %mul3A_180 : i32
      %add3A_182 = arith.constant 32 : i32
      %add3A_183 = arith.addi %mul3A_181, %add3A_182 : i32
      %get3A_184 = arith.index_cast %add3A_183 : i32 to index
      %get3A_185 = tpu.vector_load %arg9[%get3A_184] {strides = array<i32>} : memref<4992xi32, #tpu.memory_space<vmem>>, vector<16xi32>,
      %mul3A_186 = arith.constant 10000 : i32
      %mul3A_187 = vector.broadcast %mul3A_186 : i32 to vector<16xi32>
      %mul3A_188 = arith.muli %get3A_185, %mul3A_187 : vector<16xi32>
      %get3A_189 = arith.index_cast %add3A_183 : i32 to index
      %get3A_190 = tpu.vector_load %arg10[%get3A_189] {strides = array<i32>} : memref<4992xi32, #tpu.memory_space<vmem>>, vector<16xi32>,
      %add3A_191 = arith.addi %mul3A_188, %get3A_190 : vector<16xi32>
      %swap3A_192 = arith.constant 0 : i32
      %swap3A_193 = arith.index_cast %swap3A_192 : i32 to index
      %swap3A_194 = arith.constant 32 : index
      %swap3A_195 = tpu.vector_load %arg14[%swap3A_193, %swap3A_194] {strides = array<i32>} : memref<2x80xi32, #tpu.memory_space<vmem>>, vector<16xi32>,
      tpu.vector_store %arg14[%swap3A_193, %swap3A_194], %add3A_191 {strides = array<i32>} : memref<2x80xi32, #tpu.memory_space<vmem>>, vector<16xi32>,
      %mul3A_196 = arith.constant 80 : i32
      %mul3A_197 = arith.muli %add3A_141, %mul3A_196 : i32
      %add3A_198 = arith.constant 48 : i32
      %add3A_199 = arith.addi %mul3A_197, %add3A_198 : i32
      %get3A_200 = arith.index_cast %add3A_199 : i32 to index
      %get3A_201 = tpu.vector_load %arg9[%get3A_200] {strides = array<i32>} : memref<4992xi32, #tpu.memory_space<vmem>>, vector<16xi32>,
      %mul3A_202 = arith.constant 10000 : i32
      %mul3A_203 = vector.broadcast %mul3A_202 : i32 to vector<16xi32>
      %mul3A_204 = arith.muli %get3A_201, %mul3A_203 : vector<16xi32>
      %get3A_205 = arith.index_cast %add3A_199 : i32 to index
      %get3A_206 = tpu.vector_load %arg10[%get3A_205] {strides = array<i32>} : memref<4992xi32, #tpu.memory_space<vmem>>, vector<16xi32>,
      %add3A_207 = arith.addi %mul3A_204, %get3A_206 : vector<16xi32>
      %swap3A_208 = arith.constant 0 : i32
      %swap3A_209 = arith.index_cast %swap3A_208 : i32 to index
      %swap3A_210 = arith.constant 48 : index
      %swap3A_211 = tpu.vector_load %arg14[%swap3A_209, %swap3A_210] {strides = array<i32>} : memref<2x80xi32, #tpu.memory_space<vmem>>, vector<16xi32>,
      tpu.vector_store %arg14[%swap3A_209, %swap3A_210], %add3A_207 {strides = array<i32>} : memref<2x80xi32, #tpu.memory_space<vmem>>, vector<16xi32>,
      %mul3A_212 = arith.constant 80 : i32
      %mul3A_213 = arith.muli %add3A_141, %mul3A_212 : i32
      %add3A_214 = arith.constant 64 : i32
      %add3A_215 = arith.addi %mul3A_213, %add3A_214 : i32
      %get3A_216 = arith.index_cast %add3A_215 : i32 to index
      %get3A_217 = tpu.vector_load %arg9[%get3A_216] {strides = array<i32>} : memref<4992xi32, #tpu.memory_space<vmem>>, vector<16xi32>,
      %mul3A_218 = arith.constant 10000 : i32
      %mul3A_219 = vector.broadcast %mul3A_218 : i32 to vector<16xi32>
      %mul3A_220 = arith.muli %get3A_217, %mul3A_219 : vector<16xi32>
      %get3A_221 = arith.index_cast %add3A_215 : i32 to index
      %get3A_222 = tpu.vector_load %arg10[%get3A_221] {strides = array<i32>} : memref<4992xi32, #tpu.memory_space<vmem>>, vector<16xi32>,
      %add3A_223 = arith.addi %mul3A_220, %get3A_222 : vector<16xi32>
      %swap3A_224 = arith.constant 0 : i32
      %swap3A_225 = arith.index_cast %swap3A_224 : i32 to index
      %swap3A_226 = arith.constant 64 : index
      %swap3A_227 = tpu.vector_load %arg14[%swap3A_225, %swap3A_226] {strides = array<i32>} : memref<2x80xi32, #tpu.memory_space<vmem>>, vector<16xi32>,
      tpu.vector_store %arg14[%swap3A_225, %swap3A_226], %add3A_223 {strides = array<i32>} : memref<2x80xi32, #tpu.memory_space<vmem>>, vector<16xi32>,
      %dma_start3A = arith.constant 0 : i32
      %dma_start3A_228 = arith.constant 0 : i32
      %dma_start3A_229 = tpu.memref_slice %arg14[%dma_start3A, %dma_start3A_228] : memref<2x80xi32, #tpu.memory_space<vmem>> -> memref<1x80xi32, #tpu.memory_space<vmem>>
      %dma_start3A_230 = tpu.memref_squeeze %dma_start3A_229 : memref<1x80xi32, #tpu.memory_space<vmem>> -> memref<80xi32, #tpu.memory_space<vmem>>
      %dma_start3A_231 = arith.constant 0 : i32
      %dma_start3A_232 = tpu.memref_slice %arg16[%dma_start3A_231] : memref<81920xf32, #tpu.memory_space<vmem_shared>> -> memref<81920xf32, #tpu.memory_space<vmem_shared>>
      tpu.enqueue_indirect_dma source(%arg15 : memref<80xf32, #tpu.memory_space<vmem>>) target(%dma_start3A_232 : memref<81920xf32, #tpu.memory_space<vmem_shared>>) offsets(%dma_start3A_230 : memref<80xi32, #tpu.memory_space<vmem>>) semaphore(%arg17 : memref<!tpu.dma_semaphore, #tpu.memory_space<semaphore_mem>>) {add = true}
      %add3A_233 = arith.constant 1 : i32
      %add3A_234 = arith.addi %add3A_139, %add3A_233 : i32
      %dma_wait3A_235 = arith.constant 1 : i32
      %dma_wait3A_236 = arith.constant 0 : i32
      %dma_wait3A_237 = tpu.memref_slice %arg14[%dma_wait3A_235, %dma_wait3A_236] : memref<2x80xi32, #tpu.memory_space<vmem>> -> memref<1x80xi32, #tpu.memory_space<vmem>>
      %dma_wait3A_238 = tpu.memref_squeeze %dma_wait3A_237 : memref<1x80xi32, #tpu.memory_space<vmem>> -> memref<80xi32, #tpu.memory_space<vmem>>
      %dma_wait3A_239 = arith.constant 0 : i32
      %dma_wait3A_240 = tpu.memref_slice %arg16[%dma_wait3A_239] : memref<81920xf32, #tpu.memory_space<vmem_shared>> -> memref<81920xf32, #tpu.memory_space<vmem_shared>>
      tpu.wait_indirect_dma semaphore(%arg18 : memref<!tpu.dma_semaphore, #tpu.memory_space<semaphore_mem>>) src(%arg15 : memref<80xf32, #tpu.memory_space<vmem>>) dst(%dma_wait3A_240 : memref<81920xf32, #tpu.memory_space<vmem_shared>>)
      %mul3A_241 = arith.constant 80 : i32
      %mul3A_242 = arith.muli %add3A_234, %mul3A_241 : i32
      %add3A_243 = arith.constant 0 : i32
      %add3A_244 = arith.addi %mul3A_242, %add3A_243 : i32
      %get3A_245 = arith.index_cast %add3A_244 : i32 to index
      %get3A_246 = tpu.vector_load %arg9[%get3A_245] {strides = array<i32>} : memref<4992xi32, #tpu.memory_space<vmem>>, vector<16xi32>,
      %mul3A_247 = arith.constant 10000 : i32
      %mul3A_248 = vector.broadcast %mul3A_247 : i32 to vector<16xi32>
      %mul3A_249 = arith.muli %get3A_246, %mul3A_248 : vector<16xi32>
      %get3A_250 = arith.index_cast %add3A_244 : i32 to index
      %get3A_251 = tpu.vector_load %arg10[%get3A_250] {strides = array<i32>} : memref<4992xi32, #tpu.memory_space<vmem>>, vector<16xi32>,
      %add3A_252 = arith.addi %mul3A_249, %get3A_251 : vector<16xi32>
      %swap3A_253 = arith.constant 1 : i32
      %swap3A_254 = arith.index_cast %swap3A_253 : i32 to index
      %swap3A_255 = arith.constant 0 : index
      %swap3A_256 = tpu.vector_load %arg14[%swap3A_254, %swap3A_255] {strides = array<i32>} : memref<2x80xi32, #tpu.memory_space<vmem>>, vector<16xi32>,
      tpu.vector_store %arg14[%swap3A_254, %swap3A_255], %add3A_252 {strides = array<i32>} : memref<2x80xi32, #tpu.memory_space<vmem>>, vector<16xi32>,
      %mul3A_257 = arith.constant 80 : i32
      %mul3A_258 = arith.muli %add3A_234, %mul3A_257 : i32
      %add3A_259 = arith.constant 16 : i32
      %add3A_260 = arith.addi %mul3A_258, %add3A_259 : i32
      %get3A_261 = arith.index_cast %add3A_260 : i32 to index
      %get3A_262 = tpu.vector_load %arg9[%get3A_261] {strides = array<i32>} : memref<4992xi32, #tpu.memory_space<vmem>>, vector<16xi32>,
      %mul3A_263 = arith.constant 10000 : i32
      %mul3A_264 = vector.broadcast %mul3A_263 : i32 to vector<16xi32>
      %mul3A_265 = arith.muli %get3A_262, %mul3A_264 : vector<16xi32>
      %get3A_266 = arith.index_cast %add3A_260 : i32 to index
      %get3A_267 = tpu.vector_load %arg10[%get3A_266] {strides = array<i32>} : memref<4992xi32, #tpu.memory_space<vmem>>, vector<16xi32>,
      %add3A_268 = arith.addi %mul3A_265, %get3A_267 : vector<16xi32>
      %swap3A_269 = arith.constant 1 : i32
      %swap3A_270 = arith.index_cast %swap3A_269 : i32 to index
      %swap3A_271 = arith.constant 16 : index
      %swap3A_272 = tpu.vector_load %arg14[%swap3A_270, %swap3A_271] {strides = array<i32>} : memref<2x80xi32, #tpu.memory_space<vmem>>, vector<16xi32>,
      tpu.vector_store %arg14[%swap3A_270, %swap3A_271], %add3A_268 {strides = array<i32>} : memref<2x80xi32, #tpu.memory_space<vmem>>, vector<16xi32>,
      %mul3A_273 = arith.constant 80 : i32
      %mul3A_274 = arith.muli %add3A_234, %mul3A_273 : i32
      %add3A_275 = arith.constant 32 : i32
      %add3A_276 = arith.addi %mul3A_274, %add3A_275 : i32
      %get3A_277 = arith.index_cast %add3A_276 : i32 to index
      %get3A_278 = tpu.vector_load %arg9[%get3A_277] {strides = array<i32>} : memref<4992xi32, #tpu.memory_space<vmem>>, vector<16xi32>,
      %mul3A_279 = arith.constant 10000 : i32
      %mul3A_280 = vector.broadcast %mul3A_279 : i32 to vector<16xi32>
      %mul3A_281 = arith.muli %get3A_278, %mul3A_280 : vector<16xi32>
      %get3A_282 = arith.index_cast %add3A_276 : i32 to index
      %get3A_283 = tpu.vector_load %arg10[%get3A_282] {strides = array<i32>} : memref<4992xi32, #tpu.memory_space<vmem>>, vector<16xi32>,
      %add3A_284 = arith.addi %mul3A_281, %get3A_283 : vector<16xi32>
      %swap3A_285 = arith.constant 1 : i32
      %swap3A_286 = arith.index_cast %swap3A_285 : i32 to index
      %swap3A_287 = arith.constant 32 : index
      %swap3A_288 = tpu.vector_load %arg14[%swap3A_286, %swap3A_287] {strides = array<i32>} : memref<2x80xi32, #tpu.memory_space<vmem>>, vector<16xi32>,
      tpu.vector_store %arg14[%swap3A_286, %swap3A_287], %add3A_284 {strides = array<i32>} : memref<2x80xi32, #tpu.memory_space<vmem>>, vector<16xi32>,
      %mul3A_289 = arith.constant 80 : i32
      %mul3A_290 = arith.muli %add3A_234, %mul3A_289 : i32
      %add3A_291 = arith.constant 48 : i32
      %add3A_292 = arith.addi %mul3A_290, %add3A_291 : i32
      %get3A_293 = arith.index_cast %add3A_292 : i32 to index
      %get3A_294 = tpu.vector_load %arg9[%get3A_293] {strides = array<i32>} : memref<4992xi32, #tpu.memory_space<vmem>>, vector<16xi32>,
      %mul3A_295 = arith.constant 10000 : i32
      %mul3A_296 = vector.broadcast %mul3A_295 : i32 to vector<16xi32>
      %mul3A_297 = arith.muli %get3A_294, %mul3A_296 : vector<16xi32>
      %get3A_298 = arith.index_cast %add3A_292 : i32 to index
      %get3A_299 = tpu.vector_load %arg10[%get3A_298] {strides = array<i32>} : memref<4992xi32, #tpu.memory_space<vmem>>, vector<16xi32>,
      %add3A_300 = arith.addi %mul3A_297, %get3A_299 : vector<16xi32>
      %swap3A_301 = arith.constant 1 : i32
      %swap3A_302 = arith.index_cast %swap3A_301 : i32 to index
      %swap3A_303 = arith.constant 48 : index
      %swap3A_304 = tpu.vector_load %arg14[%swap3A_302, %swap3A_303] {strides = array<i32>} : memref<2x80xi32, #tpu.memory_space<vmem>>, vector<16xi32>,
      tpu.vector_store %arg14[%swap3A_302, %swap3A_303], %add3A_300 {strides = array<i32>} : memref<2x80xi32, #tpu.memory_space<vmem>>, vector<16xi32>,
      %mul3A_305 = arith.constant 80 : i32
      %mul3A_306 = arith.muli %add3A_234, %mul3A_305 : i32
      %add3A_307 = arith.constant 64 : i32
      %add3A_308 = arith.addi %mul3A_306, %add3A_307 : i32
      %get3A_309 = arith.index_cast %add3A_308 : i32 to index
      %get3A_310 = tpu.vector_load %arg9[%get3A_309] {strides = array<i32>} : memref<4992xi32, #tpu.memory_space<vmem>>, vector<16xi32>,
      %mul3A_311 = arith.constant 10000 : i32
      %mul3A_312 = vector.broadcast %mul3A_311 : i32 to vector<16xi32>
      %mul3A_313 = arith.muli %get3A_310, %mul3A_312 : vector<16xi32>
      %get3A_314 = arith.index_cast %add3A_308 : i32 to index
      %get3A_315 = tpu.vector_load %arg10[%get3A_314] {strides = array<i32>} : memref<4992xi32, #tpu.memory_space<vmem>>, vector<16xi32>,
      %add3A_316 = arith.addi %mul3A_313, %get3A_315 : vector<16xi32>
      %swap3A_317 = arith.constant 1 : i32
      %swap3A_318 = arith.index_cast %swap3A_317 : i32 to index
      %swap3A_319 = arith.constant 64 : index
      %swap3A_320 = tpu.vector_load %arg14[%swap3A_318, %swap3A_319] {strides = array<i32>} : memref<2x80xi32, #tpu.memory_space<vmem>>, vector<16xi32>,
      tpu.vector_store %arg14[%swap3A_318, %swap3A_319], %add3A_316 {strides = array<i32>} : memref<2x80xi32, #tpu.memory_space<vmem>>, vector<16xi32>,
      %dma_start3A_321 = arith.constant 1 : i32
      %dma_start3A_322 = arith.constant 0 : i32
      %dma_start3A_323 = tpu.memref_slice %arg14[%dma_start3A_321, %dma_start3A_322] : memref<2x80xi32, #tpu.memory_space<vmem>> -> memref<1x80xi32, #tpu.memory_space<vmem>>
      %dma_start3A_324 = tpu.memref_squeeze %dma_start3A_323 : memref<1x80xi32, #tpu.memory_space<vmem>> -> memref<80xi32, #tpu.memory_space<vmem>>
      %dma_start3A_325 = arith.constant 0 : i32
      %dma_start3A_326 = tpu.memref_slice %arg16[%dma_start3A_325] : memref<81920xf32, #tpu.memory_space<vmem_shared>> -> memref<81920xf32, #tpu.memory_space<vmem_shared>>
      tpu.enqueue_indirect_dma source(%arg15 : memref<80xf32, #tpu.memory_space<vmem>>) target(%dma_start3A_326 : memref<81920xf32, #tpu.memory_space<vmem_shared>>) offsets(%dma_start3A_324 : memref<80xi32, #tpu.memory_space<vmem>>) semaphore(%arg18 : memref<!tpu.dma_semaphore, #tpu.memory_space<semaphore_mem>>) {add = true}
    }
    %scan3A_65 = arith.constant 25 : i32
    %dma_wait3A = arith.constant 0 : i32
    %dma_wait3A_66 = arith.constant 0 : i32
    %dma_wait3A_67 = tpu.memref_slice %arg14[%dma_wait3A, %dma_wait3A_66] : memref<2x80xi32, #tpu.memory_space<vmem>> -> memref<1x80xi32, #tpu.memory_space<vmem>>
    %dma_wait3A_68 = tpu.memref_squeeze %dma_wait3A_67 : memref<1x80xi32, #tpu.memory_space<vmem>> -> memref<80xi32, #tpu.memory_space<vmem>>
    %dma_wait3A_69 = arith.constant 0 : i32
    %dma_wait3A_70 = tpu.memref_slice %arg16[%dma_wait3A_69] : memref<81920xf32, #tpu.memory_space<vmem_shared>> -> memref<81920xf32, #tpu.memory_space<vmem_shared>>
    tpu.wait_indirect_dma semaphore(%arg17 : memref<!tpu.dma_semaphore, #tpu.memory_space<semaphore_mem>>) src(%arg15 : memref<80xf32, #tpu.memory_space<vmem>>) dst(%dma_wait3A_70 : memref<81920xf32, #tpu.memory_space<vmem_shared>>)
    %dma_wait3A_71 = arith.constant 1 : i32
    %dma_wait3A_72 = arith.constant 0 : i32
    %dma_wait3A_73 = tpu.memref_slice %arg14[%dma_wait3A_71, %dma_wait3A_72] : memref<2x80xi32, #tpu.memory_space<vmem>> -> memref<1x80xi32, #tpu.memory_space<vmem>>
    %dma_wait3A_74 = tpu.memref_squeeze %dma_wait3A_73 : memref<1x80xi32, #tpu.memory_space<vmem>> -> memref<80xi32, #tpu.memory_space<vmem>>
    %dma_wait3A_75 = arith.constant 0 : i32
    %dma_wait3A_76 = tpu.memref_slice %arg16[%dma_wait3A_75] : memref<81920xf32, #tpu.memory_space<vmem_shared>> -> memref<81920xf32, #tpu.memory_space<vmem_shared>>
    tpu.wait_indirect_dma semaphore(%arg18 : memref<!tpu.dma_semaphore, #tpu.memory_space<semaphore_mem>>) src(%arg15 : memref<80xf32, #tpu.memory_space<vmem>>) dst(%dma_wait3A_76 : memref<81920xf32, #tpu.memory_space<vmem_shared>>)
    %barrier3A_77 = arith.constant 0 : index
    tpu.barrier barrier_id(%barrier3A_77)
    %mul3A_78 = arith.constant 5120 : i32
    %mul3A_79 = arith.muli %arg1, %mul3A_78 : i32
    "tpu.region"() ({
      %run_scoped3A = tpu.sem_alloc : memref<!tpu.dma_semaphore, #tpu.memory_space<semaphore_mem>>
      %dma_start3A = tpu.memref_slice %arg16[%mul3A_79] : memref<81920xf32, #tpu.memory_space<vmem_shared>> -> memref<5120xf32, #tpu.memory_space<vmem_shared>>
      %dma_start3A_135 = tpu.memref_slice %arg16[%mul3A_79] : memref<81920xf32, #tpu.memory_space<vmem_shared>> -> memref<5120xf32, #tpu.memory_space<vmem_shared>>
      tpu.enqueue_dma source(%dma_start3A_135 : memref<5120xf32, #tpu.memory_space<vmem_shared>>) target(%arg8 : memref<5120xf32, #tpu.memory_space<vmem>>) target_semaphore(%run_scoped3A : memref<!tpu.dma_semaphore, #tpu.memory_space<semaphore_mem>>)
      %dma_wait3A_136 = tpu.memref_slice %arg16[%mul3A_79] : memref<81920xf32, #tpu.memory_space<vmem_shared>> -> memref<5120xf32, #tpu.memory_space<vmem_shared>>
      %dma_wait3A_137 = tpu.memref_slice %arg16[%mul3A_79] : memref<81920xf32, #tpu.memory_space<vmem_shared>> -> memref<5120xf32, #tpu.memory_space<vmem_shared>>
      tpu.wait_dma2 semaphore(%run_scoped3A : memref<!tpu.dma_semaphore, #tpu.memory_space<semaphore_mem>>) src(%dma_wait3A_137 : memref<5120xf32, #tpu.memory_space<vmem_shared>>) dst(%arg8 : memref<5120xf32, #tpu.memory_space<vmem>>)
      tpu.yield
    }) : () -> ()
    %scan3A_80 = arith.constant 0 : i32
    %scan3A_81 = arith.constant 320 : i32
    %scan3A_82 = arith.addi %scan3A_80, %scan3A_81 : i32
    %scan3A_83 = arith.constant 1 : i32
    scf.for %scan3A_135 = %scan3A_80 to %scan3A_82 step %scan3A_83  : i32 {
      %mul3A_136 = arith.constant 16 : i32
      %mul3A_137 = arith.muli %scan3A_135, %mul3A_136 : i32
      %get3A_138 = arith.index_cast %mul3A_137 : i32 to index
      %get3A_139 = tpu.vector_load %arg8[%get3A_138] {strides = array<i32>} : memref<5120xf32, #tpu.memory_space<vmem>>, vector<16xf32>,
      %max3A = arith.maximumf %get3A_139, %broadcast_in_dim3A_3 : vector<16xf32>
      %div3A = arith.divf %broadcast_in_dim3A_3, %max3A : vector<16xf32>
      %mul3A_140 = arith.constant 16 : i32
      %mul3A_141 = arith.muli %scan3A_135, %mul3A_140 : i32
      %swap3A_142 = arith.index_cast %mul3A_141 : i32 to index
      %swap3A_143 = tpu.vector_load %arg8[%swap3A_142] {strides = array<i32>} : memref<5120xf32, #tpu.memory_space<vmem>>, vector<16xf32>,
      tpu.vector_store %arg8[%swap3A_142], %div3A {strides = array<i32>} : memref<5120xf32, #tpu.memory_space<vmem>>, vector<16xf32>,
    }
    %scan3A_84 = arith.constant 320 : i32
    %mul3A_85 = arith.constant 5120 : i32
    %mul3A_86 = arith.muli %arg1, %mul3A_85 : i32
    "tpu.region"() ({
      %run_scoped3A = tpu.sem_alloc : memref<!tpu.dma_semaphore, #tpu.memory_space<semaphore_mem>>
      %dma_start3A = tpu.memref_slice %arg16[%mul3A_86] : memref<81920xf32, #tpu.memory_space<vmem_shared>> -> memref<5120xf32, #tpu.memory_space<vmem_shared>>
      %dma_start3A_135 = tpu.memref_slice %arg16[%mul3A_86] : memref<81920xf32, #tpu.memory_space<vmem_shared>> -> memref<5120xf32, #tpu.memory_space<vmem_shared>>
      tpu.enqueue_dma source(%arg8 : memref<5120xf32, #tpu.memory_space<vmem>>) target(%dma_start3A_135 : memref<5120xf32, #tpu.memory_space<vmem_shared>>) target_semaphore(%run_scoped3A : memref<!tpu.dma_semaphore, #tpu.memory_space<semaphore_mem>>)
      %dma_wait3A_136 = tpu.memref_slice %arg16[%mul3A_86] : memref<81920xf32, #tpu.memory_space<vmem_shared>> -> memref<5120xf32, #tpu.memory_space<vmem_shared>>
      %dma_wait3A_137 = tpu.memref_slice %arg16[%mul3A_86] : memref<81920xf32, #tpu.memory_space<vmem_shared>> -> memref<5120xf32, #tpu.memory_space<vmem_shared>>
      tpu.wait_dma2 semaphore(%run_scoped3A : memref<!tpu.dma_semaphore, #tpu.memory_space<semaphore_mem>>) src(%arg8 : memref<5120xf32, #tpu.memory_space<vmem>>) dst(%dma_wait3A_137 : memref<5120xf32, #tpu.memory_space<vmem_shared>>)
      tpu.yield
    }) : () -> ()
    %barrier3A_87 = arith.constant 0 : index
    tpu.barrier barrier_id(%barrier3A_87)
    "tpu.region"() ({
      %run_scoped3A = tpu.sem_alloc : memref<!tpu.dma_semaphore, #tpu.memory_space<semaphore_mem>>
      tpu.enqueue_dma source(%arg16 : memref<81920xf32, #tpu.memory_space<vmem_shared>>) target(%arg7 : memref<81920xf32, #tpu.memory_space<vmem>>) target_semaphore(%run_scoped3A : memref<!tpu.dma_semaphore, #tpu.memory_space<semaphore_mem>>)
      tpu.wait_dma2 semaphore(%run_scoped3A : memref<!tpu.dma_semaphore, #tpu.memory_space<semaphore_mem>>) src(%arg16 : memref<81920xf32, #tpu.memory_space<vmem_shared>>) dst(%arg7 : memref<81920xf32, #tpu.memory_space<vmem>>)
      tpu.yield
    }) : () -> ()
    %mul3A_88 = arith.constant 10000 : i32
    %mul3A_89 = arith.muli %add3A, %mul3A_88 : i32
    %add3A_90 = arith.constant 0 : i32
    %add3A_91 = arith.addi %mul3A_89, %add3A_90 : i32
    "tpu.region"() ({
      %run_scoped3A = tpu.sem_alloc : memref<!tpu.dma_semaphore, #tpu.memory_space<semaphore_mem>>
      %dma_start3A = tpu.memref_slice %arg2[%add3A_91] : memref<320000xi32, #tpu.memory_space<hbm>> -> memref<4992xi32, #tpu.memory_space<hbm>>
      %dma_start3A_135 = tpu.memref_slice %arg2[%add3A_91] : memref<320000xi32, #tpu.memory_space<hbm>> -> memref<4992xi32, #tpu.memory_space<hbm>>
      tpu.enqueue_dma source(%dma_start3A_135 : memref<4992xi32, #tpu.memory_space<hbm>>) target(%arg9 : memref<4992xi32, #tpu.memory_space<vmem>>) target_semaphore(%run_scoped3A : memref<!tpu.dma_semaphore, #tpu.memory_space<semaphore_mem>>)
      %dma_wait3A_136 = tpu.memref_slice %arg2[%add3A_91] : memref<320000xi32, #tpu.memory_space<hbm>> -> memref<4992xi32, #tpu.memory_space<hbm>>
      %dma_wait3A_137 = tpu.memref_slice %arg2[%add3A_91] : memref<320000xi32, #tpu.memory_space<hbm>> -> memref<4992xi32, #tpu.memory_space<hbm>>
      tpu.wait_dma2 semaphore(%run_scoped3A : memref<!tpu.dma_semaphore, #tpu.memory_space<semaphore_mem>>) src(%dma_wait3A_137 : memref<4992xi32, #tpu.memory_space<hbm>>) dst(%arg9 : memref<4992xi32, #tpu.memory_space<vmem>>)
      tpu.yield
    }) : () -> ()
    "tpu.region"() ({
      %run_scoped3A = tpu.sem_alloc : memref<!tpu.dma_semaphore, #tpu.memory_space<semaphore_mem>>
      %dma_start3A = tpu.memref_slice %arg3[%add3A_91] : memref<320000xi32, #tpu.memory_space<hbm>> -> memref<4992xi32, #tpu.memory_space<hbm>>
      %dma_start3A_135 = tpu.memref_slice %arg3[%add3A_91] : memref<320000xi32, #tpu.memory_space<hbm>> -> memref<4992xi32, #tpu.memory_space<hbm>>
      tpu.enqueue_dma source(%dma_start3A_135 : memref<4992xi32, #tpu.memory_space<hbm>>) target(%arg10 : memref<4992xi32, #tpu.memory_space<vmem>>) target_semaphore(%run_scoped3A : memref<!tpu.dma_semaphore, #tpu.memory_space<semaphore_mem>>)
      %dma_wait3A_136 = tpu.memref_slice %arg3[%add3A_91] : memref<320000xi32, #tpu.memory_space<hbm>> -> memref<4992xi32, #tpu.memory_space<hbm>>
      %dma_wait3A_137 = tpu.memref_slice %arg3[%add3A_91] : memref<320000xi32, #tpu.memory_space<hbm>> -> memref<4992xi32, #tpu.memory_space<hbm>>
      tpu.wait_dma2 semaphore(%run_scoped3A : memref<!tpu.dma_semaphore, #tpu.memory_space<semaphore_mem>>) src(%dma_wait3A_137 : memref<4992xi32, #tpu.memory_space<hbm>>) dst(%arg10 : memref<4992xi32, #tpu.memory_space<vmem>>)
      tpu.yield
    }) : () -> ()
    "tpu.region"() ({
      %run_scoped3A = tpu.sem_alloc : memref<!tpu.dma_semaphore, #tpu.memory_space<semaphore_mem>>
      %dma_start3A = tpu.memref_slice %arg4[%add3A_91] : memref<320000xi32, #tpu.memory_space<hbm>> -> memref<4992xi32, #tpu.memory_space<hbm>>
      %dma_start3A_135 = tpu.memref_slice %arg4[%add3A_91] : memref<320000xi32, #tpu.memory_space<hbm>> -> memref<4992xi32, #tpu.memory_space<hbm>>
      tpu.enqueue_dma source(%dma_start3A_135 : memref<4992xi32, #tpu.memory_space<hbm>>) target(%arg11 : memref<4992xi32, #tpu.memory_space<vmem>>) target_semaphore(%run_scoped3A : memref<!tpu.dma_semaphore, #tpu.memory_space<semaphore_mem>>)
      %dma_wait3A_136 = tpu.memref_slice %arg4[%add3A_91] : memref<320000xi32, #tpu.memory_space<hbm>> -> memref<4992xi32, #tpu.memory_space<hbm>>
      %dma_wait3A_137 = tpu.memref_slice %arg4[%add3A_91] : memref<320000xi32, #tpu.memory_space<hbm>> -> memref<4992xi32, #tpu.memory_space<hbm>>
      tpu.wait_dma2 semaphore(%run_scoped3A : memref<!tpu.dma_semaphore, #tpu.memory_space<semaphore_mem>>) src(%dma_wait3A_137 : memref<4992xi32, #tpu.memory_space<hbm>>) dst(%arg11 : memref<4992xi32, #tpu.memory_space<vmem>>)
      tpu.yield
    }) : () -> ()
    %scan3A_92 = arith.constant 0 : i32
    %scan3A_93 = arith.constant 312 : i32
    %scan3A_94 = arith.addi %scan3A_92, %scan3A_93 : i32
    %scan3A_95 = arith.constant 1 : i32
    scf.for %scan3A_135 = %scan3A_92 to %scan3A_94 step %scan3A_95  : i32 {
      %mul3A_136 = arith.constant 16 : i32
      %mul3A_137 = arith.muli %scan3A_135, %mul3A_136 : i32
      %get3A_138 = arith.index_cast %mul3A_137 : i32 to index
      %get3A_139 = tpu.vector_load %arg9[%get3A_138] {strides = array<i32>} : memref<4992xi32, #tpu.memory_space<vmem>>, vector<16xi32>,
      %mul3A_140 = arith.constant 10000 : i32
      %mul3A_141 = vector.broadcast %mul3A_140 : i32 to vector<16xi32>
      %mul3A_142 = arith.muli %get3A_139, %mul3A_141 : vector<16xi32>
      %mul3A_143 = arith.constant 16 : i32
      %mul3A_144 = arith.muli %scan3A_135, %mul3A_143 : i32
      %get3A_145 = arith.index_cast %mul3A_144 : i32 to index
      %get3A_146 = tpu.vector_load %arg10[%get3A_145] {strides = array<i32>} : memref<4992xi32, #tpu.memory_space<vmem>>, vector<16xi32>,
      %add3A_147 = arith.addi %mul3A_142, %get3A_146 : vector<16xi32>
      %gather3A_148 = tpu.vector_load_idx %arg7[%add3A_147] : memref<81920xf32, #tpu.memory_space<vmem>>[vector<16xi32>], vector<16xf32>,
      %mul3A_149 = arith.constant 16 : i32
      %mul3A_150 = arith.muli %scan3A_135, %mul3A_149 : i32
      %swap3A_151 = arith.index_cast %mul3A_150 : i32 to index
      %swap3A_152 = tpu.vector_load %arg12[%swap3A_151] {strides = array<i32>} : memref<4992xf32, #tpu.memory_space<vmem>>, vector<16xf32>,
      tpu.vector_store %arg12[%swap3A_151], %gather3A_148 {strides = array<i32>} : memref<4992xf32, #tpu.memory_space<vmem>>, vector<16xf32>,
      %mul3A_153 = arith.constant 10000 : i32
      %mul3A_154 = vector.broadcast %mul3A_153 : i32 to vector<16xi32>
      %mul3A_155 = arith.muli %get3A_139, %mul3A_154 : vector<16xi32>
      %mul3A_156 = arith.constant 16 : i32
      %mul3A_157 = arith.muli %scan3A_135, %mul3A_156 : i32
      %get3A_158 = arith.index_cast %mul3A_157 : i32 to index
      %get3A_159 = tpu.vector_load %arg11[%get3A_158] {strides = array<i32>} : memref<4992xi32, #tpu.memory_space<vmem>>, vector<16xi32>,
      %add3A_160 = arith.addi %mul3A_155, %get3A_159 : vector<16xi32>
      %mul3A_161 = arith.constant 16 : i32
      %mul3A_162 = arith.muli %scan3A_135, %mul3A_161 : i32
      %swap3A_163 = arith.index_cast %mul3A_162 : i32 to index
      %swap3A_164 = tpu.vector_load %arg13[%swap3A_163] {strides = array<i32>} : memref<4992xi32, #tpu.memory_space<vmem>>, vector<16xi32>,
      tpu.vector_store %arg13[%swap3A_163], %add3A_160 {strides = array<i32>} : memref<4992xi32, #tpu.memory_space<vmem>>, vector<16xi32>,
    }
    %scan3A_96 = arith.constant 312 : i32
    "tpu.region"() ({
      %run_scoped3A = tpu.sem_alloc : memref<!tpu.dma_semaphore, #tpu.memory_space<semaphore_mem>>
      %dma_start3A = arith.constant 0 : i32
      %dma_start3A_135 = tpu.memref_slice %arg12[%dma_start3A] : memref<4992xf32, #tpu.memory_space<vmem>> -> memref<4992xf32, #tpu.memory_space<vmem>>
      %dma_start3A_136 = tpu.memref_slice %arg5[%add3A_91] : memref<320000xf32, #tpu.memory_space<hbm>> -> memref<4992xf32, #tpu.memory_space<hbm>>
      %dma_start3A_137 = tpu.memref_slice %arg5[%add3A_91] : memref<320000xf32, #tpu.memory_space<hbm>> -> memref<4992xf32, #tpu.memory_space<hbm>>
      %dma_start3A_138 = arith.constant 0 : i32
      %dma_start3A_139 = tpu.memref_slice %arg12[%dma_start3A_138] : memref<4992xf32, #tpu.memory_space<vmem>> -> memref<4992xf32, #tpu.memory_space<vmem>>
      tpu.enqueue_dma source(%dma_start3A_139 : memref<4992xf32, #tpu.memory_space<vmem>>) target(%dma_start3A_137 : memref<4992xf32, #tpu.memory_space<hbm>>) target_semaphore(%run_scoped3A : memref<!tpu.dma_semaphore, #tpu.memory_space<semaphore_mem>>)
      %dma_wait3A_140 = arith.constant 0 : i32
      %dma_wait3A_141 = tpu.memref_slice %arg12[%dma_wait3A_140] : memref<4992xf32, #tpu.memory_space<vmem>> -> memref<4992xf32, #tpu.memory_space<vmem>>
      %dma_wait3A_142 = tpu.memref_slice %arg5[%add3A_91] : memref<320000xf32, #tpu.memory_space<hbm>> -> memref<4992xf32, #tpu.memory_space<hbm>>
      %dma_wait3A_143 = tpu.memref_slice %arg5[%add3A_91] : memref<320000xf32, #tpu.memory_space<hbm>> -> memref<4992xf32, #tpu.memory_space<hbm>>
      %dma_wait3A_144 = arith.constant 0 : i32
      %dma_wait3A_145 = tpu.memref_slice %arg12[%dma_wait3A_144] : memref<4992xf32, #tpu.memory_space<vmem>> -> memref<4992xf32, #tpu.memory_space<vmem>>
      tpu.wait_dma2 semaphore(%run_scoped3A : memref<!tpu.dma_semaphore, #tpu.memory_space<semaphore_mem>>) src(%dma_wait3A_145 : memref<4992xf32, #tpu.memory_space<vmem>>) dst(%dma_wait3A_143 : memref<4992xf32, #tpu.memory_space<hbm>>)
      tpu.yield
    }) : () -> ()
    "tpu.region"() ({
      %run_scoped3A = tpu.sem_alloc : memref<!tpu.dma_semaphore, #tpu.memory_space<semaphore_mem>>
      %dma_start3A = arith.constant 0 : i32
      %dma_start3A_135 = tpu.memref_slice %arg13[%dma_start3A] : memref<4992xi32, #tpu.memory_space<vmem>> -> memref<4992xi32, #tpu.memory_space<vmem>>
      %dma_start3A_136 = tpu.memref_slice %arg6[%add3A_91] : memref<320000xi32, #tpu.memory_space<hbm>> -> memref<4992xi32, #tpu.memory_space<hbm>>
      %dma_start3A_137 = tpu.memref_slice %arg6[%add3A_91] : memref<320000xi32, #tpu.memory_space<hbm>> -> memref<4992xi32, #tpu.memory_space<hbm>>
      %dma_start3A_138 = arith.constant 0 : i32
      %dma_start3A_139 = tpu.memref_slice %arg13[%dma_start3A_138] : memref<4992xi32, #tpu.memory_space<vmem>> -> memref<4992xi32, #tpu.memory_space<vmem>>
      tpu.enqueue_dma source(%dma_start3A_139 : memref<4992xi32, #tpu.memory_space<vmem>>) target(%dma_start3A_137 : memref<4992xi32, #tpu.memory_space<hbm>>) target_semaphore(%run_scoped3A : memref<!tpu.dma_semaphore, #tpu.memory_space<semaphore_mem>>)
      %dma_wait3A_140 = arith.constant 0 : i32
      %dma_wait3A_141 = tpu.memref_slice %arg13[%dma_wait3A_140] : memref<4992xi32, #tpu.memory_space<vmem>> -> memref<4992xi32, #tpu.memory_space<vmem>>
      %dma_wait3A_142 = tpu.memref_slice %arg6[%add3A_91] : memref<320000xi32, #tpu.memory_space<hbm>> -> memref<4992xi32, #tpu.memory_space<hbm>>
      %dma_wait3A_143 = tpu.memref_slice %arg6[%add3A_91] : memref<320000xi32, #tpu.memory_space<hbm>> -> memref<4992xi32, #tpu.memory_space<hbm>>
      %dma_wait3A_144 = arith.constant 0 : i32
      %dma_wait3A_145 = tpu.memref_slice %arg13[%dma_wait3A_144] : memref<4992xi32, #tpu.memory_space<vmem>> -> memref<4992xi32, #tpu.memory_space<vmem>>
      tpu.wait_dma2 semaphore(%run_scoped3A : memref<!tpu.dma_semaphore, #tpu.memory_space<semaphore_mem>>) src(%dma_wait3A_145 : memref<4992xi32, #tpu.memory_space<vmem>>) dst(%dma_wait3A_143 : memref<4992xi32, #tpu.memory_space<hbm>>)
      tpu.yield
    }) : () -> ()
    %add3A_97 = arith.constant 4992 : i32
    %add3A_98 = arith.addi %mul3A_89, %add3A_97 : i32
    "tpu.region"() ({
      %run_scoped3A = tpu.sem_alloc : memref<!tpu.dma_semaphore, #tpu.memory_space<semaphore_mem>>
      %dma_start3A = tpu.memref_slice %arg2[%add3A_98] : memref<320000xi32, #tpu.memory_space<hbm>> -> memref<4992xi32, #tpu.memory_space<hbm>>
      %dma_start3A_135 = tpu.memref_slice %arg2[%add3A_98] : memref<320000xi32, #tpu.memory_space<hbm>> -> memref<4992xi32, #tpu.memory_space<hbm>>
      tpu.enqueue_dma source(%dma_start3A_135 : memref<4992xi32, #tpu.memory_space<hbm>>) target(%arg9 : memref<4992xi32, #tpu.memory_space<vmem>>) target_semaphore(%run_scoped3A : memref<!tpu.dma_semaphore, #tpu.memory_space<semaphore_mem>>)
      %dma_wait3A_136 = tpu.memref_slice %arg2[%add3A_98] : memref<320000xi32, #tpu.memory_space<hbm>> -> memref<4992xi32, #tpu.memory_space<hbm>>
      %dma_wait3A_137 = tpu.memref_slice %arg2[%add3A_98] : memref<320000xi32, #tpu.memory_space<hbm>> -> memref<4992xi32, #tpu.memory_space<hbm>>
      tpu.wait_dma2 semaphore(%run_scoped3A : memref<!tpu.dma_semaphore, #tpu.memory_space<semaphore_mem>>) src(%dma_wait3A_137 : memref<4992xi32, #tpu.memory_space<hbm>>) dst(%arg9 : memref<4992xi32, #tpu.memory_space<vmem>>)
      tpu.yield
    }) : () -> ()
    "tpu.region"() ({
      %run_scoped3A = tpu.sem_alloc : memref<!tpu.dma_semaphore, #tpu.memory_space<semaphore_mem>>
      %dma_start3A = tpu.memref_slice %arg3[%add3A_98] : memref<320000xi32, #tpu.memory_space<hbm>> -> memref<4992xi32, #tpu.memory_space<hbm>>
      %dma_start3A_135 = tpu.memref_slice %arg3[%add3A_98] : memref<320000xi32, #tpu.memory_space<hbm>> -> memref<4992xi32, #tpu.memory_space<hbm>>
      tpu.enqueue_dma source(%dma_start3A_135 : memref<4992xi32, #tpu.memory_space<hbm>>) target(%arg10 : memref<4992xi32, #tpu.memory_space<vmem>>) target_semaphore(%run_scoped3A : memref<!tpu.dma_semaphore, #tpu.memory_space<semaphore_mem>>)
      %dma_wait3A_136 = tpu.memref_slice %arg3[%add3A_98] : memref<320000xi32, #tpu.memory_space<hbm>> -> memref<4992xi32, #tpu.memory_space<hbm>>
      %dma_wait3A_137 = tpu.memref_slice %arg3[%add3A_98] : memref<320000xi32, #tpu.memory_space<hbm>> -> memref<4992xi32, #tpu.memory_space<hbm>>
      tpu.wait_dma2 semaphore(%run_scoped3A : memref<!tpu.dma_semaphore, #tpu.memory_space<semaphore_mem>>) src(%dma_wait3A_137 : memref<4992xi32, #tpu.memory_space<hbm>>) dst(%arg10 : memref<4992xi32, #tpu.memory_space<vmem>>)
      tpu.yield
    }) : () -> ()
    "tpu.region"() ({
      %run_scoped3A = tpu.sem_alloc : memref<!tpu.dma_semaphore, #tpu.memory_space<semaphore_mem>>
      %dma_start3A = tpu.memref_slice %arg4[%add3A_98] : memref<320000xi32, #tpu.memory_space<hbm>> -> memref<4992xi32, #tpu.memory_space<hbm>>
      %dma_start3A_135 = tpu.memref_slice %arg4[%add3A_98] : memref<320000xi32, #tpu.memory_space<hbm>> -> memref<4992xi32, #tpu.memory_space<hbm>>
      tpu.enqueue_dma source(%dma_start3A_135 : memref<4992xi32, #tpu.memory_space<hbm>>) target(%arg11 : memref<4992xi32, #tpu.memory_space<vmem>>) target_semaphore(%run_scoped3A : memref<!tpu.dma_semaphore, #tpu.memory_space<semaphore_mem>>)
      %dma_wait3A_136 = tpu.memref_slice %arg4[%add3A_98] : memref<320000xi32, #tpu.memory_space<hbm>> -> memref<4992xi32, #tpu.memory_space<hbm>>
      %dma_wait3A_137 = tpu.memref_slice %arg4[%add3A_98] : memref<320000xi32, #tpu.memory_space<hbm>> -> memref<4992xi32, #tpu.memory_space<hbm>>
      tpu.wait_dma2 semaphore(%run_scoped3A : memref<!tpu.dma_semaphore, #tpu.memory_space<semaphore_mem>>) src(%dma_wait3A_137 : memref<4992xi32, #tpu.memory_space<hbm>>) dst(%arg11 : memref<4992xi32, #tpu.memory_space<vmem>>)
      tpu.yield
    }) : () -> ()
    %scan3A_99 = arith.constant 0 : i32
    %scan3A_100 = arith.constant 312 : i32
    %scan3A_101 = arith.addi %scan3A_99, %scan3A_100 : i32
    %scan3A_102 = arith.constant 1 : i32
    scf.for %scan3A_135 = %scan3A_99 to %scan3A_101 step %scan3A_102  : i32 {
      %mul3A_136 = arith.constant 16 : i32
      %mul3A_137 = arith.muli %scan3A_135, %mul3A_136 : i32
      %get3A_138 = arith.index_cast %mul3A_137 : i32 to index
      %get3A_139 = tpu.vector_load %arg9[%get3A_138] {strides = array<i32>} : memref<4992xi32, #tpu.memory_space<vmem>>, vector<16xi32>,
      %mul3A_140 = arith.constant 10000 : i32
      %mul3A_141 = vector.broadcast %mul3A_140 : i32 to vector<16xi32>
      %mul3A_142 = arith.muli %get3A_139, %mul3A_141 : vector<16xi32>
      %mul3A_143 = arith.constant 16 : i32
      %mul3A_144 = arith.muli %scan3A_135, %mul3A_143 : i32
      %get3A_145 = arith.index_cast %mul3A_144 : i32 to index
      %get3A_146 = tpu.vector_load %arg10[%get3A_145] {strides = array<i32>} : memref<4992xi32, #tpu.memory_space<vmem>>, vector<16xi32>,
      %add3A_147 = arith.addi %mul3A_142, %get3A_146 : vector<16xi32>
      %gather3A_148 = tpu.vector_load_idx %arg7[%add3A_147] : memref<81920xf32, #tpu.memory_space<vmem>>[vector<16xi32>], vector<16xf32>,
      %mul3A_149 = arith.constant 16 : i32
      %mul3A_150 = arith.muli %scan3A_135, %mul3A_149 : i32
      %swap3A_151 = arith.index_cast %mul3A_150 : i32 to index
      %swap3A_152 = tpu.vector_load %arg12[%swap3A_151] {strides = array<i32>} : memref<4992xf32, #tpu.memory_space<vmem>>, vector<16xf32>,
      tpu.vector_store %arg12[%swap3A_151], %gather3A_148 {strides = array<i32>} : memref<4992xf32, #tpu.memory_space<vmem>>, vector<16xf32>,
      %mul3A_153 = arith.constant 10000 : i32
      %mul3A_154 = vector.broadcast %mul3A_153 : i32 to vector<16xi32>
      %mul3A_155 = arith.muli %get3A_139, %mul3A_154 : vector<16xi32>
      %mul3A_156 = arith.constant 16 : i32
      %mul3A_157 = arith.muli %scan3A_135, %mul3A_156 : i32
      %get3A_158 = arith.index_cast %mul3A_157 : i32 to index
      %get3A_159 = tpu.vector_load %arg11[%get3A_158] {strides = array<i32>} : memref<4992xi32, #tpu.memory_space<vmem>>, vector<16xi32>,
      %add3A_160 = arith.addi %mul3A_155, %get3A_159 : vector<16xi32>
      %mul3A_161 = arith.constant 16 : i32
      %mul3A_162 = arith.muli %scan3A_135, %mul3A_161 : i32
      %swap3A_163 = arith.index_cast %mul3A_162 : i32 to index
      %swap3A_164 = tpu.vector_load %arg13[%swap3A_163] {strides = array<i32>} : memref<4992xi32, #tpu.memory_space<vmem>>, vector<16xi32>,
      tpu.vector_store %arg13[%swap3A_163], %add3A_160 {strides = array<i32>} : memref<4992xi32, #tpu.memory_space<vmem>>, vector<16xi32>,
    }
    %scan3A_103 = arith.constant 312 : i32
    "tpu.region"() ({
      %run_scoped3A = tpu.sem_alloc : memref<!tpu.dma_semaphore, #tpu.memory_space<semaphore_mem>>
      %dma_start3A = arith.constant 0 : i32
      %dma_start3A_135 = tpu.memref_slice %arg12[%dma_start3A] : memref<4992xf32, #tpu.memory_space<vmem>> -> memref<4992xf32, #tpu.memory_space<vmem>>
      %dma_start3A_136 = tpu.memref_slice %arg5[%add3A_98] : memref<320000xf32, #tpu.memory_space<hbm>> -> memref<4992xf32, #tpu.memory_space<hbm>>
      %dma_start3A_137 = tpu.memref_slice %arg5[%add3A_98] : memref<320000xf32, #tpu.memory_space<hbm>> -> memref<4992xf32, #tpu.memory_space<hbm>>
      %dma_start3A_138 = arith.constant 0 : i32
      %dma_start3A_139 = tpu.memref_slice %arg12[%dma_start3A_138] : memref<4992xf32, #tpu.memory_space<vmem>> -> memref<4992xf32, #tpu.memory_space<vmem>>
      tpu.enqueue_dma source(%dma_start3A_139 : memref<4992xf32, #tpu.memory_space<vmem>>) target(%dma_start3A_137 : memref<4992xf32, #tpu.memory_space<hbm>>) target_semaphore(%run_scoped3A : memref<!tpu.dma_semaphore, #tpu.memory_space<semaphore_mem>>)
      %dma_wait3A_140 = arith.constant 0 : i32
      %dma_wait3A_141 = tpu.memref_slice %arg12[%dma_wait3A_140] : memref<4992xf32, #tpu.memory_space<vmem>> -> memref<4992xf32, #tpu.memory_space<vmem>>
      %dma_wait3A_142 = tpu.memref_slice %arg5[%add3A_98] : memref<320000xf32, #tpu.memory_space<hbm>> -> memref<4992xf32, #tpu.memory_space<hbm>>
      %dma_wait3A_143 = tpu.memref_slice %arg5[%add3A_98] : memref<320000xf32, #tpu.memory_space<hbm>> -> memref<4992xf32, #tpu.memory_space<hbm>>
      %dma_wait3A_144 = arith.constant 0 : i32
      %dma_wait3A_145 = tpu.memref_slice %arg12[%dma_wait3A_144] : memref<4992xf32, #tpu.memory_space<vmem>> -> memref<4992xf32, #tpu.memory_space<vmem>>
      tpu.wait_dma2 semaphore(%run_scoped3A : memref<!tpu.dma_semaphore, #tpu.memory_space<semaphore_mem>>) src(%dma_wait3A_145 : memref<4992xf32, #tpu.memory_space<vmem>>) dst(%dma_wait3A_143 : memref<4992xf32, #tpu.memory_space<hbm>>)
      tpu.yield
    }) : () -> ()
    "tpu.region"() ({
      %run_scoped3A = tpu.sem_alloc : memref<!tpu.dma_semaphore, #tpu.memory_space<semaphore_mem>>
      %dma_start3A = arith.constant 0 : i32
      %dma_start3A_135 = tpu.memref_slice %arg13[%dma_start3A] : memref<4992xi32, #tpu.memory_space<vmem>> -> memref<4992xi32, #tpu.memory_space<vmem>>
      %dma_start3A_136 = tpu.memref_slice %arg6[%add3A_98] : memref<320000xi32, #tpu.memory_space<hbm>> -> memref<4992xi32, #tpu.memory_space<hbm>>
      %dma_start3A_137 = tpu.memref_slice %arg6[%add3A_98] : memref<320000xi32, #tpu.memory_space<hbm>> -> memref<4992xi32, #tpu.memory_space<hbm>>
      %dma_start3A_138 = arith.constant 0 : i32
      %dma_start3A_139 = tpu.memref_slice %arg13[%dma_start3A_138] : memref<4992xi32, #tpu.memory_space<vmem>> -> memref<4992xi32, #tpu.memory_space<vmem>>
      tpu.enqueue_dma source(%dma_start3A_139 : memref<4992xi32, #tpu.memory_space<vmem>>) target(%dma_start3A_137 : memref<4992xi32, #tpu.memory_space<hbm>>) target_semaphore(%run_scoped3A : memref<!tpu.dma_semaphore, #tpu.memory_space<semaphore_mem>>)
      %dma_wait3A_140 = arith.constant 0 : i32
      %dma_wait3A_141 = tpu.memref_slice %arg13[%dma_wait3A_140] : memref<4992xi32, #tpu.memory_space<vmem>> -> memref<4992xi32, #tpu.memory_space<vmem>>
      %dma_wait3A_142 = tpu.memref_slice %arg6[%add3A_98] : memref<320000xi32, #tpu.memory_space<hbm>> -> memref<4992xi32, #tpu.memory_space<hbm>>
      %dma_wait3A_143 = tpu.memref_slice %arg6[%add3A_98] : memref<320000xi32, #tpu.memory_space<hbm>> -> memref<4992xi32, #tpu.memory_space<hbm>>
      %dma_wait3A_144 = arith.constant 0 : i32
      %dma_wait3A_145 = tpu.memref_slice %arg13[%dma_wait3A_144] : memref<4992xi32, #tpu.memory_space<vmem>> -> memref<4992xi32, #tpu.memory_space<vmem>>
      tpu.wait_dma2 semaphore(%run_scoped3A : memref<!tpu.dma_semaphore, #tpu.memory_space<semaphore_mem>>) src(%dma_wait3A_145 : memref<4992xi32, #tpu.memory_space<vmem>>) dst(%dma_wait3A_143 : memref<4992xi32, #tpu.memory_space<hbm>>)
      tpu.yield
    }) : () -> ()
    %add3A_104 = arith.constant 9984 : i32
    %add3A_105 = arith.addi %mul3A_89, %add3A_104 : i32
    "tpu.region"() ({
      %run_scoped3A = tpu.sem_alloc : memref<!tpu.dma_semaphore, #tpu.memory_space<semaphore_mem>>
      %dma_start3A = arith.constant 0 : i32
      %dma_start3A_135 = tpu.memref_slice %arg9[%dma_start3A] : memref<4992xi32, #tpu.memory_space<vmem>> -> memref<16xi32, #tpu.memory_space<vmem>>
      %dma_start3A_136 = tpu.memref_slice %arg2[%add3A_105] : memref<320000xi32, #tpu.memory_space<hbm>> -> memref<16xi32, #tpu.memory_space<hbm>>
      %dma_start3A_137 = arith.constant 0 : i32
      %dma_start3A_138 = tpu.memref_slice %arg9[%dma_start3A_137] : memref<4992xi32, #tpu.memory_space<vmem>> -> memref<16xi32, #tpu.memory_space<vmem>>
      %dma_start3A_139 = tpu.memref_slice %arg2[%add3A_105] : memref<320000xi32, #tpu.memory_space<hbm>> -> memref<16xi32, #tpu.memory_space<hbm>>
      tpu.enqueue_dma source(%dma_start3A_139 : memref<16xi32, #tpu.memory_space<hbm>>) target(%dma_start3A_138 : memref<16xi32, #tpu.memory_space<vmem>>) target_semaphore(%run_scoped3A : memref<!tpu.dma_semaphore, #tpu.memory_space<semaphore_mem>>)
      %dma_wait3A_140 = arith.constant 0 : i32
      %dma_wait3A_141 = tpu.memref_slice %arg9[%dma_wait3A_140] : memref<4992xi32, #tpu.memory_space<vmem>> -> memref<16xi32, #tpu.memory_space<vmem>>
      %dma_wait3A_142 = tpu.memref_slice %arg2[%add3A_105] : memref<320000xi32, #tpu.memory_space<hbm>> -> memref<16xi32, #tpu.memory_space<hbm>>
      %dma_wait3A_143 = arith.constant 0 : i32
      %dma_wait3A_144 = tpu.memref_slice %arg9[%dma_wait3A_143] : memref<4992xi32, #tpu.memory_space<vmem>> -> memref<16xi32, #tpu.memory_space<vmem>>
      %dma_wait3A_145 = tpu.memref_slice %arg2[%add3A_105] : memref<320000xi32, #tpu.memory_space<hbm>> -> memref<16xi32, #tpu.memory_space<hbm>>
      tpu.wait_dma2 semaphore(%run_scoped3A : memref<!tpu.dma_semaphore, #tpu.memory_space<semaphore_mem>>) src(%dma_wait3A_145 : memref<16xi32, #tpu.memory_space<hbm>>) dst(%dma_wait3A_144 : memref<16xi32, #tpu.memory_space<vmem>>)
      tpu.yield
    }) : () -> ()
    "tpu.region"() ({
      %run_scoped3A = tpu.sem_alloc : memref<!tpu.dma_semaphore, #tpu.memory_space<semaphore_mem>>
      %dma_start3A = arith.constant 0 : i32
      %dma_start3A_135 = tpu.memref_slice %arg10[%dma_start3A] : memref<4992xi32, #tpu.memory_space<vmem>> -> memref<16xi32, #tpu.memory_space<vmem>>
      %dma_start3A_136 = tpu.memref_slice %arg3[%add3A_105] : memref<320000xi32, #tpu.memory_space<hbm>> -> memref<16xi32, #tpu.memory_space<hbm>>
      %dma_start3A_137 = arith.constant 0 : i32
      %dma_start3A_138 = tpu.memref_slice %arg10[%dma_start3A_137] : memref<4992xi32, #tpu.memory_space<vmem>> -> memref<16xi32, #tpu.memory_space<vmem>>
      %dma_start3A_139 = tpu.memref_slice %arg3[%add3A_105] : memref<320000xi32, #tpu.memory_space<hbm>> -> memref<16xi32, #tpu.memory_space<hbm>>
      tpu.enqueue_dma source(%dma_start3A_139 : memref<16xi32, #tpu.memory_space<hbm>>) target(%dma_start3A_138 : memref<16xi32, #tpu.memory_space<vmem>>) target_semaphore(%run_scoped3A : memref<!tpu.dma_semaphore, #tpu.memory_space<semaphore_mem>>)
      %dma_wait3A_140 = arith.constant 0 : i32
      %dma_wait3A_141 = tpu.memref_slice %arg10[%dma_wait3A_140] : memref<4992xi32, #tpu.memory_space<vmem>> -> memref<16xi32, #tpu.memory_space<vmem>>
      %dma_wait3A_142 = tpu.memref_slice %arg3[%add3A_105] : memref<320000xi32, #tpu.memory_space<hbm>> -> memref<16xi32, #tpu.memory_space<hbm>>
      %dma_wait3A_143 = arith.constant 0 : i32
      %dma_wait3A_144 = tpu.memref_slice %arg10[%dma_wait3A_143] : memref<4992xi32, #tpu.memory_space<vmem>> -> memref<16xi32, #tpu.memory_space<vmem>>
      %dma_wait3A_145 = tpu.memref_slice %arg3[%add3A_105] : memref<320000xi32, #tpu.memory_space<hbm>> -> memref<16xi32, #tpu.memory_space<hbm>>
      tpu.wait_dma2 semaphore(%run_scoped3A : memref<!tpu.dma_semaphore, #tpu.memory_space<semaphore_mem>>) src(%dma_wait3A_145 : memref<16xi32, #tpu.memory_space<hbm>>) dst(%dma_wait3A_144 : memref<16xi32, #tpu.memory_space<vmem>>)
      tpu.yield
    }) : () -> ()
    "tpu.region"() ({
      %run_scoped3A = tpu.sem_alloc : memref<!tpu.dma_semaphore, #tpu.memory_space<semaphore_mem>>
      %dma_start3A = arith.constant 0 : i32
      %dma_start3A_135 = tpu.memref_slice %arg11[%dma_start3A] : memref<4992xi32, #tpu.memory_space<vmem>> -> memref<16xi32, #tpu.memory_space<vmem>>
      %dma_start3A_136 = tpu.memref_slice %arg4[%add3A_105] : memref<320000xi32, #tpu.memory_space<hbm>> -> memref<16xi32, #tpu.memory_space<hbm>>
      %dma_start3A_137 = arith.constant 0 : i32
      %dma_start3A_138 = tpu.memref_slice %arg11[%dma_start3A_137] : memref<4992xi32, #tpu.memory_space<vmem>> -> memref<16xi32, #tpu.memory_space<vmem>>
      %dma_start3A_139 = tpu.memref_slice %arg4[%add3A_105] : memref<320000xi32, #tpu.memory_space<hbm>> -> memref<16xi32, #tpu.memory_space<hbm>>
      tpu.enqueue_dma source(%dma_start3A_139 : memref<16xi32, #tpu.memory_space<hbm>>) target(%dma_start3A_138 : memref<16xi32, #tpu.memory_space<vmem>>) target_semaphore(%run_scoped3A : memref<!tpu.dma_semaphore, #tpu.memory_space<semaphore_mem>>)
      %dma_wait3A_140 = arith.constant 0 : i32
      %dma_wait3A_141 = tpu.memref_slice %arg11[%dma_wait3A_140] : memref<4992xi32, #tpu.memory_space<vmem>> -> memref<16xi32, #tpu.memory_space<vmem>>
      %dma_wait3A_142 = tpu.memref_slice %arg4[%add3A_105] : memref<320000xi32, #tpu.memory_space<hbm>> -> memref<16xi32, #tpu.memory_space<hbm>>
      %dma_wait3A_143 = arith.constant 0 : i32
      %dma_wait3A_144 = tpu.memref_slice %arg11[%dma_wait3A_143] : memref<4992xi32, #tpu.memory_space<vmem>> -> memref<16xi32, #tpu.memory_space<vmem>>
      %dma_wait3A_145 = tpu.memref_slice %arg4[%add3A_105] : memref<320000xi32, #tpu.memory_space<hbm>> -> memref<16xi32, #tpu.memory_space<hbm>>
      tpu.wait_dma2 semaphore(%run_scoped3A : memref<!tpu.dma_semaphore, #tpu.memory_space<semaphore_mem>>) src(%dma_wait3A_145 : memref<16xi32, #tpu.memory_space<hbm>>) dst(%dma_wait3A_144 : memref<16xi32, #tpu.memory_space<vmem>>)
      tpu.yield
    }) : () -> ()
    %scan3A_106 = arith.constant 0 : i32
    %mul3A_107 = arith.constant 16 : i32
    %mul3A_108 = arith.muli %scan3A_106, %mul3A_107 : i32
    %get3A = arith.index_cast %mul3A_108 : i32 to index
    %get3A_109 = tpu.vector_load %arg9[%get3A] {strides = array<i32>} : memref<4992xi32, #tpu.memory_space<vmem>>, vector<16xi32>,
    %mul3A_110 = arith.constant 10000 : i32
    %mul3A_111 = vector.broadcast %mul3A_110 : i32 to vector<16xi32>
    %mul3A_112 = arith.muli %get3A_109, %mul3A_111 : vector<16xi32>
    %mul3A_113 = arith.constant 16 : i32
    %mul3A_114 = arith.muli %scan3A_106, %mul3A_113 : i32
    %get3A_115 = arith.index_cast %mul3A_114 : i32 to index
    %get3A_116 = tpu.vector_load %arg10[%get3A_115] {strides = array<i32>} : memref<4992xi32, #tpu.memory_space<vmem>>, vector<16xi32>,
    %add3A_117 = arith.addi %mul3A_112, %get3A_116 : vector<16xi32>
    %gather3A = tpu.vector_load_idx %arg7[%add3A_117] : memref<81920xf32, #tpu.memory_space<vmem>>[vector<16xi32>], vector<16xf32>,
    %mul3A_118 = arith.constant 16 : i32
    %mul3A_119 = arith.muli %scan3A_106, %mul3A_118 : i32
    %swap3A_120 = arith.index_cast %mul3A_119 : i32 to index
    %swap3A_121 = tpu.vector_load %arg12[%swap3A_120] {strides = array<i32>} : memref<4992xf32, #tpu.memory_space<vmem>>, vector<16xf32>,
    tpu.vector_store %arg12[%swap3A_120], %gather3A {strides = array<i32>} : memref<4992xf32, #tpu.memory_space<vmem>>, vector<16xf32>,
    %mul3A_122 = arith.constant 10000 : i32
    %mul3A_123 = vector.broadcast %mul3A_122 : i32 to vector<16xi32>
    %mul3A_124 = arith.muli %get3A_109, %mul3A_123 : vector<16xi32>
    %mul3A_125 = arith.constant 16 : i32
    %mul3A_126 = arith.muli %scan3A_106, %mul3A_125 : i32
    %get3A_127 = arith.index_cast %mul3A_126 : i32 to index
    %get3A_128 = tpu.vector_load %arg11[%get3A_127] {strides = array<i32>} : memref<4992xi32, #tpu.memory_space<vmem>>, vector<16xi32>,
    %add3A_129 = arith.addi %mul3A_124, %get3A_128 : vector<16xi32>
    %mul3A_130 = arith.constant 16 : i32
    %mul3A_131 = arith.muli %scan3A_106, %mul3A_130 : i32
    %swap3A_132 = arith.index_cast %mul3A_131 : i32 to index
    %swap3A_133 = tpu.vector_load %arg13[%swap3A_132] {strides = array<i32>} : memref<4992xi32, #tpu.memory_space<vmem>>, vector<16xi32>,
    tpu.vector_store %arg13[%swap3A_132], %add3A_129 {strides = array<i32>} : memref<4992xi32, #tpu.memory_space<vmem>>, vector<16xi32>,
    %scan3A_134 = arith.constant 1 : i32
    "tpu.region"() ({
      %run_scoped3A = tpu.sem_alloc : memref<!tpu.dma_semaphore, #tpu.memory_space<semaphore_mem>>
      %dma_start3A = arith.constant 0 : i32
      %dma_start3A_135 = tpu.memref_slice %arg12[%dma_start3A] : memref<4992xf32, #tpu.memory_space<vmem>> -> memref<16xf32, #tpu.memory_space<vmem>>
      %dma_start3A_136 = tpu.memref_slice %arg5[%add3A_105] : memref<320000xf32, #tpu.memory_space<hbm>> -> memref<16xf32, #tpu.memory_space<hbm>>
      %dma_start3A_137 = tpu.memref_slice %arg5[%add3A_105] : memref<320000xf32, #tpu.memory_space<hbm>> -> memref<16xf32, #tpu.memory_space<hbm>>
      %dma_start3A_138 = arith.constant 0 : i32
      %dma_start3A_139 = tpu.memref_slice %arg12[%dma_start3A_138] : memref<4992xf32, #tpu.memory_space<vmem>> -> memref<16xf32, #tpu.memory_space<vmem>>
      tpu.enqueue_dma source(%dma_start3A_139 : memref<16xf32, #tpu.memory_space<vmem>>) target(%dma_start3A_137 : memref<16xf32, #tpu.memory_space<hbm>>) target_semaphore(%run_scoped3A : memref<!tpu.dma_semaphore, #tpu.memory_space<semaphore_mem>>)
      %dma_wait3A_140 = arith.constant 0 : i32
      %dma_wait3A_141 = tpu.memref_slice %arg12[%dma_wait3A_140] : memref<4992xf32, #tpu.memory_space<vmem>> -> memref<16xf32, #tpu.memory_space<vmem>>
      %dma_wait3A_142 = tpu.memref_slice %arg5[%add3A_105] : memref<320000xf32, #tpu.memory_space<hbm>> -> memref<16xf32, #tpu.memory_space<hbm>>
      %dma_wait3A_143 = tpu.memref_slice %arg5[%add3A_105] : memref<320000xf32, #tpu.memory_space<hbm>> -> memref<16xf32, #tpu.memory_space<hbm>>
      %dma_wait3A_144 = arith.constant 0 : i32
      %dma_wait3A_145 = tpu.memref_slice %arg12[%dma_wait3A_144] : memref<4992xf32, #tpu.memory_space<vmem>> -> memref<16xf32, #tpu.memory_space<vmem>>
      tpu.wait_dma2 semaphore(%run_scoped3A : memref<!tpu.dma_semaphore, #tpu.memory_space<semaphore_mem>>) src(%dma_wait3A_145 : memref<16xf32, #tpu.memory_space<vmem>>) dst(%dma_wait3A_143 : memref<16xf32, #tpu.memory_space<hbm>>)
      tpu.yield
    }) : () -> ()
    "tpu.region"() ({
      %run_scoped3A = tpu.sem_alloc : memref<!tpu.dma_semaphore, #tpu.memory_space<semaphore_mem>>
      %dma_start3A = arith.constant 0 : i32
      %dma_start3A_135 = tpu.memref_slice %arg13[%dma_start3A] : memref<4992xi32, #tpu.memory_space<vmem>> -> memref<16xi32, #tpu.memory_space<vmem>>
      %dma_start3A_136 = tpu.memref_slice %arg6[%add3A_105] : memref<320000xi32, #tpu.memory_space<hbm>> -> memref<16xi32, #tpu.memory_space<hbm>>
      %dma_start3A_137 = tpu.memref_slice %arg6[%add3A_105] : memref<320000xi32, #tpu.memory_space<hbm>> -> memref<16xi32, #tpu.memory_space<hbm>>
      %dma_start3A_138 = arith.constant 0 : i32
      %dma_start3A_139 = tpu.memref_slice %arg13[%dma_start3A_138] : memref<4992xi32, #tpu.memory_space<vmem>> -> memref<16xi32, #tpu.memory_space<vmem>>
      tpu.enqueue_dma source(%dma_start3A_139 : memref<16xi32, #tpu.memory_space<vmem>>) target(%dma_start3A_137 : memref<16xi32, #tpu.memory_space<hbm>>) target_semaphore(%run_scoped3A : memref<!tpu.dma_semaphore, #tpu.memory_space<semaphore_mem>>)
      %dma_wait3A_140 = arith.constant 0 : i32
      %dma_wait3A_141 = tpu.memref_slice %arg13[%dma_wait3A_140] : memref<4992xi32, #tpu.memory_space<vmem>> -> memref<16xi32, #tpu.memory_space<vmem>>
      %dma_wait3A_142 = tpu.memref_slice %arg6[%add3A_105] : memref<320000xi32, #tpu.memory_space<hbm>> -> memref<16xi32, #tpu.memory_space<hbm>>
      %dma_wait3A_143 = tpu.memref_slice %arg6[%add3A_105] : memref<320000xi32, #tpu.memory_space<hbm>> -> memref<16xi32, #tpu.memory_space<hbm>>
      %dma_wait3A_144 = arith.constant 0 : i32
      %dma_wait3A_145 = tpu.memref_slice %arg13[%dma_wait3A_144] : memref<4992xi32, #tpu.memory_space<vmem>> -> memref<16xi32, #tpu.memory_space<vmem>>
      tpu.wait_dma2 semaphore(%run_scoped3A : memref<!tpu.dma_semaphore, #tpu.memory_space<semaphore_mem>>) src(%dma_wait3A_145 : memref<16xi32, #tpu.memory_space<vmem>>) dst(%dma_wait3A_143 : memref<16xi32, #tpu.memory_space<hbm>>)
      tpu.yield
    }) : () -> ()
    return
  }
}

#map = affine_map<(d0, d1) -> (0, 0)>
#map1 = affine_map<(d0, d1) -> (0)>
#map2 = affine_map<(d0, d1) -> (0, 0, 0)>
module attributes {stable_mosaic.version = 14 : i64} {
  func.func @k(%arg0: i32, %arg1: i32, %arg2: memref<80000x128xf32, #tpu.memory_space<hbm>>, %arg3: memref<320000xi32, #tpu.memory_space<hbm>>, %arg4: memref<320000xi32, #tpu.memory_space<hbm>>, %arg5: memref<320000xf32, #tpu.memory_space<hbm>>, %arg6: memref<2x10000x128xf32, #tpu.memory_space<hbm>>, %arg7: memref<10000xi32, #tpu.memory_space<vmem>>, %arg8: memref<80x128xf32, #tpu.memory_space<vmem>>, %arg9: memref<80x128xf32, #tpu.memory_space<vmem>>, %arg10: memref<80x128xf32, #tpu.memory_space<vmem>>, %arg11: memref<3x80xi32, #tpu.memory_space<vmem>>, %arg12: memref<3x80xf32, #tpu.memory_space<vmem>>, %arg13: memref<10000x128xf32, #tpu.memory_space<vmem_shared>>, %arg14: memref<!tpu.dma_semaphore, #tpu.memory_space<semaphore_mem>>, %arg15: memref<!tpu.dma_semaphore, #tpu.memory_space<semaphore_mem>>, %arg16: memref<!tpu.dma_semaphore, #tpu.memory_space<semaphore_mem>>, %arg17: memref<!tpu.dma_semaphore, #tpu.memory_space<semaphore_mem>>, %arg18: memref<!tpu.dma_semaphore, #tpu.memory_space<semaphore_mem>>, %arg19: memref<!tpu.dma_semaphore, #tpu.memory_space<semaphore_mem>>) attributes {dimension_semantics = [#tpu.dimension_semantics<core_parallel>, #tpu.dimension_semantics<subcore_parallel>], iteration_bounds = array<i64: 2, 16>, scalar_prefetch = 0 : i64, scratch_operands = 13 : i64, tpu.core_type = #tpu.core_type<sc_vector_subcore>, window_params = [{transform_indices = #map}, {transform_indices = #map1}, {transform_indices = #map1}, {transform_indices = #map1}, {transform_indices = #map2}]} {
    %mul3A = arith.constant 16 : i32
    %mul3A_0 = arith.muli %arg0, %mul3A : i32
    %add3A = arith.addi %mul3A_0, %arg1 : i32
    %mul3A_1 = arith.constant 10000 : i32
    %mul3A_2 = arith.muli %add3A, %mul3A_1 : i32
    %broadcast_in_dim3A = arith.constant 0.000000e+00 : f32
    %broadcast_in_dim3A_3 = vector.broadcast %broadcast_in_dim3A : f32 to vector<16xf32>
    %scan3A = arith.constant 0 : i32
    %scan3A_4 = arith.constant 80 : i32
    %scan3A_5 = arith.addi %scan3A, %scan3A_4 : i32
    %scan3A_6 = arith.constant 1 : i32
    scf.for %scan3A_215 = %scan3A to %scan3A_5 step %scan3A_6  : i32 {
      %swap3A = arith.index_cast %scan3A_215 : i32 to index
      %swap3A_216 = arith.constant 0 : index
      %swap3A_217 = tpu.vector_load %arg8[%swap3A, %swap3A_216] {strides = array<i32>} : memref<80x128xf32, #tpu.memory_space<vmem>>, vector<16xf32>,
      tpu.vector_store %arg8[%swap3A, %swap3A_216], %broadcast_in_dim3A_3 {strides = array<i32>} : memref<80x128xf32, #tpu.memory_space<vmem>>, vector<16xf32>,
      %swap3A_218 = arith.index_cast %scan3A_215 : i32 to index
      %swap3A_219 = arith.constant 16 : index
      %swap3A_220 = tpu.vector_load %arg8[%swap3A_218, %swap3A_219] {strides = array<i32>} : memref<80x128xf32, #tpu.memory_space<vmem>>, vector<16xf32>,
      tpu.vector_store %arg8[%swap3A_218, %swap3A_219], %broadcast_in_dim3A_3 {strides = array<i32>} : memref<80x128xf32, #tpu.memory_space<vmem>>, vector<16xf32>,
      %swap3A_221 = arith.index_cast %scan3A_215 : i32 to index
      %swap3A_222 = arith.constant 32 : index
      %swap3A_223 = tpu.vector_load %arg8[%swap3A_221, %swap3A_222] {strides = array<i32>} : memref<80x128xf32, #tpu.memory_space<vmem>>, vector<16xf32>,
      tpu.vector_store %arg8[%swap3A_221, %swap3A_222], %broadcast_in_dim3A_3 {strides = array<i32>} : memref<80x128xf32, #tpu.memory_space<vmem>>, vector<16xf32>,
      %swap3A_224 = arith.index_cast %scan3A_215 : i32 to index
      %swap3A_225 = arith.constant 48 : index
      %swap3A_226 = tpu.vector_load %arg8[%swap3A_224, %swap3A_225] {strides = array<i32>} : memref<80x128xf32, #tpu.memory_space<vmem>>, vector<16xf32>,
      tpu.vector_store %arg8[%swap3A_224, %swap3A_225], %broadcast_in_dim3A_3 {strides = array<i32>} : memref<80x128xf32, #tpu.memory_space<vmem>>, vector<16xf32>,
      %swap3A_227 = arith.index_cast %scan3A_215 : i32 to index
      %swap3A_228 = arith.constant 64 : index
      %swap3A_229 = tpu.vector_load %arg8[%swap3A_227, %swap3A_228] {strides = array<i32>} : memref<80x128xf32, #tpu.memory_space<vmem>>, vector<16xf32>,
      tpu.vector_store %arg8[%swap3A_227, %swap3A_228], %broadcast_in_dim3A_3 {strides = array<i32>} : memref<80x128xf32, #tpu.memory_space<vmem>>, vector<16xf32>,
      %swap3A_230 = arith.index_cast %scan3A_215 : i32 to index
      %swap3A_231 = arith.constant 80 : index
      %swap3A_232 = tpu.vector_load %arg8[%swap3A_230, %swap3A_231] {strides = array<i32>} : memref<80x128xf32, #tpu.memory_space<vmem>>, vector<16xf32>,
      tpu.vector_store %arg8[%swap3A_230, %swap3A_231], %broadcast_in_dim3A_3 {strides = array<i32>} : memref<80x128xf32, #tpu.memory_space<vmem>>, vector<16xf32>,
      %swap3A_233 = arith.index_cast %scan3A_215 : i32 to index
      %swap3A_234 = arith.constant 96 : index
      %swap3A_235 = tpu.vector_load %arg8[%swap3A_233, %swap3A_234] {strides = array<i32>} : memref<80x128xf32, #tpu.memory_space<vmem>>, vector<16xf32>,
      tpu.vector_store %arg8[%swap3A_233, %swap3A_234], %broadcast_in_dim3A_3 {strides = array<i32>} : memref<80x128xf32, #tpu.memory_space<vmem>>, vector<16xf32>,
      %swap3A_236 = arith.index_cast %scan3A_215 : i32 to index
      %swap3A_237 = arith.constant 112 : index
      %swap3A_238 = tpu.vector_load %arg8[%swap3A_236, %swap3A_237] {strides = array<i32>} : memref<80x128xf32, #tpu.memory_space<vmem>>, vector<16xf32>,
      tpu.vector_store %arg8[%swap3A_236, %swap3A_237], %broadcast_in_dim3A_3 {strides = array<i32>} : memref<80x128xf32, #tpu.memory_space<vmem>>, vector<16xf32>,
    }
    %scan3A_7 = arith.constant 80 : i32
    %mul3A_8 = arith.constant 624 : i32
    %mul3A_9 = arith.muli %arg1, %mul3A_8 : i32
    %add3A_10 = arith.constant 0 : i32
    %add3A_11 = arith.addi %mul3A_9, %add3A_10 : i32
    "tpu.region"() ({
      %run_scoped3A = tpu.sem_alloc : memref<!tpu.dma_semaphore, #tpu.memory_space<semaphore_mem>>
      %dma_start3A_215 = arith.constant 0 : i32
      %dma_start3A_216 = tpu.memref_slice %arg13[%add3A_11, %dma_start3A_215] : memref<10000x128xf32, #tpu.memory_space<vmem_shared>> -> memref<80x128xf32, #tpu.memory_space<vmem_shared>>
      %dma_start3A_217 = arith.constant 0 : i32
      %dma_start3A_218 = tpu.memref_slice %arg13[%add3A_11, %dma_start3A_217] : memref<10000x128xf32, #tpu.memory_space<vmem_shared>> -> memref<80x128xf32, #tpu.memory_space<vmem_shared>>
      tpu.enqueue_dma source(%arg8 : memref<80x128xf32, #tpu.memory_space<vmem>>) target(%dma_start3A_218 : memref<80x128xf32, #tpu.memory_space<vmem_shared>>) target_semaphore(%run_scoped3A : memref<!tpu.dma_semaphore, #tpu.memory_space<semaphore_mem>>)
      %dma_wait3A_219 = arith.constant 0 : i32
      %dma_wait3A_220 = tpu.memref_slice %arg13[%add3A_11, %dma_wait3A_219] : memref<10000x128xf32, #tpu.memory_space<vmem_shared>> -> memref<80x128xf32, #tpu.memory_space<vmem_shared>>
      %dma_wait3A_221 = arith.constant 0 : i32
      %dma_wait3A_222 = tpu.memref_slice %arg13[%add3A_11, %dma_wait3A_221] : memref<10000x128xf32, #tpu.memory_space<vmem_shared>> -> memref<80x128xf32, #tpu.memory_space<vmem_shared>>
      tpu.wait_dma2 semaphore(%run_scoped3A : memref<!tpu.dma_semaphore, #tpu.memory_space<semaphore_mem>>) src(%arg8 : memref<80x128xf32, #tpu.memory_space<vmem>>) dst(%dma_wait3A_222 : memref<80x128xf32, #tpu.memory_space<vmem_shared>>)
      tpu.yield
    }) : () -> ()
    %mul3A_12 = arith.constant 624 : i32
    %mul3A_13 = arith.muli %arg1, %mul3A_12 : i32
    %add3A_14 = arith.constant 80 : i32
    %add3A_15 = arith.addi %mul3A_13, %add3A_14 : i32
    "tpu.region"() ({
      %run_scoped3A = tpu.sem_alloc : memref<!tpu.dma_semaphore, #tpu.memory_space<semaphore_mem>>
      %dma_start3A_215 = arith.constant 0 : i32
      %dma_start3A_216 = tpu.memref_slice %arg13[%add3A_15, %dma_start3A_215] : memref<10000x128xf32, #tpu.memory_space<vmem_shared>> -> memref<80x128xf32, #tpu.memory_space<vmem_shared>>
      %dma_start3A_217 = arith.constant 0 : i32
      %dma_start3A_218 = tpu.memref_slice %arg13[%add3A_15, %dma_start3A_217] : memref<10000x128xf32, #tpu.memory_space<vmem_shared>> -> memref<80x128xf32, #tpu.memory_space<vmem_shared>>
      tpu.enqueue_dma source(%arg8 : memref<80x128xf32, #tpu.memory_space<vmem>>) target(%dma_start3A_218 : memref<80x128xf32, #tpu.memory_space<vmem_shared>>) target_semaphore(%run_scoped3A : memref<!tpu.dma_semaphore, #tpu.memory_space<semaphore_mem>>)
      %dma_wait3A_219 = arith.constant 0 : i32
      %dma_wait3A_220 = tpu.memref_slice %arg13[%add3A_15, %dma_wait3A_219] : memref<10000x128xf32, #tpu.memory_space<vmem_shared>> -> memref<80x128xf32, #tpu.memory_space<vmem_shared>>
      %dma_wait3A_221 = arith.constant 0 : i32
      %dma_wait3A_222 = tpu.memref_slice %arg13[%add3A_15, %dma_wait3A_221] : memref<10000x128xf32, #tpu.memory_space<vmem_shared>> -> memref<80x128xf32, #tpu.memory_space<vmem_shared>>
      tpu.wait_dma2 semaphore(%run_scoped3A : memref<!tpu.dma_semaphore, #tpu.memory_space<semaphore_mem>>) src(%arg8 : memref<80x128xf32, #tpu.memory_space<vmem>>) dst(%dma_wait3A_222 : memref<80x128xf32, #tpu.memory_space<vmem_shared>>)
      tpu.yield
    }) : () -> ()
    %mul3A_16 = arith.constant 624 : i32
    %mul3A_17 = arith.muli %arg1, %mul3A_16 : i32
    %add3A_18 = arith.constant 160 : i32
    %add3A_19 = arith.addi %mul3A_17, %add3A_18 : i32
    "tpu.region"() ({
      %run_scoped3A = tpu.sem_alloc : memref<!tpu.dma_semaphore, #tpu.memory_space<semaphore_mem>>
      %dma_start3A_215 = arith.constant 0 : i32
      %dma_start3A_216 = tpu.memref_slice %arg13[%add3A_19, %dma_start3A_215] : memref<10000x128xf32, #tpu.memory_space<vmem_shared>> -> memref<80x128xf32, #tpu.memory_space<vmem_shared>>
      %dma_start3A_217 = arith.constant 0 : i32
      %dma_start3A_218 = tpu.memref_slice %arg13[%add3A_19, %dma_start3A_217] : memref<10000x128xf32, #tpu.memory_space<vmem_shared>> -> memref<80x128xf32, #tpu.memory_space<vmem_shared>>
      tpu.enqueue_dma source(%arg8 : memref<80x128xf32, #tpu.memory_space<vmem>>) target(%dma_start3A_218 : memref<80x128xf32, #tpu.memory_space<vmem_shared>>) target_semaphore(%run_scoped3A : memref<!tpu.dma_semaphore, #tpu.memory_space<semaphore_mem>>)
      %dma_wait3A_219 = arith.constant 0 : i32
      %dma_wait3A_220 = tpu.memref_slice %arg13[%add3A_19, %dma_wait3A_219] : memref<10000x128xf32, #tpu.memory_space<vmem_shared>> -> memref<80x128xf32, #tpu.memory_space<vmem_shared>>
      %dma_wait3A_221 = arith.constant 0 : i32
      %dma_wait3A_222 = tpu.memref_slice %arg13[%add3A_19, %dma_wait3A_221] : memref<10000x128xf32, #tpu.memory_space<vmem_shared>> -> memref<80x128xf32, #tpu.memory_space<vmem_shared>>
      tpu.wait_dma2 semaphore(%run_scoped3A : memref<!tpu.dma_semaphore, #tpu.memory_space<semaphore_mem>>) src(%arg8 : memref<80x128xf32, #tpu.memory_space<vmem>>) dst(%dma_wait3A_222 : memref<80x128xf32, #tpu.memory_space<vmem_shared>>)
      tpu.yield
    }) : () -> ()
    %mul3A_20 = arith.constant 624 : i32
    %mul3A_21 = arith.muli %arg1, %mul3A_20 : i32
    %add3A_22 = arith.constant 240 : i32
    %add3A_23 = arith.addi %mul3A_21, %add3A_22 : i32
    "tpu.region"() ({
      %run_scoped3A = tpu.sem_alloc : memref<!tpu.dma_semaphore, #tpu.memory_space<semaphore_mem>>
      %dma_start3A_215 = arith.constant 0 : i32
      %dma_start3A_216 = tpu.memref_slice %arg13[%add3A_23, %dma_start3A_215] : memref<10000x128xf32, #tpu.memory_space<vmem_shared>> -> memref<80x128xf32, #tpu.memory_space<vmem_shared>>
      %dma_start3A_217 = arith.constant 0 : i32
      %dma_start3A_218 = tpu.memref_slice %arg13[%add3A_23, %dma_start3A_217] : memref<10000x128xf32, #tpu.memory_space<vmem_shared>> -> memref<80x128xf32, #tpu.memory_space<vmem_shared>>
      tpu.enqueue_dma source(%arg8 : memref<80x128xf32, #tpu.memory_space<vmem>>) target(%dma_start3A_218 : memref<80x128xf32, #tpu.memory_space<vmem_shared>>) target_semaphore(%run_scoped3A : memref<!tpu.dma_semaphore, #tpu.memory_space<semaphore_mem>>)
      %dma_wait3A_219 = arith.constant 0 : i32
      %dma_wait3A_220 = tpu.memref_slice %arg13[%add3A_23, %dma_wait3A_219] : memref<10000x128xf32, #tpu.memory_space<vmem_shared>> -> memref<80x128xf32, #tpu.memory_space<vmem_shared>>
      %dma_wait3A_221 = arith.constant 0 : i32
      %dma_wait3A_222 = tpu.memref_slice %arg13[%add3A_23, %dma_wait3A_221] : memref<10000x128xf32, #tpu.memory_space<vmem_shared>> -> memref<80x128xf32, #tpu.memory_space<vmem_shared>>
      tpu.wait_dma2 semaphore(%run_scoped3A : memref<!tpu.dma_semaphore, #tpu.memory_space<semaphore_mem>>) src(%arg8 : memref<80x128xf32, #tpu.memory_space<vmem>>) dst(%dma_wait3A_222 : memref<80x128xf32, #tpu.memory_space<vmem_shared>>)
      tpu.yield
    }) : () -> ()
    %mul3A_24 = arith.constant 624 : i32
    %mul3A_25 = arith.muli %arg1, %mul3A_24 : i32
    %add3A_26 = arith.constant 320 : i32
    %add3A_27 = arith.addi %mul3A_25, %add3A_26 : i32
    "tpu.region"() ({
      %run_scoped3A = tpu.sem_alloc : memref<!tpu.dma_semaphore, #tpu.memory_space<semaphore_mem>>
      %dma_start3A_215 = arith.constant 0 : i32
      %dma_start3A_216 = tpu.memref_slice %arg13[%add3A_27, %dma_start3A_215] : memref<10000x128xf32, #tpu.memory_space<vmem_shared>> -> memref<80x128xf32, #tpu.memory_space<vmem_shared>>
      %dma_start3A_217 = arith.constant 0 : i32
      %dma_start3A_218 = tpu.memref_slice %arg13[%add3A_27, %dma_start3A_217] : memref<10000x128xf32, #tpu.memory_space<vmem_shared>> -> memref<80x128xf32, #tpu.memory_space<vmem_shared>>
      tpu.enqueue_dma source(%arg8 : memref<80x128xf32, #tpu.memory_space<vmem>>) target(%dma_start3A_218 : memref<80x128xf32, #tpu.memory_space<vmem_shared>>) target_semaphore(%run_scoped3A : memref<!tpu.dma_semaphore, #tpu.memory_space<semaphore_mem>>)
      %dma_wait3A_219 = arith.constant 0 : i32
      %dma_wait3A_220 = tpu.memref_slice %arg13[%add3A_27, %dma_wait3A_219] : memref<10000x128xf32, #tpu.memory_space<vmem_shared>> -> memref<80x128xf32, #tpu.memory_space<vmem_shared>>
      %dma_wait3A_221 = arith.constant 0 : i32
      %dma_wait3A_222 = tpu.memref_slice %arg13[%add3A_27, %dma_wait3A_221] : memref<10000x128xf32, #tpu.memory_space<vmem_shared>> -> memref<80x128xf32, #tpu.memory_space<vmem_shared>>
      tpu.wait_dma2 semaphore(%run_scoped3A : memref<!tpu.dma_semaphore, #tpu.memory_space<semaphore_mem>>) src(%arg8 : memref<80x128xf32, #tpu.memory_space<vmem>>) dst(%dma_wait3A_222 : memref<80x128xf32, #tpu.memory_space<vmem_shared>>)
      tpu.yield
    }) : () -> ()
    %mul3A_28 = arith.constant 624 : i32
    %mul3A_29 = arith.muli %arg1, %mul3A_28 : i32
    %add3A_30 = arith.constant 400 : i32
    %add3A_31 = arith.addi %mul3A_29, %add3A_30 : i32
    "tpu.region"() ({
      %run_scoped3A = tpu.sem_alloc : memref<!tpu.dma_semaphore, #tpu.memory_space<semaphore_mem>>
      %dma_start3A_215 = arith.constant 0 : i32
      %dma_start3A_216 = tpu.memref_slice %arg13[%add3A_31, %dma_start3A_215] : memref<10000x128xf32, #tpu.memory_space<vmem_shared>> -> memref<80x128xf32, #tpu.memory_space<vmem_shared>>
      %dma_start3A_217 = arith.constant 0 : i32
      %dma_start3A_218 = tpu.memref_slice %arg13[%add3A_31, %dma_start3A_217] : memref<10000x128xf32, #tpu.memory_space<vmem_shared>> -> memref<80x128xf32, #tpu.memory_space<vmem_shared>>
      tpu.enqueue_dma source(%arg8 : memref<80x128xf32, #tpu.memory_space<vmem>>) target(%dma_start3A_218 : memref<80x128xf32, #tpu.memory_space<vmem_shared>>) target_semaphore(%run_scoped3A : memref<!tpu.dma_semaphore, #tpu.memory_space<semaphore_mem>>)
      %dma_wait3A_219 = arith.constant 0 : i32
      %dma_wait3A_220 = tpu.memref_slice %arg13[%add3A_31, %dma_wait3A_219] : memref<10000x128xf32, #tpu.memory_space<vmem_shared>> -> memref<80x128xf32, #tpu.memory_space<vmem_shared>>
      %dma_wait3A_221 = arith.constant 0 : i32
      %dma_wait3A_222 = tpu.memref_slice %arg13[%add3A_31, %dma_wait3A_221] : memref<10000x128xf32, #tpu.memory_space<vmem_shared>> -> memref<80x128xf32, #tpu.memory_space<vmem_shared>>
      tpu.wait_dma2 semaphore(%run_scoped3A : memref<!tpu.dma_semaphore, #tpu.memory_space<semaphore_mem>>) src(%arg8 : memref<80x128xf32, #tpu.memory_space<vmem>>) dst(%dma_wait3A_222 : memref<80x128xf32, #tpu.memory_space<vmem_shared>>)
      tpu.yield
    }) : () -> ()
    %mul3A_32 = arith.constant 624 : i32
    %mul3A_33 = arith.muli %arg1, %mul3A_32 : i32
    %add3A_34 = arith.constant 480 : i32
    %add3A_35 = arith.addi %mul3A_33, %add3A_34 : i32
    "tpu.region"() ({
      %run_scoped3A = tpu.sem_alloc : memref<!tpu.dma_semaphore, #tpu.memory_space<semaphore_mem>>
      %dma_start3A_215 = arith.constant 0 : i32
      %dma_start3A_216 = tpu.memref_slice %arg13[%add3A_35, %dma_start3A_215] : memref<10000x128xf32, #tpu.memory_space<vmem_shared>> -> memref<80x128xf32, #tpu.memory_space<vmem_shared>>
      %dma_start3A_217 = arith.constant 0 : i32
      %dma_start3A_218 = tpu.memref_slice %arg13[%add3A_35, %dma_start3A_217] : memref<10000x128xf32, #tpu.memory_space<vmem_shared>> -> memref<80x128xf32, #tpu.memory_space<vmem_shared>>
      tpu.enqueue_dma source(%arg8 : memref<80x128xf32, #tpu.memory_space<vmem>>) target(%dma_start3A_218 : memref<80x128xf32, #tpu.memory_space<vmem_shared>>) target_semaphore(%run_scoped3A : memref<!tpu.dma_semaphore, #tpu.memory_space<semaphore_mem>>)
      %dma_wait3A_219 = arith.constant 0 : i32
      %dma_wait3A_220 = tpu.memref_slice %arg13[%add3A_35, %dma_wait3A_219] : memref<10000x128xf32, #tpu.memory_space<vmem_shared>> -> memref<80x128xf32, #tpu.memory_space<vmem_shared>>
      %dma_wait3A_221 = arith.constant 0 : i32
      %dma_wait3A_222 = tpu.memref_slice %arg13[%add3A_35, %dma_wait3A_221] : memref<10000x128xf32, #tpu.memory_space<vmem_shared>> -> memref<80x128xf32, #tpu.memory_space<vmem_shared>>
      tpu.wait_dma2 semaphore(%run_scoped3A : memref<!tpu.dma_semaphore, #tpu.memory_space<semaphore_mem>>) src(%arg8 : memref<80x128xf32, #tpu.memory_space<vmem>>) dst(%dma_wait3A_222 : memref<80x128xf32, #tpu.memory_space<vmem_shared>>)
      tpu.yield
    }) : () -> ()
    %mul3A_36 = arith.constant 624 : i32
    %mul3A_37 = arith.muli %arg1, %mul3A_36 : i32
    %add3A_38 = arith.constant 560 : i32
    %add3A_39 = arith.addi %mul3A_37, %add3A_38 : i32
    "tpu.region"() ({
      %run_scoped3A = tpu.sem_alloc : memref<!tpu.dma_semaphore, #tpu.memory_space<semaphore_mem>>
      %dma_start3A_215 = arith.constant 0 : i32
      %dma_start3A_216 = arith.constant 0 : i32
      %dma_start3A_217 = tpu.memref_slice %arg8[%dma_start3A_215, %dma_start3A_216] : memref<80x128xf32, #tpu.memory_space<vmem>> -> memref<64x128xf32, #tpu.memory_space<vmem>>
      %dma_start3A_218 = arith.constant 0 : i32
      %dma_start3A_219 = tpu.memref_slice %arg13[%add3A_39, %dma_start3A_218] : memref<10000x128xf32, #tpu.memory_space<vmem_shared>> -> memref<64x128xf32, #tpu.memory_space<vmem_shared>>
      %dma_start3A_220 = arith.constant 0 : i32
      %dma_start3A_221 = tpu.memref_slice %arg13[%add3A_39, %dma_start3A_220] : memref<10000x128xf32, #tpu.memory_space<vmem_shared>> -> memref<64x128xf32, #tpu.memory_space<vmem_shared>>
      %dma_start3A_222 = arith.constant 0 : i32
      %dma_start3A_223 = arith.constant 0 : i32
      %dma_start3A_224 = tpu.memref_slice %arg8[%dma_start3A_222, %dma_start3A_223] : memref<80x128xf32, #tpu.memory_space<vmem>> -> memref<64x128xf32, #tpu.memory_space<vmem>>
      tpu.enqueue_dma source(%dma_start3A_224 : memref<64x128xf32, #tpu.memory_space<vmem>>) target(%dma_start3A_221 : memref<64x128xf32, #tpu.memory_space<vmem_shared>>) target_semaphore(%run_scoped3A : memref<!tpu.dma_semaphore, #tpu.memory_space<semaphore_mem>>)
      %dma_wait3A_225 = arith.constant 0 : i32
      %dma_wait3A_226 = arith.constant 0 : i32
      %dma_wait3A_227 = tpu.memref_slice %arg8[%dma_wait3A_225, %dma_wait3A_226] : memref<80x128xf32, #tpu.memory_space<vmem>> -> memref<64x128xf32, #tpu.memory_space<vmem>>
      %dma_wait3A_228 = arith.constant 0 : i32
      %dma_wait3A_229 = tpu.memref_slice %arg13[%add3A_39, %dma_wait3A_228] : memref<10000x128xf32, #tpu.memory_space<vmem_shared>> -> memref<64x128xf32, #tpu.memory_space<vmem_shared>>
      %dma_wait3A_230 = arith.constant 0 : i32
      %dma_wait3A_231 = tpu.memref_slice %arg13[%add3A_39, %dma_wait3A_230] : memref<10000x128xf32, #tpu.memory_space<vmem_shared>> -> memref<64x128xf32, #tpu.memory_space<vmem_shared>>
      %dma_wait3A_232 = arith.constant 0 : i32
      %dma_wait3A_233 = arith.constant 0 : i32
      %dma_wait3A_234 = tpu.memref_slice %arg8[%dma_wait3A_232, %dma_wait3A_233] : memref<80x128xf32, #tpu.memory_space<vmem>> -> memref<64x128xf32, #tpu.memory_space<vmem>>
      tpu.wait_dma2 semaphore(%run_scoped3A : memref<!tpu.dma_semaphore, #tpu.memory_space<semaphore_mem>>) src(%dma_wait3A_234 : memref<64x128xf32, #tpu.memory_space<vmem>>) dst(%dma_wait3A_231 : memref<64x128xf32, #tpu.memory_space<vmem_shared>>)
      tpu.yield
    }) : () -> ()
    %eq3A = arith.constant 15 : i32
    %eq3A_40 = arith.cmpi eq, %arg1, %eq3A : i32
    %convert_element_type3A = arith.extui %eq3A_40 : i1 to i32
    %cond3A = arith.constant 0 : i32
    %cond3A_41 = arith.cmpi ne, %convert_element_type3A, %cond3A : i32
    scf.if %cond3A_41 {
      "tpu.region"() ({
        %run_scoped3A = tpu.sem_alloc : memref<!tpu.dma_semaphore, #tpu.memory_space<semaphore_mem>>
        %dma_start3A_215 = arith.constant 0 : i32
        %dma_start3A_216 = arith.constant 0 : i32
        %dma_start3A_217 = tpu.memref_slice %arg8[%dma_start3A_215, %dma_start3A_216] : memref<80x128xf32, #tpu.memory_space<vmem>> -> memref<16x128xf32, #tpu.memory_space<vmem>>
        %dma_start3A_218 = arith.constant 9984 : i32
        %dma_start3A_219 = arith.constant 0 : i32
        %dma_start3A_220 = tpu.memref_slice %arg13[%dma_start3A_218, %dma_start3A_219] : memref<10000x128xf32, #tpu.memory_space<vmem_shared>> -> memref<16x128xf32, #tpu.memory_space<vmem_shared>>
        %dma_start3A_221 = arith.constant 9984 : i32
        %dma_start3A_222 = arith.constant 0 : i32
        %dma_start3A_223 = tpu.memref_slice %arg13[%dma_start3A_221, %dma_start3A_222] : memref<10000x128xf32, #tpu.memory_space<vmem_shared>> -> memref<16x128xf32, #tpu.memory_space<vmem_shared>>
        %dma_start3A_224 = arith.constant 0 : i32
        %dma_start3A_225 = arith.constant 0 : i32
        %dma_start3A_226 = tpu.memref_slice %arg8[%dma_start3A_224, %dma_start3A_225] : memref<80x128xf32, #tpu.memory_space<vmem>> -> memref<16x128xf32, #tpu.memory_space<vmem>>
        tpu.enqueue_dma source(%dma_start3A_226 : memref<16x128xf32, #tpu.memory_space<vmem>>) target(%dma_start3A_223 : memref<16x128xf32, #tpu.memory_space<vmem_shared>>) target_semaphore(%run_scoped3A : memref<!tpu.dma_semaphore, #tpu.memory_space<semaphore_mem>>)
        %dma_wait3A_227 = arith.constant 0 : i32
        %dma_wait3A_228 = arith.constant 0 : i32
        %dma_wait3A_229 = tpu.memref_slice %arg8[%dma_wait3A_227, %dma_wait3A_228] : memref<80x128xf32, #tpu.memory_space<vmem>> -> memref<16x128xf32, #tpu.memory_space<vmem>>
        %dma_wait3A_230 = arith.constant 9984 : i32
        %dma_wait3A_231 = arith.constant 0 : i32
        %dma_wait3A_232 = tpu.memref_slice %arg13[%dma_wait3A_230, %dma_wait3A_231] : memref<10000x128xf32, #tpu.memory_space<vmem_shared>> -> memref<16x128xf32, #tpu.memory_space<vmem_shared>>
        %dma_wait3A_233 = arith.constant 9984 : i32
        %dma_wait3A_234 = arith.constant 0 : i32
        %dma_wait3A_235 = tpu.memref_slice %arg13[%dma_wait3A_233, %dma_wait3A_234] : memref<10000x128xf32, #tpu.memory_space<vmem_shared>> -> memref<16x128xf32, #tpu.memory_space<vmem_shared>>
        %dma_wait3A_236 = arith.constant 0 : i32
        %dma_wait3A_237 = arith.constant 0 : i32
        %dma_wait3A_238 = tpu.memref_slice %arg8[%dma_wait3A_236, %dma_wait3A_237] : memref<80x128xf32, #tpu.memory_space<vmem>> -> memref<16x128xf32, #tpu.memory_space<vmem>>
        tpu.wait_dma2 semaphore(%run_scoped3A : memref<!tpu.dma_semaphore, #tpu.memory_space<semaphore_mem>>) src(%dma_wait3A_238 : memref<16x128xf32, #tpu.memory_space<vmem>>) dst(%dma_wait3A_235 : memref<16x128xf32, #tpu.memory_space<vmem_shared>>)
        tpu.yield
      }) : () -> ()
    } else {
    }
    %barrier3A = arith.constant 0 : index
    tpu.barrier barrier_id(%barrier3A)
    "tpu.region"() ({
      %run_scoped3A = tpu.sem_alloc : memref<!tpu.dma_semaphore, #tpu.memory_space<semaphore_mem>>
      %dma_start3A_215 = tpu.memref_slice %arg3[%mul3A_2] : memref<320000xi32, #tpu.memory_space<hbm>> -> memref<10000xi32, #tpu.memory_space<hbm>>
      %dma_start3A_216 = tpu.memref_slice %arg3[%mul3A_2] : memref<320000xi32, #tpu.memory_space<hbm>> -> memref<10000xi32, #tpu.memory_space<hbm>>
      tpu.enqueue_dma source(%dma_start3A_216 : memref<10000xi32, #tpu.memory_space<hbm>>) target(%arg7 : memref<10000xi32, #tpu.memory_space<vmem>>) target_semaphore(%run_scoped3A : memref<!tpu.dma_semaphore, #tpu.memory_space<semaphore_mem>>)
      %dma_wait3A_217 = tpu.memref_slice %arg3[%mul3A_2] : memref<320000xi32, #tpu.memory_space<hbm>> -> memref<10000xi32, #tpu.memory_space<hbm>>
      %dma_wait3A_218 = tpu.memref_slice %arg3[%mul3A_2] : memref<320000xi32, #tpu.memory_space<hbm>> -> memref<10000xi32, #tpu.memory_space<hbm>>
      tpu.wait_dma2 semaphore(%run_scoped3A : memref<!tpu.dma_semaphore, #tpu.memory_space<semaphore_mem>>) src(%dma_wait3A_218 : memref<10000xi32, #tpu.memory_space<hbm>>) dst(%arg7 : memref<10000xi32, #tpu.memory_space<vmem>>)
      tpu.yield
    }) : () -> ()
    %dma_start3A = arith.constant 0 : i32
    %dma_start3A_42 = tpu.memref_slice %arg7[%dma_start3A] : memref<10000xi32, #tpu.memory_space<vmem>> -> memref<80xi32, #tpu.memory_space<vmem>>
    %dma_start3A_43 = arith.constant 0 : i32
    %dma_start3A_44 = arith.constant 0 : i32
    %dma_start3A_45 = tpu.memref_slice %arg2[%dma_start3A_43, %dma_start3A_44] : memref<80000x128xf32, #tpu.memory_space<hbm>> -> memref<80000x128xf32, #tpu.memory_space<hbm>>
    tpu.enqueue_indirect_dma source(%dma_start3A_45 : memref<80000x128xf32, #tpu.memory_space<hbm>>) target(%arg8 : memref<80x128xf32, #tpu.memory_space<vmem>>) offsets(%dma_start3A_42 : memref<80xi32, #tpu.memory_space<vmem>>) semaphore(%arg14 : memref<!tpu.dma_semaphore, #tpu.memory_space<semaphore_mem>>)
    %add3A_46 = arith.constant 0 : i32
    %add3A_47 = arith.addi %mul3A_2, %add3A_46 : i32
    %dma_start3A_48 = arith.constant 0 : i32
    %dma_start3A_49 = arith.constant 0 : i32
    %dma_start3A_50 = tpu.memref_slice %arg11[%dma_start3A_48, %dma_start3A_49] : memref<3x80xi32, #tpu.memory_space<vmem>> -> memref<1x80xi32, #tpu.memory_space<vmem>>
    %dma_start3A_51 = tpu.memref_squeeze %dma_start3A_50 : memref<1x80xi32, #tpu.memory_space<vmem>> -> memref<80xi32, #tpu.memory_space<vmem>>
    %dma_start3A_52 = tpu.memref_slice %arg4[%add3A_47] : memref<320000xi32, #tpu.memory_space<hbm>> -> memref<80xi32, #tpu.memory_space<hbm>>
    %dma_start3A_53 = arith.constant 0 : i32
    %dma_start3A_54 = tpu.memref_slice %arg11[%dma_start3A_48, %dma_start3A_53] : memref<3x80xi32, #tpu.memory_space<vmem>> -> memref<1x80xi32, #tpu.memory_space<vmem>>
    %dma_start3A_55 = tpu.memref_squeeze %dma_start3A_54 : memref<1x80xi32, #tpu.memory_space<vmem>> -> memref<80xi32, #tpu.memory_space<vmem>>
    %dma_start3A_56 = tpu.memref_slice %arg4[%add3A_47] : memref<320000xi32, #tpu.memory_space<hbm>> -> memref<80xi32, #tpu.memory_space<hbm>>
    tpu.enqueue_dma source(%dma_start3A_56 : memref<80xi32, #tpu.memory_space<hbm>>) target(%dma_start3A_55 : memref<80xi32, #tpu.memory_space<vmem>>) target_semaphore(%arg14 : memref<!tpu.dma_semaphore, #tpu.memory_space<semaphore_mem>>)
    %add3A_57 = arith.constant 0 : i32
    %add3A_58 = arith.addi %mul3A_2, %add3A_57 : i32
    %dma_start3A_59 = arith.constant 0 : i32
    %dma_start3A_60 = arith.constant 0 : i32
    %dma_start3A_61 = tpu.memref_slice %arg12[%dma_start3A_59, %dma_start3A_60] : memref<3x80xf32, #tpu.memory_space<vmem>> -> memref<1x80xf32, #tpu.memory_space<vmem>>
    %dma_start3A_62 = tpu.memref_squeeze %dma_start3A_61 : memref<1x80xf32, #tpu.memory_space<vmem>> -> memref<80xf32, #tpu.memory_space<vmem>>
    %dma_start3A_63 = tpu.memref_slice %arg5[%add3A_58] : memref<320000xf32, #tpu.memory_space<hbm>> -> memref<80xf32, #tpu.memory_space<hbm>>
    %dma_start3A_64 = arith.constant 0 : i32
    %dma_start3A_65 = tpu.memref_slice %arg12[%dma_start3A_59, %dma_start3A_64] : memref<3x80xf32, #tpu.memory_space<vmem>> -> memref<1x80xf32, #tpu.memory_space<vmem>>
    %dma_start3A_66 = tpu.memref_squeeze %dma_start3A_65 : memref<1x80xf32, #tpu.memory_space<vmem>> -> memref<80xf32, #tpu.memory_space<vmem>>
    %dma_start3A_67 = tpu.memref_slice %arg5[%add3A_58] : memref<320000xf32, #tpu.memory_space<hbm>> -> memref<80xf32, #tpu.memory_space<hbm>>
    tpu.enqueue_dma source(%dma_start3A_67 : memref<80xf32, #tpu.memory_space<hbm>>) target(%dma_start3A_66 : memref<80xf32, #tpu.memory_space<vmem>>) target_semaphore(%arg14 : memref<!tpu.dma_semaphore, #tpu.memory_space<semaphore_mem>>)
    %scan3A_68 = arith.constant 0 : i32
    %scan3A_69 = arith.constant 41 : i32
    %scan3A_70 = arith.addi %scan3A_68, %scan3A_69 : i32
    %scan3A_71 = arith.constant 1 : i32
    scf.for %scan3A_215 = %scan3A_68 to %scan3A_70 step %scan3A_71  : i32 {
      %mul3A_216 = arith.constant 3 : i32
      %mul3A_217 = arith.muli %scan3A_215, %mul3A_216 : i32
      %add3A_218 = arith.constant 0 : i32
      %add3A_219 = arith.addi %add3A_218, %mul3A_217 : i32
      %add3A_220 = arith.constant 0 : i32
      %add3A_221 = arith.addi %add3A_219, %add3A_220 : i32
      %ge3A = arith.constant 2 : i32
      %ge3A_222 = arith.cmpi sge, %add3A_221, %ge3A : i32
      %convert_element_type3A_223 = arith.extui %ge3A_222 : i1 to i32
      %cond3A_224 = arith.constant 0 : i32
      %cond3A_225 = arith.cmpi ne, %convert_element_type3A_223, %cond3A_224 : i32
      scf.if %cond3A_225 {
        %dma_wait3A_380 = arith.constant 1 : i32
        %dma_wait3A_381 = arith.constant 0 : i32
        %dma_wait3A_382 = tpu.memref_slice %arg11[%dma_wait3A_380, %dma_wait3A_381] : memref<3x80xi32, #tpu.memory_space<vmem>> -> memref<1x80xi32, #tpu.memory_space<vmem>>
        %dma_wait3A_383 = tpu.memref_squeeze %dma_wait3A_382 : memref<1x80xi32, #tpu.memory_space<vmem>> -> memref<80xi32, #tpu.memory_space<vmem>>
        %dma_wait3A_384 = arith.constant 0 : i32
        %dma_wait3A_385 = arith.constant 0 : i32
        %dma_wait3A_386 = tpu.memref_slice %arg13[%dma_wait3A_384, %dma_wait3A_385] : memref<10000x128xf32, #tpu.memory_space<vmem_shared>> -> memref<10000x128xf32, #tpu.memory_space<vmem_shared>>
        tpu.wait_indirect_dma semaphore(%arg18 : memref<!tpu.dma_semaphore, #tpu.memory_space<semaphore_mem>>) src(%arg9 : memref<80x128xf32, #tpu.memory_space<vmem>>) dst(%dma_wait3A_386 : memref<10000x128xf32, #tpu.memory_space<vmem_shared>>)
      } else {
      }
      %le3A = arith.constant 123 : i32
      %le3A_226 = arith.cmpi sle, %add3A_221, %le3A : i32
      %convert_element_type3A_227 = arith.extui %le3A_226 : i1 to i32
      %cond3A_228 = arith.constant 0 : i32
      %cond3A_229 = arith.cmpi ne, %convert_element_type3A_227, %cond3A_228 : i32
      scf.if %cond3A_229 {
        %add3A_380 = arith.constant 1 : i32
        %add3A_381 = arith.addi %add3A_221, %add3A_380 : i32
        %mul3A_382 = arith.constant 80 : i32
        %mul3A_383 = arith.muli %add3A_381, %mul3A_382 : i32
        %dma_start3A_384 = tpu.memref_slice %arg7[%mul3A_383] : memref<10000xi32, #tpu.memory_space<vmem>> -> memref<80xi32, #tpu.memory_space<vmem>>
        %dma_start3A_385 = arith.constant 0 : i32
        %dma_start3A_386 = arith.constant 0 : i32
        %dma_start3A_387 = tpu.memref_slice %arg2[%dma_start3A_385, %dma_start3A_386] : memref<80000x128xf32, #tpu.memory_space<hbm>> -> memref<80000x128xf32, #tpu.memory_space<hbm>>
        tpu.enqueue_indirect_dma source(%dma_start3A_387 : memref<80000x128xf32, #tpu.memory_space<hbm>>) target(%arg9 : memref<80x128xf32, #tpu.memory_space<vmem>>) offsets(%dma_start3A_384 : memref<80xi32, #tpu.memory_space<vmem>>) semaphore(%arg15 : memref<!tpu.dma_semaphore, #tpu.memory_space<semaphore_mem>>)
        %mul3A_388 = arith.constant 80 : i32
        %mul3A_389 = arith.muli %add3A_381, %mul3A_388 : i32
        %add3A_390 = arith.addi %mul3A_2, %mul3A_389 : i32
        %dma_start3A_391 = arith.constant 1 : i32
        %dma_start3A_392 = arith.constant 0 : i32
        %dma_start3A_393 = tpu.memref_slice %arg11[%dma_start3A_391, %dma_start3A_392] : memref<3x80xi32, #tpu.memory_space<vmem>> -> memref<1x80xi32, #tpu.memory_space<vmem>>
        %dma_start3A_394 = tpu.memref_squeeze %dma_start3A_393 : memref<1x80xi32, #tpu.memory_space<vmem>> -> memref<80xi32, #tpu.memory_space<vmem>>
        %dma_start3A_395 = tpu.memref_slice %arg4[%add3A_390] : memref<320000xi32, #tpu.memory_space<hbm>> -> memref<80xi32, #tpu.memory_space<hbm>>
        %dma_start3A_396 = arith.constant 0 : i32
        %dma_start3A_397 = tpu.memref_slice %arg11[%dma_start3A_391, %dma_start3A_396] : memref<3x80xi32, #tpu.memory_space<vmem>> -> memref<1x80xi32, #tpu.memory_space<vmem>>
        %dma_start3A_398 = tpu.memref_squeeze %dma_start3A_397 : memref<1x80xi32, #tpu.memory_space<vmem>> -> memref<80xi32, #tpu.memory_space<vmem>>
        %dma_start3A_399 = tpu.memref_slice %arg4[%add3A_390] : memref<320000xi32, #tpu.memory_space<hbm>> -> memref<80xi32, #tpu.memory_space<hbm>>
        tpu.enqueue_dma source(%dma_start3A_399 : memref<80xi32, #tpu.memory_space<hbm>>) target(%dma_start3A_398 : memref<80xi32, #tpu.memory_space<vmem>>) target_semaphore(%arg15 : memref<!tpu.dma_semaphore, #tpu.memory_space<semaphore_mem>>)
        %mul3A_400 = arith.constant 80 : i32
        %mul3A_401 = arith.muli %add3A_381, %mul3A_400 : i32
        %add3A_402 = arith.addi %mul3A_2, %mul3A_401 : i32
        %dma_start3A_403 = arith.constant 1 : i32
        %dma_start3A_404 = arith.constant 0 : i32
        %dma_start3A_405 = tpu.memref_slice %arg12[%dma_start3A_403, %dma_start3A_404] : memref<3x80xf32, #tpu.memory_space<vmem>> -> memref<1x80xf32, #tpu.memory_space<vmem>>
        %dma_start3A_406 = tpu.memref_squeeze %dma_start3A_405 : memref<1x80xf32, #tpu.memory_space<vmem>> -> memref<80xf32, #tpu.memory_space<vmem>>
        %dma_start3A_407 = tpu.memref_slice %arg5[%add3A_402] : memref<320000xf32, #tpu.memory_space<hbm>> -> memref<80xf32, #tpu.memory_space<hbm>>
        %dma_start3A_408 = arith.constant 0 : i32
        %dma_start3A_409 = tpu.memref_slice %arg12[%dma_start3A_403, %dma_start3A_408] : memref<3x80xf32, #tpu.memory_space<vmem>> -> memref<1x80xf32, #tpu.memory_space<vmem>>
        %dma_start3A_410 = tpu.memref_squeeze %dma_start3A_409 : memref<1x80xf32, #tpu.memory_space<vmem>> -> memref<80xf32, #tpu.memory_space<vmem>>
        %dma_start3A_411 = tpu.memref_slice %arg5[%add3A_402] : memref<320000xf32, #tpu.memory_space<hbm>> -> memref<80xf32, #tpu.memory_space<hbm>>
        tpu.enqueue_dma source(%dma_start3A_411 : memref<80xf32, #tpu.memory_space<hbm>>) target(%dma_start3A_410 : memref<80xf32, #tpu.memory_space<vmem>>) target_semaphore(%arg15 : memref<!tpu.dma_semaphore, #tpu.memory_space<semaphore_mem>>)
      } else {
      }
      %mul3A_230 = arith.constant 80 : i32
      %mul3A_231 = arith.muli %add3A_221, %mul3A_230 : i32
      %dma_wait3A_232 = tpu.memref_slice %arg7[%mul3A_231] : memref<10000xi32, #tpu.memory_space<vmem>> -> memref<80xi32, #tpu.memory_space<vmem>>
      %dma_wait3A_233 = arith.constant 0 : i32
      %dma_wait3A_234 = arith.constant 0 : i32
      %dma_wait3A_235 = tpu.memref_slice %arg2[%dma_wait3A_233, %dma_wait3A_234] : memref<80000x128xf32, #tpu.memory_space<hbm>> -> memref<80000x128xf32, #tpu.memory_space<hbm>>
      tpu.wait_indirect_dma semaphore(%arg14 : memref<!tpu.dma_semaphore, #tpu.memory_space<semaphore_mem>>) src(%dma_wait3A_235 : memref<80000x128xf32, #tpu.memory_space<hbm>>) dst(%arg8 : memref<80x128xf32, #tpu.memory_space<vmem>>)
      %mul3A_236 = arith.constant 80 : i32
      %mul3A_237 = arith.muli %add3A_221, %mul3A_236 : i32
      %add3A_238 = arith.addi %mul3A_2, %mul3A_237 : i32
      %dma_wait3A_239 = arith.constant 0 : i32
      %dma_wait3A_240 = arith.constant 0 : i32
      %dma_wait3A_241 = tpu.memref_slice %arg11[%dma_wait3A_239, %dma_wait3A_240] : memref<3x80xi32, #tpu.memory_space<vmem>> -> memref<1x80xi32, #tpu.memory_space<vmem>>
      %dma_wait3A_242 = tpu.memref_squeeze %dma_wait3A_241 : memref<1x80xi32, #tpu.memory_space<vmem>> -> memref<80xi32, #tpu.memory_space<vmem>>
      %dma_wait3A_243 = tpu.memref_slice %arg4[%add3A_238] : memref<320000xi32, #tpu.memory_space<hbm>> -> memref<80xi32, #tpu.memory_space<hbm>>
      %dma_wait3A_244 = arith.constant 0 : i32
      %dma_wait3A_245 = tpu.memref_slice %arg11[%dma_wait3A_239, %dma_wait3A_244] : memref<3x80xi32, #tpu.memory_space<vmem>> -> memref<1x80xi32, #tpu.memory_space<vmem>>
      %dma_wait3A_246 = tpu.memref_squeeze %dma_wait3A_245 : memref<1x80xi32, #tpu.memory_space<vmem>> -> memref<80xi32, #tpu.memory_space<vmem>>
      %dma_wait3A_247 = tpu.memref_slice %arg4[%add3A_238] : memref<320000xi32, #tpu.memory_space<hbm>> -> memref<80xi32, #tpu.memory_space<hbm>>
      tpu.wait_dma2 semaphore(%arg14 : memref<!tpu.dma_semaphore, #tpu.memory_space<semaphore_mem>>) src(%dma_wait3A_247 : memref<80xi32, #tpu.memory_space<hbm>>) dst(%dma_wait3A_246 : memref<80xi32, #tpu.memory_space<vmem>>)
      %mul3A_248 = arith.constant 80 : i32
      %mul3A_249 = arith.muli %add3A_221, %mul3A_248 : i32
      %add3A_250 = arith.addi %mul3A_2, %mul3A_249 : i32
      %dma_wait3A_251 = arith.constant 0 : i32
      %dma_wait3A_252 = arith.constant 0 : i32
      %dma_wait3A_253 = tpu.memref_slice %arg12[%dma_wait3A_251, %dma_wait3A_252] : memref<3x80xf32, #tpu.memory_space<vmem>> -> memref<1x80xf32, #tpu.memory_space<vmem>>
      %dma_wait3A_254 = tpu.memref_squeeze %dma_wait3A_253 : memref<1x80xf32, #tpu.memory_space<vmem>> -> memref<80xf32, #tpu.memory_space<vmem>>
      %dma_wait3A_255 = tpu.memref_slice %arg5[%add3A_250] : memref<320000xf32, #tpu.memory_space<hbm>> -> memref<80xf32, #tpu.memory_space<hbm>>
      %dma_wait3A_256 = arith.constant 0 : i32
      %dma_wait3A_257 = tpu.memref_slice %arg12[%dma_wait3A_251, %dma_wait3A_256] : memref<3x80xf32, #tpu.memory_space<vmem>> -> memref<1x80xf32, #tpu.memory_space<vmem>>
      %dma_wait3A_258 = tpu.memref_squeeze %dma_wait3A_257 : memref<1x80xf32, #tpu.memory_space<vmem>> -> memref<80xf32, #tpu.memory_space<vmem>>
      %dma_wait3A_259 = tpu.memref_slice %arg5[%add3A_250] : memref<320000xf32, #tpu.memory_space<hbm>> -> memref<80xf32, #tpu.memory_space<hbm>>
      tpu.wait_dma2 semaphore(%arg14 : memref<!tpu.dma_semaphore, #tpu.memory_space<semaphore_mem>>) src(%dma_wait3A_259 : memref<80xf32, #tpu.memory_space<hbm>>) dst(%dma_wait3A_258 : memref<80xf32, #tpu.memory_space<vmem>>)
      %scan3A_260 = arith.constant 0 : i32
      %scan3A_261 = arith.constant 80 : i32
      %scan3A_262 = arith.addi %scan3A_260, %scan3A_261 : i32
      %scan3A_263 = arith.constant 1 : i32
      scf.for %scan3A_380 = %scan3A_260 to %scan3A_262 step %scan3A_263  : i32 {
        %broadcast_in_dim3A_381 = vector.broadcast %scan3A_380 : i32 to vector<16xi32>
        %gather3A = arith.constant 0 : i32
        %gather3A_382 = arith.constant 0 : i32
        %gather3A_383 = tpu.memref_slice %arg12[%gather3A, %gather3A_382] : memref<3x80xf32, #tpu.memory_space<vmem>> -> memref<1x80xf32, #tpu.memory_space<vmem>>
        %gather3A_384 = tpu.memref_squeeze %gather3A_383 : memref<1x80xf32, #tpu.memory_space<vmem>> -> memref<80xf32, #tpu.memory_space<vmem>>
        %gather3A_385 = tpu.vector_load_idx %gather3A_384[%broadcast_in_dim3A_381] : memref<80xf32, #tpu.memory_space<vmem>>[vector<16xi32>], vector<16xf32>,
        %get3A = arith.index_cast %scan3A_380 : i32 to index
        %get3A_386 = arith.constant 0 : index
        %get3A_387 = tpu.vector_load %arg8[%get3A, %get3A_386] {strides = array<i32>} : memref<80x128xf32, #tpu.memory_space<vmem>>, vector<16xf32>,
        %mul3A_388 = arith.mulf %get3A_387, %gather3A_385 : vector<16xf32>
        %swap3A = arith.index_cast %scan3A_380 : i32 to index
        %swap3A_389 = arith.constant 0 : index
        %swap3A_390 = tpu.vector_load %arg8[%swap3A, %swap3A_389] {strides = array<i32>} : memref<80x128xf32, #tpu.memory_space<vmem>>, vector<16xf32>,
        tpu.vector_store %arg8[%swap3A, %swap3A_389], %mul3A_388 {strides = array<i32>} : memref<80x128xf32, #tpu.memory_space<vmem>>, vector<16xf32>,
        %get3A_391 = arith.index_cast %scan3A_380 : i32 to index
        %get3A_392 = arith.constant 16 : index
        %get3A_393 = tpu.vector_load %arg8[%get3A_391, %get3A_392] {strides = array<i32>} : memref<80x128xf32, #tpu.memory_space<vmem>>, vector<16xf32>,
        %mul3A_394 = arith.mulf %get3A_393, %gather3A_385 : vector<16xf32>
        %swap3A_395 = arith.index_cast %scan3A_380 : i32 to index
        %swap3A_396 = arith.constant 16 : index
        %swap3A_397 = tpu.vector_load %arg8[%swap3A_395, %swap3A_396] {strides = array<i32>} : memref<80x128xf32, #tpu.memory_space<vmem>>, vector<16xf32>,
        tpu.vector_store %arg8[%swap3A_395, %swap3A_396], %mul3A_394 {strides = array<i32>} : memref<80x128xf32, #tpu.memory_space<vmem>>, vector<16xf32>,
        %get3A_398 = arith.index_cast %scan3A_380 : i32 to index
        %get3A_399 = arith.constant 32 : index
        %get3A_400 = tpu.vector_load %arg8[%get3A_398, %get3A_399] {strides = array<i32>} : memref<80x128xf32, #tpu.memory_space<vmem>>, vector<16xf32>,
        %mul3A_401 = arith.mulf %get3A_400, %gather3A_385 : vector<16xf32>
        %swap3A_402 = arith.index_cast %scan3A_380 : i32 to index
        %swap3A_403 = arith.constant 32 : index
        %swap3A_404 = tpu.vector_load %arg8[%swap3A_402, %swap3A_403] {strides = array<i32>} : memref<80x128xf32, #tpu.memory_space<vmem>>, vector<16xf32>,
        tpu.vector_store %arg8[%swap3A_402, %swap3A_403], %mul3A_401 {strides = array<i32>} : memref<80x128xf32, #tpu.memory_space<vmem>>, vector<16xf32>,
        %get3A_405 = arith.index_cast %scan3A_380 : i32 to index
        %get3A_406 = arith.constant 48 : index
        %get3A_407 = tpu.vector_load %arg8[%get3A_405, %get3A_406] {strides = array<i32>} : memref<80x128xf32, #tpu.memory_space<vmem>>, vector<16xf32>,
        %mul3A_408 = arith.mulf %get3A_407, %gather3A_385 : vector<16xf32>
        %swap3A_409 = arith.index_cast %scan3A_380 : i32 to index
        %swap3A_410 = arith.constant 48 : index
        %swap3A_411 = tpu.vector_load %arg8[%swap3A_409, %swap3A_410] {strides = array<i32>} : memref<80x128xf32, #tpu.memory_space<vmem>>, vector<16xf32>,
        tpu.vector_store %arg8[%swap3A_409, %swap3A_410], %mul3A_408 {strides = array<i32>} : memref<80x128xf32, #tpu.memory_space<vmem>>, vector<16xf32>,
        %get3A_412 = arith.index_cast %scan3A_380 : i32 to index
        %get3A_413 = arith.constant 64 : index
        %get3A_414 = tpu.vector_load %arg8[%get3A_412, %get3A_413] {strides = array<i32>} : memref<80x128xf32, #tpu.memory_space<vmem>>, vector<16xf32>,
        %mul3A_415 = arith.mulf %get3A_414, %gather3A_385 : vector<16xf32>
        %swap3A_416 = arith.index_cast %scan3A_380 : i32 to index
        %swap3A_417 = arith.constant 64 : index
        %swap3A_418 = tpu.vector_load %arg8[%swap3A_416, %swap3A_417] {strides = array<i32>} : memref<80x128xf32, #tpu.memory_space<vmem>>, vector<16xf32>,
        tpu.vector_store %arg8[%swap3A_416, %swap3A_417], %mul3A_415 {strides = array<i32>} : memref<80x128xf32, #tpu.memory_space<vmem>>, vector<16xf32>,
        %get3A_419 = arith.index_cast %scan3A_380 : i32 to index
        %get3A_420 = arith.constant 80 : index
        %get3A_421 = tpu.vector_load %arg8[%get3A_419, %get3A_420] {strides = array<i32>} : memref<80x128xf32, #tpu.memory_space<vmem>>, vector<16xf32>,
        %mul3A_422 = arith.mulf %get3A_421, %gather3A_385 : vector<16xf32>
        %swap3A_423 = arith.index_cast %scan3A_380 : i32 to index
        %swap3A_424 = arith.constant 80 : index
        %swap3A_425 = tpu.vector_load %arg8[%swap3A_423, %swap3A_424] {strides = array<i32>} : memref<80x128xf32, #tpu.memory_space<vmem>>, vector<16xf32>,
        tpu.vector_store %arg8[%swap3A_423, %swap3A_424], %mul3A_422 {strides = array<i32>} : memref<80x128xf32, #tpu.memory_space<vmem>>, vector<16xf32>,
        %get3A_426 = arith.index_cast %scan3A_380 : i32 to index
        %get3A_427 = arith.constant 96 : index
        %get3A_428 = tpu.vector_load %arg8[%get3A_426, %get3A_427] {strides = array<i32>} : memref<80x128xf32, #tpu.memory_space<vmem>>, vector<16xf32>,
        %mul3A_429 = arith.mulf %get3A_428, %gather3A_385 : vector<16xf32>
        %swap3A_430 = arith.index_cast %scan3A_380 : i32 to index
        %swap3A_431 = arith.constant 96 : index
        %swap3A_432 = tpu.vector_load %arg8[%swap3A_430, %swap3A_431] {strides = array<i32>} : memref<80x128xf32, #tpu.memory_space<vmem>>, vector<16xf32>,
        tpu.vector_store %arg8[%swap3A_430, %swap3A_431], %mul3A_429 {strides = array<i32>} : memref<80x128xf32, #tpu.memory_space<vmem>>, vector<16xf32>,
        %get3A_433 = arith.index_cast %scan3A_380 : i32 to index
        %get3A_434 = arith.constant 112 : index
        %get3A_435 = tpu.vector_load %arg8[%get3A_433, %get3A_434] {strides = array<i32>} : memref<80x128xf32, #tpu.memory_space<vmem>>, vector<16xf32>,
        %mul3A_436 = arith.mulf %get3A_435, %gather3A_385 : vector<16xf32>
        %swap3A_437 = arith.index_cast %scan3A_380 : i32 to index
        %swap3A_438 = arith.constant 112 : index
        %swap3A_439 = tpu.vector_load %arg8[%swap3A_437, %swap3A_438] {strides = array<i32>} : memref<80x128xf32, #tpu.memory_space<vmem>>, vector<16xf32>,
        tpu.vector_store %arg8[%swap3A_437, %swap3A_438], %mul3A_436 {strides = array<i32>} : memref<80x128xf32, #tpu.memory_space<vmem>>, vector<16xf32>,
      }
      %scan3A_264 = arith.constant 80 : i32
      %dma_start3A_265 = arith.constant 0 : i32
      %dma_start3A_266 = arith.constant 0 : i32
      %dma_start3A_267 = tpu.memref_slice %arg11[%dma_start3A_265, %dma_start3A_266] : memref<3x80xi32, #tpu.memory_space<vmem>> -> memref<1x80xi32, #tpu.memory_space<vmem>>
      %dma_start3A_268 = tpu.memref_squeeze %dma_start3A_267 : memref<1x80xi32, #tpu.memory_space<vmem>> -> memref<80xi32, #tpu.memory_space<vmem>>
      %dma_start3A_269 = arith.constant 0 : i32
      %dma_start3A_270 = arith.constant 0 : i32
      %dma_start3A_271 = tpu.memref_slice %arg13[%dma_start3A_269, %dma_start3A_270] : memref<10000x128xf32, #tpu.memory_space<vmem_shared>> -> memref<10000x128xf32, #tpu.memory_space<vmem_shared>>
      tpu.enqueue_indirect_dma source(%arg8 : memref<80x128xf32, #tpu.memory_space<vmem>>) target(%dma_start3A_271 : memref<10000x128xf32, #tpu.memory_space<vmem_shared>>) offsets(%dma_start3A_268 : memref<80xi32, #tpu.memory_space<vmem>>) semaphore(%arg17 : memref<!tpu.dma_semaphore, #tpu.memory_space<semaphore_mem>>) {add = true}
      %add3A_272 = arith.constant 1 : i32
      %add3A_273 = arith.addi %add3A_219, %add3A_272 : i32
      %ge3A_274 = arith.constant 2 : i32
      %ge3A_275 = arith.cmpi sge, %add3A_273, %ge3A_274 : i32
      %convert_element_type3A_276 = arith.extui %ge3A_275 : i1 to i32
      %cond3A_277 = arith.constant 0 : i32
      %cond3A_278 = arith.cmpi ne, %convert_element_type3A_276, %cond3A_277 : i32
      scf.if %cond3A_278 {
        %dma_wait3A_380 = arith.constant 2 : i32
        %dma_wait3A_381 = arith.constant 0 : i32
        %dma_wait3A_382 = tpu.memref_slice %arg11[%dma_wait3A_380, %dma_wait3A_381] : memref<3x80xi32, #tpu.memory_space<vmem>> -> memref<1x80xi32, #tpu.memory_space<vmem>>
        %dma_wait3A_383 = tpu.memref_squeeze %dma_wait3A_382 : memref<1x80xi32, #tpu.memory_space<vmem>> -> memref<80xi32, #tpu.memory_space<vmem>>
        %dma_wait3A_384 = arith.constant 0 : i32
        %dma_wait3A_385 = arith.constant 0 : i32
        %dma_wait3A_386 = tpu.memref_slice %arg13[%dma_wait3A_384, %dma_wait3A_385] : memref<10000x128xf32, #tpu.memory_space<vmem_shared>> -> memref<10000x128xf32, #tpu.memory_space<vmem_shared>>
        tpu.wait_indirect_dma semaphore(%arg19 : memref<!tpu.dma_semaphore, #tpu.memory_space<semaphore_mem>>) src(%arg10 : memref<80x128xf32, #tpu.memory_space<vmem>>) dst(%dma_wait3A_386 : memref<10000x128xf32, #tpu.memory_space<vmem_shared>>)
      } else {
      }
      %le3A_279 = arith.constant 123 : i32
      %le3A_280 = arith.cmpi sle, %add3A_273, %le3A_279 : i32
      %convert_element_type3A_281 = arith.extui %le3A_280 : i1 to i32
      %cond3A_282 = arith.constant 0 : i32
      %cond3A_283 = arith.cmpi ne, %convert_element_type3A_281, %cond3A_282 : i32
      scf.if %cond3A_283 {
        %add3A_380 = arith.constant 1 : i32
        %add3A_381 = arith.addi %add3A_273, %add3A_380 : i32
        %mul3A_382 = arith.constant 80 : i32
        %mul3A_383 = arith.muli %add3A_381, %mul3A_382 : i32
        %dma_start3A_384 = tpu.memref_slice %arg7[%mul3A_383] : memref<10000xi32, #tpu.memory_space<vmem>> -> memref<80xi32, #tpu.memory_space<vmem>>
        %dma_start3A_385 = arith.constant 0 : i32
        %dma_start3A_386 = arith.constant 0 : i32
        %dma_start3A_387 = tpu.memref_slice %arg2[%dma_start3A_385, %dma_start3A_386] : memref<80000x128xf32, #tpu.memory_space<hbm>> -> memref<80000x128xf32, #tpu.memory_space<hbm>>
        tpu.enqueue_indirect_dma source(%dma_start3A_387 : memref<80000x128xf32, #tpu.memory_space<hbm>>) target(%arg10 : memref<80x128xf32, #tpu.memory_space<vmem>>) offsets(%dma_start3A_384 : memref<80xi32, #tpu.memory_space<vmem>>) semaphore(%arg16 : memref<!tpu.dma_semaphore, #tpu.memory_space<semaphore_mem>>)
        %mul3A_388 = arith.constant 80 : i32
        %mul3A_389 = arith.muli %add3A_381, %mul3A_388 : i32
        %add3A_390 = arith.addi %mul3A_2, %mul3A_389 : i32
        %dma_start3A_391 = arith.constant 2 : i32
        %dma_start3A_392 = arith.constant 0 : i32
        %dma_start3A_393 = tpu.memref_slice %arg11[%dma_start3A_391, %dma_start3A_392] : memref<3x80xi32, #tpu.memory_space<vmem>> -> memref<1x80xi32, #tpu.memory_space<vmem>>
        %dma_start3A_394 = tpu.memref_squeeze %dma_start3A_393 : memref<1x80xi32, #tpu.memory_space<vmem>> -> memref<80xi32, #tpu.memory_space<vmem>>
        %dma_start3A_395 = tpu.memref_slice %arg4[%add3A_390] : memref<320000xi32, #tpu.memory_space<hbm>> -> memref<80xi32, #tpu.memory_space<hbm>>
        %dma_start3A_396 = arith.constant 0 : i32
        %dma_start3A_397 = tpu.memref_slice %arg11[%dma_start3A_391, %dma_start3A_396] : memref<3x80xi32, #tpu.memory_space<vmem>> -> memref<1x80xi32, #tpu.memory_space<vmem>>
        %dma_start3A_398 = tpu.memref_squeeze %dma_start3A_397 : memref<1x80xi32, #tpu.memory_space<vmem>> -> memref<80xi32, #tpu.memory_space<vmem>>
        %dma_start3A_399 = tpu.memref_slice %arg4[%add3A_390] : memref<320000xi32, #tpu.memory_space<hbm>> -> memref<80xi32, #tpu.memory_space<hbm>>
        tpu.enqueue_dma source(%dma_start3A_399 : memref<80xi32, #tpu.memory_space<hbm>>) target(%dma_start3A_398 : memref<80xi32, #tpu.memory_space<vmem>>) target_semaphore(%arg16 : memref<!tpu.dma_semaphore, #tpu.memory_space<semaphore_mem>>)
        %mul3A_400 = arith.constant 80 : i32
        %mul3A_401 = arith.muli %add3A_381, %mul3A_400 : i32
        %add3A_402 = arith.addi %mul3A_2, %mul3A_401 : i32
        %dma_start3A_403 = arith.constant 2 : i32
        %dma_start3A_404 = arith.constant 0 : i32
        %dma_start3A_405 = tpu.memref_slice %arg12[%dma_start3A_403, %dma_start3A_404] : memref<3x80xf32, #tpu.memory_space<vmem>> -> memref<1x80xf32, #tpu.memory_space<vmem>>
        %dma_start3A_406 = tpu.memref_squeeze %dma_start3A_405 : memref<1x80xf32, #tpu.memory_space<vmem>> -> memref<80xf32, #tpu.memory_space<vmem>>
        %dma_start3A_407 = tpu.memref_slice %arg5[%add3A_402] : memref<320000xf32, #tpu.memory_space<hbm>> -> memref<80xf32, #tpu.memory_space<hbm>>
        %dma_start3A_408 = arith.constant 0 : i32
        %dma_start3A_409 = tpu.memref_slice %arg12[%dma_start3A_403, %dma_start3A_408] : memref<3x80xf32, #tpu.memory_space<vmem>> -> memref<1x80xf32, #tpu.memory_space<vmem>>
        %dma_start3A_410 = tpu.memref_squeeze %dma_start3A_409 : memref<1x80xf32, #tpu.memory_space<vmem>> -> memref<80xf32, #tpu.memory_space<vmem>>
        %dma_start3A_411 = tpu.memref_slice %arg5[%add3A_402] : memref<320000xf32, #tpu.memory_space<hbm>> -> memref<80xf32, #tpu.memory_space<hbm>>
        tpu.enqueue_dma source(%dma_start3A_411 : memref<80xf32, #tpu.memory_space<hbm>>) target(%dma_start3A_410 : memref<80xf32, #tpu.memory_space<vmem>>) target_semaphore(%arg16 : memref<!tpu.dma_semaphore, #tpu.memory_space<semaphore_mem>>)
      } else {
      }
      %mul3A_284 = arith.constant 80 : i32
      %mul3A_285 = arith.muli %add3A_273, %mul3A_284 : i32
      %dma_wait3A_286 = tpu.memref_slice %arg7[%mul3A_285] : memref<10000xi32, #tpu.memory_space<vmem>> -> memref<80xi32, #tpu.memory_space<vmem>>
      %dma_wait3A_287 = arith.constant 0 : i32
      %dma_wait3A_288 = arith.constant 0 : i32
      %dma_wait3A_289 = tpu.memref_slice %arg2[%dma_wait3A_287, %dma_wait3A_288] : memref<80000x128xf32, #tpu.memory_space<hbm>> -> memref<80000x128xf32, #tpu.memory_space<hbm>>
      tpu.wait_indirect_dma semaphore(%arg15 : memref<!tpu.dma_semaphore, #tpu.memory_space<semaphore_mem>>) src(%dma_wait3A_289 : memref<80000x128xf32, #tpu.memory_space<hbm>>) dst(%arg9 : memref<80x128xf32, #tpu.memory_space<vmem>>)
      %mul3A_290 = arith.constant 80 : i32
      %mul3A_291 = arith.muli %add3A_273, %mul3A_290 : i32
      %add3A_292 = arith.addi %mul3A_2, %mul3A_291 : i32
      %dma_wait3A_293 = arith.constant 1 : i32
      %dma_wait3A_294 = arith.constant 0 : i32
      %dma_wait3A_295 = tpu.memref_slice %arg11[%dma_wait3A_293, %dma_wait3A_294] : memref<3x80xi32, #tpu.memory_space<vmem>> -> memref<1x80xi32, #tpu.memory_space<vmem>>
      %dma_wait3A_296 = tpu.memref_squeeze %dma_wait3A_295 : memref<1x80xi32, #tpu.memory_space<vmem>> -> memref<80xi32, #tpu.memory_space<vmem>>
      %dma_wait3A_297 = tpu.memref_slice %arg4[%add3A_292] : memref<320000xi32, #tpu.memory_space<hbm>> -> memref<80xi32, #tpu.memory_space<hbm>>
      %dma_wait3A_298 = arith.constant 0 : i32
      %dma_wait3A_299 = tpu.memref_slice %arg11[%dma_wait3A_293, %dma_wait3A_298] : memref<3x80xi32, #tpu.memory_space<vmem>> -> memref<1x80xi32, #tpu.memory_space<vmem>>
      %dma_wait3A_300 = tpu.memref_squeeze %dma_wait3A_299 : memref<1x80xi32, #tpu.memory_space<vmem>> -> memref<80xi32, #tpu.memory_space<vmem>>
      %dma_wait3A_301 = tpu.memref_slice %arg4[%add3A_292] : memref<320000xi32, #tpu.memory_space<hbm>> -> memref<80xi32, #tpu.memory_space<hbm>>
      tpu.wait_dma2 semaphore(%arg15 : memref<!tpu.dma_semaphore, #tpu.memory_space<semaphore_mem>>) src(%dma_wait3A_301 : memref<80xi32, #tpu.memory_space<hbm>>) dst(%dma_wait3A_300 : memref<80xi32, #tpu.memory_space<vmem>>)
      %mul3A_302 = arith.constant 80 : i32
      %mul3A_303 = arith.muli %add3A_273, %mul3A_302 : i32
      %add3A_304 = arith.addi %mul3A_2, %mul3A_303 : i32
      %dma_wait3A_305 = arith.constant 1 : i32
      %dma_wait3A_306 = arith.constant 0 : i32
      %dma_wait3A_307 = tpu.memref_slice %arg12[%dma_wait3A_305, %dma_wait3A_306] : memref<3x80xf32, #tpu.memory_space<vmem>> -> memref<1x80xf32, #tpu.memory_space<vmem>>
      %dma_wait3A_308 = tpu.memref_squeeze %dma_wait3A_307 : memref<1x80xf32, #tpu.memory_space<vmem>> -> memref<80xf32, #tpu.memory_space<vmem>>
      %dma_wait3A_309 = tpu.memref_slice %arg5[%add3A_304] : memref<320000xf32, #tpu.memory_space<hbm>> -> memref<80xf32, #tpu.memory_space<hbm>>
      %dma_wait3A_310 = arith.constant 0 : i32
      %dma_wait3A_311 = tpu.memref_slice %arg12[%dma_wait3A_305, %dma_wait3A_310] : memref<3x80xf32, #tpu.memory_space<vmem>> -> memref<1x80xf32, #tpu.memory_space<vmem>>
      %dma_wait3A_312 = tpu.memref_squeeze %dma_wait3A_311 : memref<1x80xf32, #tpu.memory_space<vmem>> -> memref<80xf32, #tpu.memory_space<vmem>>
      %dma_wait3A_313 = tpu.memref_slice %arg5[%add3A_304] : memref<320000xf32, #tpu.memory_space<hbm>> -> memref<80xf32, #tpu.memory_space<hbm>>
      tpu.wait_dma2 semaphore(%arg15 : memref<!tpu.dma_semaphore, #tpu.memory_space<semaphore_mem>>) src(%dma_wait3A_313 : memref<80xf32, #tpu.memory_space<hbm>>) dst(%dma_wait3A_312 : memref<80xf32, #tpu.memory_space<vmem>>)
      %scan3A_314 = arith.constant 0 : i32
      %scan3A_315 = arith.constant 80 : i32
      %scan3A_316 = arith.addi %scan3A_314, %scan3A_315 : i32
      %scan3A_317 = arith.constant 1 : i32
      scf.for %scan3A_380 = %scan3A_314 to %scan3A_316 step %scan3A_317  : i32 {
        %broadcast_in_dim3A_381 = vector.broadcast %scan3A_380 : i32 to vector<16xi32>
        %gather3A = arith.constant 1 : i32
        %gather3A_382 = arith.constant 0 : i32
        %gather3A_383 = tpu.memref_slice %arg12[%gather3A, %gather3A_382] : memref<3x80xf32, #tpu.memory_space<vmem>> -> memref<1x80xf32, #tpu.memory_space<vmem>>
        %gather3A_384 = tpu.memref_squeeze %gather3A_383 : memref<1x80xf32, #tpu.memory_space<vmem>> -> memref<80xf32, #tpu.memory_space<vmem>>
        %gather3A_385 = tpu.vector_load_idx %gather3A_384[%broadcast_in_dim3A_381] : memref<80xf32, #tpu.memory_space<vmem>>[vector<16xi32>], vector<16xf32>,
        %get3A = arith.index_cast %scan3A_380 : i32 to index
        %get3A_386 = arith.constant 0 : index
        %get3A_387 = tpu.vector_load %arg9[%get3A, %get3A_386] {strides = array<i32>} : memref<80x128xf32, #tpu.memory_space<vmem>>, vector<16xf32>,
        %mul3A_388 = arith.mulf %get3A_387, %gather3A_385 : vector<16xf32>
        %swap3A = arith.index_cast %scan3A_380 : i32 to index
        %swap3A_389 = arith.constant 0 : index
        %swap3A_390 = tpu.vector_load %arg9[%swap3A, %swap3A_389] {strides = array<i32>} : memref<80x128xf32, #tpu.memory_space<vmem>>, vector<16xf32>,
        tpu.vector_store %arg9[%swap3A, %swap3A_389], %mul3A_388 {strides = array<i32>} : memref<80x128xf32, #tpu.memory_space<vmem>>, vector<16xf32>,
        %get3A_391 = arith.index_cast %scan3A_380 : i32 to index
        %get3A_392 = arith.constant 16 : index
        %get3A_393 = tpu.vector_load %arg9[%get3A_391, %get3A_392] {strides = array<i32>} : memref<80x128xf32, #tpu.memory_space<vmem>>, vector<16xf32>,
        %mul3A_394 = arith.mulf %get3A_393, %gather3A_385 : vector<16xf32>
        %swap3A_395 = arith.index_cast %scan3A_380 : i32 to index
        %swap3A_396 = arith.constant 16 : index
        %swap3A_397 = tpu.vector_load %arg9[%swap3A_395, %swap3A_396] {strides = array<i32>} : memref<80x128xf32, #tpu.memory_space<vmem>>, vector<16xf32>,
        tpu.vector_store %arg9[%swap3A_395, %swap3A_396], %mul3A_394 {strides = array<i32>} : memref<80x128xf32, #tpu.memory_space<vmem>>, vector<16xf32>,
        %get3A_398 = arith.index_cast %scan3A_380 : i32 to index
        %get3A_399 = arith.constant 32 : index
        %get3A_400 = tpu.vector_load %arg9[%get3A_398, %get3A_399] {strides = array<i32>} : memref<80x128xf32, #tpu.memory_space<vmem>>, vector<16xf32>,
        %mul3A_401 = arith.mulf %get3A_400, %gather3A_385 : vector<16xf32>
        %swap3A_402 = arith.index_cast %scan3A_380 : i32 to index
        %swap3A_403 = arith.constant 32 : index
        %swap3A_404 = tpu.vector_load %arg9[%swap3A_402, %swap3A_403] {strides = array<i32>} : memref<80x128xf32, #tpu.memory_space<vmem>>, vector<16xf32>,
        tpu.vector_store %arg9[%swap3A_402, %swap3A_403], %mul3A_401 {strides = array<i32>} : memref<80x128xf32, #tpu.memory_space<vmem>>, vector<16xf32>,
        %get3A_405 = arith.index_cast %scan3A_380 : i32 to index
        %get3A_406 = arith.constant 48 : index
        %get3A_407 = tpu.vector_load %arg9[%get3A_405, %get3A_406] {strides = array<i32>} : memref<80x128xf32, #tpu.memory_space<vmem>>, vector<16xf32>,
        %mul3A_408 = arith.mulf %get3A_407, %gather3A_385 : vector<16xf32>
        %swap3A_409 = arith.index_cast %scan3A_380 : i32 to index
        %swap3A_410 = arith.constant 48 : index
        %swap3A_411 = tpu.vector_load %arg9[%swap3A_409, %swap3A_410] {strides = array<i32>} : memref<80x128xf32, #tpu.memory_space<vmem>>, vector<16xf32>,
        tpu.vector_store %arg9[%swap3A_409, %swap3A_410], %mul3A_408 {strides = array<i32>} : memref<80x128xf32, #tpu.memory_space<vmem>>, vector<16xf32>,
        %get3A_412 = arith.index_cast %scan3A_380 : i32 to index
        %get3A_413 = arith.constant 64 : index
        %get3A_414 = tpu.vector_load %arg9[%get3A_412, %get3A_413] {strides = array<i32>} : memref<80x128xf32, #tpu.memory_space<vmem>>, vector<16xf32>,
        %mul3A_415 = arith.mulf %get3A_414, %gather3A_385 : vector<16xf32>
        %swap3A_416 = arith.index_cast %scan3A_380 : i32 to index
        %swap3A_417 = arith.constant 64 : index
        %swap3A_418 = tpu.vector_load %arg9[%swap3A_416, %swap3A_417] {strides = array<i32>} : memref<80x128xf32, #tpu.memory_space<vmem>>, vector<16xf32>,
        tpu.vector_store %arg9[%swap3A_416, %swap3A_417], %mul3A_415 {strides = array<i32>} : memref<80x128xf32, #tpu.memory_space<vmem>>, vector<16xf32>,
        %get3A_419 = arith.index_cast %scan3A_380 : i32 to index
        %get3A_420 = arith.constant 80 : index
        %get3A_421 = tpu.vector_load %arg9[%get3A_419, %get3A_420] {strides = array<i32>} : memref<80x128xf32, #tpu.memory_space<vmem>>, vector<16xf32>,
        %mul3A_422 = arith.mulf %get3A_421, %gather3A_385 : vector<16xf32>
        %swap3A_423 = arith.index_cast %scan3A_380 : i32 to index
        %swap3A_424 = arith.constant 80 : index
        %swap3A_425 = tpu.vector_load %arg9[%swap3A_423, %swap3A_424] {strides = array<i32>} : memref<80x128xf32, #tpu.memory_space<vmem>>, vector<16xf32>,
        tpu.vector_store %arg9[%swap3A_423, %swap3A_424], %mul3A_422 {strides = array<i32>} : memref<80x128xf32, #tpu.memory_space<vmem>>, vector<16xf32>,
        %get3A_426 = arith.index_cast %scan3A_380 : i32 to index
        %get3A_427 = arith.constant 96 : index
        %get3A_428 = tpu.vector_load %arg9[%get3A_426, %get3A_427] {strides = array<i32>} : memref<80x128xf32, #tpu.memory_space<vmem>>, vector<16xf32>,
        %mul3A_429 = arith.mulf %get3A_428, %gather3A_385 : vector<16xf32>
        %swap3A_430 = arith.index_cast %scan3A_380 : i32 to index
        %swap3A_431 = arith.constant 96 : index
        %swap3A_432 = tpu.vector_load %arg9[%swap3A_430, %swap3A_431] {strides = array<i32>} : memref<80x128xf32, #tpu.memory_space<vmem>>, vector<16xf32>,
        tpu.vector_store %arg9[%swap3A_430, %swap3A_431], %mul3A_429 {strides = array<i32>} : memref<80x128xf32, #tpu.memory_space<vmem>>, vector<16xf32>,
        %get3A_433 = arith.index_cast %scan3A_380 : i32 to index
        %get3A_434 = arith.constant 112 : index
        %get3A_435 = tpu.vector_load %arg9[%get3A_433, %get3A_434] {strides = array<i32>} : memref<80x128xf32, #tpu.memory_space<vmem>>, vector<16xf32>,
        %mul3A_436 = arith.mulf %get3A_435, %gather3A_385 : vector<16xf32>
        %swap3A_437 = arith.index_cast %scan3A_380 : i32 to index
        %swap3A_438 = arith.constant 112 : index
        %swap3A_439 = tpu.vector_load %arg9[%swap3A_437, %swap3A_438] {strides = array<i32>} : memref<80x128xf32, #tpu.memory_space<vmem>>, vector<16xf32>,
        tpu.vector_store %arg9[%swap3A_437, %swap3A_438], %mul3A_436 {strides = array<i32>} : memref<80x128xf32, #tpu.memory_space<vmem>>, vector<16xf32>,
      }
      %scan3A_318 = arith.constant 80 : i32
      %dma_start3A_319 = arith.constant 1 : i32
      %dma_start3A_320 = arith.constant 0 : i32
      %dma_start3A_321 = tpu.memref_slice %arg11[%dma_start3A_319, %dma_start3A_320] : memref<3x80xi32, #tpu.memory_space<vmem>> -> memref<1x80xi32, #tpu.memory_space<vmem>>
      %dma_start3A_322 = tpu.memref_squeeze %dma_start3A_321 : memref<1x80xi32, #tpu.memory_space<vmem>> -> memref<80xi32, #tpu.memory_space<vmem>>
      %dma_start3A_323 = arith.constant 0 : i32
      %dma_start3A_324 = arith.constant 0 : i32
      %dma_start3A_325 = tpu.memref_slice %arg13[%dma_start3A_323, %dma_start3A_324] : memref<10000x128xf32, #tpu.memory_space<vmem_shared>> -> memref<10000x128xf32, #tpu.memory_space<vmem_shared>>
      tpu.enqueue_indirect_dma source(%arg9 : memref<80x128xf32, #tpu.memory_space<vmem>>) target(%dma_start3A_325 : memref<10000x128xf32, #tpu.memory_space<vmem_shared>>) offsets(%dma_start3A_322 : memref<80xi32, #tpu.memory_space<vmem>>) semaphore(%arg18 : memref<!tpu.dma_semaphore, #tpu.memory_space<semaphore_mem>>) {add = true}
      %add3A_326 = arith.constant 2 : i32
      %add3A_327 = arith.addi %add3A_219, %add3A_326 : i32
      %ge3A_328 = arith.constant 2 : i32
      %ge3A_329 = arith.cmpi sge, %add3A_327, %ge3A_328 : i32
      %convert_element_type3A_330 = arith.extui %ge3A_329 : i1 to i32
      %cond3A_331 = arith.constant 0 : i32
      %cond3A_332 = arith.cmpi ne, %convert_element_type3A_330, %cond3A_331 : i32
      scf.if %cond3A_332 {
        %dma_wait3A_380 = arith.constant 0 : i32
        %dma_wait3A_381 = arith.constant 0 : i32
        %dma_wait3A_382 = tpu.memref_slice %arg11[%dma_wait3A_380, %dma_wait3A_381] : memref<3x80xi32, #tpu.memory_space<vmem>> -> memref<1x80xi32, #tpu.memory_space<vmem>>
        %dma_wait3A_383 = tpu.memref_squeeze %dma_wait3A_382 : memref<1x80xi32, #tpu.memory_space<vmem>> -> memref<80xi32, #tpu.memory_space<vmem>>
        %dma_wait3A_384 = arith.constant 0 : i32
        %dma_wait3A_385 = arith.constant 0 : i32
        %dma_wait3A_386 = tpu.memref_slice %arg13[%dma_wait3A_384, %dma_wait3A_385] : memref<10000x128xf32, #tpu.memory_space<vmem_shared>> -> memref<10000x128xf32, #tpu.memory_space<vmem_shared>>
        tpu.wait_indirect_dma semaphore(%arg17 : memref<!tpu.dma_semaphore, #tpu.memory_space<semaphore_mem>>) src(%arg8 : memref<80x128xf32, #tpu.memory_space<vmem>>) dst(%dma_wait3A_386 : memref<10000x128xf32, #tpu.memory_space<vmem_shared>>)
      } else {
      }
      %le3A_333 = arith.constant 123 : i32
      %le3A_334 = arith.cmpi sle, %add3A_327, %le3A_333 : i32
      %convert_element_type3A_335 = arith.extui %le3A_334 : i1 to i32
      %cond3A_336 = arith.constant 0 : i32
      %cond3A_337 = arith.cmpi ne, %convert_element_type3A_335, %cond3A_336 : i32
      scf.if %cond3A_337 {
        %add3A_380 = arith.constant 1 : i32
        %add3A_381 = arith.addi %add3A_327, %add3A_380 : i32
        %mul3A_382 = arith.constant 80 : i32
        %mul3A_383 = arith.muli %add3A_381, %mul3A_382 : i32
        %dma_start3A_384 = tpu.memref_slice %arg7[%mul3A_383] : memref<10000xi32, #tpu.memory_space<vmem>> -> memref<80xi32, #tpu.memory_space<vmem>>
        %dma_start3A_385 = arith.constant 0 : i32
        %dma_start3A_386 = arith.constant 0 : i32
        %dma_start3A_387 = tpu.memref_slice %arg2[%dma_start3A_385, %dma_start3A_386] : memref<80000x128xf32, #tpu.memory_space<hbm>> -> memref<80000x128xf32, #tpu.memory_space<hbm>>
        tpu.enqueue_indirect_dma source(%dma_start3A_387 : memref<80000x128xf32, #tpu.memory_space<hbm>>) target(%arg8 : memref<80x128xf32, #tpu.memory_space<vmem>>) offsets(%dma_start3A_384 : memref<80xi32, #tpu.memory_space<vmem>>) semaphore(%arg14 : memref<!tpu.dma_semaphore, #tpu.memory_space<semaphore_mem>>)
        %mul3A_388 = arith.constant 80 : i32
        %mul3A_389 = arith.muli %add3A_381, %mul3A_388 : i32
        %add3A_390 = arith.addi %mul3A_2, %mul3A_389 : i32
        %dma_start3A_391 = arith.constant 0 : i32
        %dma_start3A_392 = arith.constant 0 : i32
        %dma_start3A_393 = tpu.memref_slice %arg11[%dma_start3A_391, %dma_start3A_392] : memref<3x80xi32, #tpu.memory_space<vmem>> -> memref<1x80xi32, #tpu.memory_space<vmem>>
        %dma_start3A_394 = tpu.memref_squeeze %dma_start3A_393 : memref<1x80xi32, #tpu.memory_space<vmem>> -> memref<80xi32, #tpu.memory_space<vmem>>
        %dma_start3A_395 = tpu.memref_slice %arg4[%add3A_390] : memref<320000xi32, #tpu.memory_space<hbm>> -> memref<80xi32, #tpu.memory_space<hbm>>
        %dma_start3A_396 = arith.constant 0 : i32
        %dma_start3A_397 = tpu.memref_slice %arg11[%dma_start3A_391, %dma_start3A_396] : memref<3x80xi32, #tpu.memory_space<vmem>> -> memref<1x80xi32, #tpu.memory_space<vmem>>
        %dma_start3A_398 = tpu.memref_squeeze %dma_start3A_397 : memref<1x80xi32, #tpu.memory_space<vmem>> -> memref<80xi32, #tpu.memory_space<vmem>>
        %dma_start3A_399 = tpu.memref_slice %arg4[%add3A_390] : memref<320000xi32, #tpu.memory_space<hbm>> -> memref<80xi32, #tpu.memory_space<hbm>>
        tpu.enqueue_dma source(%dma_start3A_399 : memref<80xi32, #tpu.memory_space<hbm>>) target(%dma_start3A_398 : memref<80xi32, #tpu.memory_space<vmem>>) target_semaphore(%arg14 : memref<!tpu.dma_semaphore, #tpu.memory_space<semaphore_mem>>)
        %mul3A_400 = arith.constant 80 : i32
        %mul3A_401 = arith.muli %add3A_381, %mul3A_400 : i32
        %add3A_402 = arith.addi %mul3A_2, %mul3A_401 : i32
        %dma_start3A_403 = arith.constant 0 : i32
        %dma_start3A_404 = arith.constant 0 : i32
        %dma_start3A_405 = tpu.memref_slice %arg12[%dma_start3A_403, %dma_start3A_404] : memref<3x80xf32, #tpu.memory_space<vmem>> -> memref<1x80xf32, #tpu.memory_space<vmem>>
        %dma_start3A_406 = tpu.memref_squeeze %dma_start3A_405 : memref<1x80xf32, #tpu.memory_space<vmem>> -> memref<80xf32, #tpu.memory_space<vmem>>
        %dma_start3A_407 = tpu.memref_slice %arg5[%add3A_402] : memref<320000xf32, #tpu.memory_space<hbm>> -> memref<80xf32, #tpu.memory_space<hbm>>
        %dma_start3A_408 = arith.constant 0 : i32
        %dma_start3A_409 = tpu.memref_slice %arg12[%dma_start3A_403, %dma_start3A_408] : memref<3x80xf32, #tpu.memory_space<vmem>> -> memref<1x80xf32, #tpu.memory_space<vmem>>
        %dma_start3A_410 = tpu.memref_squeeze %dma_start3A_409 : memref<1x80xf32, #tpu.memory_space<vmem>> -> memref<80xf32, #tpu.memory_space<vmem>>
        %dma_start3A_411 = tpu.memref_slice %arg5[%add3A_402] : memref<320000xf32, #tpu.memory_space<hbm>> -> memref<80xf32, #tpu.memory_space<hbm>>
        tpu.enqueue_dma source(%dma_start3A_411 : memref<80xf32, #tpu.memory_space<hbm>>) target(%dma_start3A_410 : memref<80xf32, #tpu.memory_space<vmem>>) target_semaphore(%arg14 : memref<!tpu.dma_semaphore, #tpu.memory_space<semaphore_mem>>)
      } else {
      }
      %mul3A_338 = arith.constant 80 : i32
      %mul3A_339 = arith.muli %add3A_327, %mul3A_338 : i32
      %dma_wait3A_340 = tpu.memref_slice %arg7[%mul3A_339] : memref<10000xi32, #tpu.memory_space<vmem>> -> memref<80xi32, #tpu.memory_space<vmem>>
      %dma_wait3A_341 = arith.constant 0 : i32
      %dma_wait3A_342 = arith.constant 0 : i32
      %dma_wait3A_343 = tpu.memref_slice %arg2[%dma_wait3A_341, %dma_wait3A_342] : memref<80000x128xf32, #tpu.memory_space<hbm>> -> memref<80000x128xf32, #tpu.memory_space<hbm>>
      tpu.wait_indirect_dma semaphore(%arg16 : memref<!tpu.dma_semaphore, #tpu.memory_space<semaphore_mem>>) src(%dma_wait3A_343 : memref<80000x128xf32, #tpu.memory_space<hbm>>) dst(%arg10 : memref<80x128xf32, #tpu.memory_space<vmem>>)
      %mul3A_344 = arith.constant 80 : i32
      %mul3A_345 = arith.muli %add3A_327, %mul3A_344 : i32
      %add3A_346 = arith.addi %mul3A_2, %mul3A_345 : i32
      %dma_wait3A_347 = arith.constant 2 : i32
      %dma_wait3A_348 = arith.constant 0 : i32
      %dma_wait3A_349 = tpu.memref_slice %arg11[%dma_wait3A_347, %dma_wait3A_348] : memref<3x80xi32, #tpu.memory_space<vmem>> -> memref<1x80xi32, #tpu.memory_space<vmem>>
      %dma_wait3A_350 = tpu.memref_squeeze %dma_wait3A_349 : memref<1x80xi32, #tpu.memory_space<vmem>> -> memref<80xi32, #tpu.memory_space<vmem>>
      %dma_wait3A_351 = tpu.memref_slice %arg4[%add3A_346] : memref<320000xi32, #tpu.memory_space<hbm>> -> memref<80xi32, #tpu.memory_space<hbm>>
      %dma_wait3A_352 = arith.constant 0 : i32
      %dma_wait3A_353 = tpu.memref_slice %arg11[%dma_wait3A_347, %dma_wait3A_352] : memref<3x80xi32, #tpu.memory_space<vmem>> -> memref<1x80xi32, #tpu.memory_space<vmem>>
      %dma_wait3A_354 = tpu.memref_squeeze %dma_wait3A_353 : memref<1x80xi32, #tpu.memory_space<vmem>> -> memref<80xi32, #tpu.memory_space<vmem>>
      %dma_wait3A_355 = tpu.memref_slice %arg4[%add3A_346] : memref<320000xi32, #tpu.memory_space<hbm>> -> memref<80xi32, #tpu.memory_space<hbm>>
      tpu.wait_dma2 semaphore(%arg16 : memref<!tpu.dma_semaphore, #tpu.memory_space<semaphore_mem>>) src(%dma_wait3A_355 : memref<80xi32, #tpu.memory_space<hbm>>) dst(%dma_wait3A_354 : memref<80xi32, #tpu.memory_space<vmem>>)
      %mul3A_356 = arith.constant 80 : i32
      %mul3A_357 = arith.muli %add3A_327, %mul3A_356 : i32
      %add3A_358 = arith.addi %mul3A_2, %mul3A_357 : i32
      %dma_wait3A_359 = arith.constant 2 : i32
      %dma_wait3A_360 = arith.constant 0 : i32
      %dma_wait3A_361 = tpu.memref_slice %arg12[%dma_wait3A_359, %dma_wait3A_360] : memref<3x80xf32, #tpu.memory_space<vmem>> -> memref<1x80xf32, #tpu.memory_space<vmem>>
      %dma_wait3A_362 = tpu.memref_squeeze %dma_wait3A_361 : memref<1x80xf32, #tpu.memory_space<vmem>> -> memref<80xf32, #tpu.memory_space<vmem>>
      %dma_wait3A_363 = tpu.memref_slice %arg5[%add3A_358] : memref<320000xf32, #tpu.memory_space<hbm>> -> memref<80xf32, #tpu.memory_space<hbm>>
      %dma_wait3A_364 = arith.constant 0 : i32
      %dma_wait3A_365 = tpu.memref_slice %arg12[%dma_wait3A_359, %dma_wait3A_364] : memref<3x80xf32, #tpu.memory_space<vmem>> -> memref<1x80xf32, #tpu.memory_space<vmem>>
      %dma_wait3A_366 = tpu.memref_squeeze %dma_wait3A_365 : memref<1x80xf32, #tpu.memory_space<vmem>> -> memref<80xf32, #tpu.memory_space<vmem>>
      %dma_wait3A_367 = tpu.memref_slice %arg5[%add3A_358] : memref<320000xf32, #tpu.memory_space<hbm>> -> memref<80xf32, #tpu.memory_space<hbm>>
      tpu.wait_dma2 semaphore(%arg16 : memref<!tpu.dma_semaphore, #tpu.memory_space<semaphore_mem>>) src(%dma_wait3A_367 : memref<80xf32, #tpu.memory_space<hbm>>) dst(%dma_wait3A_366 : memref<80xf32, #tpu.memory_space<vmem>>)
      %scan3A_368 = arith.constant 0 : i32
      %scan3A_369 = arith.constant 80 : i32
      %scan3A_370 = arith.addi %scan3A_368, %scan3A_369 : i32
      %scan3A_371 = arith.constant 1 : i32
      scf.for %scan3A_380 = %scan3A_368 to %scan3A_370 step %scan3A_371  : i32 {
        %broadcast_in_dim3A_381 = vector.broadcast %scan3A_380 : i32 to vector<16xi32>
        %gather3A = arith.constant 2 : i32
        %gather3A_382 = arith.constant 0 : i32
        %gather3A_383 = tpu.memref_slice %arg12[%gather3A, %gather3A_382] : memref<3x80xf32, #tpu.memory_space<vmem>> -> memref<1x80xf32, #tpu.memory_space<vmem>>
        %gather3A_384 = tpu.memref_squeeze %gather3A_383 : memref<1x80xf32, #tpu.memory_space<vmem>> -> memref<80xf32, #tpu.memory_space<vmem>>
        %gather3A_385 = tpu.vector_load_idx %gather3A_384[%broadcast_in_dim3A_381] : memref<80xf32, #tpu.memory_space<vmem>>[vector<16xi32>], vector<16xf32>,
        %get3A = arith.index_cast %scan3A_380 : i32 to index
        %get3A_386 = arith.constant 0 : index
        %get3A_387 = tpu.vector_load %arg10[%get3A, %get3A_386] {strides = array<i32>} : memref<80x128xf32, #tpu.memory_space<vmem>>, vector<16xf32>,
        %mul3A_388 = arith.mulf %get3A_387, %gather3A_385 : vector<16xf32>
        %swap3A = arith.index_cast %scan3A_380 : i32 to index
        %swap3A_389 = arith.constant 0 : index
        %swap3A_390 = tpu.vector_load %arg10[%swap3A, %swap3A_389] {strides = array<i32>} : memref<80x128xf32, #tpu.memory_space<vmem>>, vector<16xf32>,
        tpu.vector_store %arg10[%swap3A, %swap3A_389], %mul3A_388 {strides = array<i32>} : memref<80x128xf32, #tpu.memory_space<vmem>>, vector<16xf32>,
        %get3A_391 = arith.index_cast %scan3A_380 : i32 to index
        %get3A_392 = arith.constant 16 : index
        %get3A_393 = tpu.vector_load %arg10[%get3A_391, %get3A_392] {strides = array<i32>} : memref<80x128xf32, #tpu.memory_space<vmem>>, vector<16xf32>,
        %mul3A_394 = arith.mulf %get3A_393, %gather3A_385 : vector<16xf32>
        %swap3A_395 = arith.index_cast %scan3A_380 : i32 to index
        %swap3A_396 = arith.constant 16 : index
        %swap3A_397 = tpu.vector_load %arg10[%swap3A_395, %swap3A_396] {strides = array<i32>} : memref<80x128xf32, #tpu.memory_space<vmem>>, vector<16xf32>,
        tpu.vector_store %arg10[%swap3A_395, %swap3A_396], %mul3A_394 {strides = array<i32>} : memref<80x128xf32, #tpu.memory_space<vmem>>, vector<16xf32>,
        %get3A_398 = arith.index_cast %scan3A_380 : i32 to index
        %get3A_399 = arith.constant 32 : index
        %get3A_400 = tpu.vector_load %arg10[%get3A_398, %get3A_399] {strides = array<i32>} : memref<80x128xf32, #tpu.memory_space<vmem>>, vector<16xf32>,
        %mul3A_401 = arith.mulf %get3A_400, %gather3A_385 : vector<16xf32>
        %swap3A_402 = arith.index_cast %scan3A_380 : i32 to index
        %swap3A_403 = arith.constant 32 : index
        %swap3A_404 = tpu.vector_load %arg10[%swap3A_402, %swap3A_403] {strides = array<i32>} : memref<80x128xf32, #tpu.memory_space<vmem>>, vector<16xf32>,
        tpu.vector_store %arg10[%swap3A_402, %swap3A_403], %mul3A_401 {strides = array<i32>} : memref<80x128xf32, #tpu.memory_space<vmem>>, vector<16xf32>,
        %get3A_405 = arith.index_cast %scan3A_380 : i32 to index
        %get3A_406 = arith.constant 48 : index
        %get3A_407 = tpu.vector_load %arg10[%get3A_405, %get3A_406] {strides = array<i32>} : memref<80x128xf32, #tpu.memory_space<vmem>>, vector<16xf32>,
        %mul3A_408 = arith.mulf %get3A_407, %gather3A_385 : vector<16xf32>
        %swap3A_409 = arith.index_cast %scan3A_380 : i32 to index
        %swap3A_410 = arith.constant 48 : index
        %swap3A_411 = tpu.vector_load %arg10[%swap3A_409, %swap3A_410] {strides = array<i32>} : memref<80x128xf32, #tpu.memory_space<vmem>>, vector<16xf32>,
        tpu.vector_store %arg10[%swap3A_409, %swap3A_410], %mul3A_408 {strides = array<i32>} : memref<80x128xf32, #tpu.memory_space<vmem>>, vector<16xf32>,
        %get3A_412 = arith.index_cast %scan3A_380 : i32 to index
        %get3A_413 = arith.constant 64 : index
        %get3A_414 = tpu.vector_load %arg10[%get3A_412, %get3A_413] {strides = array<i32>} : memref<80x128xf32, #tpu.memory_space<vmem>>, vector<16xf32>,
        %mul3A_415 = arith.mulf %get3A_414, %gather3A_385 : vector<16xf32>
        %swap3A_416 = arith.index_cast %scan3A_380 : i32 to index
        %swap3A_417 = arith.constant 64 : index
        %swap3A_418 = tpu.vector_load %arg10[%swap3A_416, %swap3A_417] {strides = array<i32>} : memref<80x128xf32, #tpu.memory_space<vmem>>, vector<16xf32>,
        tpu.vector_store %arg10[%swap3A_416, %swap3A_417], %mul3A_415 {strides = array<i32>} : memref<80x128xf32, #tpu.memory_space<vmem>>, vector<16xf32>,
        %get3A_419 = arith.index_cast %scan3A_380 : i32 to index
        %get3A_420 = arith.constant 80 : index
        %get3A_421 = tpu.vector_load %arg10[%get3A_419, %get3A_420] {strides = array<i32>} : memref<80x128xf32, #tpu.memory_space<vmem>>, vector<16xf32>,
        %mul3A_422 = arith.mulf %get3A_421, %gather3A_385 : vector<16xf32>
        %swap3A_423 = arith.index_cast %scan3A_380 : i32 to index
        %swap3A_424 = arith.constant 80 : index
        %swap3A_425 = tpu.vector_load %arg10[%swap3A_423, %swap3A_424] {strides = array<i32>} : memref<80x128xf32, #tpu.memory_space<vmem>>, vector<16xf32>,
        tpu.vector_store %arg10[%swap3A_423, %swap3A_424], %mul3A_422 {strides = array<i32>} : memref<80x128xf32, #tpu.memory_space<vmem>>, vector<16xf32>,
        %get3A_426 = arith.index_cast %scan3A_380 : i32 to index
        %get3A_427 = arith.constant 96 : index
        %get3A_428 = tpu.vector_load %arg10[%get3A_426, %get3A_427] {strides = array<i32>} : memref<80x128xf32, #tpu.memory_space<vmem>>, vector<16xf32>,
        %mul3A_429 = arith.mulf %get3A_428, %gather3A_385 : vector<16xf32>
        %swap3A_430 = arith.index_cast %scan3A_380 : i32 to index
        %swap3A_431 = arith.constant 96 : index
        %swap3A_432 = tpu.vector_load %arg10[%swap3A_430, %swap3A_431] {strides = array<i32>} : memref<80x128xf32, #tpu.memory_space<vmem>>, vector<16xf32>,
        tpu.vector_store %arg10[%swap3A_430, %swap3A_431], %mul3A_429 {strides = array<i32>} : memref<80x128xf32, #tpu.memory_space<vmem>>, vector<16xf32>,
        %get3A_433 = arith.index_cast %scan3A_380 : i32 to index
        %get3A_434 = arith.constant 112 : index
        %get3A_435 = tpu.vector_load %arg10[%get3A_433, %get3A_434] {strides = array<i32>} : memref<80x128xf32, #tpu.memory_space<vmem>>, vector<16xf32>,
        %mul3A_436 = arith.mulf %get3A_435, %gather3A_385 : vector<16xf32>
        %swap3A_437 = arith.index_cast %scan3A_380 : i32 to index
        %swap3A_438 = arith.constant 112 : index
        %swap3A_439 = tpu.vector_load %arg10[%swap3A_437, %swap3A_438] {strides = array<i32>} : memref<80x128xf32, #tpu.memory_space<vmem>>, vector<16xf32>,
        tpu.vector_store %arg10[%swap3A_437, %swap3A_438], %mul3A_436 {strides = array<i32>} : memref<80x128xf32, #tpu.memory_space<vmem>>, vector<16xf32>,
      }
      %scan3A_372 = arith.constant 80 : i32
      %dma_start3A_373 = arith.constant 2 : i32
      %dma_start3A_374 = arith.constant 0 : i32
      %dma_start3A_375 = tpu.memref_slice %arg11[%dma_start3A_373, %dma_start3A_374] : memref<3x80xi32, #tpu.memory_space<vmem>> -> memref<1x80xi32, #tpu.memory_space<vmem>>
      %dma_start3A_376 = tpu.memref_squeeze %dma_start3A_375 : memref<1x80xi32, #tpu.memory_space<vmem>> -> memref<80xi32, #tpu.memory_space<vmem>>
      %dma_start3A_377 = arith.constant 0 : i32
      %dma_start3A_378 = arith.constant 0 : i32
      %dma_start3A_379 = tpu.memref_slice %arg13[%dma_start3A_377, %dma_start3A_378] : memref<10000x128xf32, #tpu.memory_space<vmem_shared>> -> memref<10000x128xf32, #tpu.memory_space<vmem_shared>>
      tpu.enqueue_indirect_dma source(%arg10 : memref<80x128xf32, #tpu.memory_space<vmem>>) target(%dma_start3A_379 : memref<10000x128xf32, #tpu.memory_space<vmem_shared>>) offsets(%dma_start3A_376 : memref<80xi32, #tpu.memory_space<vmem>>) semaphore(%arg19 : memref<!tpu.dma_semaphore, #tpu.memory_space<semaphore_mem>>) {add = true}
    }
    %scan3A_72 = arith.constant 41 : i32
    %dma_wait3A = arith.constant 1 : i32
    %dma_wait3A_73 = arith.constant 0 : i32
    %dma_wait3A_74 = tpu.memref_slice %arg11[%dma_wait3A, %dma_wait3A_73] : memref<3x80xi32, #tpu.memory_space<vmem>> -> memref<1x80xi32, #tpu.memory_space<vmem>>
    %dma_wait3A_75 = tpu.memref_squeeze %dma_wait3A_74 : memref<1x80xi32, #tpu.memory_space<vmem>> -> memref<80xi32, #tpu.memory_space<vmem>>
    %dma_wait3A_76 = arith.constant 0 : i32
    %dma_wait3A_77 = arith.constant 0 : i32
    %dma_wait3A_78 = tpu.memref_slice %arg13[%dma_wait3A_76, %dma_wait3A_77] : memref<10000x128xf32, #tpu.memory_space<vmem_shared>> -> memref<10000x128xf32, #tpu.memory_space<vmem_shared>>
    tpu.wait_indirect_dma semaphore(%arg18 : memref<!tpu.dma_semaphore, #tpu.memory_space<semaphore_mem>>) src(%arg9 : memref<80x128xf32, #tpu.memory_space<vmem>>) dst(%dma_wait3A_78 : memref<10000x128xf32, #tpu.memory_space<vmem_shared>>)
    %dma_start3A_79 = arith.constant 9920 : i32
    %dma_start3A_80 = tpu.memref_slice %arg7[%dma_start3A_79] : memref<10000xi32, #tpu.memory_space<vmem>> -> memref<80xi32, #tpu.memory_space<vmem>>
    %dma_start3A_81 = arith.constant 0 : i32
    %dma_start3A_82 = arith.constant 0 : i32
    %dma_start3A_83 = tpu.memref_slice %arg2[%dma_start3A_81, %dma_start3A_82] : memref<80000x128xf32, #tpu.memory_space<hbm>> -> memref<80000x128xf32, #tpu.memory_space<hbm>>
    tpu.enqueue_indirect_dma source(%dma_start3A_83 : memref<80000x128xf32, #tpu.memory_space<hbm>>) target(%arg9 : memref<80x128xf32, #tpu.memory_space<vmem>>) offsets(%dma_start3A_80 : memref<80xi32, #tpu.memory_space<vmem>>) semaphore(%arg15 : memref<!tpu.dma_semaphore, #tpu.memory_space<semaphore_mem>>)
    %add3A_84 = arith.constant 9920 : i32
    %add3A_85 = arith.addi %mul3A_2, %add3A_84 : i32
    %dma_start3A_86 = arith.constant 1 : i32
    %dma_start3A_87 = arith.constant 0 : i32
    %dma_start3A_88 = tpu.memref_slice %arg11[%dma_start3A_86, %dma_start3A_87] : memref<3x80xi32, #tpu.memory_space<vmem>> -> memref<1x80xi32, #tpu.memory_space<vmem>>
    %dma_start3A_89 = tpu.memref_squeeze %dma_start3A_88 : memref<1x80xi32, #tpu.memory_space<vmem>> -> memref<80xi32, #tpu.memory_space<vmem>>
    %dma_start3A_90 = tpu.memref_slice %arg4[%add3A_85] : memref<320000xi32, #tpu.memory_space<hbm>> -> memref<80xi32, #tpu.memory_space<hbm>>
    %dma_start3A_91 = arith.constant 0 : i32
    %dma_start3A_92 = tpu.memref_slice %arg11[%dma_start3A_86, %dma_start3A_91] : memref<3x80xi32, #tpu.memory_space<vmem>> -> memref<1x80xi32, #tpu.memory_space<vmem>>
    %dma_start3A_93 = tpu.memref_squeeze %dma_start3A_92 : memref<1x80xi32, #tpu.memory_space<vmem>> -> memref<80xi32, #tpu.memory_space<vmem>>
    %dma_start3A_94 = tpu.memref_slice %arg4[%add3A_85] : memref<320000xi32, #tpu.memory_space<hbm>> -> memref<80xi32, #tpu.memory_space<hbm>>
    tpu.enqueue_dma source(%dma_start3A_94 : memref<80xi32, #tpu.memory_space<hbm>>) target(%dma_start3A_93 : memref<80xi32, #tpu.memory_space<vmem>>) target_semaphore(%arg15 : memref<!tpu.dma_semaphore, #tpu.memory_space<semaphore_mem>>)
    %add3A_95 = arith.constant 9920 : i32
    %add3A_96 = arith.addi %mul3A_2, %add3A_95 : i32
    %dma_start3A_97 = arith.constant 1 : i32
    %dma_start3A_98 = arith.constant 0 : i32
    %dma_start3A_99 = tpu.memref_slice %arg12[%dma_start3A_97, %dma_start3A_98] : memref<3x80xf32, #tpu.memory_space<vmem>> -> memref<1x80xf32, #tpu.memory_space<vmem>>
    %dma_start3A_100 = tpu.memref_squeeze %dma_start3A_99 : memref<1x80xf32, #tpu.memory_space<vmem>> -> memref<80xf32, #tpu.memory_space<vmem>>
    %dma_start3A_101 = tpu.memref_slice %arg5[%add3A_96] : memref<320000xf32, #tpu.memory_space<hbm>> -> memref<80xf32, #tpu.memory_space<hbm>>
    %dma_start3A_102 = arith.constant 0 : i32
    %dma_start3A_103 = tpu.memref_slice %arg12[%dma_start3A_97, %dma_start3A_102] : memref<3x80xf32, #tpu.memory_space<vmem>> -> memref<1x80xf32, #tpu.memory_space<vmem>>
    %dma_start3A_104 = tpu.memref_squeeze %dma_start3A_103 : memref<1x80xf32, #tpu.memory_space<vmem>> -> memref<80xf32, #tpu.memory_space<vmem>>
    %dma_start3A_105 = tpu.memref_slice %arg5[%add3A_96] : memref<320000xf32, #tpu.memory_space<hbm>> -> memref<80xf32, #tpu.memory_space<hbm>>
    tpu.enqueue_dma source(%dma_start3A_105 : memref<80xf32, #tpu.memory_space<hbm>>) target(%dma_start3A_104 : memref<80xf32, #tpu.memory_space<vmem>>) target_semaphore(%arg15 : memref<!tpu.dma_semaphore, #tpu.memory_space<semaphore_mem>>)
    %dma_wait3A_106 = arith.constant 9840 : i32
    %dma_wait3A_107 = tpu.memref_slice %arg7[%dma_wait3A_106] : memref<10000xi32, #tpu.memory_space<vmem>> -> memref<80xi32, #tpu.memory_space<vmem>>
    %dma_wait3A_108 = arith.constant 0 : i32
    %dma_wait3A_109 = arith.constant 0 : i32
    %dma_wait3A_110 = tpu.memref_slice %arg2[%dma_wait3A_108, %dma_wait3A_109] : memref<80000x128xf32, #tpu.memory_space<hbm>> -> memref<80000x128xf32, #tpu.memory_space<hbm>>
    tpu.wait_indirect_dma semaphore(%arg14 : memref<!tpu.dma_semaphore, #tpu.memory_space<semaphore_mem>>) src(%dma_wait3A_110 : memref<80000x128xf32, #tpu.memory_space<hbm>>) dst(%arg8 : memref<80x128xf32, #tpu.memory_space<vmem>>)
    %add3A_111 = arith.constant 9840 : i32
    %add3A_112 = arith.addi %mul3A_2, %add3A_111 : i32
    %dma_wait3A_113 = arith.constant 0 : i32
    %dma_wait3A_114 = arith.constant 0 : i32
    %dma_wait3A_115 = tpu.memref_slice %arg11[%dma_wait3A_113, %dma_wait3A_114] : memref<3x80xi32, #tpu.memory_space<vmem>> -> memref<1x80xi32, #tpu.memory_space<vmem>>
    %dma_wait3A_116 = tpu.memref_squeeze %dma_wait3A_115 : memref<1x80xi32, #tpu.memory_space<vmem>> -> memref<80xi32, #tpu.memory_space<vmem>>
    %dma_wait3A_117 = tpu.memref_slice %arg4[%add3A_112] : memref<320000xi32, #tpu.memory_space<hbm>> -> memref<80xi32, #tpu.memory_space<hbm>>
    %dma_wait3A_118 = arith.constant 0 : i32
    %dma_wait3A_119 = tpu.memref_slice %arg11[%dma_wait3A_113, %dma_wait3A_118] : memref<3x80xi32, #tpu.memory_space<vmem>> -> memref<1x80xi32, #tpu.memory_space<vmem>>
    %dma_wait3A_120 = tpu.memref_squeeze %dma_wait3A_119 : memref<1x80xi32, #tpu.memory_space<vmem>> -> memref<80xi32, #tpu.memory_space<vmem>>
    %dma_wait3A_121 = tpu.memref_slice %arg4[%add3A_112] : memref<320000xi32, #tpu.memory_space<hbm>> -> memref<80xi32, #tpu.memory_space<hbm>>
    tpu.wait_dma2 semaphore(%arg14 : memref<!tpu.dma_semaphore, #tpu.memory_space<semaphore_mem>>) src(%dma_wait3A_121 : memref<80xi32, #tpu.memory_space<hbm>>) dst(%dma_wait3A_120 : memref<80xi32, #tpu.memory_space<vmem>>)
    %add3A_122 = arith.constant 9840 : i32
    %add3A_123 = arith.addi %mul3A_2, %add3A_122 : i32
    %dma_wait3A_124 = arith.constant 0 : i32
    %dma_wait3A_125 = arith.constant 0 : i32
    %dma_wait3A_126 = tpu.memref_slice %arg12[%dma_wait3A_124, %dma_wait3A_125] : memref<3x80xf32, #tpu.memory_space<vmem>> -> memref<1x80xf32, #tpu.memory_space<vmem>>
    %dma_wait3A_127 = tpu.memref_squeeze %dma_wait3A_126 : memref<1x80xf32, #tpu.memory_space<vmem>> -> memref<80xf32, #tpu.memory_space<vmem>>
    %dma_wait3A_128 = tpu.memref_slice %arg5[%add3A_123] : memref<320000xf32, #tpu.memory_space<hbm>> -> memref<80xf32, #tpu.memory_space<hbm>>
    %dma_wait3A_129 = arith.constant 0 : i32
    %dma_wait3A_130 = tpu.memref_slice %arg12[%dma_wait3A_124, %dma_wait3A_129] : memref<3x80xf32, #tpu.memory_space<vmem>> -> memref<1x80xf32, #tpu.memory_space<vmem>>
    %dma_wait3A_131 = tpu.memref_squeeze %dma_wait3A_130 : memref<1x80xf32, #tpu.memory_space<vmem>> -> memref<80xf32, #tpu.memory_space<vmem>>
    %dma_wait3A_132 = tpu.memref_slice %arg5[%add3A_123] : memref<320000xf32, #tpu.memory_space<hbm>> -> memref<80xf32, #tpu.memory_space<hbm>>
    tpu.wait_dma2 semaphore(%arg14 : memref<!tpu.dma_semaphore, #tpu.memory_space<semaphore_mem>>) src(%dma_wait3A_132 : memref<80xf32, #tpu.memory_space<hbm>>) dst(%dma_wait3A_131 : memref<80xf32, #tpu.memory_space<vmem>>)
    %scan3A_133 = arith.constant 0 : i32
    %scan3A_134 = arith.constant 80 : i32
    %scan3A_135 = arith.addi %scan3A_133, %scan3A_134 : i32
    %scan3A_136 = arith.constant 1 : i32
    scf.for %scan3A_215 = %scan3A_133 to %scan3A_135 step %scan3A_136  : i32 {
      %broadcast_in_dim3A_216 = vector.broadcast %scan3A_215 : i32 to vector<16xi32>
      %gather3A = arith.constant 0 : i32
      %gather3A_217 = arith.constant 0 : i32
      %gather3A_218 = tpu.memref_slice %arg12[%gather3A, %gather3A_217] : memref<3x80xf32, #tpu.memory_space<vmem>> -> memref<1x80xf32, #tpu.memory_space<vmem>>
      %gather3A_219 = tpu.memref_squeeze %gather3A_218 : memref<1x80xf32, #tpu.memory_space<vmem>> -> memref<80xf32, #tpu.memory_space<vmem>>
      %gather3A_220 = tpu.vector_load_idx %gather3A_219[%broadcast_in_dim3A_216] : memref<80xf32, #tpu.memory_space<vmem>>[vector<16xi32>], vector<16xf32>,
      %get3A = arith.index_cast %scan3A_215 : i32 to index
      %get3A_221 = arith.constant 0 : index
      %get3A_222 = tpu.vector_load %arg8[%get3A, %get3A_221] {strides = array<i32>} : memref<80x128xf32, #tpu.memory_space<vmem>>, vector<16xf32>,
      %mul3A_223 = arith.mulf %get3A_222, %gather3A_220 : vector<16xf32>
      %swap3A = arith.index_cast %scan3A_215 : i32 to index
      %swap3A_224 = arith.constant 0 : index
      %swap3A_225 = tpu.vector_load %arg8[%swap3A, %swap3A_224] {strides = array<i32>} : memref<80x128xf32, #tpu.memory_space<vmem>>, vector<16xf32>,
      tpu.vector_store %arg8[%swap3A, %swap3A_224], %mul3A_223 {strides = array<i32>} : memref<80x128xf32, #tpu.memory_space<vmem>>, vector<16xf32>,
      %get3A_226 = arith.index_cast %scan3A_215 : i32 to index
      %get3A_227 = arith.constant 16 : index
      %get3A_228 = tpu.vector_load %arg8[%get3A_226, %get3A_227] {strides = array<i32>} : memref<80x128xf32, #tpu.memory_space<vmem>>, vector<16xf32>,
      %mul3A_229 = arith.mulf %get3A_228, %gather3A_220 : vector<16xf32>
      %swap3A_230 = arith.index_cast %scan3A_215 : i32 to index
      %swap3A_231 = arith.constant 16 : index
      %swap3A_232 = tpu.vector_load %arg8[%swap3A_230, %swap3A_231] {strides = array<i32>} : memref<80x128xf32, #tpu.memory_space<vmem>>, vector<16xf32>,
      tpu.vector_store %arg8[%swap3A_230, %swap3A_231], %mul3A_229 {strides = array<i32>} : memref<80x128xf32, #tpu.memory_space<vmem>>, vector<16xf32>,
      %get3A_233 = arith.index_cast %scan3A_215 : i32 to index
      %get3A_234 = arith.constant 32 : index
      %get3A_235 = tpu.vector_load %arg8[%get3A_233, %get3A_234] {strides = array<i32>} : memref<80x128xf32, #tpu.memory_space<vmem>>, vector<16xf32>,
      %mul3A_236 = arith.mulf %get3A_235, %gather3A_220 : vector<16xf32>
      %swap3A_237 = arith.index_cast %scan3A_215 : i32 to index
      %swap3A_238 = arith.constant 32 : index
      %swap3A_239 = tpu.vector_load %arg8[%swap3A_237, %swap3A_238] {strides = array<i32>} : memref<80x128xf32, #tpu.memory_space<vmem>>, vector<16xf32>,
      tpu.vector_store %arg8[%swap3A_237, %swap3A_238], %mul3A_236 {strides = array<i32>} : memref<80x128xf32, #tpu.memory_space<vmem>>, vector<16xf32>,
      %get3A_240 = arith.index_cast %scan3A_215 : i32 to index
      %get3A_241 = arith.constant 48 : index
      %get3A_242 = tpu.vector_load %arg8[%get3A_240, %get3A_241] {strides = array<i32>} : memref<80x128xf32, #tpu.memory_space<vmem>>, vector<16xf32>,
      %mul3A_243 = arith.mulf %get3A_242, %gather3A_220 : vector<16xf32>
      %swap3A_244 = arith.index_cast %scan3A_215 : i32 to index
      %swap3A_245 = arith.constant 48 : index
      %swap3A_246 = tpu.vector_load %arg8[%swap3A_244, %swap3A_245] {strides = array<i32>} : memref<80x128xf32, #tpu.memory_space<vmem>>, vector<16xf32>,
      tpu.vector_store %arg8[%swap3A_244, %swap3A_245], %mul3A_243 {strides = array<i32>} : memref<80x128xf32, #tpu.memory_space<vmem>>, vector<16xf32>,
      %get3A_247 = arith.index_cast %scan3A_215 : i32 to index
      %get3A_248 = arith.constant 64 : index
      %get3A_249 = tpu.vector_load %arg8[%get3A_247, %get3A_248] {strides = array<i32>} : memref<80x128xf32, #tpu.memory_space<vmem>>, vector<16xf32>,
      %mul3A_250 = arith.mulf %get3A_249, %gather3A_220 : vector<16xf32>
      %swap3A_251 = arith.index_cast %scan3A_215 : i32 to index
      %swap3A_252 = arith.constant 64 : index
      %swap3A_253 = tpu.vector_load %arg8[%swap3A_251, %swap3A_252] {strides = array<i32>} : memref<80x128xf32, #tpu.memory_space<vmem>>, vector<16xf32>,
      tpu.vector_store %arg8[%swap3A_251, %swap3A_252], %mul3A_250 {strides = array<i32>} : memref<80x128xf32, #tpu.memory_space<vmem>>, vector<16xf32>,
      %get3A_254 = arith.index_cast %scan3A_215 : i32 to index
      %get3A_255 = arith.constant 80 : index
      %get3A_256 = tpu.vector_load %arg8[%get3A_254, %get3A_255] {strides = array<i32>} : memref<80x128xf32, #tpu.memory_space<vmem>>, vector<16xf32>,
      %mul3A_257 = arith.mulf %get3A_256, %gather3A_220 : vector<16xf32>
      %swap3A_258 = arith.index_cast %scan3A_215 : i32 to index
      %swap3A_259 = arith.constant 80 : index
      %swap3A_260 = tpu.vector_load %arg8[%swap3A_258, %swap3A_259] {strides = array<i32>} : memref<80x128xf32, #tpu.memory_space<vmem>>, vector<16xf32>,
      tpu.vector_store %arg8[%swap3A_258, %swap3A_259], %mul3A_257 {strides = array<i32>} : memref<80x128xf32, #tpu.memory_space<vmem>>, vector<16xf32>,
      %get3A_261 = arith.index_cast %scan3A_215 : i32 to index
      %get3A_262 = arith.constant 96 : index
      %get3A_263 = tpu.vector_load %arg8[%get3A_261, %get3A_262] {strides = array<i32>} : memref<80x128xf32, #tpu.memory_space<vmem>>, vector<16xf32>,
      %mul3A_264 = arith.mulf %get3A_263, %gather3A_220 : vector<16xf32>
      %swap3A_265 = arith.index_cast %scan3A_215 : i32 to index
      %swap3A_266 = arith.constant 96 : index
      %swap3A_267 = tpu.vector_load %arg8[%swap3A_265, %swap3A_266] {strides = array<i32>} : memref<80x128xf32, #tpu.memory_space<vmem>>, vector<16xf32>,
      tpu.vector_store %arg8[%swap3A_265, %swap3A_266], %mul3A_264 {strides = array<i32>} : memref<80x128xf32, #tpu.memory_space<vmem>>, vector<16xf32>,
      %get3A_268 = arith.index_cast %scan3A_215 : i32 to index
      %get3A_269 = arith.constant 112 : index
      %get3A_270 = tpu.vector_load %arg8[%get3A_268, %get3A_269] {strides = array<i32>} : memref<80x128xf32, #tpu.memory_space<vmem>>, vector<16xf32>,
      %mul3A_271 = arith.mulf %get3A_270, %gather3A_220 : vector<16xf32>
      %swap3A_272 = arith.index_cast %scan3A_215 : i32 to index
      %swap3A_273 = arith.constant 112 : index
      %swap3A_274 = tpu.vector_load %arg8[%swap3A_272, %swap3A_273] {strides = array<i32>} : memref<80x128xf32, #tpu.memory_space<vmem>>, vector<16xf32>,
      tpu.vector_store %arg8[%swap3A_272, %swap3A_273], %mul3A_271 {strides = array<i32>} : memref<80x128xf32, #tpu.memory_space<vmem>>, vector<16xf32>,
    }
    %scan3A_137 = arith.constant 80 : i32
    %dma_start3A_138 = arith.constant 0 : i32
    %dma_start3A_139 = arith.constant 0 : i32
    %dma_start3A_140 = tpu.memref_slice %arg11[%dma_start3A_138, %dma_start3A_139] : memref<3x80xi32, #tpu.memory_space<vmem>> -> memref<1x80xi32, #tpu.memory_space<vmem>>
    %dma_start3A_141 = tpu.memref_squeeze %dma_start3A_140 : memref<1x80xi32, #tpu.memory_space<vmem>> -> memref<80xi32, #tpu.memory_space<vmem>>
    %dma_start3A_142 = arith.constant 0 : i32
    %dma_start3A_143 = arith.constant 0 : i32
    %dma_start3A_144 = tpu.memref_slice %arg13[%dma_start3A_142, %dma_start3A_143] : memref<10000x128xf32, #tpu.memory_space<vmem_shared>> -> memref<10000x128xf32, #tpu.memory_space<vmem_shared>>
    tpu.enqueue_indirect_dma source(%arg8 : memref<80x128xf32, #tpu.memory_space<vmem>>) target(%dma_start3A_144 : memref<10000x128xf32, #tpu.memory_space<vmem_shared>>) offsets(%dma_start3A_141 : memref<80xi32, #tpu.memory_space<vmem>>) semaphore(%arg17 : memref<!tpu.dma_semaphore, #tpu.memory_space<semaphore_mem>>) {add = true}
    %dma_wait3A_145 = arith.constant 2 : i32
    %dma_wait3A_146 = arith.constant 0 : i32
    %dma_wait3A_147 = tpu.memref_slice %arg11[%dma_wait3A_145, %dma_wait3A_146] : memref<3x80xi32, #tpu.memory_space<vmem>> -> memref<1x80xi32, #tpu.memory_space<vmem>>
    %dma_wait3A_148 = tpu.memref_squeeze %dma_wait3A_147 : memref<1x80xi32, #tpu.memory_space<vmem>> -> memref<80xi32, #tpu.memory_space<vmem>>
    %dma_wait3A_149 = arith.constant 0 : i32
    %dma_wait3A_150 = arith.constant 0 : i32
    %dma_wait3A_151 = tpu.memref_slice %arg13[%dma_wait3A_149, %dma_wait3A_150] : memref<10000x128xf32, #tpu.memory_space<vmem_shared>> -> memref<10000x128xf32, #tpu.memory_space<vmem_shared>>
    tpu.wait_indirect_dma semaphore(%arg19 : memref<!tpu.dma_semaphore, #tpu.memory_space<semaphore_mem>>) src(%arg10 : memref<80x128xf32, #tpu.memory_space<vmem>>) dst(%dma_wait3A_151 : memref<10000x128xf32, #tpu.memory_space<vmem_shared>>)
    %dma_wait3A_152 = arith.constant 9920 : i32
    %dma_wait3A_153 = tpu.memref_slice %arg7[%dma_wait3A_152] : memref<10000xi32, #tpu.memory_space<vmem>> -> memref<80xi32, #tpu.memory_space<vmem>>
    %dma_wait3A_154 = arith.constant 0 : i32
    %dma_wait3A_155 = arith.constant 0 : i32
    %dma_wait3A_156 = tpu.memref_slice %arg2[%dma_wait3A_154, %dma_wait3A_155] : memref<80000x128xf32, #tpu.memory_space<hbm>> -> memref<80000x128xf32, #tpu.memory_space<hbm>>
    tpu.wait_indirect_dma semaphore(%arg15 : memref<!tpu.dma_semaphore, #tpu.memory_space<semaphore_mem>>) src(%dma_wait3A_156 : memref<80000x128xf32, #tpu.memory_space<hbm>>) dst(%arg9 : memref<80x128xf32, #tpu.memory_space<vmem>>)
    %add3A_157 = arith.constant 9920 : i32
    %add3A_158 = arith.addi %mul3A_2, %add3A_157 : i32
    %dma_wait3A_159 = arith.constant 1 : i32
    %dma_wait3A_160 = arith.constant 0 : i32
    %dma_wait3A_161 = tpu.memref_slice %arg11[%dma_wait3A_159, %dma_wait3A_160] : memref<3x80xi32, #tpu.memory_space<vmem>> -> memref<1x80xi32, #tpu.memory_space<vmem>>
    %dma_wait3A_162 = tpu.memref_squeeze %dma_wait3A_161 : memref<1x80xi32, #tpu.memory_space<vmem>> -> memref<80xi32, #tpu.memory_space<vmem>>
    %dma_wait3A_163 = tpu.memref_slice %arg4[%add3A_158] : memref<320000xi32, #tpu.memory_space<hbm>> -> memref<80xi32, #tpu.memory_space<hbm>>
    %dma_wait3A_164 = arith.constant 0 : i32
    %dma_wait3A_165 = tpu.memref_slice %arg11[%dma_wait3A_159, %dma_wait3A_164] : memref<3x80xi32, #tpu.memory_space<vmem>> -> memref<1x80xi32, #tpu.memory_space<vmem>>
    %dma_wait3A_166 = tpu.memref_squeeze %dma_wait3A_165 : memref<1x80xi32, #tpu.memory_space<vmem>> -> memref<80xi32, #tpu.memory_space<vmem>>
    %dma_wait3A_167 = tpu.memref_slice %arg4[%add3A_158] : memref<320000xi32, #tpu.memory_space<hbm>> -> memref<80xi32, #tpu.memory_space<hbm>>
    tpu.wait_dma2 semaphore(%arg15 : memref<!tpu.dma_semaphore, #tpu.memory_space<semaphore_mem>>) src(%dma_wait3A_167 : memref<80xi32, #tpu.memory_space<hbm>>) dst(%dma_wait3A_166 : memref<80xi32, #tpu.memory_space<vmem>>)
    %add3A_168 = arith.constant 9920 : i32
    %add3A_169 = arith.addi %mul3A_2, %add3A_168 : i32
    %dma_wait3A_170 = arith.constant 1 : i32
    %dma_wait3A_171 = arith.constant 0 : i32
    %dma_wait3A_172 = tpu.memref_slice %arg12[%dma_wait3A_170, %dma_wait3A_171] : memref<3x80xf32, #tpu.memory_space<vmem>> -> memref<1x80xf32, #tpu.memory_space<vmem>>
    %dma_wait3A_173 = tpu.memref_squeeze %dma_wait3A_172 : memref<1x80xf32, #tpu.memory_space<vmem>> -> memref<80xf32, #tpu.memory_space<vmem>>
    %dma_wait3A_174 = tpu.memref_slice %arg5[%add3A_169] : memref<320000xf32, #tpu.memory_space<hbm>> -> memref<80xf32, #tpu.memory_space<hbm>>
    %dma_wait3A_175 = arith.constant 0 : i32
    %dma_wait3A_176 = tpu.memref_slice %arg12[%dma_wait3A_170, %dma_wait3A_175] : memref<3x80xf32, #tpu.memory_space<vmem>> -> memref<1x80xf32, #tpu.memory_space<vmem>>
    %dma_wait3A_177 = tpu.memref_squeeze %dma_wait3A_176 : memref<1x80xf32, #tpu.memory_space<vmem>> -> memref<80xf32, #tpu.memory_space<vmem>>
    %dma_wait3A_178 = tpu.memref_slice %arg5[%add3A_169] : memref<320000xf32, #tpu.memory_space<hbm>> -> memref<80xf32, #tpu.memory_space<hbm>>
    tpu.wait_dma2 semaphore(%arg15 : memref<!tpu.dma_semaphore, #tpu.memory_space<semaphore_mem>>) src(%dma_wait3A_178 : memref<80xf32, #tpu.memory_space<hbm>>) dst(%dma_wait3A_177 : memref<80xf32, #tpu.memory_space<vmem>>)
    %scan3A_179 = arith.constant 0 : i32
    %scan3A_180 = arith.constant 80 : i32
    %scan3A_181 = arith.addi %scan3A_179, %scan3A_180 : i32
    %scan3A_182 = arith.constant 1 : i32
    scf.for %scan3A_215 = %scan3A_179 to %scan3A_181 step %scan3A_182  : i32 {
      %broadcast_in_dim3A_216 = vector.broadcast %scan3A_215 : i32 to vector<16xi32>
      %gather3A = arith.constant 1 : i32
      %gather3A_217 = arith.constant 0 : i32
      %gather3A_218 = tpu.memref_slice %arg12[%gather3A, %gather3A_217] : memref<3x80xf32, #tpu.memory_space<vmem>> -> memref<1x80xf32, #tpu.memory_space<vmem>>
      %gather3A_219 = tpu.memref_squeeze %gather3A_218 : memref<1x80xf32, #tpu.memory_space<vmem>> -> memref<80xf32, #tpu.memory_space<vmem>>
      %gather3A_220 = tpu.vector_load_idx %gather3A_219[%broadcast_in_dim3A_216] : memref<80xf32, #tpu.memory_space<vmem>>[vector<16xi32>], vector<16xf32>,
      %get3A = arith.index_cast %scan3A_215 : i32 to index
      %get3A_221 = arith.constant 0 : index
      %get3A_222 = tpu.vector_load %arg9[%get3A, %get3A_221] {strides = array<i32>} : memref<80x128xf32, #tpu.memory_space<vmem>>, vector<16xf32>,
      %mul3A_223 = arith.mulf %get3A_222, %gather3A_220 : vector<16xf32>
      %swap3A = arith.index_cast %scan3A_215 : i32 to index
      %swap3A_224 = arith.constant 0 : index
      %swap3A_225 = tpu.vector_load %arg9[%swap3A, %swap3A_224] {strides = array<i32>} : memref<80x128xf32, #tpu.memory_space<vmem>>, vector<16xf32>,
      tpu.vector_store %arg9[%swap3A, %swap3A_224], %mul3A_223 {strides = array<i32>} : memref<80x128xf32, #tpu.memory_space<vmem>>, vector<16xf32>,
      %get3A_226 = arith.index_cast %scan3A_215 : i32 to index
      %get3A_227 = arith.constant 16 : index
      %get3A_228 = tpu.vector_load %arg9[%get3A_226, %get3A_227] {strides = array<i32>} : memref<80x128xf32, #tpu.memory_space<vmem>>, vector<16xf32>,
      %mul3A_229 = arith.mulf %get3A_228, %gather3A_220 : vector<16xf32>
      %swap3A_230 = arith.index_cast %scan3A_215 : i32 to index
      %swap3A_231 = arith.constant 16 : index
      %swap3A_232 = tpu.vector_load %arg9[%swap3A_230, %swap3A_231] {strides = array<i32>} : memref<80x128xf32, #tpu.memory_space<vmem>>, vector<16xf32>,
      tpu.vector_store %arg9[%swap3A_230, %swap3A_231], %mul3A_229 {strides = array<i32>} : memref<80x128xf32, #tpu.memory_space<vmem>>, vector<16xf32>,
      %get3A_233 = arith.index_cast %scan3A_215 : i32 to index
      %get3A_234 = arith.constant 32 : index
      %get3A_235 = tpu.vector_load %arg9[%get3A_233, %get3A_234] {strides = array<i32>} : memref<80x128xf32, #tpu.memory_space<vmem>>, vector<16xf32>,
      %mul3A_236 = arith.mulf %get3A_235, %gather3A_220 : vector<16xf32>
      %swap3A_237 = arith.index_cast %scan3A_215 : i32 to index
      %swap3A_238 = arith.constant 32 : index
      %swap3A_239 = tpu.vector_load %arg9[%swap3A_237, %swap3A_238] {strides = array<i32>} : memref<80x128xf32, #tpu.memory_space<vmem>>, vector<16xf32>,
      tpu.vector_store %arg9[%swap3A_237, %swap3A_238], %mul3A_236 {strides = array<i32>} : memref<80x128xf32, #tpu.memory_space<vmem>>, vector<16xf32>,
      %get3A_240 = arith.index_cast %scan3A_215 : i32 to index
      %get3A_241 = arith.constant 48 : index
      %get3A_242 = tpu.vector_load %arg9[%get3A_240, %get3A_241] {strides = array<i32>} : memref<80x128xf32, #tpu.memory_space<vmem>>, vector<16xf32>,
      %mul3A_243 = arith.mulf %get3A_242, %gather3A_220 : vector<16xf32>
      %swap3A_244 = arith.index_cast %scan3A_215 : i32 to index
      %swap3A_245 = arith.constant 48 : index
      %swap3A_246 = tpu.vector_load %arg9[%swap3A_244, %swap3A_245] {strides = array<i32>} : memref<80x128xf32, #tpu.memory_space<vmem>>, vector<16xf32>,
      tpu.vector_store %arg9[%swap3A_244, %swap3A_245], %mul3A_243 {strides = array<i32>} : memref<80x128xf32, #tpu.memory_space<vmem>>, vector<16xf32>,
      %get3A_247 = arith.index_cast %scan3A_215 : i32 to index
      %get3A_248 = arith.constant 64 : index
      %get3A_249 = tpu.vector_load %arg9[%get3A_247, %get3A_248] {strides = array<i32>} : memref<80x128xf32, #tpu.memory_space<vmem>>, vector<16xf32>,
      %mul3A_250 = arith.mulf %get3A_249, %gather3A_220 : vector<16xf32>
      %swap3A_251 = arith.index_cast %scan3A_215 : i32 to index
      %swap3A_252 = arith.constant 64 : index
      %swap3A_253 = tpu.vector_load %arg9[%swap3A_251, %swap3A_252] {strides = array<i32>} : memref<80x128xf32, #tpu.memory_space<vmem>>, vector<16xf32>,
      tpu.vector_store %arg9[%swap3A_251, %swap3A_252], %mul3A_250 {strides = array<i32>} : memref<80x128xf32, #tpu.memory_space<vmem>>, vector<16xf32>,
      %get3A_254 = arith.index_cast %scan3A_215 : i32 to index
      %get3A_255 = arith.constant 80 : index
      %get3A_256 = tpu.vector_load %arg9[%get3A_254, %get3A_255] {strides = array<i32>} : memref<80x128xf32, #tpu.memory_space<vmem>>, vector<16xf32>,
      %mul3A_257 = arith.mulf %get3A_256, %gather3A_220 : vector<16xf32>
      %swap3A_258 = arith.index_cast %scan3A_215 : i32 to index
      %swap3A_259 = arith.constant 80 : index
      %swap3A_260 = tpu.vector_load %arg9[%swap3A_258, %swap3A_259] {strides = array<i32>} : memref<80x128xf32, #tpu.memory_space<vmem>>, vector<16xf32>,
      tpu.vector_store %arg9[%swap3A_258, %swap3A_259], %mul3A_257 {strides = array<i32>} : memref<80x128xf32, #tpu.memory_space<vmem>>, vector<16xf32>,
      %get3A_261 = arith.index_cast %scan3A_215 : i32 to index
      %get3A_262 = arith.constant 96 : index
      %get3A_263 = tpu.vector_load %arg9[%get3A_261, %get3A_262] {strides = array<i32>} : memref<80x128xf32, #tpu.memory_space<vmem>>, vector<16xf32>,
      %mul3A_264 = arith.mulf %get3A_263, %gather3A_220 : vector<16xf32>
      %swap3A_265 = arith.index_cast %scan3A_215 : i32 to index
      %swap3A_266 = arith.constant 96 : index
      %swap3A_267 = tpu.vector_load %arg9[%swap3A_265, %swap3A_266] {strides = array<i32>} : memref<80x128xf32, #tpu.memory_space<vmem>>, vector<16xf32>,
      tpu.vector_store %arg9[%swap3A_265, %swap3A_266], %mul3A_264 {strides = array<i32>} : memref<80x128xf32, #tpu.memory_space<vmem>>, vector<16xf32>,
      %get3A_268 = arith.index_cast %scan3A_215 : i32 to index
      %get3A_269 = arith.constant 112 : index
      %get3A_270 = tpu.vector_load %arg9[%get3A_268, %get3A_269] {strides = array<i32>} : memref<80x128xf32, #tpu.memory_space<vmem>>, vector<16xf32>,
      %mul3A_271 = arith.mulf %get3A_270, %gather3A_220 : vector<16xf32>
      %swap3A_272 = arith.index_cast %scan3A_215 : i32 to index
      %swap3A_273 = arith.constant 112 : index
      %swap3A_274 = tpu.vector_load %arg9[%swap3A_272, %swap3A_273] {strides = array<i32>} : memref<80x128xf32, #tpu.memory_space<vmem>>, vector<16xf32>,
      tpu.vector_store %arg9[%swap3A_272, %swap3A_273], %mul3A_271 {strides = array<i32>} : memref<80x128xf32, #tpu.memory_space<vmem>>, vector<16xf32>,
    }
    %scan3A_183 = arith.constant 80 : i32
    %dma_start3A_184 = arith.constant 1 : i32
    %dma_start3A_185 = arith.constant 0 : i32
    %dma_start3A_186 = tpu.memref_slice %arg11[%dma_start3A_184, %dma_start3A_185] : memref<3x80xi32, #tpu.memory_space<vmem>> -> memref<1x80xi32, #tpu.memory_space<vmem>>
    %dma_start3A_187 = tpu.memref_squeeze %dma_start3A_186 : memref<1x80xi32, #tpu.memory_space<vmem>> -> memref<80xi32, #tpu.memory_space<vmem>>
    %dma_start3A_188 = arith.constant 0 : i32
    %dma_start3A_189 = arith.constant 0 : i32
    %dma_start3A_190 = tpu.memref_slice %arg13[%dma_start3A_188, %dma_start3A_189] : memref<10000x128xf32, #tpu.memory_space<vmem_shared>> -> memref<10000x128xf32, #tpu.memory_space<vmem_shared>>
    tpu.enqueue_indirect_dma source(%arg9 : memref<80x128xf32, #tpu.memory_space<vmem>>) target(%dma_start3A_190 : memref<10000x128xf32, #tpu.memory_space<vmem_shared>>) offsets(%dma_start3A_187 : memref<80xi32, #tpu.memory_space<vmem>>) semaphore(%arg18 : memref<!tpu.dma_semaphore, #tpu.memory_space<semaphore_mem>>) {add = true}
    %dma_wait3A_191 = arith.constant 0 : i32
    %dma_wait3A_192 = arith.constant 0 : i32
    %dma_wait3A_193 = tpu.memref_slice %arg11[%dma_wait3A_191, %dma_wait3A_192] : memref<3x80xi32, #tpu.memory_space<vmem>> -> memref<1x80xi32, #tpu.memory_space<vmem>>
    %dma_wait3A_194 = tpu.memref_squeeze %dma_wait3A_193 : memref<1x80xi32, #tpu.memory_space<vmem>> -> memref<80xi32, #tpu.memory_space<vmem>>
    %dma_wait3A_195 = arith.constant 0 : i32
    %dma_wait3A_196 = arith.constant 0 : i32
    %dma_wait3A_197 = tpu.memref_slice %arg13[%dma_wait3A_195, %dma_wait3A_196] : memref<10000x128xf32, #tpu.memory_space<vmem_shared>> -> memref<10000x128xf32, #tpu.memory_space<vmem_shared>>
    tpu.wait_indirect_dma semaphore(%arg17 : memref<!tpu.dma_semaphore, #tpu.memory_space<semaphore_mem>>) src(%arg8 : memref<80x128xf32, #tpu.memory_space<vmem>>) dst(%dma_wait3A_197 : memref<10000x128xf32, #tpu.memory_space<vmem_shared>>)
    %dma_wait3A_198 = arith.constant 1 : i32
    %dma_wait3A_199 = arith.constant 0 : i32
    %dma_wait3A_200 = tpu.memref_slice %arg11[%dma_wait3A_198, %dma_wait3A_199] : memref<3x80xi32, #tpu.memory_space<vmem>> -> memref<1x80xi32, #tpu.memory_space<vmem>>
    %dma_wait3A_201 = tpu.memref_squeeze %dma_wait3A_200 : memref<1x80xi32, #tpu.memory_space<vmem>> -> memref<80xi32, #tpu.memory_space<vmem>>
    %dma_wait3A_202 = arith.constant 0 : i32
    %dma_wait3A_203 = arith.constant 0 : i32
    %dma_wait3A_204 = tpu.memref_slice %arg13[%dma_wait3A_202, %dma_wait3A_203] : memref<10000x128xf32, #tpu.memory_space<vmem_shared>> -> memref<10000x128xf32, #tpu.memory_space<vmem_shared>>
    tpu.wait_indirect_dma semaphore(%arg18 : memref<!tpu.dma_semaphore, #tpu.memory_space<semaphore_mem>>) src(%arg9 : memref<80x128xf32, #tpu.memory_space<vmem>>) dst(%dma_wait3A_204 : memref<10000x128xf32, #tpu.memory_space<vmem_shared>>)
    %barrier3A_205 = arith.constant 0 : index
    tpu.barrier barrier_id(%barrier3A_205)
    %mul3A_206 = arith.constant 624 : i32
    %mul3A_207 = arith.muli %arg1, %mul3A_206 : i32
    %mul3A_208 = arith.constant 624 : i32
    %mul3A_209 = arith.muli %arg1, %mul3A_208 : i32
    "tpu.region"() ({
      %run_scoped3A = tpu.sem_alloc : memref<!tpu.dma_semaphore, #tpu.memory_space<semaphore_mem>>
      %dma_start3A_215 = arith.constant 0 : i32
      %dma_start3A_216 = tpu.memref_slice %arg6[%arg0, %mul3A_209, %dma_start3A_215] : memref<2x10000x128xf32, #tpu.memory_space<hbm>> -> memref<1x624x128xf32, #tpu.memory_space<hbm>>
      %dma_start3A_217 = tpu.memref_squeeze %dma_start3A_216 : memref<1x624x128xf32, #tpu.memory_space<hbm>> -> memref<624x128xf32, #tpu.memory_space<hbm>>
      %dma_start3A_218 = arith.constant 0 : i32
      %dma_start3A_219 = tpu.memref_slice %arg13[%mul3A_207, %dma_start3A_218] : memref<10000x128xf32, #tpu.memory_space<vmem_shared>> -> memref<624x128xf32, #tpu.memory_space<vmem_shared>>
      tpu.enqueue_dma source(%dma_start3A_219 : memref<624x128xf32, #tpu.memory_space<vmem_shared>>) target(%dma_start3A_217 : memref<624x128xf32, #tpu.memory_space<hbm>>) target_semaphore(%run_scoped3A : memref<!tpu.dma_semaphore, #tpu.memory_space<semaphore_mem>>)
      %dma_wait3A_220 = arith.constant 0 : i32
      %dma_wait3A_221 = tpu.memref_slice %arg6[%arg0, %mul3A_209, %dma_wait3A_220] : memref<2x10000x128xf32, #tpu.memory_space<hbm>> -> memref<1x624x128xf32, #tpu.memory_space<hbm>>
      %dma_wait3A_222 = tpu.memref_squeeze %dma_wait3A_221 : memref<1x624x128xf32, #tpu.memory_space<hbm>> -> memref<624x128xf32, #tpu.memory_space<hbm>>
      %dma_wait3A_223 = arith.constant 0 : i32
      %dma_wait3A_224 = tpu.memref_slice %arg13[%mul3A_207, %dma_wait3A_223] : memref<10000x128xf32, #tpu.memory_space<vmem_shared>> -> memref<624x128xf32, #tpu.memory_space<vmem_shared>>
      tpu.wait_dma2 semaphore(%run_scoped3A : memref<!tpu.dma_semaphore, #tpu.memory_space<semaphore_mem>>) src(%dma_wait3A_224 : memref<624x128xf32, #tpu.memory_space<vmem_shared>>) dst(%dma_wait3A_222 : memref<624x128xf32, #tpu.memory_space<hbm>>)
      tpu.yield
    }) : () -> ()
    %eq3A_210 = arith.constant 15 : i32
    %eq3A_211 = arith.cmpi eq, %arg1, %eq3A_210 : i32
    %convert_element_type3A_212 = arith.extui %eq3A_211 : i1 to i32
    %cond3A_213 = arith.constant 0 : i32
    %cond3A_214 = arith.cmpi ne, %convert_element_type3A_212, %cond3A_213 : i32
    scf.if %cond3A_214 {
      "tpu.region"() ({
        %run_scoped3A = tpu.sem_alloc : memref<!tpu.dma_semaphore, #tpu.memory_space<semaphore_mem>>
        %dma_start3A_215 = arith.constant 9984 : i32
        %dma_start3A_216 = arith.constant 0 : i32
        %dma_start3A_217 = tpu.memref_slice %arg6[%arg0, %dma_start3A_215, %dma_start3A_216] : memref<2x10000x128xf32, #tpu.memory_space<hbm>> -> memref<1x16x128xf32, #tpu.memory_space<hbm>>
        %dma_start3A_218 = tpu.memref_squeeze %dma_start3A_217 : memref<1x16x128xf32, #tpu.memory_space<hbm>> -> memref<16x128xf32, #tpu.memory_space<hbm>>
        %dma_start3A_219 = arith.constant 9984 : i32
        %dma_start3A_220 = arith.constant 0 : i32
        %dma_start3A_221 = tpu.memref_slice %arg13[%dma_start3A_219, %dma_start3A_220] : memref<10000x128xf32, #tpu.memory_space<vmem_shared>> -> memref<16x128xf32, #tpu.memory_space<vmem_shared>>
        tpu.enqueue_dma source(%dma_start3A_221 : memref<16x128xf32, #tpu.memory_space<vmem_shared>>) target(%dma_start3A_218 : memref<16x128xf32, #tpu.memory_space<hbm>>) target_semaphore(%run_scoped3A : memref<!tpu.dma_semaphore, #tpu.memory_space<semaphore_mem>>)
        %dma_wait3A_222 = arith.constant 9984 : i32
        %dma_wait3A_223 = arith.constant 0 : i32
        %dma_wait3A_224 = tpu.memref_slice %arg6[%arg0, %dma_wait3A_222, %dma_wait3A_223] : memref<2x10000x128xf32, #tpu.memory_space<hbm>> -> memref<1x16x128xf32, #tpu.memory_space<hbm>>
        %dma_wait3A_225 = tpu.memref_squeeze %dma_wait3A_224 : memref<1x16x128xf32, #tpu.memory_space<hbm>> -> memref<16x128xf32, #tpu.memory_space<hbm>>
        %dma_wait3A_226 = arith.constant 9984 : i32
        %dma_wait3A_227 = arith.constant 0 : i32
        %dma_wait3A_228 = tpu.memref_slice %arg13[%dma_wait3A_226, %dma_wait3A_227] : memref<10000x128xf32, #tpu.memory_space<vmem_shared>> -> memref<16x128xf32, #tpu.memory_space<vmem_shared>>
        tpu.wait_dma2 semaphore(%run_scoped3A : memref<!tpu.dma_semaphore, #tpu.memory_space<semaphore_mem>>) src(%dma_wait3A_228 : memref<16x128xf32, #tpu.memory_space<vmem_shared>>) dst(%dma_wait3A_225 : memref<16x128xf32, #tpu.memory_space<hbm>>)
        tpu.yield
      }) : () -> ()
    } else {
    }
    return
  }
}

module attributes {stable_mosaic.version = 14 : i64} {
  func.func @body(%arg0: i32, %arg1: memref<1000x128xf32, #tpu.memory_space<vmem>>, %arg2: memref<128x128xf32, #tpu.memory_space<vmem>>, %arg3: memref<1x128xf32, #tpu.memory_space<vmem>>, %arg4: memref<2x1000x128xf32, #tpu.memory_space<vmem>>, %arg5: memref<1000x128xf32, #tpu.memory_space<vmem>>) attributes {dimension_semantics = [#tpu.dimension_semantics<arbitrary>], iteration_bounds = array<i64: 10>, scalar_prefetch = 0 : i64, scratch_operands = 0 : i64, tpu.core_type = #tpu.core_type<tc>, window_params = [{transform_indices = @transform_0, window_bounds = array<i64: 1000, 128>}, {pipeline_mode = #tpu.pipeline_mode<synchronous>, transform_indices = @transform_1, window_bounds = array<i64: 128, 128>}, {pipeline_mode = #tpu.pipeline_mode<synchronous>, transform_indices = @transform_2, window_bounds = array<i64: 1, 128>}, {transform_indices = @transform_3, window_bounds = array<i64: 2, 1000, 128>}, {transform_indices = @transform_4, window_bounds = array<i64: 1000, 128>}]} {
    %get3A = arith.constant 0 : index
    %get3A_0 = arith.constant 0 : index
    %get3A_1 = vector.load %arg1[%get3A, %get3A_0] : memref<1000x128xf32, #tpu.memory_space<vmem>>, vector<1000x128xf32>
    %get3A_2 = arith.constant 0 : index
    %get3A_3 = arith.constant 0 : index
    %get3A_4 = vector.load %arg2[%get3A_2, %get3A_3] : memref<128x128xf32, #tpu.memory_space<vmem>>, vector<128x128xf32>
    %dot_general3A = arith.constant dense<0.000000e+00> : vector<1000x128xf32>
    %dot_general3A_5 = tpu.matmul %get3A_1, %get3A_4, %dot_general3A {dimension_numbers = #tpu.dot_dimension_numbers<[1], [0], [0], [1], [0, 0, 1, 1], [], []>, transpose_lhs_hint = false} : vector<1000x128xf32>, vector<128x128xf32>, vector<1000x128xf32> -> vector<1000x128xf32>
    %get3A_6 = arith.constant 0 : index
    %get3A_7 = arith.constant 0 : index
    %get3A_8 = vector.load %arg3[%get3A_6, %get3A_7] : memref<1x128xf32, #tpu.memory_space<vmem>>, vector<1x128xf32>
    %add3A = vector.broadcast %get3A_8 : vector<1x128xf32> to vector<1000x128xf32>
    %add3A_9 = arith.addf %dot_general3A_5, %add3A : vector<1000x128xf32>
    %get3A_10 = arith.constant 0 : index
    %get3A_11 = arith.constant 0 : index
    %get3A_12 = arith.constant 0 : index
    %get3A_13 = vector.load %arg4[%get3A_10, %get3A_11, %get3A_12] : memref<2x1000x128xf32, #tpu.memory_space<vmem>>, vector<1x1000x128xf32>
    %get3A_14 = vector.shape_cast %get3A_13 : vector<1x1000x128xf32> to vector<1000x128xf32>
    %add3A_15 = arith.addf %add3A_9, %get3A_14 : vector<1000x128xf32>
    %get3A_16 = arith.constant 1 : index
    %get3A_17 = arith.constant 0 : index
    %get3A_18 = arith.constant 0 : index
    %get3A_19 = vector.load %arg4[%get3A_16, %get3A_17, %get3A_18] : memref<2x1000x128xf32, #tpu.memory_space<vmem>>, vector<1x1000x128xf32>
    %get3A_20 = vector.shape_cast %get3A_19 : vector<1x1000x128xf32> to vector<1000x128xf32>
    %add3A_21 = arith.addf %add3A_15, %get3A_20 : vector<1000x128xf32>
    %swap3A = arith.constant 0 : index
    %swap3A_22 = arith.constant 0 : index
    %swap3A_23 = vector.load %arg5[%swap3A, %swap3A_22] : memref<1000x128xf32, #tpu.memory_space<vmem>>, vector<1000x128xf32>
    tpu.vector_store %arg5[%swap3A, %swap3A_22], %add3A_21 {strides = array<i32>} : memref<1000x128xf32, #tpu.memory_space<vmem>>, vector<1000x128xf32>,
    return
  }
  func.func @transform_0(%arg0: i32) -> (i32, i32) {
    %c0_i32 = arith.constant 0 : i32
    %c0_i32_0 = arith.constant 0 : i32
    return %arg0, %c0_i32 : i32, i32
  }
  func.func @transform_1(%arg0: i32) -> (i32, i32) {
    %c0_i32 = arith.constant 0 : i32
    %c0_i32_0 = arith.constant 0 : i32
    %c0_i32_1 = arith.constant 0 : i32
    return %c0_i32, %c0_i32_0 : i32, i32
  }
  func.func @transform_2(%arg0: i32) -> (i32, i32) {
    %c0_i32 = arith.constant 0 : i32
    %c0_i32_0 = arith.constant 0 : i32
    %c0_i32_1 = arith.constant 0 : i32
    return %c0_i32, %c0_i32_0 : i32, i32
  }
  func.func @transform_3(%arg0: i32) -> (i32, i32, i32) {
    %c0_i32 = arith.constant 0 : i32
    %c0_i32_0 = arith.constant 0 : i32
    %c0_i32_1 = arith.constant 0 : i32
    return %c0_i32, %arg0, %c0_i32_0 : i32, i32, i32
  }
  func.func @transform_4(%arg0: i32) -> (i32, i32) {
    %c0_i32 = arith.constant 0 : i32
    %c0_i32_0 = arith.constant 0 : i32
    return %arg0, %c0_i32 : i32, i32
  }
}

module attributes {stable_mosaic.version = 14 : i64} {
  func.func @body(%arg0: i32, %arg1: memref<1000x128xf32, #tpu.memory_space<vmem>>, %arg2: memref<8x128x128xf32, #tpu.memory_space<vmem>>, %arg3: memref<8x1000x128xf32, #tpu.memory_space<vmem>>) attributes {dimension_semantics = [#tpu.dimension_semantics<arbitrary>], iteration_bounds = array<i64: 10>, scalar_prefetch = 0 : i64, scratch_operands = 0 : i64, tpu.core_type = #tpu.core_type<tc>, window_params = [{transform_indices = @transform_0, window_bounds = array<i64: 1000, 128>}, {pipeline_mode = #tpu.pipeline_mode<synchronous>, transform_indices = @transform_1, window_bounds = array<i64: 8, 128, 128>}, {transform_indices = @transform_2, window_bounds = array<i64: 8, 1000, 128>}]} {
    %get3A = arith.constant 0 : index
    %get3A_0 = arith.constant 0 : index
    %get3A_1 = vector.load %arg1[%get3A, %get3A_0] : memref<1000x128xf32, #tpu.memory_space<vmem>>, vector<1000x128xf32>
    %get3A_2 = arith.constant 0 : index
    %get3A_3 = arith.constant 0 : index
    %get3A_4 = arith.constant 0 : index
    %get3A_5 = vector.load %arg2[%get3A_2, %get3A_3, %get3A_4] : memref<8x128x128xf32, #tpu.memory_space<vmem>>, vector<1x128x128xf32>
    %get3A_6 = vector.shape_cast %get3A_5 : vector<1x128x128xf32> to vector<128x128xf32>
    %dot_general3A = arith.constant dense<0.000000e+00> : vector<1000x128xf32>
    %dot_general3A_7 = tpu.matmul %get3A_1, %get3A_6, %dot_general3A {dimension_numbers = #tpu.dot_dimension_numbers<[1], [0], [0], [1], [0, 0, 1, 1], [], []>, transpose_lhs_hint = false} : vector<1000x128xf32>, vector<128x128xf32>, vector<1000x128xf32> -> vector<1000x128xf32>
    %swap3A = arith.constant 0 : index
    %swap3A_8 = arith.constant 0 : index
    %swap3A_9 = arith.constant 0 : index
    %swap3A_10 = vector.load %arg3[%swap3A, %swap3A_8, %swap3A_9] : memref<8x1000x128xf32, #tpu.memory_space<vmem>>, vector<1x1000x128xf32>
    %swap3A_11 = vector.shape_cast %swap3A_10 : vector<1x1000x128xf32> to vector<1000x128xf32>
    %swap3A_12 = vector.shape_cast %dot_general3A_7 : vector<1000x128xf32> to vector<1x1000x128xf32>
    tpu.vector_store %arg3[%swap3A, %swap3A_8, %swap3A_9], %swap3A_12 {strides = array<i32>} : memref<8x1000x128xf32, #tpu.memory_space<vmem>>, vector<1x1000x128xf32>,
    %get3A_13 = arith.constant 1 : index
    %get3A_14 = arith.constant 0 : index
    %get3A_15 = arith.constant 0 : index
    %get3A_16 = vector.load %arg2[%get3A_13, %get3A_14, %get3A_15] : memref<8x128x128xf32, #tpu.memory_space<vmem>>, vector<1x128x128xf32>
    %get3A_17 = vector.shape_cast %get3A_16 : vector<1x128x128xf32> to vector<128x128xf32>
    %dot_general3A_18 = arith.constant dense<0.000000e+00> : vector<1000x128xf32>
    %dot_general3A_19 = tpu.matmul %get3A_1, %get3A_17, %dot_general3A_18 {dimension_numbers = #tpu.dot_dimension_numbers<[1], [0], [0], [1], [0, 0, 1, 1], [], []>, transpose_lhs_hint = false} : vector<1000x128xf32>, vector<128x128xf32>, vector<1000x128xf32> -> vector<1000x128xf32>
    %swap3A_20 = arith.constant 1 : index
    %swap3A_21 = arith.constant 0 : index
    %swap3A_22 = arith.constant 0 : index
    %swap3A_23 = vector.load %arg3[%swap3A_20, %swap3A_21, %swap3A_22] : memref<8x1000x128xf32, #tpu.memory_space<vmem>>, vector<1x1000x128xf32>
    %swap3A_24 = vector.shape_cast %swap3A_23 : vector<1x1000x128xf32> to vector<1000x128xf32>
    %swap3A_25 = vector.shape_cast %dot_general3A_19 : vector<1000x128xf32> to vector<1x1000x128xf32>
    tpu.vector_store %arg3[%swap3A_20, %swap3A_21, %swap3A_22], %swap3A_25 {strides = array<i32>} : memref<8x1000x128xf32, #tpu.memory_space<vmem>>, vector<1x1000x128xf32>,
    %get3A_26 = arith.constant 2 : index
    %get3A_27 = arith.constant 0 : index
    %get3A_28 = arith.constant 0 : index
    %get3A_29 = vector.load %arg2[%get3A_26, %get3A_27, %get3A_28] : memref<8x128x128xf32, #tpu.memory_space<vmem>>, vector<1x128x128xf32>
    %get3A_30 = vector.shape_cast %get3A_29 : vector<1x128x128xf32> to vector<128x128xf32>
    %dot_general3A_31 = arith.constant dense<0.000000e+00> : vector<1000x128xf32>
    %dot_general3A_32 = tpu.matmul %get3A_1, %get3A_30, %dot_general3A_31 {dimension_numbers = #tpu.dot_dimension_numbers<[1], [0], [0], [1], [0, 0, 1, 1], [], []>, transpose_lhs_hint = false} : vector<1000x128xf32>, vector<128x128xf32>, vector<1000x128xf32> -> vector<1000x128xf32>
    %swap3A_33 = arith.constant 2 : index
    %swap3A_34 = arith.constant 0 : index
    %swap3A_35 = arith.constant 0 : index
    %swap3A_36 = vector.load %arg3[%swap3A_33, %swap3A_34, %swap3A_35] : memref<8x1000x128xf32, #tpu.memory_space<vmem>>, vector<1x1000x128xf32>
    %swap3A_37 = vector.shape_cast %swap3A_36 : vector<1x1000x128xf32> to vector<1000x128xf32>
    %swap3A_38 = vector.shape_cast %dot_general3A_32 : vector<1000x128xf32> to vector<1x1000x128xf32>
    tpu.vector_store %arg3[%swap3A_33, %swap3A_34, %swap3A_35], %swap3A_38 {strides = array<i32>} : memref<8x1000x128xf32, #tpu.memory_space<vmem>>, vector<1x1000x128xf32>,
    %get3A_39 = arith.constant 3 : index
    %get3A_40 = arith.constant 0 : index
    %get3A_41 = arith.constant 0 : index
    %get3A_42 = vector.load %arg2[%get3A_39, %get3A_40, %get3A_41] : memref<8x128x128xf32, #tpu.memory_space<vmem>>, vector<1x128x128xf32>
    %get3A_43 = vector.shape_cast %get3A_42 : vector<1x128x128xf32> to vector<128x128xf32>
    %dot_general3A_44 = arith.constant dense<0.000000e+00> : vector<1000x128xf32>
    %dot_general3A_45 = tpu.matmul %get3A_1, %get3A_43, %dot_general3A_44 {dimension_numbers = #tpu.dot_dimension_numbers<[1], [0], [0], [1], [0, 0, 1, 1], [], []>, transpose_lhs_hint = false} : vector<1000x128xf32>, vector<128x128xf32>, vector<1000x128xf32> -> vector<1000x128xf32>
    %swap3A_46 = arith.constant 3 : index
    %swap3A_47 = arith.constant 0 : index
    %swap3A_48 = arith.constant 0 : index
    %swap3A_49 = vector.load %arg3[%swap3A_46, %swap3A_47, %swap3A_48] : memref<8x1000x128xf32, #tpu.memory_space<vmem>>, vector<1x1000x128xf32>
    %swap3A_50 = vector.shape_cast %swap3A_49 : vector<1x1000x128xf32> to vector<1000x128xf32>
    %swap3A_51 = vector.shape_cast %dot_general3A_45 : vector<1000x128xf32> to vector<1x1000x128xf32>
    tpu.vector_store %arg3[%swap3A_46, %swap3A_47, %swap3A_48], %swap3A_51 {strides = array<i32>} : memref<8x1000x128xf32, #tpu.memory_space<vmem>>, vector<1x1000x128xf32>,
    %get3A_52 = arith.constant 4 : index
    %get3A_53 = arith.constant 0 : index
    %get3A_54 = arith.constant 0 : index
    %get3A_55 = vector.load %arg2[%get3A_52, %get3A_53, %get3A_54] : memref<8x128x128xf32, #tpu.memory_space<vmem>>, vector<1x128x128xf32>
    %get3A_56 = vector.shape_cast %get3A_55 : vector<1x128x128xf32> to vector<128x128xf32>
    %dot_general3A_57 = arith.constant dense<0.000000e+00> : vector<1000x128xf32>
    %dot_general3A_58 = tpu.matmul %get3A_1, %get3A_56, %dot_general3A_57 {dimension_numbers = #tpu.dot_dimension_numbers<[1], [0], [0], [1], [0, 0, 1, 1], [], []>, transpose_lhs_hint = false} : vector<1000x128xf32>, vector<128x128xf32>, vector<1000x128xf32> -> vector<1000x128xf32>
    %swap3A_59 = arith.constant 4 : index
    %swap3A_60 = arith.constant 0 : index
    %swap3A_61 = arith.constant 0 : index
    %swap3A_62 = vector.load %arg3[%swap3A_59, %swap3A_60, %swap3A_61] : memref<8x1000x128xf32, #tpu.memory_space<vmem>>, vector<1x1000x128xf32>
    %swap3A_63 = vector.shape_cast %swap3A_62 : vector<1x1000x128xf32> to vector<1000x128xf32>
    %swap3A_64 = vector.shape_cast %dot_general3A_58 : vector<1000x128xf32> to vector<1x1000x128xf32>
    tpu.vector_store %arg3[%swap3A_59, %swap3A_60, %swap3A_61], %swap3A_64 {strides = array<i32>} : memref<8x1000x128xf32, #tpu.memory_space<vmem>>, vector<1x1000x128xf32>,
    %get3A_65 = arith.constant 5 : index
    %get3A_66 = arith.constant 0 : index
    %get3A_67 = arith.constant 0 : index
    %get3A_68 = vector.load %arg2[%get3A_65, %get3A_66, %get3A_67] : memref<8x128x128xf32, #tpu.memory_space<vmem>>, vector<1x128x128xf32>
    %get3A_69 = vector.shape_cast %get3A_68 : vector<1x128x128xf32> to vector<128x128xf32>
    %dot_general3A_70 = arith.constant dense<0.000000e+00> : vector<1000x128xf32>
    %dot_general3A_71 = tpu.matmul %get3A_1, %get3A_69, %dot_general3A_70 {dimension_numbers = #tpu.dot_dimension_numbers<[1], [0], [0], [1], [0, 0, 1, 1], [], []>, transpose_lhs_hint = false} : vector<1000x128xf32>, vector<128x128xf32>, vector<1000x128xf32> -> vector<1000x128xf32>
    %swap3A_72 = arith.constant 5 : index
    %swap3A_73 = arith.constant 0 : index
    %swap3A_74 = arith.constant 0 : index
    %swap3A_75 = vector.load %arg3[%swap3A_72, %swap3A_73, %swap3A_74] : memref<8x1000x128xf32, #tpu.memory_space<vmem>>, vector<1x1000x128xf32>
    %swap3A_76 = vector.shape_cast %swap3A_75 : vector<1x1000x128xf32> to vector<1000x128xf32>
    %swap3A_77 = vector.shape_cast %dot_general3A_71 : vector<1000x128xf32> to vector<1x1000x128xf32>
    tpu.vector_store %arg3[%swap3A_72, %swap3A_73, %swap3A_74], %swap3A_77 {strides = array<i32>} : memref<8x1000x128xf32, #tpu.memory_space<vmem>>, vector<1x1000x128xf32>,
    %get3A_78 = arith.constant 6 : index
    %get3A_79 = arith.constant 0 : index
    %get3A_80 = arith.constant 0 : index
    %get3A_81 = vector.load %arg2[%get3A_78, %get3A_79, %get3A_80] : memref<8x128x128xf32, #tpu.memory_space<vmem>>, vector<1x128x128xf32>
    %get3A_82 = vector.shape_cast %get3A_81 : vector<1x128x128xf32> to vector<128x128xf32>
    %dot_general3A_83 = arith.constant dense<0.000000e+00> : vector<1000x128xf32>
    %dot_general3A_84 = tpu.matmul %get3A_1, %get3A_82, %dot_general3A_83 {dimension_numbers = #tpu.dot_dimension_numbers<[1], [0], [0], [1], [0, 0, 1, 1], [], []>, transpose_lhs_hint = false} : vector<1000x128xf32>, vector<128x128xf32>, vector<1000x128xf32> -> vector<1000x128xf32>
    %swap3A_85 = arith.constant 6 : index
    %swap3A_86 = arith.constant 0 : index
    %swap3A_87 = arith.constant 0 : index
    %swap3A_88 = vector.load %arg3[%swap3A_85, %swap3A_86, %swap3A_87] : memref<8x1000x128xf32, #tpu.memory_space<vmem>>, vector<1x1000x128xf32>
    %swap3A_89 = vector.shape_cast %swap3A_88 : vector<1x1000x128xf32> to vector<1000x128xf32>
    %swap3A_90 = vector.shape_cast %dot_general3A_84 : vector<1000x128xf32> to vector<1x1000x128xf32>
    tpu.vector_store %arg3[%swap3A_85, %swap3A_86, %swap3A_87], %swap3A_90 {strides = array<i32>} : memref<8x1000x128xf32, #tpu.memory_space<vmem>>, vector<1x1000x128xf32>,
    %get3A_91 = arith.constant 7 : index
    %get3A_92 = arith.constant 0 : index
    %get3A_93 = arith.constant 0 : index
    %get3A_94 = vector.load %arg2[%get3A_91, %get3A_92, %get3A_93] : memref<8x128x128xf32, #tpu.memory_space<vmem>>, vector<1x128x128xf32>
    %get3A_95 = vector.shape_cast %get3A_94 : vector<1x128x128xf32> to vector<128x128xf32>
    %dot_general3A_96 = arith.constant dense<0.000000e+00> : vector<1000x128xf32>
    %dot_general3A_97 = tpu.matmul %get3A_1, %get3A_95, %dot_general3A_96 {dimension_numbers = #tpu.dot_dimension_numbers<[1], [0], [0], [1], [0, 0, 1, 1], [], []>, transpose_lhs_hint = false} : vector<1000x128xf32>, vector<128x128xf32>, vector<1000x128xf32> -> vector<1000x128xf32>
    %swap3A_98 = arith.constant 7 : index
    %swap3A_99 = arith.constant 0 : index
    %swap3A_100 = arith.constant 0 : index
    %swap3A_101 = vector.load %arg3[%swap3A_98, %swap3A_99, %swap3A_100] : memref<8x1000x128xf32, #tpu.memory_space<vmem>>, vector<1x1000x128xf32>
    %swap3A_102 = vector.shape_cast %swap3A_101 : vector<1x1000x128xf32> to vector<1000x128xf32>
    %swap3A_103 = vector.shape_cast %dot_general3A_97 : vector<1000x128xf32> to vector<1x1000x128xf32>
    tpu.vector_store %arg3[%swap3A_98, %swap3A_99, %swap3A_100], %swap3A_103 {strides = array<i32>} : memref<8x1000x128xf32, #tpu.memory_space<vmem>>, vector<1x1000x128xf32>,
    return
  }
  func.func @transform_0(%arg0: i32) -> (i32, i32) {
    %c0_i32 = arith.constant 0 : i32
    %c0_i32_0 = arith.constant 0 : i32
    return %arg0, %c0_i32 : i32, i32
  }
  func.func @transform_1(%arg0: i32) -> (i32, i32, i32) {
    %c0_i32 = arith.constant 0 : i32
    %c0_i32_0 = arith.constant 0 : i32
    %c0_i32_1 = arith.constant 0 : i32
    %c0_i32_2 = arith.constant 0 : i32
    return %c0_i32, %c0_i32_0, %c0_i32_1 : i32, i32, i32
  }
  func.func @transform_2(%arg0: i32) -> (i32, i32, i32) {
    %c0_i32 = arith.constant 0 : i32
    %c0_i32_0 = arith.constant 0 : i32
    %c0_i32_1 = arith.constant 0 : i32
    return %c0_i32, %arg0, %c0_i32_0 : i32, i32, i32
  }
}

</mosaic_0001>

<sc_bundles>
// kernel: kernel.6.cloned.1.call-start
scs
__scs_entry_jumppad:
0x0: {  	(pc) =	sbr.rel $0x88, $3  }
0x1: {  	(tag) =	ssettag $0x0;
	lr =	simm.s32 $0x1  }
0x2: {  	[smem:$0x3F9B] =	sst lr;
	_ =	strace $0xD0000000  }
0x3: {  	_ = 	snop  }
0x4: {  	_ = 	snop  }
0x5: {  	_ = 	snop  }
0x6: {  	_ = 	snop  }
0x7: {  	_ = 	snop  }
__scs_overlays_trampoline_lowered:
0x8: {  	[smem:$0x3FAA] =	sst s0  }
0x9: {  	[smem:$0x3FAB] =	sst s1  }
0xa: {  	[smem:$0x3FAC] =	sst s2  }
0xb: {  	[smem:$0x3FAD] =	sst s3  }
0xc: {  	[smem:$0x3FAE] =	sst s4  }
0xd: {  	[smem:$0x3FAF] =	sst s5  }
0xe: {  	[smem:$0x3FB0] =	sst s6  }
0xf: {  	[smem:$0x3FB1] =	sst s7  }
0x10: {  	[smem:$0x3FB2] =	sst s8  }
0x11: {  	[smem:$0x3FB3] =	sst s9;
	s0 =	simm.s32 @!p0 $0x0  }
0x12: {  	s1 =	sld [smem:$0x3F99];
	s0 =	simm.s32 @p0 $0x1  }
0x13: {  	[smem:$0x3FB4] =	sst s0;
	s0 =	simm.s32 @!p1 $0x0  }
0x14: {  	s2 =	sld [smem:$0x3F98];
	s0 =	simm.s32 @p1 $0x1  }
0x15: {  	[smem:$0x3FB5] =	sst s0;
	s0 =	simm.s32 @!p2 $0x0  }
0x16: {  	s3 =	sld [smem:$0x3FDB];
	s0 =	simm.s32 @p2 $0x1  }
0x17: {  	s4 =	simm.s32 $0x1BF5;
	[smem:$0x3FB7] =	sst s0  }
0x18: {  	s0 =	sld [smem:$0x3F9A];
	_ =	swait.ge [sflag:s4], $0x0  }
0x19: {  	s7 =	sld [smem:$0x3F9B]  }
0x1a: {  	s8 =	sadd.s32 $0xFFFFE003, lr  }
0x1b: {  	s9 =	sadd.s32 $0xFFFFFEF7, lr;
	s5 =	simm.s32 $0xFFFFFFFF;
	p2 =	slt.u32 s8, $0xFFFFF086  }
0x1c: {  	p1 =	slt.u32 s9, $0xF7A;
	s5 =	simm.s32 @!p2 $0x0  }
0x1d: {  	s5 =	simm.s32 @p1 $0x1;
	p0 =	seq.s32 s7, s2  }
0x1e: {  	s7 =	smul.u32 @!p0 $0xF7A, s2;
	p2 =	seq.s32 @!p0 s5, $0x0  }
0x1f: {  	s9 =	smul.u32 $0xF7A, s1;
	s8 =	simm.s32 @!p0 $0x1BF5;
	p2 =	por !p2, p0  }
0x20: {  	[sflag:s8] =	ssyncset.s32 @!p0 $0xFFFFF086;
	s6 =	sadd.s32 @!p0 s3, s7;
	s7 =	simm.s32 @!p0 $0x108  }
0x21: {  	s3 =	sadd.s32 s3, s9;
	s6 =	sadd.s32 @!p0 $0x88, s6;
	s7 =	simm.s32 @p2 $0x1082  }
0x22: {  	[simem:s7], [sflag:s8] =	dma.local @!p0 [hbm:s6], $0xF7A  }
0x23: {  	s9 =	sor.u32 $0xD0000000, s2;
	s6 =	simm.s32 $0x108;
	_ =	swait.ge @!p0 [sflag:s8], $0x0  }
0x24: {  	s3 =	sadd.s32 $0x88, s3;
	s6 =	simm.s32 @!p1 $0x1082;
	[sflag:s4] =	ssyncset.s32 $0xFFFFF086  }
0x25: {  	[simem:s6], [sflag:s4] =	dma.local [hbm:s3], $0xF7A  }
0x26: {  	[smem:$0x3F9B] =	sst s1;
	(tag) =	ssettag s2;
	_ =	strace s9  }
0x27: {  	s1 =	sld [smem:$0x3FAB]  }
0x28: {  	s2 =	sld [smem:$0x3FAC]  }
0x29: {  	s4 =	sld [smem:$0x3FAE]  }
0x2a: {  	p0 =	seq.s32 s5, $0x0;
	s5 =	sld [smem:$0x3FAF]  }
0x2b: {  	s6 =	sld [smem:$0x3FB0]  }
0x2c: {  	s7 =	sld [smem:$0x3FB1]  }
0x2d: {  	s3 =	simm.s32 $0x108;
	s8 =	sld [smem:$0x3FB2]  }
0x2e: {  	s3 =	simm.s32 @!p0 $0x1082;
	s9 =	sld [smem:$0x3FB3]  }
0x2f: {  	lr =	sadd.s32 s0, s3;
	s0 =	sld [smem:$0x3FAA]  }
0x30: {  	s3 =	sld [smem:$0x3FAD]  }
0x31: {  	[smem:$0x3FB6] =	sst s10  }
0x32: {  	s10 =	sld [smem:$0x3FB4];
	_ =	sdelay $0x3  }
0x33: {  	p0 =	seq.s32 s10, $0x1;
	s10 =	sld [smem:$0x3FB6];
	_ =	sdelay $0x3  }
0x34: {  	[smem:$0x3FB6] =	sst s10  }
0x35: {  	s10 =	sld [smem:$0x3FB5];
	_ =	sdelay $0x3  }
0x36: {  	p1 =	seq.s32 s10, $0x1;
	s10 =	sld [smem:$0x3FB6];
	_ =	sdelay $0x3  }
0x37: {  	[smem:$0x3FB6] =	sst s10  }
0x38: {  	s10 =	sld [smem:$0x3FB7]  }
0x39: {  	_ = 	snop;
	(pc) =	sbr.ind lr, $3  }
0x3a: {  	_ = 	snop  }
0x3b: {  	_ = 	snop  }
0x3c: {  	p2 =	seq.s32 s10, $0x1;
	s10 =	sld [smem:$0x3FB6]  }
0x3d: {  	_ =	shalt  }
0x3e: {  	_ =	shalt  }
0x3f: {  	_ =	shalt  }
0x40: {  	_ =	shalt  }
0x41: {  	_ =	shalt  }
0x42: {  	_ =	shalt  }
0x43: {  	_ =	shalt  }
0x44: {  	_ =	shalt  }
0x45: {  	_ =	shalt  }
0x46: {  	_ =	shalt  }
0x47: {  	_ =	shalt  }
0x48: {  	_ =	shalt  }
0x49: {  	_ =	shalt  }
0x4a: {  	_ =	shalt  }
0x4b: {  	_ =	shalt  }
0x4c: {  	_ =	shalt  }
0x4d: {  	_ =	shalt  }
0x4e: {  	_ =	shalt  }
0x4f: {  	_ =	shalt  }
0x50: {  	_ =	shalt  }
0x51: {  	_ =	shalt  }
0x52: {  	_ =	shalt  }
0x53: {  	_ =	shalt  }
0x54: {  	_ =	shalt  }
0x55: {  	_ =	shalt  }
0x56: {  	_ =	shalt  }
0x57: {  	_ =	shalt  }
0x58: {  	_ =	shalt  }
0x59: {  	_ =	shalt  }
0x5a: {  	_ =	shalt  }
0x5b: {  	_ =	shalt  }
0x5c: {  	_ =	shalt  }
0x5d: {  	_ =	shalt  }
0x5e: {  	_ =	shalt  }
0x5f: {  	_ =	shalt  }
0x60: {  	_ =	shalt  }
0x61: {  	_ =	shalt  }
0x62: {  	_ =	shalt  }
0x63: {  	_ =	shalt  }
0x64: {  	_ =	shalt  }
0x65: {  	_ =	shalt  }
0x66: {  	_ =	shalt  }
0x67: {  	_ =	shalt  }
0x68: {  	_ =	shalt  }
0x69: {  	_ =	shalt  }
0x6a: {  	_ =	shalt  }
0x6b: {  	_ =	shalt  }
0x6c: {  	_ =	shalt  }
0x6d: {  	_ =	shalt  }
0x6e: {  	_ =	shalt  }
0x6f: {  	_ =	shalt  }
0x70: {  	_ =	shalt  }
0x71: {  	_ =	shalt  }
0x72: {  	_ =	shalt  }
0x73: {  	_ =	shalt  }
0x74: {  	_ =	shalt  }
0x75: {  	_ =	shalt  }
0x76: {  	_ =	shalt  }
0x77: {  	_ =	shalt  }
0x78: {  	_ =	shalt  }
0x79: {  	_ =	shalt  }
0x7a: {  	_ =	shalt  }
0x7b: {  	_ =	shalt  }
0x7c: {  	_ =	shalt  }
0x7d: {  	_ =	shalt  }
0x7e: {  	_ =	shalt  }
0x7f: {  	_ =	shalt  }
0x80: {  	_ =	shalt  }
0x81: {  	_ =	shalt  }
0x82: {  	_ =	shalt  }
0x83: {  	_ =	shalt  }
0x84: {  	_ =	shalt  }
0x85: {  	_ =	shalt  }
0x86: {  	_ =	shalt  }
0x87: {  	_ =	shalt  }
.Lfunc_end0:
.L_simem_size_0:
called_computation_lowered:
.L_overlay_start_0:
0x88: {  	s2 =	sld [smem:$0x3FD9]  }
0x89: {  	s3 =	sld [smem:$0x3FFE];
	_ =	sdelay $0x1  }
0x8a: {  	s1 =	srdreg.scid  }
0x8b: {  	s0 =	sand.u32 $0x1, s1  }
0x8c: {  	s17 =	sshll.u32 s0, $0xA;
	s2 =	sadd.s32 s3, s2  }
0x8d: {  	s2 =	sadd.s32 s2, s17  }
0x8e: {  	[smem:$0x3FC2] =	sst s2  }
0x8f: {  	_ = 	snop  }
0x90: {  	s2 =	sld [smem:$0x3FC7]  }
0x91: {  	s18 =	sld [smem:$0x3FD0];
	(tm) =	ssettm $0x1  }
0x92: {  	s4 =	sld [smem:$0x3FFB];
	_ =	sdelay $0x3  }
0x93: {  	_ =	strace s4  }
0x94: {  	s4 =	sld [smem:$0x3FFC];
	_ =	sdelay $0x3  }
0x95: {  	_ =	strace s4  }
0x96: {  	s4 =	sld [smem:$0x3FFD];
	_ =	sdelay $0x3  }
0x97: {  	_ =	strace s4  }
0x98: {  	_ =	strace $0x8FFFFFFF  }
0x99: {  	s19 =	sld [smem:$0x3FDB];
	_ =	sdelay $0x1  }
0x9a: {  	s5 =	simm.s32 $_scs_section_size  }
0x9b: {  	s6 =	simm.s32 $_size__tile_overlayer_lowered;
	s7 =	simm.s32 $_tile_overlayer_lowered  }
0x9c: {  	s22 =	simm.s32 $0x1BFF;
	s21 =	sshll.u32 s7, $0x1;
	s4 =	sadd.s32 s5, s19  }
0x9d: {  	s8 =	simm.s32 $0x0;
	s20 =	sshll.u32 s6, $0x1;
	s6 =	sadd.s32 s21, s4  }
0x9e: {  	[timem:s8], [sflag:s22] =	dma.local [hbm:s6], s20  }
0x9f: {  	_ =	swait.ge [sflag:s22], s20  }
0xa0: {  	s5 =	ssub.s32 $0x0, s20;
	[sflag:s22] =	ssyncset.done $0x0  }
0xa1: {  	[sflag:s22] =	ssyncadd.s32 s5;
	_ =	sdelay $0x1  }
0xa2: {  	s23 =	simm.s32 $0x1B8B  }
0xa3: {  	_ =	swait.ge [sflag:s23], $0x1  }
0xa4: {  	[sflag:s23] =	ssyncset.done $0x0  }
0xa5: {  	s25 =	simm.s32 $0x1B8E;
	s24 =	sld [smem:$0x3FFE];
	[sflag:s23] =	ssyncadd.s32 $0xFFFFFFFF  }
0xa6: {  	s26 =	simm.s32 $execute0_lowered;
	[smem:$0x3FD2] =	sst s25  }
0xa7: {  	s6 =	sshll.u32 s26, $0x1;
	_ =	strace $0x80000046;
	[dreg:$0x1] =	wrdreg $0xFFFFFFFF  }
0xa8: {  	s28 =	simm.s32 $_size_execute0_lowered;
	s4 =	sadd.s32 s4, s6;
	[dreg:$0x0] =	wrdreg $0x0  }
0xa9: {  	s6 =	sshll.u32 s28, $0x1;
	[dreg:$0x2] =	wrdreg s4  }
0xaa: {  	[dreg:$0x3] =	wrdreg s6  }
0xab: {  	[dreg:$0x4] =	wrdreg $0xC0  }
0xac: {  	_ =	task [dreg:s8], $0x5FFFF  }
0xad: {  	[dreg:$0x1] =	wrdreg $0xFFFFFFFF  }
0xae: {  	[dreg:$0x0] =	wrdreg $0x60  }
0xaf: {  	[dreg:$0x2] =	wrdreg s2  }
0xb0: {  	[dreg:$0x3] =	wrdreg s24  }
0xb1: {  	[dreg:$0x4] =	wrdreg s18  }
0xb2: {  	[dreg:$0x5] =	wrdreg $0x1B7000  }
0xb3: {  	[dreg:$0x6] =	wrdreg $0x9  }
0xb4: {  	_ =	task.clear_ibuf [dreg:s8], $0x7FFFF;
	_ =	strace $0x90000046  }
0xb5: {  	s29 =	simm.s32 $0x9;
	_ =	strace $0x80000048  }
0xb6: {  	_ =	swait.ge [sflag:s29], $0x1  }
0xb7: {  	[sflag:s29] =	ssyncadd.s32 $0xFFFFFFFF  }
0xb8: {  	_ =	strace $0x90000048  }
0xb9: {  	_ =	sfence  }
0xba: {  	s30 =	sld [smem:$0x0];
	_ =	sdelay $0x2  }
0xbb: {  	s31 =	sshll.u32 s1, $0xD;
	s1 =	sshrl.u32 s1, $0x2  }
0xbc: {  	s3 =	sand.u32 $0x4000, s31;
	s1 =	sadd.s32 s1, s30  }
0xbd: {  	s0 =	sor.u32 s3, s0;
	s1 =	sshll.u32 s1, $0x11  }
0xbe: {  	s0 =	sor.u32 s1, s0  }
0xbf: {  	s0 =	sadd.s32 $0x8F2B, s0  }
0xc0: {  	[sflag:s0] =	ssyncadd.remote.s32 $0x1  }
0xc1: {  	_ =	sfence.sel $0xFFFF  }
0xc2: {  	[dreg:$0x0] =	wrdreg $0xFFFFFFFF;
	(pc) =	sbr.abs _section_cstart, $3  }
0xc3: {  	[dreg:$0x1] =	wrdreg $0xFFFFFFFF  }
0xc4: {  	_ =	task.clear_ibuf [dreg:s8], $0x2FFFF;
	_ =	strace $0x9FFFFFFF  }
0xc5: {  	(tm) =	ssettm $0x7FFFFFFF  }
tec
execute0_lowered:
.L_overlay_start_1:
0x0: {  	(tag) =	ssettag $0x1  }
0x1: {  	s0 =	rddreg [dreg:$0x0]  }
0x2: {  	s2 =	rddreg [dreg:$0x1]  }
0x3: {  	s3 =	rddreg [dreg:$0x2]  }
0x4: {  	s4 =	srdreg.scid;
	s11 =	stileid.u32  }
0x5: {  	s1 =	simm.s32 $0x0;
	s4 =	sand.u32 $0x1, s4;
	s8 =	smul.u32 $0x4E20, s11  }
0x6: {  	[smem:$0x7FF] =	sst s1;
	s5 =	sadd.s32 $0x1400, s2;
	s7 =	ssub.s32 $0x2, s4  }
0x7: {  	s10 =	smul.u32 $0x5000, s11;
	s9 =	sshrl.u32 s7, $0x1;
	s8 =	sshrl.u32 s8, $0x3  }
0x8: {  	s4 =	sshll.u32 s4, $0x4;
	s7 =	ssub.s32 s7, s9;
	s25 =	sadd.s32 s0, s8  }
0x9: {  	s24 =	sadd.s32 $0x1F4, s8;
	s26 =	sadd.s32 s5, s8;
	[dreg:$0x5] =	wrdreg s25  }
0xa: {  	s9 =	sshrl.u32 s10, $0x2;
	[dreg:$0x6] =	wrdreg s26;
	s12 =	sadd.s32 s0, s24  }
0xb: {  	s13 =	sadd.s32 $0x3E8, s8;
	s10 =	sadd.s32 s5, s24;
	[dreg:$0x7] =	wrdreg s12  }
0xc: {  	s15 =	sadd.s32 $0x5DC, s8;
	s14 =	sadd.s32 s0, s13;
	[dreg:$0x8] =	wrdreg s10  }
0xd: {  	s8 =	sadd.s32 $0x7D0, s8;
	s16 =	sadd.s32 s0, s15;
	[dreg:$0x9] =	wrdreg s14  }
0xe: {  	s4 =	sor.u32 s11, s4;
	s17 =	sadd.s32 s0, s8;
	[dreg:$0xb] =	wrdreg s16  }
0xf: {  	s4 =	smul.u32 $0x2710, s4;
	s8 =	sadd.s32 s5, s8;
	[dreg:$0xd] =	wrdreg s17  }
0x10: {  	s10 =	sadd.s32 s5, s13;
	[dreg:$0xe] =	wrdreg s8  }
0x11: {  	s4 =	sshrl.u32 s4, $0x3;
	[dreg:$0xa] =	wrdreg s10;
	s10 =	sadd.s32 s5, s15  }
0x12: {  	s19 =	sadd.s32 s0, s4;
	[dreg:$0xc] =	wrdreg s10  }
0x13: {  	s25 =	sadd.s32 s5, s4;
	[dreg:$0xf] =	wrdreg s19  }
0x14: {  	s6 =	sadd.s32 $0xB200, s2;
	s26 =	sadd.s32 s3, s4;
	[dreg:$0x15] =	wrdreg s25  }
0x15: {  	s2 =	sadd.s32 $0x15000, s2;
	s18 =	sadd.s32 $0x270, s4;
	[dreg:$0x16] =	wrdreg s26  }
0x16: {  	s11 =	simm.s32 $0x18E80;
	s20 =	sadd.s32 s0, s18;
	s25 =	rddreg [dreg:$0x3]  }
0x17: {  	s31 =	smax.u32 s7, $0x1;
	s21 =	sadd.s32 s5, s18;
	[dreg:$0x10] =	wrdreg s20  }
0x18: {  	s7 =	simm.s32 $0x1B600;
	s22 =	sadd.s32 s3, s18;
	[dreg:$0x11] =	wrdreg s21  }
0x19: {  	s8 =	simm.s32 $0x1;
	s23 =	sadd.s32 s6, s18;
	[dreg:$0x12] =	wrdreg s22  }
0x1a: {  	s12 =	simm.s32 $0x1A200;
	s24 =	sadd.s32 s2, s18;
	[dreg:$0x13] =	wrdreg s23  }
0x1b: {  	s13 =	simm.s32 $0x0;
	s10 =	simm.s32 $0x17B00;
	[dreg:$0x14] =	wrdreg s24  }
0x1c: {  	s20 =	sadd.s32 s6, s4;
	s21 =	sadd.s32 s2, s4;
	s4 =	sadd.s32 $0x4E0, s4  }
0x1d: {  	s30 =	sadd.s32 s9, s25;
	s22 =	simm.s32 $0x14000;
	s9 =	simm.s32 $0x2  }
0x1e: {  	s23 =	sadd.s32 s0, s4;
	s24 =	sadd.s32 s5, s4;
	s26 =	sadd.s32 s3, s4  }
0x1f: {  	s28 =	sadd.s32 s6, s4;
	s29 =	sadd.s32 s2, s4;
	_ =	strace $0x80000047  }
0x20: {  	s0 =	simm.s32 $0x3;
	s2 =	simm.s32 $0x15400;
	s3 =	simm.s32 $0x16780  }
0x21: {  	v0 =	vimm.f32 $0.0e+00;
	v1 =	vimm.f32 $1.000000000e+00;
	s4 =	simm.s32 $0x50;
	s5 =	simm.s32 $0x1B580;
	s6 =	simm.s32 $0x1B680  }
.LBB2_1:
0x22: {  	s14 =	simm.s32 $0x40;
	s15 =	simm.s32 $0x0  }
.LBB2_2:
0x23: {  	p0 =	sne.s32 s14, $0x4FC0;
	[tilespmem:s15+$0x14000] =	vst v0;
	s15 =	smov.u32 s14;
	s14 =	sadd.s32 $0x40, s14  }
.Ltmp0:
0x24: {  	(pc) =	sbr.rel @p0 .LBB2_2-.Ltmp0, $2  }
0x25: {  	_ =	sdelay $0x2  }
0x26: {  	s15 =	sshra.s32 s15, $0x2  }
0x27: {  	[tilespmem:s15+$0x14000] =	vst v0  }
0x28: {  	[tilespmem:$0x1B680] =	vst v1  }
0x29: {  	[tilespmem:$0x1B690] =	vst v1  }
0x2a: {  	[tilespmem:$0x1B6A0] =	vst v1  }
0x2b: {  	[tilespmem:$0x1B6B0] =	vst v1  }
0x2c: {  	[tilespmem:$0x1B6C0] =	vst v1  }
0x2d: {  	[spmem:s30] =	stream.linear.scatter [tilespmem:s22], [sflag:$0x3], $0x1400, $0x38;
	[tilespmem:$0x1CB00] =	vst v63  }
0x2e: {  	_ =	swait.ge [sflag:s0], $0x1400  }
0x2f: {  	[sflag:s0] =	ssyncset.done $0x0  }
0x30: {  	[sflag:s0] =	ssyncadd.s32 $0xFFFFEC00  }
0x31: {  	[bflag:$0x0] =	sbarrier.arrive $0xFFFF  }
0x32: {  	s18 =	simm.s32 $0x0;
	s14 =	rddreg [dreg:$0x5]  }
0x33: {  	[tilespmem:s2], [sflag:$0x3] =	stream.linear.gather [hbm4b:s14+s18], $0xFA0, $0x38;
	[tilespmem:$0x1CB00] =	vst v63  }
0x34: {  	_ =	swait.ge [sflag:s0], $0xFA0  }
0x35: {  	[sflag:s0] =	ssyncset.done $0x0  }
0x36: {  	s19 =	rddreg [dreg:$0x6];
	[sflag:s0] =	ssyncadd.s32 $0xFFFFF060  }
0x37: {  	[tilespmem:s3], [sflag:$0x3] =	stream.linear.gather [hbm4b:s19+s18], $0xFA0, $0x38;
	[tilespmem:$0x1CB00] =	vst v63  }
0x38: {  	_ =	swait.ge [sflag:s0], $0xFA0  }
0x39: {  	p0 =	por $0x1, $0x1;
	[sflag:s0] =	ssyncset.done $0x0  }
0x3a: {  	s14 =	simm.s32 @!p0 $0x1;
	[sflag:s0] =	ssyncadd.s32 $0xFFFFF060  }
0x3b: {  	_ =	swait.ge @!p0 [sflag:s14], $0x50  }
0x3c: {  	[sflag:s14] =	ssyncset.done @!p0 $0x0  }
0x3d: {  	s16 =	simm.s32 $0x15450;
	[sflag:s14] =	ssyncadd.s32 @!p0 $0xFFFFFFB0  }
0x3e: {  	v2 =	vld [tilespmem:s16+$0xFFFFFFB0]  }
0x3f: {  	s14 =	simm.s32 $0x167D0  }
0x40: {  	v3 =	vld [tilespmem:s14+$0xFFFFFFB0];
	_ =	sdelay $0x2  }
0x41: {  	v2 =	vmul.u32 $0x2710, v2;
	_ =	sdelay $0x1  }
0x42: {  	v2 =	vadd.s32 v3, v2  }
0x43: {  	[tilespmem:$0x1B580] =	vst v2  }
0x44: {  	v2 =	vld [tilespmem:s16+$0xFFFFFFC0];
	_ =	sdelay $0x1  }
0x45: {  	v3 =	vld [tilespmem:s14+$0xFFFFFFC0];
	_ =	sdelay $0x2  }
0x46: {  	v2 =	vmul.u32 $0x2710, v2;
	_ =	sdelay $0x1  }
0x47: {  	v2 =	vadd.s32 v3, v2  }
0x48: {  	[tilespmem:$0x1B590] =	vst v2  }
0x49: {  	v2 =	vld [tilespmem:s16+$0xFFFFFFD0];
	_ =	sdelay $0x1  }
0x4a: {  	v3 =	vld [tilespmem:s14+$0xFFFFFFD0];
	_ =	sdelay $0x2  }
0x4b: {  	v2 =	vmul.u32 $0x2710, v2;
	_ =	sdelay $0x1  }
0x4c: {  	v2 =	vadd.s32 v3, v2  }
0x4d: {  	[tilespmem:$0x1B5A0] =	vst v2  }
0x4e: {  	v2 =	vld [tilespmem:s16+$0xFFFFFFE0];
	_ =	sdelay $0x1  }
0x4f: {  	v3 =	vld [tilespmem:s14+$0xFFFFFFE0];
	_ =	sdelay $0x2  }
0x50: {  	v2 =	vmul.u32 $0x2710, v2;
	_ =	sdelay $0x1  }
0x51: {  	v2 =	vadd.s32 v3, v2  }
0x52: {  	[tilespmem:$0x1B5B0] =	vst v2  }
0x53: {  	v2 =	vld [tilespmem:s16+$0xFFFFFFF0];
	_ =	sdelay $0x1  }
0x54: {  	v3 =	vld [tilespmem:s14+$0xFFFFFFF0];
	_ =	sdelay $0x2  }
0x55: {  	v2 =	vmul.u32 $0x2710, v2;
	_ =	sdelay $0x1  }
0x56: {  	v2 =	vadd.s32 v3, v2  }
0x57: {  	s17 =	simm.s32 @!p0 $0x2;
	[tilespmem:$0x1B5C0] =	vst v2  }
0x58: {  	[spmem:s25] =	stream.indirect.scatter.add.f32 [tilespmem:s6], [sflag:$0x1], $0x1, s5, s4, $0xb8;
	[tilespmem:$0x1CB00] =	vst v63  }
0x59: {  	_ =	swait.ge @!p0 [sflag:s17], $0x50  }
0x5a: {  	[sflag:s17] =	ssyncset.done @!p0 $0x0  }
0x5b: {  	[sflag:s17] =	ssyncadd.s32 @!p0 $0xFFFFFFB0  }
0x5c: {  	v2 =	vld [tilespmem:s16+$0x0];
	_ =	sdelay $0x1  }
0x5d: {  	v3 =	vld [tilespmem:s14+$0x0];
	_ =	sdelay $0x2  }
0x5e: {  	v2 =	vmul.u32 $0x2710, v2;
	_ =	sdelay $0x1  }
0x5f: {  	v2 =	vadd.s32 v3, v2  }
0x60: {  	[tilespmem:$0x1B600] =	vst v2  }
0x61: {  	v2 =	vld [tilespmem:s16+$0x10];
	_ =	sdelay $0x1  }
0x62: {  	v3 =	vld [tilespmem:s14+$0x10];
	_ =	sdelay $0x2  }
0x63: {  	v2 =	vmul.u32 $0x2710, v2;
	_ =	sdelay $0x1  }
0x64: {  	v2 =	vadd.s32 v3, v2  }
0x65: {  	[tilespmem:$0x1B610] =	vst v2  }
0x66: {  	v2 =	vld [tilespmem:s16+$0x20];
	_ =	sdelay $0x1  }
0x67: {  	v3 =	vld [tilespmem:s14+$0x20];
	_ =	sdelay $0x2  }
0x68: {  	v2 =	vmul.u32 $0x2710, v2;
	_ =	sdelay $0x1  }
0x69: {  	v2 =	vadd.s32 v3, v2  }
0x6a: {  	s15 =	sand.u32 $0x1FE0, s18;
	[tilespmem:$0x1B620] =	vst v2  }
0x6b: {  	v2 =	vld [tilespmem:s15+$0x15480];
	_ =	sdelay $0x1  }
0x6c: {  	v3 =	vld [tilespmem:s15+$0x16800];
	_ =	sdelay $0x2  }
0x6d: {  	v2 =	vmul.u32 $0x2710, v2;
	_ =	sdelay $0x1  }
0x6e: {  	v2 =	vadd.s32 v3, v2  }
0x6f: {  	[tilespmem:$0x1B630] =	vst v2  }
0x70: {  	v2 =	vld [tilespmem:s16+$0x40];
	_ =	sdelay $0x1  }
0x71: {  	v3 =	vld [tilespmem:s14+$0x40];
	_ =	sdelay $0x2  }
0x72: {  	v2 =	vmul.u32 $0x2710, v2  }
0x73: {  	p1 =	por $0x0, $0x0  }
0x74: {  	s17 =	simm.s32 $0x140;
	s15 =	simm.s32 $0x154F0;
	s16 =	simm.s32 $0xA0;
	v2 =	vadd.s32 v3, v2  }
.LBB2_4:
0x75: {  	s19 =	simm.s32 @!p1 $0x1  }
0x76: {  	[tilespmem:$0x1B640] =	vst v2;
	s14 =	sadd.s32 $0xA0, s14;
	s18 =	smov.u32 s17;
	s17 =	sadd.s32 $0xA0, s17  }
0x77: {  	[spmem:s25] =	stream.indirect.scatter.add.f32 [tilespmem:s6], [sflag:$0x2], $0x1, s7, s4, $0xb8;
	[tilespmem:$0x1CB00] =	vst v63  }
0x78: {  	p0 =	sne.s32 s17, $0xFA0;
	_ =	swait.ge @!p1 [sflag:s19], $0x50  }
0x79: {  	[sflag:s19] =	ssyncset.done @!p1 $0x0  }
0x7a: {  	[sflag:s19] =	ssyncadd.s32 @!p1 $0xFFFFFFB0  }
0x7b: {  	v2 =	vld [tilespmem:s15+$0xFFFFFFB0];
	_ =	sdelay $0x1  }
0x7c: {  	v3 =	vld [tilespmem:s14+$0xFFFFFFB0];
	_ =	sdelay $0x2  }
0x7d: {  	v2 =	vmul.u32 $0x2710, v2;
	_ =	sdelay $0x1  }
0x7e: {  	v2 =	vadd.s32 v3, v2  }
0x7f: {  	[tilespmem:$0x1B580] =	vst v2  }
0x80: {  	v2 =	vld [tilespmem:s15+$0xFFFFFFC0];
	_ =	sdelay $0x1  }
0x81: {  	v3 =	vld [tilespmem:s14+$0xFFFFFFC0];
	_ =	sdelay $0x2  }
0x82: {  	v2 =	vmul.u32 $0x2710, v2;
	_ =	sdelay $0x1  }
0x83: {  	v2 =	vadd.s32 v3, v2  }
0x84: {  	[tilespmem:$0x1B590] =	vst v2  }
0x85: {  	v2 =	vld [tilespmem:s15+$0xFFFFFFD0];
	_ =	sdelay $0x1  }
0x86: {  	v3 =	vld [tilespmem:s14+$0xFFFFFFD0];
	_ =	sdelay $0x2  }
0x87: {  	v2 =	vmul.u32 $0x2710, v2;
	_ =	sdelay $0x1  }
0x88: {  	v2 =	vadd.s32 v3, v2  }
0x89: {  	[tilespmem:$0x1B5A0] =	vst v2  }
0x8a: {  	v2 =	vld [tilespmem:s15+$0xFFFFFFE0]  }
0x8b: {  	v3 =	vld [tilespmem:s14+$0xFFFFFFE0];
	_ =	sdelay $0x3  }
0x8c: {  	v2 =	vmul.u32 $0x2710, v2;
	_ =	sdelay $0x1  }
0x8d: {  	v2 =	vadd.s32 v3, v2  }
0x8e: {  	[tilespmem:$0x1B5B0] =	vst v2  }
0x8f: {  	v2 =	vld [tilespmem:s15+$0xFFFFFFF0]  }
0x90: {  	v3 =	vld [tilespmem:s14+$0xFFFFFFF0];
	_ =	sdelay $0x3  }
0x91: {  	v2 =	vmul.u32 $0x2710, v2;
	_ =	sdelay $0x1  }
0x92: {  	v2 =	vadd.s32 v3, v2  }
0x93: {  	s19 =	simm.s32 @!p1 $0x2;
	[tilespmem:$0x1B5C0] =	vst v2  }
0x94: {  	[spmem:s25] =	stream.indirect.scatter.add.f32 [tilespmem:s6], [sflag:$0x1], $0x1, s5, s4, $0xb8;
	[tilespmem:$0x1CB00] =	vst v63  }
0x95: {  	_ =	swait.ge @!p1 [sflag:s19], $0x50  }
0x96: {  	[sflag:s19] =	ssyncset.done @!p1 $0x0  }
0x97: {  	[sflag:s19] =	ssyncadd.s32 @!p1 $0xFFFFFFB0  }
0x98: {  	v2 =	vld [tilespmem:s15+$0x0];
	_ =	sdelay $0x1  }
0x99: {  	v3 =	vld [tilespmem:s14+$0x0];
	_ =	sdelay $0x2  }
0x9a: {  	v2 =	vmul.u32 $0x2710, v2;
	_ =	sdelay $0x1  }
0x9b: {  	v2 =	vadd.s32 v3, v2  }
0x9c: {  	[tilespmem:$0x1B600] =	vst v2  }
0x9d: {  	v2 =	vld [tilespmem:s15+$0x10];
	_ =	sdelay $0x1  }
0x9e: {  	v3 =	vld [tilespmem:s14+$0x10];
	_ =	sdelay $0x2  }
0x9f: {  	v2 =	vmul.u32 $0x2710, v2;
	_ =	sdelay $0x1  }
0xa0: {  	v2 =	vadd.s32 v3, v2  }
0xa1: {  	[tilespmem:$0x1B610] =	vst v2  }
0xa2: {  	v2 =	vld [tilespmem:s15+$0x20];
	_ =	sdelay $0x1  }
0xa3: {  	v3 =	vld [tilespmem:s14+$0x20];
	_ =	sdelay $0x2  }
0xa4: {  	v2 =	vmul.u32 $0x2710, v2;
	_ =	sdelay $0x1  }
0xa5: {  	v2 =	vadd.s32 v3, v2  }
0xa6: {  	s19 =	sand.u32 $0x1FE0, s16;
	s16 =	smov.u32 s18;
	[tilespmem:$0x1B620] =	vst v2  }
0xa7: {  	v2 =	vld [tilespmem:s19+$0x15480]  }
0xa8: {  	v3 =	vld [tilespmem:s19+$0x16800];
	_ =	sdelay $0x3  }
0xa9: {  	v2 =	vmul.u32 $0x2710, v2;
	_ =	sdelay $0x1  }
0xaa: {  	v2 =	vadd.s32 v3, v2  }
0xab: {  	[tilespmem:$0x1B630] =	vst v2  }
0xac: {  	v2 =	vld [tilespmem:s15+$0x40]  }
0xad: {  	v3 =	vld [tilespmem:s14+$0x40];
	_ =	sdelay $0x1  }
.Ltmp1:
0xae: {  	(pc) =	sbr.rel @p0 .LBB2_4-.Ltmp1, $3  }
0xaf: {  	_ = 	snop  }
0xb0: {  	v2 =	vmul.u32 $0x2710, v2;
	_ =	sdelay $0x1  }
0xb1: {  	p1 =	seq.s32 s16, $0x0;
	s15 =	sadd.s32 $0xA0, s15;
	v2 =	vadd.s32 v3, v2  }
0xb2: {  	s17 =	simm.s32 @!p1 $0x1;
	[tilespmem:$0x1B640] =	vst v2  }
0xb3: {  	[spmem:s25] =	stream.indirect.scatter.add.f32 [tilespmem:s6], [sflag:$0x2], $0x1, s7, s4, $0xb8;
	[tilespmem:$0x1CB00] =	vst v63  }
0xb4: {  	_ =	swait.ge @!p1 [sflag:s17], $0x50  }
0xb5: {  	[sflag:s17] =	ssyncset.done @!p1 $0x0  }
0xb6: {  	[sflag:s17] =	ssyncadd.s32 @!p1 $0xFFFFFFB0  }
0xb7: {  	v2 =	vld [tilespmem:s15+$0xFFFFFFB0]  }
0xb8: {  	s14 =	sadd.s32 $0xA0, s14  }
0xb9: {  	v3 =	vld [tilespmem:s14+$0xFFFFFFB0];
	_ =	sdelay $0x2  }
0xba: {  	v2 =	vmul.u32 $0x2710, v2;
	_ =	sdelay $0x1  }
0xbb: {  	v2 =	vadd.s32 v3, v2  }
0xbc: {  	[tilespmem:$0x1B580] =	vst v2  }
0xbd: {  	v2 =	vld [tilespmem:s15+$0xFFFFFFC0];
	_ =	sdelay $0x1  }
0xbe: {  	v3 =	vld [tilespmem:s14+$0xFFFFFFC0];
	_ =	sdelay $0x2  }
0xbf: {  	v2 =	vmul.u32 $0x2710, v2;
	_ =	sdelay $0x1  }
0xc0: {  	v2 =	vadd.s32 v3, v2  }
0xc1: {  	[tilespmem:$0x1B590] =	vst v2  }
0xc2: {  	v2 =	vld [tilespmem:s15+$0xFFFFFFD0];
	_ =	sdelay $0x1  }
0xc3: {  	v3 =	vld [tilespmem:s14+$0xFFFFFFD0];
	_ =	sdelay $0x2  }
0xc4: {  	v2 =	vmul.u32 $0x2710, v2;
	_ =	sdelay $0x1  }
0xc5: {  	v2 =	vadd.s32 v3, v2  }
0xc6: {  	[tilespmem:$0x1B5A0] =	vst v2  }
0xc7: {  	v2 =	vld [tilespmem:s15+$0xFFFFFFE0];
	_ =	sdelay $0x1  }
0xc8: {  	v3 =	vld [tilespmem:s14+$0xFFFFFFE0];
	_ =	sdelay $0x2  }
0xc9: {  	v2 =	vmul.u32 $0x2710, v2;
	_ =	sdelay $0x1  }
0xca: {  	v2 =	vadd.s32 v3, v2  }
0xcb: {  	[tilespmem:$0x1B5B0] =	vst v2  }
0xcc: {  	v2 =	vld [tilespmem:s15+$0xFFFFFFF0];
	_ =	sdelay $0x1  }
0xcd: {  	v3 =	vld [tilespmem:s14+$0xFFFFFFF0];
	_ =	sdelay $0x2  }
0xce: {  	v2 =	vmul.u32 $0x2710, v2;
	_ =	sdelay $0x1  }
0xcf: {  	v2 =	vadd.s32 v3, v2  }
0xd0: {  	s17 =	simm.s32 @!p1 $0x2;
	[tilespmem:$0x1B5C0] =	vst v2  }
0xd1: {  	[spmem:s25] =	stream.indirect.scatter.add.f32 [tilespmem:s6], [sflag:$0x1], $0x1, s5, s4, $0xb8;
	[tilespmem:$0x1CB00] =	vst v63  }
0xd2: {  	_ =	swait.ge @!p1 [sflag:s17], $0x50  }
0xd3: {  	[sflag:s17] =	ssyncset.done @!p1 $0x0  }
0xd4: {  	[sflag:s17] =	ssyncadd.s32 @!p1 $0xFFFFFFB0  }
0xd5: {  	v2 =	vld [tilespmem:s15+$0x0];
	_ =	sdelay $0x1  }
0xd6: {  	v3 =	vld [tilespmem:s14+$0x0];
	_ =	sdelay $0x2  }
0xd7: {  	v2 =	vmul.u32 $0x2710, v2;
	_ =	sdelay $0x1  }
0xd8: {  	v2 =	vadd.s32 v3, v2  }
0xd9: {  	[tilespmem:$0x1B600] =	vst v2  }
0xda: {  	v2 =	vld [tilespmem:s15+$0x10];
	_ =	sdelay $0x1  }
0xdb: {  	v3 =	vld [tilespmem:s14+$0x10];
	_ =	sdelay $0x2  }
0xdc: {  	v2 =	vmul.u32 $0x2710, v2;
	_ =	sdelay $0x1  }
0xdd: {  	v2 =	vadd.s32 v3, v2  }
0xde: {  	[tilespmem:$0x1B610] =	vst v2  }
0xdf: {  	v2 =	vld [tilespmem:s15+$0x20];
	_ =	sdelay $0x1  }
0xe0: {  	v3 =	vld [tilespmem:s14+$0x20];
	_ =	sdelay $0x2  }
0xe1: {  	v2 =	vmul.u32 $0x2710, v2;
	_ =	sdelay $0x1  }
0xe2: {  	v2 =	vadd.s32 v3, v2  }
0xe3: {  	s16 =	sand.u32 $0x1FE0, s16;
	[tilespmem:$0x1B620] =	vst v2  }
0xe4: {  	v2 =	vld [tilespmem:s16+$0x15480];
	_ =	sdelay $0x1  }
0xe5: {  	v3 =	vld [tilespmem:s16+$0x16800];
	_ =	sdelay $0x2  }
0xe6: {  	v2 =	vmul.u32 $0x2710, v2;
	_ =	sdelay $0x1  }
0xe7: {  	v2 =	vadd.s32 v3, v2  }
0xe8: {  	[tilespmem:$0x1B630] =	vst v2  }
0xe9: {  	v2 =	vld [tilespmem:s15+$0x40];
	_ =	sdelay $0x1  }
0xea: {  	v3 =	vld [tilespmem:s14+$0x40];
	_ =	sdelay $0x2  }
0xeb: {  	v2 =	vmul.u32 $0x2710, v2;
	_ =	sdelay $0x1  }
0xec: {  	v2 =	vadd.s32 v3, v2  }
0xed: {  	[tilespmem:$0x1B640] =	vst v2  }
0xee: {  	[spmem:s25] =	stream.indirect.scatter.add.f32 [tilespmem:s6], [sflag:$0x2], $0x1, s7, s4, $0xb8;
	[tilespmem:$0x1CB00] =	vst v63  }
0xef: {  	s16 =	rddreg [dreg:$0x7];
	s14 =	simm.s32 $0x0  }
0xf0: {  	[tilespmem:s2], [sflag:$0x3] =	stream.linear.gather [hbm4b:s16+s14], $0xFA0, $0x38;
	[tilespmem:$0x1CB00] =	vst v63  }
0xf1: {  	_ =	swait.ge [sflag:s0], $0xFA0  }
0xf2: {  	[sflag:s0] =	ssyncset.done $0x0  }
0xf3: {  	s17 =	rddreg [dreg:$0x8];
	[sflag:s0] =	ssyncadd.s32 $0xFFFFF060  }
0xf4: {  	[tilespmem:s3], [sflag:$0x3] =	stream.linear.gather [hbm4b:s17+s14], $0xFA0, $0x38;
	[tilespmem:$0x1CB00] =	vst v63  }
0xf5: {  	_ =	swait.ge [sflag:s0], $0xFA0  }
0xf6: {  	[sflag:s0] =	ssyncset.done $0x0  }
0xf7: {  	[sflag:s0] =	ssyncadd.s32 $0xFFFFF060  }
0xf8: {  	_ =	swait.ge [sflag:s8], $0x50  }
0xf9: {  	[sflag:s8] =	ssyncset.done $0x0  }
0xfa: {  	s18 =	simm.s32 $0x15450;
	[sflag:s8] =	ssyncadd.s32 $0xFFFFFFB0  }
0xfb: {  	v2 =	vld [tilespmem:s18+$0xFFFFFFB0]  }
0xfc: {  	s19 =	simm.s32 $0x167D0  }
0xfd: {  	v3 =	vld [tilespmem:s19+$0xFFFFFFB0];
	_ =	sdelay $0x2  }
0xfe: {  	v2 =	vmul.u32 $0x2710, v2;
	_ =	sdelay $0x1  }
0xff: {  	v2 =	vadd.s32 v3, v2  }
0x100: {  	[tilespmem:$0x1B580] =	vst v2  }
0x101: {  	v2 =	vld [tilespmem:s18+$0xFFFFFFC0];
	_ =	sdelay $0x1  }
0x102: {  	v3 =	vld [tilespmem:s19+$0xFFFFFFC0];
	_ =	sdelay $0x2  }
0x103: {  	v2 =	vmul.u32 $0x2710, v2;
	_ =	sdelay $0x1  }
0x104: {  	v2 =	vadd.s32 v3, v2  }
0x105: {  	[tilespmem:$0x1B590] =	vst v2  }
0x106: {  	v2 =	vld [tilespmem:s18+$0xFFFFFFD0];
	_ =	sdelay $0x1  }
0x107: {  	v3 =	vld [tilespmem:s19+$0xFFFFFFD0];
	_ =	sdelay $0x2  }
0x108: {  	v2 =	vmul.u32 $0x2710, v2;
	_ =	sdelay $0x1  }
0x109: {  	v2 =	vadd.s32 v3, v2  }
0x10a: {  	[tilespmem:$0x1B5A0] =	vst v2  }
0x10b: {  	v2 =	vld [tilespmem:s18+$0xFFFFFFE0];
	_ =	sdelay $0x1  }
0x10c: {  	v3 =	vld [tilespmem:s19+$0xFFFFFFE0];
	_ =	sdelay $0x2  }
0x10d: {  	v2 =	vmul.u32 $0x2710, v2;
	_ =	sdelay $0x1  }
0x10e: {  	v2 =	vadd.s32 v3, v2  }
0x10f: {  	[tilespmem:$0x1B5B0] =	vst v2  }
0x110: {  	v2 =	vld [tilespmem:s18+$0xFFFFFFF0];
	_ =	sdelay $0x1  }
0x111: {  	v3 =	vld [tilespmem:s19+$0xFFFFFFF0];
	_ =	sdelay $0x2  }
0x112: {  	v2 =	vmul.u32 $0x2710, v2;
	_ =	sdelay $0x1  }
0x113: {  	v2 =	vadd.s32 v3, v2  }
0x114: {  	[tilespmem:$0x1B5C0] =	vst v2  }
0x115: {  	[spmem:s25] =	stream.indirect.scatter.add.f32 [tilespmem:s6], [sflag:$0x1], $0x1, s5, s4, $0xb8;
	[tilespmem:$0x1CB00] =	vst v63  }
0x116: {  	_ =	swait.ge [sflag:s9], $0x50  }
0x117: {  	[sflag:s9] =	ssyncset.done $0x0  }
0x118: {  	[sflag:s9] =	ssyncadd.s32 $0xFFFFFFB0  }
0x119: {  	v2 =	vld [tilespmem:s18+$0x0];
	_ =	sdelay $0x1  }
0x11a: {  	v3 =	vld [tilespmem:s19+$0x0];
	_ =	sdelay $0x2  }
0x11b: {  	v2 =	vmul.u32 $0x2710, v2;
	_ =	sdelay $0x1  }
0x11c: {  	v2 =	vadd.s32 v3, v2  }
0x11d: {  	[tilespmem:$0x1B600] =	vst v2  }
0x11e: {  	v2 =	vld [tilespmem:s18+$0x10];
	_ =	sdelay $0x1  }
0x11f: {  	v3 =	vld [tilespmem:s19+$0x10];
	_ =	sdelay $0x2  }
0x120: {  	v2 =	vmul.u32 $0x2710, v2;
	_ =	sdelay $0x1  }
0x121: {  	v2 =	vadd.s32 v3, v2  }
0x122: {  	[tilespmem:$0x1B610] =	vst v2  }
0x123: {  	v2 =	vld [tilespmem:s18+$0x20];
	_ =	sdelay $0x1  }
0x124: {  	v3 =	vld [tilespmem:s19+$0x20];
	_ =	sdelay $0x2  }
0x125: {  	v2 =	vmul.u32 $0x2710, v2;
	_ =	sdelay $0x1  }
0x126: {  	v2 =	vadd.s32 v3, v2  }
0x127: {  	s14 =	sand.u32 $0x1FE0, s14;
	[tilespmem:$0x1B620] =	vst v2  }
0x128: {  	v2 =	vld [tilespmem:s14+$0x15480];
	_ =	sdelay $0x1  }
0x129: {  	v3 =	vld [tilespmem:s14+$0x16800];
	_ =	sdelay $0x2  }
0x12a: {  	v2 =	vmul.u32 $0x2710, v2;
	_ =	sdelay $0x1  }
0x12b: {  	v2 =	vadd.s32 v3, v2  }
0x12c: {  	[tilespmem:$0x1B630] =	vst v2  }
0x12d: {  	v2 =	vld [tilespmem:s18+$0x40];
	_ =	sdelay $0x1  }
0x12e: {  	v3 =	vld [tilespmem:s19+$0x40];
	_ =	sdelay $0x2  }
0x12f: {  	v2 =	vmul.u32 $0x2710, v2;
	_ =	sdelay $0x1  }
0x130: {  	v2 =	vadd.s32 v3, v2  }
0x131: {  	s15 =	simm.s32 $0x154F0;
	s16 =	simm.s32 $0x16870;
	s14 =	simm.s32 $0xA0;
	[tilespmem:$0x1B640] =	vst v2  }
.LBB2_6:
0x132: {  	[spmem:s25] =	stream.indirect.scatter.add.f32 [tilespmem:s6], [sflag:$0x2], $0x1, s7, s4, $0xb8;
	[tilespmem:$0x1CB00] =	vst v63  }
0x133: {  	s17 =	smov.u32 s14  }
0x134: {  	p0 =	sne.s32 s14, $0xF00;
	s14 =	sadd.s32 $0xA0, s14;
	_ =	swait.ge [sflag:s8], $0x50  }
0x135: {  	[sflag:s8] =	ssyncset.done $0x0  }
0x136: {  	[sflag:s8] =	ssyncadd.s32 $0xFFFFFFB0  }
0x137: {  	v2 =	vld [tilespmem:s15+$0xFFFFFFB0];
	_ =	sdelay $0x1  }
0x138: {  	v3 =	vld [tilespmem:s16+$0xFFFFFFB0];
	_ =	sdelay $0x2  }
0x139: {  	v2 =	vmul.u32 $0x2710, v2;
	_ =	sdelay $0x1  }
0x13a: {  	v2 =	vadd.s32 v3, v2  }
0x13b: {  	[tilespmem:$0x1B580] =	vst v2  }
0x13c: {  	v2 =	vld [tilespmem:s15+$0xFFFFFFC0];
	_ =	sdelay $0x1  }
0x13d: {  	v3 =	vld [tilespmem:s16+$0xFFFFFFC0];
	_ =	sdelay $0x2  }
0x13e: {  	v2 =	vmul.u32 $0x2710, v2;
	_ =	sdelay $0x1  }
0x13f: {  	v2 =	vadd.s32 v3, v2  }
0x140: {  	[tilespmem:$0x1B590] =	vst v2  }
0x141: {  	v2 =	vld [tilespmem:s15+$0xFFFFFFD0];
	_ =	sdelay $0x1  }
0x142: {  	v3 =	vld [tilespmem:s16+$0xFFFFFFD0];
	_ =	sdelay $0x2  }
0x143: {  	v2 =	vmul.u32 $0x2710, v2;
	_ =	sdelay $0x1  }
0x144: {  	v2 =	vadd.s32 v3, v2  }
0x145: {  	[tilespmem:$0x1B5A0] =	vst v2  }
0x146: {  	v2 =	vld [tilespmem:s15+$0xFFFFFFE0]  }
0x147: {  	v3 =	vld [tilespmem:s16+$0xFFFFFFE0];
	_ =	sdelay $0x3  }
0x148: {  	v2 =	vmul.u32 $0x2710, v2;
	_ =	sdelay $0x1  }
0x149: {  	v2 =	vadd.s32 v3, v2  }
0x14a: {  	[tilespmem:$0x1B5B0] =	vst v2  }
0x14b: {  	v2 =	vld [tilespmem:s15+$0xFFFFFFF0]  }
0x14c: {  	v3 =	vld [tilespmem:s16+$0xFFFFFFF0];
	_ =	sdelay $0x3  }
0x14d: {  	v2 =	vmul.u32 $0x2710, v2;
	_ =	sdelay $0x1  }
0x14e: {  	v2 =	vadd.s32 v3, v2  }
0x14f: {  	[tilespmem:$0x1B5C0] =	vst v2  }
0x150: {  	[spmem:s25] =	stream.indirect.scatter.add.f32 [tilespmem:s6], [sflag:$0x1], $0x1, s5, s4, $0xb8;
	[tilespmem:$0x1CB00] =	vst v63  }
0x151: {  	_ =	swait.ge [sflag:s9], $0x50  }
0x152: {  	[sflag:s9] =	ssyncset.done $0x0  }
0x153: {  	[sflag:s9] =	ssyncadd.s32 $0xFFFFFFB0  }
0x154: {  	v2 =	vld [tilespmem:s15+$0x0];
	_ =	sdelay $0x1  }
0x155: {  	v3 =	vld [tilespmem:s16+$0x0];
	_ =	sdelay $0x2  }
0x156: {  	v2 =	vmul.u32 $0x2710, v2;
	_ =	sdelay $0x1  }
0x157: {  	v2 =	vadd.s32 v3, v2  }
0x158: {  	[tilespmem:$0x1B600] =	vst v2  }
0x159: {  	v2 =	vld [tilespmem:s15+$0x10];
	_ =	sdelay $0x1  }
0x15a: {  	v3 =	vld [tilespmem:s16+$0x10];
	_ =	sdelay $0x2  }
0x15b: {  	v2 =	vmul.u32 $0x2710, v2;
	_ =	sdelay $0x1  }
0x15c: {  	v2 =	vadd.s32 v3, v2  }
0x15d: {  	[tilespmem:$0x1B610] =	vst v2  }
0x15e: {  	v2 =	vld [tilespmem:s15+$0x20];
	_ =	sdelay $0x1  }
0x15f: {  	v3 =	vld [tilespmem:s16+$0x20];
	_ =	sdelay $0x2  }
0x160: {  	v2 =	vmul.u32 $0x2710, v2;
	_ =	sdelay $0x1  }
0x161: {  	v2 =	vadd.s32 v3, v2  }
0x162: {  	s17 =	sand.u32 $0x1FE0, s17;
	[tilespmem:$0x1B620] =	vst v2  }
0x163: {  	v2 =	vld [tilespmem:s17+$0x15480]  }
0x164: {  	v3 =	vld [tilespmem:s17+$0x16800];
	_ =	sdelay $0x3  }
0x165: {  	v2 =	vmul.u32 $0x2710, v2;
	_ =	sdelay $0x1  }
0x166: {  	v2 =	vadd.s32 v3, v2  }
0x167: {  	[tilespmem:$0x1B630] =	vst v2  }
0x168: {  	v2 =	vld [tilespmem:s15+$0x40]  }
0x169: {  	v3 =	vld [tilespmem:s16+$0x40];
	_ =	sdelay $0x2  }
.Ltmp2:
0x16a: {  	(pc) =	sbr.rel @p0 .LBB2_6-.Ltmp2, $3  }
0x16b: {  	v2 =	vmul.u32 $0x2710, v2;
	_ =	sdelay $0x1  }
0x16c: {  	v2 =	vadd.s32 v3, v2  }
0x16d: {  	s15 =	sadd.s32 $0xA0, s15;
	s16 =	sadd.s32 $0xA0, s16;
	[tilespmem:$0x1B640] =	vst v2  }
0x16e: {  	[spmem:s25] =	stream.indirect.scatter.add.f32 [tilespmem:s6], [sflag:$0x2], $0x1, s7, s4, $0xb8;
	[tilespmem:$0x1CB00] =	vst v63  }
0x16f: {  	s14 =	simm.s32 $0x0;
	s15 =	rddreg [dreg:$0x9]  }
0x170: {  	[tilespmem:s2], [sflag:$0x3] =	stream.linear.gather [hbm4b:s15+s14], $0xFA0, $0x38;
	[tilespmem:$0x1CB00] =	vst v63  }
0x171: {  	_ =	swait.ge [sflag:s0], $0xFA0  }
0x172: {  	[sflag:s0] =	ssyncset.done $0x0  }
0x173: {  	s18 =	rddreg [dreg:$0xa];
	[sflag:s0] =	ssyncadd.s32 $0xFFFFF060  }
0x174: {  	[tilespmem:s3], [sflag:$0x3] =	stream.linear.gather [hbm4b:s18+s14], $0xFA0, $0x38;
	[tilespmem:$0x1CB00] =	vst v63  }
0x175: {  	_ =	swait.ge [sflag:s0], $0xFA0  }
0x176: {  	[sflag:s0] =	ssyncset.done $0x0  }
0x177: {  	[sflag:s0] =	ssyncadd.s32 $0xFFFFF060  }
0x178: {  	_ =	swait.ge [sflag:s8], $0x50  }
0x179: {  	[sflag:s8] =	ssyncset.done $0x0  }
0x17a: {  	s19 =	simm.s32 $0x15450;
	[sflag:s8] =	ssyncadd.s32 $0xFFFFFFB0  }
0x17b: {  	v2 =	vld [tilespmem:s19+$0xFFFFFFB0]  }
0x17c: {  	s16 =	simm.s32 $0x167D0  }
0x17d: {  	v3 =	vld [tilespmem:s16+$0xFFFFFFB0];
	_ =	sdelay $0x2  }
0x17e: {  	v2 =	vmul.u32 $0x2710, v2;
	_ =	sdelay $0x1  }
0x17f: {  	v2 =	vadd.s32 v3, v2  }
0x180: {  	[tilespmem:$0x1B580] =	vst v2  }
0x181: {  	v2 =	vld [tilespmem:s19+$0xFFFFFFC0];
	_ =	sdelay $0x1  }
0x182: {  	v3 =	vld [tilespmem:s16+$0xFFFFFFC0];
	_ =	sdelay $0x2  }
0x183: {  	v2 =	vmul.u32 $0x2710, v2;
	_ =	sdelay $0x1  }
0x184: {  	v2 =	vadd.s32 v3, v2  }
0x185: {  	[tilespmem:$0x1B590] =	vst v2  }
0x186: {  	v2 =	vld [tilespmem:s19+$0xFFFFFFD0];
	_ =	sdelay $0x1  }
0x187: {  	v3 =	vld [tilespmem:s16+$0xFFFFFFD0];
	_ =	sdelay $0x2  }
0x188: {  	v2 =	vmul.u32 $0x2710, v2;
	_ =	sdelay $0x1  }
0x189: {  	v2 =	vadd.s32 v3, v2  }
0x18a: {  	[tilespmem:$0x1B5A0] =	vst v2  }
0x18b: {  	v2 =	vld [tilespmem:s19+$0xFFFFFFE0];
	_ =	sdelay $0x1  }
0x18c: {  	v3 =	vld [tilespmem:s16+$0xFFFFFFE0];
	_ =	sdelay $0x2  }
0x18d: {  	v2 =	vmul.u32 $0x2710, v2;
	_ =	sdelay $0x1  }
0x18e: {  	v2 =	vadd.s32 v3, v2  }
0x18f: {  	[tilespmem:$0x1B5B0] =	vst v2  }
0x190: {  	v2 =	vld [tilespmem:s19+$0xFFFFFFF0];
	_ =	sdelay $0x1  }
0x191: {  	v3 =	vld [tilespmem:s16+$0xFFFFFFF0];
	_ =	sdelay $0x2  }
0x192: {  	v2 =	vmul.u32 $0x2710, v2;
	_ =	sdelay $0x1  }
0x193: {  	v2 =	vadd.s32 v3, v2  }
0x194: {  	[tilespmem:$0x1B5C0] =	vst v2  }
0x195: {  	[spmem:s25] =	stream.indirect.scatter.add.f32 [tilespmem:s6], [sflag:$0x1], $0x1, s5, s4, $0xb8;
	[tilespmem:$0x1CB00] =	vst v63  }
0x196: {  	_ =	swait.ge [sflag:s9], $0x50  }
0x197: {  	[sflag:s9] =	ssyncset.done $0x0  }
0x198: {  	[sflag:s9] =	ssyncadd.s32 $0xFFFFFFB0  }
0x199: {  	v2 =	vld [tilespmem:s19+$0x0];
	_ =	sdelay $0x1  }
0x19a: {  	v3 =	vld [tilespmem:s16+$0x0];
	_ =	sdelay $0x2  }
0x19b: {  	v2 =	vmul.u32 $0x2710, v2;
	_ =	sdelay $0x1  }
0x19c: {  	v2 =	vadd.s32 v3, v2  }
0x19d: {  	[tilespmem:$0x1B600] =	vst v2  }
0x19e: {  	v2 =	vld [tilespmem:s19+$0x10];
	_ =	sdelay $0x1  }
0x19f: {  	v3 =	vld [tilespmem:s16+$0x10];
	_ =	sdelay $0x2  }
0x1a0: {  	v2 =	vmul.u32 $0x2710, v2;
	_ =	sdelay $0x1  }
0x1a1: {  	v2 =	vadd.s32 v3, v2  }
0x1a2: {  	[tilespmem:$0x1B610] =	vst v2  }
0x1a3: {  	v2 =	vld [tilespmem:s19+$0x20];
	_ =	sdelay $0x1  }
0x1a4: {  	v3 =	vld [tilespmem:s16+$0x20];
	_ =	sdelay $0x2  }
0x1a5: {  	v2 =	vmul.u32 $0x2710, v2;
	_ =	sdelay $0x1  }
0x1a6: {  	v2 =	vadd.s32 v3, v2  }
0x1a7: {  	s14 =	sand.u32 $0x1FE0, s14;
	[tilespmem:$0x1B620] =	vst v2  }
0x1a8: {  	v2 =	vld [tilespmem:s14+$0x15480];
	_ =	sdelay $0x1  }
0x1a9: {  	v3 =	vld [tilespmem:s14+$0x16800];
	_ =	sdelay $0x2  }
0x1aa: {  	v2 =	vmul.u32 $0x2710, v2;
	_ =	sdelay $0x1  }
0x1ab: {  	v2 =	vadd.s32 v3, v2  }
0x1ac: {  	[tilespmem:$0x1B630] =	vst v2  }
0x1ad: {  	v2 =	vld [tilespmem:s19+$0x40];
	_ =	sdelay $0x1  }
0x1ae: {  	v3 =	vld [tilespmem:s16+$0x40];
	_ =	sdelay $0x2  }
0x1af: {  	v2 =	vmul.u32 $0x2710, v2;
	_ =	sdelay $0x1  }
0x1b0: {  	v2 =	vadd.s32 v3, v2  }
0x1b1: {  	s15 =	simm.s32 $0x154F0;
	s14 =	simm.s32 $0xA0;
	s16 =	simm.s32 $0x16870;
	[tilespmem:$0x1B640] =	vst v2  }
.LBB2_8:
0x1b2: {  	[spmem:s25] =	stream.indirect.scatter.add.f32 [tilespmem:s6], [sflag:$0x2], $0x1, s7, s4, $0xb8;
	[tilespmem:$0x1CB00] =	vst v63  }
0x1b3: {  	s17 =	smov.u32 s14  }
0x1b4: {  	p0 =	sne.s32 s14, $0xF00;
	s14 =	sadd.s32 $0xA0, s14;
	_ =	swait.ge [sflag:s8], $0x50  }
0x1b5: {  	[sflag:s8] =	ssyncset.done $0x0  }
0x1b6: {  	[sflag:s8] =	ssyncadd.s32 $0xFFFFFFB0  }
0x1b7: {  	v2 =	vld [tilespmem:s15+$0xFFFFFFB0];
	_ =	sdelay $0x1  }
0x1b8: {  	v3 =	vld [tilespmem:s16+$0xFFFFFFB0];
	_ =	sdelay $0x2  }
0x1b9: {  	v2 =	vmul.u32 $0x2710, v2;
	_ =	sdelay $0x1  }
0x1ba: {  	v2 =	vadd.s32 v3, v2  }
0x1bb: {  	[tilespmem:$0x1B580] =	vst v2  }
0x1bc: {  	v2 =	vld [tilespmem:s15+$0xFFFFFFC0];
	_ =	sdelay $0x1  }
0x1bd: {  	v3 =	vld [tilespmem:s16+$0xFFFFFFC0];
	_ =	sdelay $0x2  }
0x1be: {  	v2 =	vmul.u32 $0x2710, v2;
	_ =	sdelay $0x1  }
0x1bf: {  	v2 =	vadd.s32 v3, v2  }
0x1c0: {  	[tilespmem:$0x1B590] =	vst v2  }
0x1c1: {  	v2 =	vld [tilespmem:s15+$0xFFFFFFD0];
	_ =	sdelay $0x1  }
0x1c2: {  	v3 =	vld [tilespmem:s16+$0xFFFFFFD0];
	_ =	sdelay $0x2  }
0x1c3: {  	v2 =	vmul.u32 $0x2710, v2;
	_ =	sdelay $0x1  }
0x1c4: {  	v2 =	vadd.s32 v3, v2  }
0x1c5: {  	[tilespmem:$0x1B5A0] =	vst v2  }
0x1c6: {  	v2 =	vld [tilespmem:s15+$0xFFFFFFE0]  }
0x1c7: {  	v3 =	vld [tilespmem:s16+$0xFFFFFFE0];
	_ =	sdelay $0x3  }
0x1c8: {  	v2 =	vmul.u32 $0x2710, v2;
	_ =	sdelay $0x1  }
0x1c9: {  	v2 =	vadd.s32 v3, v2  }
0x1ca: {  	[tilespmem:$0x1B5B0] =	vst v2  }
0x1cb: {  	v2 =	vld [tilespmem:s15+$0xFFFFFFF0]  }
0x1cc: {  	v3 =	vld [tilespmem:s16+$0xFFFFFFF0];
	_ =	sdelay $0x3  }
0x1cd: {  	v2 =	vmul.u32 $0x2710, v2;
	_ =	sdelay $0x1  }
0x1ce: {  	v2 =	vadd.s32 v3, v2  }
0x1cf: {  	[tilespmem:$0x1B5C0] =	vst v2  }
0x1d0: {  	[spmem:s25] =	stream.indirect.scatter.add.f32 [tilespmem:s6], [sflag:$0x1], $0x1, s5, s4, $0xb8;
	[tilespmem:$0x1CB00] =	vst v63  }
0x1d1: {  	_ =	swait.ge [sflag:s9], $0x50  }
0x1d2: {  	[sflag:s9] =	ssyncset.done $0x0  }
0x1d3: {  	[sflag:s9] =	ssyncadd.s32 $0xFFFFFFB0  }
0x1d4: {  	v2 =	vld [tilespmem:s15+$0x0];
	_ =	sdelay $0x1  }
0x1d5: {  	v3 =	vld [tilespmem:s16+$0x0];
	_ =	sdelay $0x2  }
0x1d6: {  	v2 =	vmul.u32 $0x2710, v2;
	_ =	sdelay $0x1  }
0x1d7: {  	v2 =	vadd.s32 v3, v2  }
0x1d8: {  	[tilespmem:$0x1B600] =	vst v2  }
0x1d9: {  	v2 =	vld [tilespmem:s15+$0x10];
	_ =	sdelay $0x1  }
0x1da: {  	v3 =	vld [tilespmem:s16+$0x10];
	_ =	sdelay $0x2  }
0x1db: {  	v2 =	vmul.u32 $0x2710, v2;
	_ =	sdelay $0x1  }
0x1dc: {  	v2 =	vadd.s32 v3, v2  }
0x1dd: {  	[tilespmem:$0x1B610] =	vst v2  }
0x1de: {  	v2 =	vld [tilespmem:s15+$0x20];
	_ =	sdelay $0x1  }
0x1df: {  	v3 =	vld [tilespmem:s16+$0x20];
	_ =	sdelay $0x2  }
0x1e0: {  	v2 =	vmul.u32 $0x2710, v2;
	_ =	sdelay $0x1  }
0x1e1: {  	v2 =	vadd.s32 v3, v2  }
0x1e2: {  	s17 =	sand.u32 $0x1FE0, s17;
	[tilespmem:$0x1B620] =	vst v2  }
0x1e3: {  	v2 =	vld [tilespmem:s17+$0x15480]  }
0x1e4: {  	v3 =	vld [tilespmem:s17+$0x16800];
	_ =	sdelay $0x3  }
0x1e5: {  	v2 =	vmul.u32 $0x2710, v2;
	_ =	sdelay $0x1  }
0x1e6: {  	v2 =	vadd.s32 v3, v2  }
0x1e7: {  	[tilespmem:$0x1B630] =	vst v2  }
0x1e8: {  	v2 =	vld [tilespmem:s15+$0x40]  }
0x1e9: {  	v3 =	vld [tilespmem:s16+$0x40];
	_ =	sdelay $0x2  }
.Ltmp3:
0x1ea: {  	(pc) =	sbr.rel @p0 .LBB2_8-.Ltmp3, $3  }
0x1eb: {  	v2 =	vmul.u32 $0x2710, v2;
	_ =	sdelay $0x1  }
0x1ec: {  	v2 =	vadd.s32 v3, v2  }
0x1ed: {  	s15 =	sadd.s32 $0xA0, s15;
	s16 =	sadd.s32 $0xA0, s16;
	[tilespmem:$0x1B640] =	vst v2  }
0x1ee: {  	[spmem:s25] =	stream.indirect.scatter.add.f32 [tilespmem:s6], [sflag:$0x2], $0x1, s7, s4, $0xb8;
	[tilespmem:$0x1CB00] =	vst v63  }
0x1ef: {  	s14 =	simm.s32 $0x0;
	s15 =	rddreg [dreg:$0xb]  }
0x1f0: {  	[tilespmem:s2], [sflag:$0x3] =	stream.linear.gather [hbm4b:s15+s14], $0xFA0, $0x38;
	[tilespmem:$0x1CB00] =	vst v63  }
0x1f1: {  	_ =	swait.ge [sflag:s0], $0xFA0  }
0x1f2: {  	[sflag:s0] =	ssyncset.done $0x0  }
0x1f3: {  	s18 =	rddreg [dreg:$0xc];
	[sflag:s0] =	ssyncadd.s32 $0xFFFFF060  }
0x1f4: {  	[tilespmem:s3], [sflag:$0x3] =	stream.linear.gather [hbm4b:s18+s14], $0xFA0, $0x38;
	[tilespmem:$0x1CB00] =	vst v63  }
0x1f5: {  	_ =	swait.ge [sflag:s0], $0xFA0  }
0x1f6: {  	[sflag:s0] =	ssyncset.done $0x0  }
0x1f7: {  	[sflag:s0] =	ssyncadd.s32 $0xFFFFF060  }
0x1f8: {  	_ =	swait.ge [sflag:s8], $0x50  }
0x1f9: {  	[sflag:s8] =	ssyncset.done $0x0  }
0x1fa: {  	s19 =	simm.s32 $0x15450;
	[sflag:s8] =	ssyncadd.s32 $0xFFFFFFB0  }
0x1fb: {  	v2 =	vld [tilespmem:s19+$0xFFFFFFB0]  }
0x1fc: {  	s16 =	simm.s32 $0x167D0  }
0x1fd: {  	v3 =	vld [tilespmem:s16+$0xFFFFFFB0];
	_ =	sdelay $0x2  }
0x1fe: {  	v2 =	vmul.u32 $0x2710, v2;
	_ =	sdelay $0x1  }
0x1ff: {  	v2 =	vadd.s32 v3, v2  }
0x200: {  	[tilespmem:$0x1B580] =	vst v2  }
0x201: {  	v2 =	vld [tilespmem:s19+$0xFFFFFFC0];
	_ =	sdelay $0x1  }
0x202: {  	v3 =	vld [tilespmem:s16+$0xFFFFFFC0];
	_ =	sdelay $0x2  }
0x203: {  	v2 =	vmul.u32 $0x2710, v2;
	_ =	sdelay $0x1  }
0x204: {  	v2 =	vadd.s32 v3, v2  }
0x205: {  	[tilespmem:$0x1B590] =	vst v2  }
0x206: {  	v2 =	vld [tilespmem:s19+$0xFFFFFFD0];
	_ =	sdelay $0x1  }
0x207: {  	v3 =	vld [tilespmem:s16+$0xFFFFFFD0];
	_ =	sdelay $0x2  }
0x208: {  	v2 =	vmul.u32 $0x2710, v2;
	_ =	sdelay $0x1  }
0x209: {  	v2 =	vadd.s32 v3, v2  }
0x20a: {  	[tilespmem:$0x1B5A0] =	vst v2  }
0x20b: {  	v2 =	vld [tilespmem:s19+$0xFFFFFFE0];
	_ =	sdelay $0x1  }
0x20c: {  	v3 =	vld [tilespmem:s16+$0xFFFFFFE0];
	_ =	sdelay $0x2  }
0x20d: {  	v2 =	vmul.u32 $0x2710, v2;
	_ =	sdelay $0x1  }
0x20e: {  	v2 =	vadd.s32 v3, v2  }
0x20f: {  	[tilespmem:$0x1B5B0] =	vst v2  }
0x210: {  	v2 =	vld [tilespmem:s19+$0xFFFFFFF0];
	_ =	sdelay $0x1  }
0x211: {  	v3 =	vld [tilespmem:s16+$0xFFFFFFF0];
	_ =	sdelay $0x2  }
0x212: {  	v2 =	vmul.u32 $0x2710, v2;
	_ =	sdelay $0x1  }
0x213: {  	v2 =	vadd.s32 v3, v2  }
0x214: {  	[tilespmem:$0x1B5C0] =	vst v2  }
0x215: {  	[spmem:s25] =	stream.indirect.scatter.add.f32 [tilespmem:s6], [sflag:$0x1], $0x1, s5, s4, $0xb8;
	[tilespmem:$0x1CB00] =	vst v63  }
0x216: {  	_ =	swait.ge [sflag:s9], $0x50  }
0x217: {  	[sflag:s9] =	ssyncset.done $0x0  }
0x218: {  	[sflag:s9] =	ssyncadd.s32 $0xFFFFFFB0  }
0x219: {  	v2 =	vld [tilespmem:s19+$0x0];
	_ =	sdelay $0x1  }
0x21a: {  	v3 =	vld [tilespmem:s16+$0x0];
	_ =	sdelay $0x2  }
0x21b: {  	v2 =	vmul.u32 $0x2710, v2;
	_ =	sdelay $0x1  }
0x21c: {  	v2 =	vadd.s32 v3, v2  }
0x21d: {  	[tilespmem:$0x1B600] =	vst v2  }
0x21e: {  	v2 =	vld [tilespmem:s19+$0x10];
	_ =	sdelay $0x1  }
0x21f: {  	v3 =	vld [tilespmem:s16+$0x10];
	_ =	sdelay $0x2  }
0x220: {  	v2 =	vmul.u32 $0x2710, v2;
	_ =	sdelay $0x1  }
0x221: {  	v2 =	vadd.s32 v3, v2  }
0x222: {  	[tilespmem:$0x1B610] =	vst v2  }
0x223: {  	v2 =	vld [tilespmem:s19+$0x20];
	_ =	sdelay $0x1  }
0x224: {  	v3 =	vld [tilespmem:s16+$0x20];
	_ =	sdelay $0x2  }
0x225: {  	v2 =	vmul.u32 $0x2710, v2;
	_ =	sdelay $0x1  }
0x226: {  	v2 =	vadd.s32 v3, v2  }
0x227: {  	s14 =	sand.u32 $0x1FE0, s14;
	[tilespmem:$0x1B620] =	vst v2  }
0x228: {  	v2 =	vld [tilespmem:s14+$0x15480];
	_ =	sdelay $0x1  }
0x229: {  	v3 =	vld [tilespmem:s14+$0x16800];
	_ =	sdelay $0x2  }
0x22a: {  	v2 =	vmul.u32 $0x2710, v2;
	_ =	sdelay $0x1  }
0x22b: {  	v2 =	vadd.s32 v3, v2  }
0x22c: {  	[tilespmem:$0x1B630] =	vst v2  }
0x22d: {  	v2 =	vld [tilespmem:s19+$0x40];
	_ =	sdelay $0x1  }
0x22e: {  	v3 =	vld [tilespmem:s16+$0x40];
	_ =	sdelay $0x2  }
0x22f: {  	v2 =	vmul.u32 $0x2710, v2;
	_ =	sdelay $0x1  }
0x230: {  	v2 =	vadd.s32 v3, v2  }
0x231: {  	s15 =	simm.s32 $0x154F0;
	s14 =	simm.s32 $0xA0;
	s16 =	simm.s32 $0x16870;
	[tilespmem:$0x1B640] =	vst v2  }
.LBB2_10:
0x232: {  	[spmem:s25] =	stream.indirect.scatter.add.f32 [tilespmem:s6], [sflag:$0x2], $0x1, s7, s4, $0xb8;
	[tilespmem:$0x1CB00] =	vst v63  }
0x233: {  	s17 =	smov.u32 s14  }
0x234: {  	p0 =	sne.s32 s14, $0xF00;
	s14 =	sadd.s32 $0xA0, s14;
	_ =	swait.ge [sflag:s8], $0x50  }
0x235: {  	[sflag:s8] =	ssyncset.done $0x0  }
0x236: {  	[sflag:s8] =	ssyncadd.s32 $0xFFFFFFB0  }
0x237: {  	v2 =	vld [tilespmem:s15+$0xFFFFFFB0];
	_ =	sdelay $0x1  }
0x238: {  	v3 =	vld [tilespmem:s16+$0xFFFFFFB0];
	_ =	sdelay $0x2  }
0x239: {  	v2 =	vmul.u32 $0x2710, v2;
	_ =	sdelay $0x1  }
0x23a: {  	v2 =	vadd.s32 v3, v2  }
0x23b: {  	[tilespmem:$0x1B580] =	vst v2  }
0x23c: {  	v2 =	vld [tilespmem:s15+$0xFFFFFFC0];
	_ =	sdelay $0x1  }
0x23d: {  	v3 =	vld [tilespmem:s16+$0xFFFFFFC0];
	_ =	sdelay $0x2  }
0x23e: {  	v2 =	vmul.u32 $0x2710, v2;
	_ =	sdelay $0x1  }
0x23f: {  	v2 =	vadd.s32 v3, v2  }
0x240: {  	[tilespmem:$0x1B590] =	vst v2  }
0x241: {  	v2 =	vld [tilespmem:s15+$0xFFFFFFD0];
	_ =	sdelay $0x1  }
0x242: {  	v3 =	vld [tilespmem:s16+$0xFFFFFFD0];
	_ =	sdelay $0x2  }
0x243: {  	v2 =	vmul.u32 $0x2710, v2;
	_ =	sdelay $0x1  }
0x244: {  	v2 =	vadd.s32 v3, v2  }
0x245: {  	[tilespmem:$0x1B5A0] =	vst v2  }
0x246: {  	v2 =	vld [tilespmem:s15+$0xFFFFFFE0]  }
0x247: {  	v3 =	vld [tilespmem:s16+$0xFFFFFFE0];
	_ =	sdelay $0x3  }
0x248: {  	v2 =	vmul.u32 $0x2710, v2;
	_ =	sdelay $0x1  }
0x249: {  	v2 =	vadd.s32 v3, v2  }
0x24a: {  	[tilespmem:$0x1B5B0] =	vst v2  }
0x24b: {  	v2 =	vld [tilespmem:s15+$0xFFFFFFF0]  }
0x24c: {  	v3 =	vld [tilespmem:s16+$0xFFFFFFF0];
	_ =	sdelay $0x3  }
0x24d: {  	v2 =	vmul.u32 $0x2710, v2;
	_ =	sdelay $0x1  }
0x24e: {  	v2 =	vadd.s32 v3, v2  }
0x24f: {  	[tilespmem:$0x1B5C0] =	vst v2  }
0x250: {  	[spmem:s25] =	stream.indirect.scatter.add.f32 [tilespmem:s6], [sflag:$0x1], $0x1, s5, s4, $0xb8;
	[tilespmem:$0x1CB00] =	vst v63  }
0x251: {  	_ =	swait.ge [sflag:s9], $0x50  }
0x252: {  	[sflag:s9] =	ssyncset.done $0x0  }
0x253: {  	[sflag:s9] =	ssyncadd.s32 $0xFFFFFFB0  }
0x254: {  	v2 =	vld [tilespmem:s15+$0x0];
	_ =	sdelay $0x1  }
0x255: {  	v3 =	vld [tilespmem:s16+$0x0];
	_ =	sdelay $0x2  }
0x256: {  	v2 =	vmul.u32 $0x2710, v2;
	_ =	sdelay $0x1  }
0x257: {  	v2 =	vadd.s32 v3, v2  }
0x258: {  	[tilespmem:$0x1B600] =	vst v2  }
0x259: {  	v2 =	vld [tilespmem:s15+$0x10];
	_ =	sdelay $0x1  }
0x25a: {  	v3 =	vld [tilespmem:s16+$0x10];
	_ =	sdelay $0x2  }
0x25b: {  	v2 =	vmul.u32 $0x2710, v2;
	_ =	sdelay $0x1  }
0x25c: {  	v2 =	vadd.s32 v3, v2  }
0x25d: {  	[tilespmem:$0x1B610] =	vst v2  }
0x25e: {  	v2 =	vld [tilespmem:s15+$0x20];
	_ =	sdelay $0x1  }
0x25f: {  	v3 =	vld [tilespmem:s16+$0x20];
	_ =	sdelay $0x2  }
0x260: {  	v2 =	vmul.u32 $0x2710, v2;
	_ =	sdelay $0x1  }
0x261: {  	v2 =	vadd.s32 v3, v2  }
0x262: {  	s17 =	sand.u32 $0x1FE0, s17;
	[tilespmem:$0x1B620] =	vst v2  }
0x263: {  	v2 =	vld [tilespmem:s17+$0x15480]  }
0x264: {  	v3 =	vld [tilespmem:s17+$0x16800];
	_ =	sdelay $0x3  }
0x265: {  	v2 =	vmul.u32 $0x2710, v2;
	_ =	sdelay $0x1  }
0x266: {  	v2 =	vadd.s32 v3, v2  }
0x267: {  	[tilespmem:$0x1B630] =	vst v2  }
0x268: {  	v2 =	vld [tilespmem:s15+$0x40]  }
0x269: {  	v3 =	vld [tilespmem:s16+$0x40];
	_ =	sdelay $0x2  }
.Ltmp4:
0x26a: {  	(pc) =	sbr.rel @p0 .LBB2_10-.Ltmp4, $3  }
0x26b: {  	v2 =	vmul.u32 $0x2710, v2;
	_ =	sdelay $0x1  }
0x26c: {  	v2 =	vadd.s32 v3, v2  }
0x26d: {  	s15 =	sadd.s32 $0xA0, s15;
	s16 =	sadd.s32 $0xA0, s16;
	[tilespmem:$0x1B640] =	vst v2  }
0x26e: {  	[spmem:s25] =	stream.indirect.scatter.add.f32 [tilespmem:s6], [sflag:$0x2], $0x1, s7, s4, $0xb8;
	[tilespmem:$0x1CB00] =	vst v63  }
0x26f: {  	s14 =	simm.s32 $0x0;
	s15 =	rddreg [dreg:$0xd]  }
0x270: {  	[tilespmem:s2], [sflag:$0x3] =	stream.linear.gather [hbm4b:s15+s14], $0xFA0, $0x38;
	[tilespmem:$0x1CB00] =	vst v63  }
0x271: {  	_ =	swait.ge [sflag:s0], $0xFA0  }
0x272: {  	[sflag:s0] =	ssyncset.done $0x0  }
0x273: {  	s18 =	rddreg [dreg:$0xe];
	[sflag:s0] =	ssyncadd.s32 $0xFFFFF060  }
0x274: {  	[tilespmem:s3], [sflag:$0x3] =	stream.linear.gather [hbm4b:s18+s14], $0xFA0, $0x38;
	[tilespmem:$0x1CB00] =	vst v63  }
0x275: {  	_ =	swait.ge [sflag:s0], $0xFA0  }
0x276: {  	[sflag:s0] =	ssyncset.done $0x0  }
0x277: {  	[sflag:s0] =	ssyncadd.s32 $0xFFFFF060  }
0x278: {  	_ =	swait.ge [sflag:s8], $0x50  }
0x279: {  	[sflag:s8] =	ssyncset.done $0x0  }
0x27a: {  	s19 =	simm.s32 $0x15450;
	[sflag:s8] =	ssyncadd.s32 $0xFFFFFFB0  }
0x27b: {  	v2 =	vld [tilespmem:s19+$0xFFFFFFB0]  }
0x27c: {  	s16 =	simm.s32 $0x167D0  }
0x27d: {  	v3 =	vld [tilespmem:s16+$0xFFFFFFB0];
	_ =	sdelay $0x2  }
0x27e: {  	v2 =	vmul.u32 $0x2710, v2;
	_ =	sdelay $0x1  }
0x27f: {  	v2 =	vadd.s32 v3, v2  }
0x280: {  	[tilespmem:$0x1B580] =	vst v2  }
0x281: {  	v2 =	vld [tilespmem:s19+$0xFFFFFFC0];
	_ =	sdelay $0x1  }
0x282: {  	v3 =	vld [tilespmem:s16+$0xFFFFFFC0];
	_ =	sdelay $0x2  }
0x283: {  	v2 =	vmul.u32 $0x2710, v2;
	_ =	sdelay $0x1  }
0x284: {  	v2 =	vadd.s32 v3, v2  }
0x285: {  	[tilespmem:$0x1B590] =	vst v2  }
0x286: {  	v2 =	vld [tilespmem:s19+$0xFFFFFFD0];
	_ =	sdelay $0x1  }
0x287: {  	v3 =	vld [tilespmem:s16+$0xFFFFFFD0];
	_ =	sdelay $0x2  }
0x288: {  	v2 =	vmul.u32 $0x2710, v2;
	_ =	sdelay $0x1  }
0x289: {  	v2 =	vadd.s32 v3, v2  }
0x28a: {  	[tilespmem:$0x1B5A0] =	vst v2  }
0x28b: {  	v2 =	vld [tilespmem:s19+$0xFFFFFFE0];
	_ =	sdelay $0x1  }
0x28c: {  	v3 =	vld [tilespmem:s16+$0xFFFFFFE0];
	_ =	sdelay $0x2  }
0x28d: {  	v2 =	vmul.u32 $0x2710, v2;
	_ =	sdelay $0x1  }
0x28e: {  	v2 =	vadd.s32 v3, v2  }
0x28f: {  	[tilespmem:$0x1B5B0] =	vst v2  }
0x290: {  	v2 =	vld [tilespmem:s19+$0xFFFFFFF0];
	_ =	sdelay $0x1  }
0x291: {  	v3 =	vld [tilespmem:s16+$0xFFFFFFF0];
	_ =	sdelay $0x2  }
0x292: {  	v2 =	vmul.u32 $0x2710, v2;
	_ =	sdelay $0x1  }
0x293: {  	v2 =	vadd.s32 v3, v2  }
0x294: {  	[tilespmem:$0x1B5C0] =	vst v2  }
0x295: {  	[spmem:s25] =	stream.indirect.scatter.add.f32 [tilespmem:s6], [sflag:$0x1], $0x1, s5, s4, $0xb8;
	[tilespmem:$0x1CB00] =	vst v63  }
0x296: {  	_ =	swait.ge [sflag:s9], $0x50  }
0x297: {  	[sflag:s9] =	ssyncset.done $0x0  }
0x298: {  	[sflag:s9] =	ssyncadd.s32 $0xFFFFFFB0  }
0x299: {  	v2 =	vld [tilespmem:s19+$0x0];
	_ =	sdelay $0x1  }
0x29a: {  	v3 =	vld [tilespmem:s16+$0x0];
	_ =	sdelay $0x2  }
0x29b: {  	v2 =	vmul.u32 $0x2710, v2;
	_ =	sdelay $0x1  }
0x29c: {  	v2 =	vadd.s32 v3, v2  }
0x29d: {  	[tilespmem:$0x1B600] =	vst v2  }
0x29e: {  	v2 =	vld [tilespmem:s19+$0x10];
	_ =	sdelay $0x1  }
0x29f: {  	v3 =	vld [tilespmem:s16+$0x10];
	_ =	sdelay $0x2  }
0x2a0: {  	v2 =	vmul.u32 $0x2710, v2;
	_ =	sdelay $0x1  }
0x2a1: {  	v2 =	vadd.s32 v3, v2  }
0x2a2: {  	[tilespmem:$0x1B610] =	vst v2  }
0x2a3: {  	v2 =	vld [tilespmem:s19+$0x20];
	_ =	sdelay $0x1  }
0x2a4: {  	v3 =	vld [tilespmem:s16+$0x20];
	_ =	sdelay $0x2  }
0x2a5: {  	v2 =	vmul.u32 $0x2710, v2;
	_ =	sdelay $0x1  }
0x2a6: {  	v2 =	vadd.s32 v3, v2  }
0x2a7: {  	s14 =	sand.u32 $0x1FE0, s14;
	[tilespmem:$0x1B620] =	vst v2  }
0x2a8: {  	v2 =	vld [tilespmem:s14+$0x15480];
	_ =	sdelay $0x1  }
0x2a9: {  	v3 =	vld [tilespmem:s14+$0x16800];
	_ =	sdelay $0x2  }
0x2aa: {  	v2 =	vmul.u32 $0x2710, v2;
	_ =	sdelay $0x1  }
0x2ab: {  	v2 =	vadd.s32 v3, v2  }
0x2ac: {  	[tilespmem:$0x1B630] =	vst v2  }
0x2ad: {  	v2 =	vld [tilespmem:s19+$0x40];
	_ =	sdelay $0x1  }
0x2ae: {  	v3 =	vld [tilespmem:s16+$0x40];
	_ =	sdelay $0x2  }
0x2af: {  	v2 =	vmul.u32 $0x2710, v2;
	_ =	sdelay $0x1  }
0x2b0: {  	v2 =	vadd.s32 v3, v2  }
0x2b1: {  	s15 =	simm.s32 $0x154F0;
	s14 =	simm.s32 $0xA0;
	s16 =	simm.s32 $0x16870;
	[tilespmem:$0x1B640] =	vst v2  }
.LBB2_12:
0x2b2: {  	[spmem:s25] =	stream.indirect.scatter.add.f32 [tilespmem:s6], [sflag:$0x2], $0x1, s7, s4, $0xb8;
	[tilespmem:$0x1CB00] =	vst v63  }
0x2b3: {  	s17 =	smov.u32 s14  }
0x2b4: {  	p0 =	sne.s32 s14, $0xF00;
	s14 =	sadd.s32 $0xA0, s14;
	_ =	swait.ge [sflag:s8], $0x50  }
0x2b5: {  	[sflag:s8] =	ssyncset.done $0x0  }
0x2b6: {  	[sflag:s8] =	ssyncadd.s32 $0xFFFFFFB0  }
0x2b7: {  	v2 =	vld [tilespmem:s15+$0xFFFFFFB0];
	_ =	sdelay $0x1  }
0x2b8: {  	v3 =	vld [tilespmem:s16+$0xFFFFFFB0];
	_ =	sdelay $0x2  }
0x2b9: {  	v2 =	vmul.u32 $0x2710, v2;
	_ =	sdelay $0x1  }
0x2ba: {  	v2 =	vadd.s32 v3, v2  }
0x2bb: {  	[tilespmem:$0x1B580] =	vst v2  }
0x2bc: {  	v2 =	vld [tilespmem:s15+$0xFFFFFFC0];
	_ =	sdelay $0x1  }
0x2bd: {  	v3 =	vld [tilespmem:s16+$0xFFFFFFC0];
	_ =	sdelay $0x2  }
0x2be: {  	v2 =	vmul.u32 $0x2710, v2;
	_ =	sdelay $0x1  }
0x2bf: {  	v2 =	vadd.s32 v3, v2  }
0x2c0: {  	[tilespmem:$0x1B590] =	vst v2  }
0x2c1: {  	v2 =	vld [tilespmem:s15+$0xFFFFFFD0];
	_ =	sdelay $0x1  }
0x2c2: {  	v3 =	vld [tilespmem:s16+$0xFFFFFFD0];
	_ =	sdelay $0x2  }
0x2c3: {  	v2 =	vmul.u32 $0x2710, v2;
	_ =	sdelay $0x1  }
0x2c4: {  	v2 =	vadd.s32 v3, v2  }
0x2c5: {  	[tilespmem:$0x1B5A0] =	vst v2  }
0x2c6: {  	v2 =	vld [tilespmem:s15+$0xFFFFFFE0]  }
0x2c7: {  	v3 =	vld [tilespmem:s16+$0xFFFFFFE0];
	_ =	sdelay $0x3  }
0x2c8: {  	v2 =	vmul.u32 $0x2710, v2;
	_ =	sdelay $0x1  }
0x2c9: {  	v2 =	vadd.s32 v3, v2  }
0x2ca: {  	[tilespmem:$0x1B5B0] =	vst v2  }
0x2cb: {  	v2 =	vld [tilespmem:s15+$0xFFFFFFF0]  }
0x2cc: {  	v3 =	vld [tilespmem:s16+$0xFFFFFFF0];
	_ =	sdelay $0x3  }
0x2cd: {  	v2 =	vmul.u32 $0x2710, v2;
	_ =	sdelay $0x1  }
0x2ce: {  	v2 =	vadd.s32 v3, v2  }
0x2cf: {  	[tilespmem:$0x1B5C0] =	vst v2  }
0x2d0: {  	[spmem:s25] =	stream.indirect.scatter.add.f32 [tilespmem:s6], [sflag:$0x1], $0x1, s5, s4, $0xb8;
	[tilespmem:$0x1CB00] =	vst v63  }
0x2d1: {  	_ =	swait.ge [sflag:s9], $0x50  }
0x2d2: {  	[sflag:s9] =	ssyncset.done $0x0  }
0x2d3: {  	[sflag:s9] =	ssyncadd.s32 $0xFFFFFFB0  }
0x2d4: {  	v2 =	vld [tilespmem:s15+$0x0];
	_ =	sdelay $0x1  }
0x2d5: {  	v3 =	vld [tilespmem:s16+$0x0];
	_ =	sdelay $0x2  }
0x2d6: {  	v2 =	vmul.u32 $0x2710, v2;
	_ =	sdelay $0x1  }
0x2d7: {  	v2 =	vadd.s32 v3, v2  }
0x2d8: {  	[tilespmem:$0x1B600] =	vst v2  }
0x2d9: {  	v2 =	vld [tilespmem:s15+$0x10];
	_ =	sdelay $0x1  }
0x2da: {  	v3 =	vld [tilespmem:s16+$0x10];
	_ =	sdelay $0x2  }
0x2db: {  	v2 =	vmul.u32 $0x2710, v2;
	_ =	sdelay $0x1  }
0x2dc: {  	v2 =	vadd.s32 v3, v2  }
0x2dd: {  	[tilespmem:$0x1B610] =	vst v2  }
0x2de: {  	v2 =	vld [tilespmem:s15+$0x20];
	_ =	sdelay $0x1  }
0x2df: {  	v3 =	vld [tilespmem:s16+$0x20];
	_ =	sdelay $0x2  }
0x2e0: {  	v2 =	vmul.u32 $0x2710, v2;
	_ =	sdelay $0x1  }
0x2e1: {  	v2 =	vadd.s32 v3, v2  }
0x2e2: {  	s17 =	sand.u32 $0x1FE0, s17;
	[tilespmem:$0x1B620] =	vst v2  }
0x2e3: {  	v2 =	vld [tilespmem:s17+$0x15480]  }
0x2e4: {  	v3 =	vld [tilespmem:s17+$0x16800];
	_ =	sdelay $0x3  }
0x2e5: {  	v2 =	vmul.u32 $0x2710, v2;
	_ =	sdelay $0x1  }
0x2e6: {  	v2 =	vadd.s32 v3, v2  }
0x2e7: {  	[tilespmem:$0x1B630] =	vst v2  }
0x2e8: {  	v2 =	vld [tilespmem:s15+$0x40]  }
0x2e9: {  	v3 =	vld [tilespmem:s16+$0x40];
	_ =	sdelay $0x2  }
.Ltmp5:
0x2ea: {  	(pc) =	sbr.rel @p0 .LBB2_12-.Ltmp5, $3  }
0x2eb: {  	v2 =	vmul.u32 $0x2710, v2;
	_ =	sdelay $0x1  }
0x2ec: {  	v2 =	vadd.s32 v3, v2  }
0x2ed: {  	s15 =	sadd.s32 $0xA0, s15;
	s16 =	sadd.s32 $0xA0, s16;
	[tilespmem:$0x1B640] =	vst v2  }
0x2ee: {  	[spmem:s25] =	stream.indirect.scatter.add.f32 [tilespmem:s6], [sflag:$0x2], $0x1, s7, s4, $0xb8;
	[tilespmem:$0x1CB00] =	vst v63  }
0x2ef: {  	_ =	swait.ge [sflag:s8], $0x50  }
0x2f0: {  	[sflag:s8] =	ssyncset.done $0x0  }
0x2f1: {  	[sflag:s8] =	ssyncadd.s32 $0xFFFFFFB0  }
0x2f2: {  	_ =	swait.ge [sflag:s9], $0x50  }
0x2f3: {  	[sflag:s9] =	ssyncset.done $0x0  }
0x2f4: {  	[sflag:s9] =	ssyncadd.s32 $0xFFFFFFB0  }
0x2f5: {  	[bflag:$0x0] =	sbarrier.arrive $0xFFFF  }
0x2f6: {  	[tilespmem:s22], [sflag:$0x3] =	stream.linear.gather [spmem:s30], $0x1400, $0x38;
	[tilespmem:$0x1CB00] =	vst v63  }
0x2f7: {  	_ =	swait.ge [sflag:s0], $0x1400  }
0x2f8: {  	[sflag:s0] =	ssyncset.done $0x0  }
0x2f9: {  	s14 =	simm.s32 $0x0;
	s15 =	simm.s32 $0x40;
	[sflag:s0] =	ssyncadd.s32 $0xFFFFEC00  }
.LBB2_14:
0x2fa: {  	p0 =	sne.s32 s15, $0x4FC0;
	v2 =	vld [tilespmem:s14+$0x14000];
	_ =	sdelay $0x4  }
0x2fb: {  	v2 =	vmax.f32 v2, $1.000000000e+00  }
0x2fc: {  	(erf) = vrcp.f32 v2;
	_ =	sdelay $0x5  }
.Ltmp6:
0x2fd: {  	(pc) =	sbr.rel @p0 .LBB2_14-.Ltmp6, $3  }
0x2fe: {  	_ =	sdelay $0x1  }
0x2ff: {  	v2 =	vpop (erf)  }
0x300: {  	[tilespmem:s14+$0x14000] =	vst v2;
	s14 =	sshra.s32 s15, $0x2;
	s15 =	sadd.s32 $0x40, s15  }
0x301: {  	v2 =	vld [tilespmem:s14+$0x14000];
	_ =	sdelay $0x4  }
0x302: {  	v2 =	vmax.f32 v2, $1.000000000e+00  }
0x303: {  	(erf) = vrcp.f32 v2;
	_ =	sdelay $0x8  }
0x304: {  	v2 =	vpop (erf)  }
0x305: {  	[tilespmem:s14+$0x14000] =	vst v2  }
0x306: {  	[spmem:s30] =	stream.linear.scatter [tilespmem:s22], [sflag:$0x3], $0x1400, $0x38;
	[tilespmem:$0x1CB00] =	vst v63  }
0x307: {  	_ =	swait.ge [sflag:s0], $0x1400  }
0x308: {  	[sflag:s0] =	ssyncset.done $0x0  }
0x309: {  	[sflag:s0] =	ssyncadd.s32 $0xFFFFEC00  }
0x30a: {  	s17 =	simm.s32 $0x0;
	[bflag:$0x0] =	sbarrier.arrive $0xFFFF  }
0x30b: {  	[tilespmem:s17], [sflag:$0x3] =	stream.linear.gather [spmem:s25], $0x14000, $0x38;
	[tilespmem:$0x1CB00] =	vst v63  }
0x30c: {  	_ =	swait.ge [sflag:s0], $0x14000  }
0x30d: {  	[sflag:s0] =	ssyncset.done $0x0  }
0x30e: {  	s15 =	rddreg [dreg:$0xf];
	[sflag:s0] =	ssyncadd.s32 $0xFFFEC000  }
0x30f: {  	[tilespmem:s2], [sflag:$0x3] =	stream.linear.gather [hbm4b:s15+s17], $0x1380, $0x38;
	[tilespmem:$0x1CB00] =	vst v63  }
0x310: {  	_ =	swait.ge [sflag:s0], $0x1380  }
0x311: {  	[sflag:s0] =	ssyncset.done $0x0  }
0x312: {  	s18 =	rddreg [dreg:$0x15];
	[sflag:s0] =	ssyncadd.s32 $0xFFFFEC80  }
0x313: {  	[tilespmem:s3], [sflag:$0x3] =	stream.linear.gather [hbm4b:s18+s17], $0x1380, $0x38;
	[tilespmem:$0x1CB00] =	vst v63  }
0x314: {  	_ =	swait.ge [sflag:s0], $0x1380  }
0x315: {  	[sflag:s0] =	ssyncset.done $0x0  }
0x316: {  	s19 =	rddreg [dreg:$0x16];
	[sflag:s0] =	ssyncadd.s32 $0xFFFFEC80  }
0x317: {  	[tilespmem:s10], [sflag:$0x3] =	stream.linear.gather [hbm4b:s19+s17], $0x1380, $0x38;
	[tilespmem:$0x1CB00] =	vst v63  }
0x318: {  	_ =	swait.ge [sflag:s0], $0x1380  }
0x319: {  	[sflag:s0] =	ssyncset.done $0x0  }
0x31a: {  	s15 =	simm.s32 $0x0;
	[sflag:s0] =	ssyncadd.s32 $0xFFFFEC80  }
0x31b: {  	v2 =	vld [tilespmem:s15+$0x15400];
	_ =	sdelay $0x1  }
0x31c: {  	v3 =	vld [tilespmem:s15+$0x16780];
	_ =	sdelay $0x2  }
0x31d: {  	v2 =	vmul.u32 $0x2710, v2  }
0x31e: {  	s14 =	simm.s32 $0x10;
	v4 =	vld [tilespmem:s15+$0x17B00]  }
0x31f: {  	v6 =	vld [tilespmem:s14+$0x15400];
	v5 =	vadd.s32 v3, v2;
	_ =	sdelay $0x1  }
0x320: {  	v3 =	vld [tilespmem:s14+$0x16780];
	_ =	sdelay $0x1  }
0x321: {  	v2 =	vadd.s32 v2, v4  }
0x322: {  	v4 =	vld.idx.msk [tilespmem:v5+s1+$0x0], $0xffff;
	[tilespmem:s15+$0x1A200] =	vst v2;
	v2 =	vmul.u32 $0x2710, v6  }
0x323: {  	s16 =	simm.s32 $0x20;
	s17 =	simm.s32 $0xC0;
	v5 =	vld [tilespmem:s14+$0x17B00]  }
.LBB2_16:
0x324: {  	p0 =	sne.s32 s17, $0x4DC0;
	v6 =	vld [tilespmem:s16+$0x15400];
	v7 =	vadd.s32 v3, v2;
	_ =	sdelay $0x1  }
.Ltmp7:
0x325: {  	v3 =	vld [tilespmem:s16+$0x16780];
	(pc) =	sbr.rel @p0 .LBB2_16-.Ltmp7, $4  }
0x326: {  	_ = 	snop  }
0x327: {  	v5 =	vadd.s32 v2, v5;
	[tilespmem:s15+$0x18E80] =	vst v4;
	s15 =	smov.u32 s14;
	s14 =	smov.u32 s16  }
0x328: {  	v2 =	vmul.u32 $0x2710, v6;
	v4 =	vld.idx.msk [tilespmem:v7+s1+$0x0], $0xffff;
	[tilespmem:s15+$0x1A200] =	vst v5  }
0x329: {  	s16 =	sshra.s32 s17, $0x2;
	s17 =	sadd.s32 $0x40, s17;
	v5 =	vld [tilespmem:s14+$0x17B00]  }
0x32a: {  	v6 =	vld [tilespmem:s16+$0x15400]  }
0x32b: {  	v3 =	vadd.s32 v3, v2  }
0x32c: {  	v7 =	vld [tilespmem:s16+$0x16780];
	_ =	sdelay $0x2  }
0x32d: {  	[tilespmem:s15+$0x18E80] =	vst v4;
	v4 =	vmul.u32 $0x2710, v6  }
0x32e: {  	v3 =	vld.idx.msk [tilespmem:v3+s1+$0x0], $0xffff  }
0x32f: {  	v6 =	vadd.s32 v7, v4  }
0x330: {  	v2 =	vadd.s32 v2, v5  }
0x331: {  	[tilespmem:s14+$0x1A200] =	vst v2  }
0x332: {  	v2 =	vld [tilespmem:s16+$0x17B00]  }
0x333: {  	[tilespmem:s14+$0x18E80] =	vst v3  }
0x334: {  	v3 =	vld.idx.msk [tilespmem:v6+s1+$0x0], $0xffff;
	_ =	sdelay $0x2  }
0x335: {  	v2 =	vadd.s32 v4, v2  }
0x336: {  	[tilespmem:s16+$0x1A200] =	vst v2  }
0x337: {  	[tilespmem:s16+$0x18E80] =	vst v3;
	s16 =	simm.s32 $0x0  }
0x338: {  	[hbm4b:s20+s16] =	stream.linear.scatter [tilespmem:s11], [sflag:$0x3], $0x1380, $0x38;
	[tilespmem:$0x1CB00] =	vst v63  }
0x339: {  	_ =	swait.ge [sflag:s0], $0x1380  }
0x33a: {  	[sflag:s0] =	ssyncset.done $0x0  }
0x33b: {  	[sflag:s0] =	ssyncadd.s32 $0xFFFFEC80  }
0x33c: {  	[hbm4b:s21+s16] =	stream.linear.scatter [tilespmem:s12], [sflag:$0x3], $0x1380, $0x38;
	[tilespmem:$0x1CB00] =	vst v63  }
0x33d: {  	_ =	swait.ge [sflag:s0], $0x1380  }
0x33e: {  	[sflag:s0] =	ssyncset.done $0x0  }
0x33f: {  	s17 =	rddreg [dreg:$0x10];
	[sflag:s0] =	ssyncadd.s32 $0xFFFFEC80  }
0x340: {  	[tilespmem:s2], [sflag:$0x3] =	stream.linear.gather [hbm4b:s17+s16], $0x1380, $0x38;
	[tilespmem:$0x1CB00] =	vst v63  }
0x341: {  	_ =	swait.ge [sflag:s0], $0x1380  }
0x342: {  	[sflag:s0] =	ssyncset.done $0x0  }
0x343: {  	s18 =	rddreg [dreg:$0x11];
	[sflag:s0] =	ssyncadd.s32 $0xFFFFEC80  }
0x344: {  	[tilespmem:s3], [sflag:$0x3] =	stream.linear.gather [hbm4b:s18+s16], $0x1380, $0x38;
	[tilespmem:$0x1CB00] =	vst v63  }
0x345: {  	_ =	swait.ge [sflag:s0], $0x1380  }
0x346: {  	[sflag:s0] =	ssyncset.done $0x0  }
0x347: {  	s19 =	rddreg [dreg:$0x12];
	[sflag:s0] =	ssyncadd.s32 $0xFFFFEC80  }
0x348: {  	[tilespmem:s10], [sflag:$0x3] =	stream.linear.gather [hbm4b:s19+s16], $0x1380, $0x38;
	[tilespmem:$0x1CB00] =	vst v63  }
0x349: {  	_ =	swait.ge [sflag:s0], $0x1380  }
0x34a: {  	[sflag:s0] =	ssyncset.done $0x0  }
0x34b: {  	s15 =	simm.s32 $0x0;
	[sflag:s0] =	ssyncadd.s32 $0xFFFFEC80  }
0x34c: {  	v2 =	vld [tilespmem:s15+$0x15400];
	_ =	sdelay $0x1  }
0x34d: {  	v3 =	vld [tilespmem:s15+$0x16780];
	_ =	sdelay $0x2  }
0x34e: {  	v2 =	vmul.u32 $0x2710, v2  }
0x34f: {  	s14 =	simm.s32 $0x10;
	v4 =	vld [tilespmem:s15+$0x17B00]  }
0x350: {  	v6 =	vld [tilespmem:s14+$0x15400];
	v5 =	vadd.s32 v3, v2;
	_ =	sdelay $0x1  }
0x351: {  	v3 =	vld [tilespmem:s14+$0x16780];
	_ =	sdelay $0x1  }
0x352: {  	v2 =	vadd.s32 v2, v4  }
0x353: {  	v4 =	vld.idx.msk [tilespmem:v5+s1+$0x0], $0xffff;
	[tilespmem:s15+$0x1A200] =	vst v2;
	v2 =	vmul.u32 $0x2710, v6  }
0x354: {  	s17 =	simm.s32 $0xC0;
	s16 =	simm.s32 $0x20;
	v5 =	vld [tilespmem:s14+$0x17B00]  }
.LBB2_18:
0x355: {  	p0 =	sne.s32 s17, $0x4DC0;
	v6 =	vld [tilespmem:s16+$0x15400];
	v7 =	vadd.s32 v3, v2;
	_ =	sdelay $0x1  }
.Ltmp8:
0x356: {  	v3 =	vld [tilespmem:s16+$0x16780];
	(pc) =	sbr.rel @p0 .LBB2_18-.Ltmp8, $4  }
0x357: {  	_ = 	snop  }
0x358: {  	v5 =	vadd.s32 v2, v5;
	[tilespmem:s15+$0x18E80] =	vst v4;
	s15 =	smov.u32 s14;
	s14 =	smov.u32 s16  }
0x359: {  	v2 =	vmul.u32 $0x2710, v6;
	v4 =	vld.idx.msk [tilespmem:v7+s1+$0x0], $0xffff;
	[tilespmem:s15+$0x1A200] =	vst v5  }
0x35a: {  	s16 =	sshra.s32 s17, $0x2;
	s17 =	sadd.s32 $0x40, s17;
	v5 =	vld [tilespmem:s14+$0x17B00]  }
0x35b: {  	v6 =	vld [tilespmem:s16+$0x15400]  }
0x35c: {  	v3 =	vadd.s32 v3, v2  }
0x35d: {  	v7 =	vld [tilespmem:s16+$0x16780];
	_ =	sdelay $0x2  }
0x35e: {  	[tilespmem:s15+$0x18E80] =	vst v4;
	v62 =	vmul.u32 $0x2710, v6  }
0x35f: {  	v3 =	vld.idx.msk [tilespmem:v3+s1+$0x0], $0xffff  }
0x360: {  	v6 =	vadd.s32 v7, v62  }
0x361: {  	v2 =	vadd.s32 v2, v5  }
0x362: {  	[tilespmem:s14+$0x1A200] =	vst v2  }
0x363: {  	v2 =	vld [tilespmem:s16+$0x17B00]  }
0x364: {  	[tilespmem:s14+$0x18E80] =	vst v3  }
0x365: {  	v3 =	vld.idx.msk [tilespmem:v6+s1+$0x0], $0xffff;
	_ =	sdelay $0x2  }
0x366: {  	v2 =	vadd.s32 v62, v2  }
0x367: {  	[tilespmem:s16+$0x1A200] =	vst v2  }
0x368: {  	s18 =	rddreg [dreg:$0x13];
	[tilespmem:s16+$0x18E80] =	vst v3  }
0x369: {  	[hbm4b:s18+s1] =	stream.linear.scatter [tilespmem:s11], [sflag:$0x3], $0x1380, $0x38;
	[tilespmem:$0x1CB00] =	vst v63  }
0x36a: {  	_ =	swait.ge [sflag:s0], $0x1380  }
0x36b: {  	[sflag:s0] =	ssyncset.done $0x0  }
0x36c: {  	s19 =	rddreg [dreg:$0x14];
	[sflag:s0] =	ssyncadd.s32 $0xFFFFEC80  }
0x36d: {  	[hbm4b:s19+s1] =	stream.linear.scatter [tilespmem:s12], [sflag:$0x3], $0x1380, $0x38;
	[tilespmem:$0x1CB00] =	vst v63  }
0x36e: {  	_ =	swait.ge [sflag:s0], $0x1380  }
0x36f: {  	[sflag:s0] =	ssyncset.done $0x0  }
0x370: {  	[sflag:s0] =	ssyncadd.s32 $0xFFFFEC80  }
0x371: {  	[tilespmem:s2], [sflag:$0x3] =	stream.linear.gather [hbm4b:s23+s1], $0x10, $0x38;
	[tilespmem:$0x1CB00] =	vst v63  }
0x372: {  	_ =	swait.ge [sflag:s0], $0x10  }
0x373: {  	[sflag:s0] =	ssyncset.done $0x0  }
0x374: {  	[sflag:s0] =	ssyncadd.s32 $0xFFFFFFF0  }
0x375: {  	[tilespmem:s3], [sflag:$0x3] =	stream.linear.gather [hbm4b:s24+s1], $0x10, $0x38;
	[tilespmem:$0x1CB00] =	vst v63  }
0x376: {  	_ =	swait.ge [sflag:s0], $0x10  }
0x377: {  	[sflag:s0] =	ssyncset.done $0x0  }
0x378: {  	[sflag:s0] =	ssyncadd.s32 $0xFFFFFFF0  }
0x379: {  	[tilespmem:s10], [sflag:$0x3] =	stream.linear.gather [hbm4b:s26+s1], $0x10, $0x38;
	[tilespmem:$0x1CB00] =	vst v63  }
0x37a: {  	_ =	swait.ge [sflag:s0], $0x10  }
0x37b: {  	[sflag:s0] =	ssyncset.done $0x0  }
0x37c: {  	[sflag:s0] =	ssyncadd.s32 $0xFFFFFFF0  }
0x37d: {  	v2 =	vld [tilespmem:$0x15400];
	_ =	sdelay $0x1  }
0x37e: {  	v3 =	vld [tilespmem:$0x16780];
	_ =	sdelay $0x2  }
0x37f: {  	v2 =	vmul.u32 $0x2710, v2;
	_ =	sdelay $0x1  }
0x380: {  	v3 =	vadd.s32 v3, v2;
	_ =	sdelay $0x2  }
0x381: {  	v63 =	vld [tilespmem:$0x17B00];
	_ =	sdelay $0x1  }
0x382: {  	v3 =	vld.idx.msk [tilespmem:v3+s1+$0x0], $0xffff;
	_ =	sdelay $0x2  }
0x383: {  	v2 =	vadd.s32 v2, v63  }
0x384: {  	[tilespmem:$0x1A200] =	vst v2  }
0x385: {  	[tilespmem:$0x18E80] =	vst v3  }
0x386: {  	[hbm4b:s28+s1] =	stream.linear.scatter [tilespmem:s11], [sflag:$0x3], $0x10, $0x38;
	[tilespmem:$0x1CB00] =	vst v63  }
0x387: {  	s13 =	sadd.s32 $0x1, s13;
	_ =	swait.ge [sflag:s0], $0x10  }
0x388: {  	p0 =	sne.s32 s13, s31;
	[sflag:s0] =	ssyncset.done $0x0  }
.Ltmp9:
0x389: {  	[sflag:s0] =	ssyncadd.s32 $0xFFFFFFF0;
	(pc) =	sbr.rel @p0 .LBB2_1-.Ltmp9, $4  }
0x38a: {  	[hbm4b:s29+s1] =	stream.linear.scatter [tilespmem:s12], [sflag:$0x3], $0x10, $0x38;
	[tilespmem:$0x1CB00] =	vst v63  }
0x38b: {  	_ =	swait.ge [sflag:s0], $0x10  }
0x38c: {  	[sflag:s0] =	ssyncset.done $0x0  }
0x38d: {  	[sflag:s0] =	ssyncadd.s32 $0xFFFFFFF0  }
0x38e: {  	_ =	sfence.sel $0x180000  }
0x38f: {  	[bflag:$0x0] =	sbarrier.arrive $0xFFFF  }
0x390: {  	_ =	strace $0x90000047  }
0x391: {  	s0 =	stileid.u32;
	[bflag:$0x2] =	sbarrier.arrive $0xFFFF  }
0x392: {  	p0 =	sne.s32 s0, $0x0;
	s0 =	rddreg [dreg:$0x4]  }
0x393: {  	s0 =	sadd.s32 @!p0 $0x100000, s0  }
0x394: {  	[sflag:s0] =	ssyncadd.tile.s32 @!p0 $0x1;
	_ =	shalt  }
.Lfunc_end2:
_tile_overlayer_lowered:
.L_overlay_start_2:
0x395: {  	(tag) =	ssettag $0x2  }
0x396: {  	s0 =	rddreg [dreg:$0x0];
	s2 =	stileid.u32  }
0x397: {  	s1 =	rddreg [dreg:$0x1];
	p0 =	sne.s32 s2, $0x0  }
0x398: {  	s3 =	rddreg [dreg:$0x2];
	[bflag:$0x3] =	sbarrier.arrive $0xFFFF;
	s2 =	simm.s32 @!p0 $0x1C03  }
0x399: {  	[timem:s3], [sflag:s2] =	dma.local @!p0 [hbm:s0], s1  }
0x39a: {  	s0 =	simm.s32 @!p0 $0x3  }
0x39b: {  	_ =	swait.ge @!p0 [sflag:s0], s1  }
0x39c: {  	s1 =	ssub.s32 @!p0 $0x0, s1;
	[sflag:s0] =	ssyncset.done @!p0 $0x0  }
0x39d: {  	[sflag:s0] =	ssyncadd.s32 @!p0 s1  }
0x39e: {  	[bflag:$0x3] =	sbarrier.arrive $0xFFFF  }
0x39f: {  	_ =	shalt  }

// kernel: kernel.9.cloned.1.call-start
scs
__scs_entry_jumppad:
0x0: {  	(pc) =	sbr.rel $0x88, $3  }
0x1: {  	(tag) =	ssettag $0x0;
	lr =	simm.s32 $0x1  }
0x2: {  	[smem:$0x3F9B] =	sst lr;
	_ =	strace $0xD0000000  }
0x3: {  	_ = 	snop  }
0x4: {  	_ = 	snop  }
0x5: {  	_ = 	snop  }
0x6: {  	_ = 	snop  }
0x7: {  	_ = 	snop  }
__scs_overlays_trampoline_lowered:
0x8: {  	[smem:$0x3FAA] =	sst s0  }
0x9: {  	[smem:$0x3FAB] =	sst s1  }
0xa: {  	[smem:$0x3FAC] =	sst s2  }
0xb: {  	[smem:$0x3FAD] =	sst s3  }
0xc: {  	[smem:$0x3FAE] =	sst s4  }
0xd: {  	[smem:$0x3FAF] =	sst s5  }
0xe: {  	[smem:$0x3FB0] =	sst s6  }
0xf: {  	[smem:$0x3FB1] =	sst s7  }
0x10: {  	[smem:$0x3FB2] =	sst s8  }
0x11: {  	[smem:$0x3FB3] =	sst s9;
	s0 =	simm.s32 @!p0 $0x0  }
0x12: {  	s1 =	sld [smem:$0x3F99];
	s0 =	simm.s32 @p0 $0x1  }
0x13: {  	[smem:$0x3FB4] =	sst s0;
	s0 =	simm.s32 @!p1 $0x0  }
0x14: {  	s2 =	sld [smem:$0x3F98];
	s0 =	simm.s32 @p1 $0x1  }
0x15: {  	[smem:$0x3FB5] =	sst s0;
	s0 =	simm.s32 @!p2 $0x0  }
0x16: {  	s3 =	sld [smem:$0x3FDB];
	s0 =	simm.s32 @p2 $0x1  }
0x17: {  	s4 =	simm.s32 $0x1BF5;
	[smem:$0x3FB7] =	sst s0  }
0x18: {  	s0 =	sld [smem:$0x3F9A];
	_ =	swait.ge [sflag:s4], $0x0  }
0x19: {  	s7 =	sld [smem:$0x3F9B]  }
0x1a: {  	s8 =	sadd.s32 $0xFFFFE003, lr  }
0x1b: {  	s9 =	sadd.s32 $0xFFFFFEF7, lr;
	s5 =	simm.s32 $0xFFFFFFFF;
	p2 =	slt.u32 s8, $0xFFFFF086  }
0x1c: {  	p1 =	slt.u32 s9, $0xF7A;
	s5 =	simm.s32 @!p2 $0x0  }
0x1d: {  	s5 =	simm.s32 @p1 $0x1;
	p0 =	seq.s32 s7, s2  }
0x1e: {  	s7 =	smul.u32 @!p0 $0xF7A, s2;
	p2 =	seq.s32 @!p0 s5, $0x0  }
0x1f: {  	s9 =	smul.u32 $0xF7A, s1;
	s8 =	simm.s32 @!p0 $0x1BF5;
	p2 =	por !p2, p0  }
0x20: {  	[sflag:s8] =	ssyncset.s32 @!p0 $0xFFFFF086;
	s6 =	sadd.s32 @!p0 s3, s7;
	s7 =	simm.s32 @!p0 $0x108  }
0x21: {  	s3 =	sadd.s32 s3, s9;
	s6 =	sadd.s32 @!p0 $0x88, s6;
	s7 =	simm.s32 @p2 $0x1082  }
0x22: {  	[simem:s7], [sflag:s8] =	dma.local @!p0 [hbm:s6], $0xF7A  }
0x23: {  	s9 =	sor.u32 $0xD0000000, s2;
	s6 =	simm.s32 $0x108;
	_ =	swait.ge @!p0 [sflag:s8], $0x0  }
0x24: {  	s3 =	sadd.s32 $0x88, s3;
	s6 =	simm.s32 @!p1 $0x1082;
	[sflag:s4] =	ssyncset.s32 $0xFFFFF086  }
0x25: {  	[simem:s6], [sflag:s4] =	dma.local [hbm:s3], $0xF7A  }
0x26: {  	[smem:$0x3F9B] =	sst s1;
	(tag) =	ssettag s2;
	_ =	strace s9  }
0x27: {  	s1 =	sld [smem:$0x3FAB]  }
0x28: {  	s2 =	sld [smem:$0x3FAC]  }
0x29: {  	s4 =	sld [smem:$0x3FAE]  }
0x2a: {  	p0 =	seq.s32 s5, $0x0;
	s5 =	sld [smem:$0x3FAF]  }
0x2b: {  	s6 =	sld [smem:$0x3FB0]  }
0x2c: {  	s7 =	sld [smem:$0x3FB1]  }
0x2d: {  	s3 =	simm.s32 $0x108;
	s8 =	sld [smem:$0x3FB2]  }
0x2e: {  	s3 =	simm.s32 @!p0 $0x1082;
	s9 =	sld [smem:$0x3FB3]  }
0x2f: {  	lr =	sadd.s32 s0, s3;
	s0 =	sld [smem:$0x3FAA]  }
0x30: {  	s3 =	sld [smem:$0x3FAD]  }
0x31: {  	[smem:$0x3FB6] =	sst s10  }
0x32: {  	s10 =	sld [smem:$0x3FB4];
	_ =	sdelay $0x3  }
0x33: {  	p0 =	seq.s32 s10, $0x1;
	s10 =	sld [smem:$0x3FB6];
	_ =	sdelay $0x3  }
0x34: {  	[smem:$0x3FB6] =	sst s10  }
0x35: {  	s10 =	sld [smem:$0x3FB5];
	_ =	sdelay $0x3  }
0x36: {  	p1 =	seq.s32 s10, $0x1;
	s10 =	sld [smem:$0x3FB6];
	_ =	sdelay $0x3  }
0x37: {  	[smem:$0x3FB6] =	sst s10  }
0x38: {  	s10 =	sld [smem:$0x3FB7]  }
0x39: {  	_ = 	snop;
	(pc) =	sbr.ind lr, $3  }
0x3a: {  	_ = 	snop  }
0x3b: {  	_ = 	snop  }
0x3c: {  	p2 =	seq.s32 s10, $0x1;
	s10 =	sld [smem:$0x3FB6]  }
0x3d: {  	_ =	shalt  }
0x3e: {  	_ =	shalt  }
0x3f: {  	_ =	shalt  }
0x40: {  	_ =	shalt  }
0x41: {  	_ =	shalt  }
0x42: {  	_ =	shalt  }
0x43: {  	_ =	shalt  }
0x44: {  	_ =	shalt  }
0x45: {  	_ =	shalt  }
0x46: {  	_ =	shalt  }
0x47: {  	_ =	shalt  }
0x48: {  	_ =	shalt  }
0x49: {  	_ =	shalt  }
0x4a: {  	_ =	shalt  }
0x4b: {  	_ =	shalt  }
0x4c: {  	_ =	shalt  }
0x4d: {  	_ =	shalt  }
0x4e: {  	_ =	shalt  }
0x4f: {  	_ =	shalt  }
0x50: {  	_ =	shalt  }
0x51: {  	_ =	shalt  }
0x52: {  	_ =	shalt  }
0x53: {  	_ =	shalt  }
0x54: {  	_ =	shalt  }
0x55: {  	_ =	shalt  }
0x56: {  	_ =	shalt  }
0x57: {  	_ =	shalt  }
0x58: {  	_ =	shalt  }
0x59: {  	_ =	shalt  }
0x5a: {  	_ =	shalt  }
0x5b: {  	_ =	shalt  }
0x5c: {  	_ =	shalt  }
0x5d: {  	_ =	shalt  }
0x5e: {  	_ =	shalt  }
0x5f: {  	_ =	shalt  }
0x60: {  	_ =	shalt  }
0x61: {  	_ =	shalt  }
0x62: {  	_ =	shalt  }
0x63: {  	_ =	shalt  }
0x64: {  	_ =	shalt  }
0x65: {  	_ =	shalt  }
0x66: {  	_ =	shalt  }
0x67: {  	_ =	shalt  }
0x68: {  	_ =	shalt  }
0x69: {  	_ =	shalt  }
0x6a: {  	_ =	shalt  }
0x6b: {  	_ =	shalt  }
0x6c: {  	_ =	shalt  }
0x6d: {  	_ =	shalt  }
0x6e: {  	_ =	shalt  }
0x6f: {  	_ =	shalt  }
0x70: {  	_ =	shalt  }
0x71: {  	_ =	shalt  }
0x72: {  	_ =	shalt  }
0x73: {  	_ =	shalt  }
0x74: {  	_ =	shalt  }
0x75: {  	_ =	shalt  }
0x76: {  	_ =	shalt  }
0x77: {  	_ =	shalt  }
0x78: {  	_ =	shalt  }
0x79: {  	_ =	shalt  }
0x7a: {  	_ =	shalt  }
0x7b: {  	_ =	shalt  }
0x7c: {  	_ =	shalt  }
0x7d: {  	_ =	shalt  }
0x7e: {  	_ =	shalt  }
0x7f: {  	_ =	shalt  }
0x80: {  	_ =	shalt  }
0x81: {  	_ =	shalt  }
0x82: {  	_ =	shalt  }
0x83: {  	_ =	shalt  }
0x84: {  	_ =	shalt  }
0x85: {  	_ =	shalt  }
0x86: {  	_ =	shalt  }
0x87: {  	_ =	shalt  }
.Lfunc_end0:
.L_simem_size_0:
called_computation.1_lowered:
.L_overlay_start_0:
0x88: {  	s2 =	sld [smem:$0x3FD9]  }
0x89: {  	s3 =	sld [smem:$0x3FFE];
	_ =	sdelay $0x1  }
0x8a: {  	s1 =	srdreg.scid  }
0x8b: {  	s0 =	sand.u32 $0x1, s1  }
0x8c: {  	s16 =	sshll.u32 s0, $0xA;
	s2 =	sadd.s32 s3, s2  }
0x8d: {  	s2 =	sadd.s32 s2, s16  }
0x8e: {  	[smem:$0x3FC2] =	sst s2  }
0x8f: {  	_ = 	snop  }
0x90: {  	(tm) =	ssettm $0x1  }
0x91: {  	s17 =	sld [smem:$0x3FFB];
	_ =	sdelay $0x3  }
0x92: {  	_ =	strace s17  }
0x93: {  	s2 =	sld [smem:$0x3FFC];
	_ =	sdelay $0x3  }
0x94: {  	_ =	strace s2  }
0x95: {  	s2 =	sld [smem:$0x3FFD];
	_ =	sdelay $0x3  }
0x96: {  	_ =	strace s2  }
0x97: {  	_ =	strace $0x8FFFFFFF  }
0x98: {  	s18 =	sld [smem:$0x3FDB];
	_ =	sdelay $0x1  }
0x99: {  	s19 =	simm.s32 $_scs_section_size  }
0x9a: {  	s4 =	simm.s32 $_size__tile_overlayer_lowered;
	s5 =	simm.s32 $_tile_overlayer_lowered  }
0x9b: {  	s22 =	simm.s32 $0x1BFF;
	s21 =	sshll.u32 s5, $0x1;
	s2 =	sadd.s32 s19, s18  }
0x9c: {  	s6 =	simm.s32 $0x0;
	s20 =	sshll.u32 s4, $0x1;
	s4 =	sadd.s32 s21, s2  }
0x9d: {  	[timem:s6], [sflag:s22] =	dma.local [hbm:s4], s20  }
0x9e: {  	_ =	swait.ge [sflag:s22], s20  }
0x9f: {  	s3 =	ssub.s32 $0x0, s20;
	[sflag:s22] =	ssyncset.done $0x0  }
0xa0: {  	[sflag:s22] =	ssyncadd.s32 s3;
	_ =	sdelay $0x1  }
0xa1: {  	s23 =	simm.s32 $0x1B8B  }
0xa2: {  	_ =	swait.ge [sflag:s23], $0x1  }
0xa3: {  	[sflag:s23] =	ssyncset.done $0x0  }
0xa4: {  	s25 =	simm.s32 $0x1B8E;
	s24 =	sld [smem:$0x3FFE];
	[sflag:s23] =	ssyncadd.s32 $0xFFFFFFFF  }
0xa5: {  	s26 =	simm.s32 $execute0_lowered;
	[smem:$0x3FD2] =	sst s25  }
0xa6: {  	s4 =	sshll.u32 s26, $0x1;
	_ =	strace $0x80000049;
	[dreg:$0x1] =	wrdreg $0xFFFFFFFF  }
0xa7: {  	s28 =	simm.s32 $_size_execute0_lowered;
	s2 =	sadd.s32 s2, s4;
	[dreg:$0x0] =	wrdreg $0x0  }
0xa8: {  	s4 =	sshll.u32 s28, $0x1;
	[dreg:$0x2] =	wrdreg s2  }
0xa9: {  	[dreg:$0x3] =	wrdreg s4  }
0xaa: {  	[dreg:$0x4] =	wrdreg $0xC0  }
0xab: {  	_ =	task [dreg:s6], $0x5FFFF  }
0xac: {  	[dreg:$0x1] =	wrdreg $0xFFFFFFFF  }
0xad: {  	[dreg:$0x0] =	wrdreg $0x60  }
0xae: {  	[dreg:$0x2] =	wrdreg s24  }
0xaf: {  	[dreg:$0x3] =	wrdreg $0xA3800  }
0xb0: {  	[dreg:$0x4] =	wrdreg $0x9  }
0xb1: {  	_ =	task.clear_ibuf [dreg:s6], $0x5FFFF;
	_ =	strace $0x90000049  }
0xb2: {  	s29 =	simm.s32 $0x9;
	_ =	strace $0x8000004B  }
0xb3: {  	_ =	swait.ge [sflag:s29], $0x1  }
0xb4: {  	[sflag:s29] =	ssyncadd.s32 $0xFFFFFFFF  }
0xb5: {  	_ =	strace $0x9000004B  }
0xb6: {  	_ =	sfence  }
0xb7: {  	s30 =	sld [smem:$0x0];
	_ =	sdelay $0x2  }
0xb8: {  	s31 =	sshll.u32 s1, $0xD;
	s1 =	sshrl.u32 s1, $0x2  }
0xb9: {  	s3 =	sand.u32 $0x4000, s31;
	s1 =	sadd.s32 s1, s30  }
0xba: {  	s0 =	sor.u32 s3, s0;
	s1 =	sshll.u32 s1, $0x11  }
0xbb: {  	s0 =	sor.u32 s1, s0  }
0xbc: {  	s0 =	sadd.s32 $0x8F2B, s0  }
0xbd: {  	[sflag:s0] =	ssyncadd.remote.s32 $0x1  }
0xbe: {  	_ =	sfence.sel $0xFFFF  }
0xbf: {  	[dreg:$0x0] =	wrdreg $0xFFFFFFFF;
	(pc) =	sbr.abs _section_cstart, $3  }
0xc0: {  	[dreg:$0x1] =	wrdreg $0xFFFFFFFF  }
0xc1: {  	_ =	task.clear_ibuf [dreg:s6], $0x2FFFF;
	_ =	strace $0x9FFFFFFF  }
0xc2: {  	(tm) =	ssettm $0x7FFFFFFF  }
0xc3: {  	_ =	shalt  }
tec
execute0_lowered:
.L_overlay_start_1:
0x0: {  	(tag) =	ssettag $0x1  }
0x1: {  	s1 =	rddreg [dreg:$0x0]  }
0x2: {  	s0 =	srdreg.scid;
	s2 =	rddreg [dreg:$0x1]  }
0x3: {  	s13 =	stileid.u32;
	s3 =	simm.s32 $0x0;
	s28 =	simm.s32 $0x50  }
0x4: {  	s29 =	simm.s32 $0x9F80;
	s30 =	simm.s32 $0xA180;
	s31 =	simm.s32 $0x4F80  }
0x5: {  	s0 =	sand.u32 $0x1, s0;
	[smem:$0x7FF] =	sst s3;
	s5 =	sadd.s32 $0x1EE00, s1  }
0x6: {  	s8 =	smul.u32 $0x4E000, s13;
	s6 =	sadd.s32 $0x1400, s1;
	s7 =	sadd.s32 $0xB200, s1  }
0x7: {  	s20 =	smul.u32 $0x13800, s13;
	p0 =	sne.s32 s13, $0xF;
	s4 =	sshll.u32 s0, $0x4  }
0x8: {  	_ =	strace $0x8000004A;
	s11 =	ssub.s32 $0x2, s0;
	s8 =	sshrl.u32 s8, $0x2  }
0x9: {  	s0 =	smul.u32 $0x138800, s0;
	s4 =	sor.u32 s13, s4;
	s8 =	sadd.s32 s8, s2  }
0xa: {  	s12 =	sshrl.u32 s11, $0x1;
	s13 =	simm.s32 $0x2;
	s26 =	sadd.s32 $0x2800, s8  }
0xb: {  	s4 =	smul.u32 $0x2710, s4;
	s14 =	sadd.s32 $0x5000, s8;
	[dreg:$0x3] =	wrdreg s26  }
0xc: {  	s11 =	ssub.s32 s11, s12;
	s15 =	sadd.s32 $0x7800, s8;
	[dreg:$0x4] =	wrdreg s14  }
0xd: {  	s23 =	sadd.s32 s20, s0;
	s16 =	sadd.s32 $0xA000, s8;
	[dreg:$0x5] =	wrdreg s15  }
0xe: {  	s0 =	sshrl.u32 s0, $0x3;
	s17 =	sadd.s32 $0xC800, s8;
	[dreg:$0x6] =	wrdreg s16  }
0xf: {  	s12 =	simm.s32 $0xA280;
	s18 =	sadd.s32 $0xF000, s8;
	[dreg:$0x7] =	wrdreg s17  }
0x10: {  	s19 =	sadd.s32 $0x11800, s8;
	s9 =	sshrl.u32 s4, $0x3;
	[dreg:$0x8] =	wrdreg s18  }
0x11: {  	[dreg:$0x9] =	wrdreg s19;
	s16 =	sadd.s32 $0x138000, s2;
	s26 =	smax.u32 s11, $0x1  }
0x12: {  	s11 =	simm.s32 $0xA080;
	s14 =	simm.s32 $0x4;
	s15 =	simm.s32 $0x3  }
0x13: {  	s17 =	simm.s32 $0x5;
	s21 =	sadd.s32 s6, s9;
	[dreg:$0x11] =	wrdreg s26  }
0x14: {  	s10 =	sadd.s32 s9, s1;
	s22 =	sadd.s32 s7, s9;
	[dreg:$0xb] =	wrdreg s21  }
0x15: {  	s9 =	sadd.s32 $0x4D8, s9;
	s10 =	sadd.s32 $0x15000, s10;
	[dreg:$0xc] =	wrdreg s22  }
0x16: {  	s1 =	sadd.s32 $0x157600, s1;
	s24 =	sadd.s32 s6, s9;
	[dreg:$0xa] =	wrdreg s10  }
0x17: {  	s26 =	simm.s32 $0x7;
	s9 =	sadd.s32 s7, s9;
	[dreg:$0xd] =	wrdreg s24  }
0x18: {  	s0 =	sadd.s32 s1, s0;
	s10 =	sshrl.u32 s23, $0x3;
	[dreg:$0xe] =	wrdreg s9  }
0x19: {  	s0 =	sadd.s32 $0x27000, s0;
	s9 =	simm.s32 $0x1;
	s25 =	sadd.s32 s1, s10  }
0x1a: {  	[dreg:$0x10] =	wrdreg s0;
	s0 =	simm.s32 $0xA000;
	s1 =	simm.s32 $0xA200  }
0x1b: {  	v0 =	vimm.f32 $0.0e+00;
	s10 =	simm.s32 $0x7780;
	[dreg:$0xf] =	wrdreg s25;
	s25 =	simm.s32 $0x2780  }
.LBB2_1:
0x1c: {  	s19 =	simm.s32 $0x0;
	s20 =	simm.s32 $0x200  }
.LBB2_2:
0x1d: {  	p1 =	sne.s32 s20, $0x9E00;
	[tilespmem:s19+$0x27F0] =	vst v0  }
0x1e: {  	[tilespmem:s19+$0x2780] =	vst v0  }
0x1f: {  	[tilespmem:s19+$0x2790] =	vst v0  }
.Ltmp0:
0x20: {  	[tilespmem:s19+$0x27A0] =	vst v0;
	(pc) =	sbr.rel @p1 .LBB2_2-.Ltmp0, $4  }
0x21: {  	[tilespmem:s19+$0x27B0] =	vst v0  }
0x22: {  	[tilespmem:s19+$0x27C0] =	vst v0  }
0x23: {  	[tilespmem:s19+$0x27D0] =	vst v0  }
0x24: {  	[tilespmem:s19+$0x27E0] =	vst v0;
	s19 =	sshra.s32 s20, $0x2;
	s20 =	sadd.s32 $0x200, s20  }
0x25: {  	[tilespmem:s19+$0x27F0] =	vst v0  }
0x26: {  	[tilespmem:s19+$0x2780] =	vst v0  }
0x27: {  	[tilespmem:s19+$0x2790] =	vst v0  }
0x28: {  	[tilespmem:s19+$0x27A0] =	vst v0  }
0x29: {  	[tilespmem:s19+$0x27B0] =	vst v0  }
0x2a: {  	[tilespmem:s19+$0x27C0] =	vst v0  }
0x2b: {  	[tilespmem:s19+$0x27D0] =	vst v0  }
0x2c: {  	[tilespmem:s19+$0x27E0] =	vst v0  }
0x2d: {  	[spmem:s8] =	stream.linear.scatter [tilespmem:s25], [sflag:$0x7], $0x2800, $0x38;
	[tilespmem:$0x1DC00] =	vst v63  }
0x2e: {  	_ =	swait.ge [sflag:s26], $0x2800  }
0x2f: {  	[sflag:s26] =	ssyncset.done $0x0  }
0x30: {  	s18 =	rddreg [dreg:$0x3];
	[sflag:s26] =	ssyncadd.s32 $0xFFFFD800  }
0x31: {  	[spmem:s18] =	stream.linear.scatter [tilespmem:s25], [sflag:$0x7], $0x2800, $0x38;
	[tilespmem:$0x1DC00] =	vst v63  }
0x32: {  	_ =	swait.ge [sflag:s26], $0x2800  }
0x33: {  	[sflag:s26] =	ssyncset.done $0x0  }
0x34: {  	s22 =	rddreg [dreg:$0x4];
	[sflag:s26] =	ssyncadd.s32 $0xFFFFD800  }
0x35: {  	[spmem:s22] =	stream.linear.scatter [tilespmem:s25], [sflag:$0x7], $0x2800, $0x38;
	[tilespmem:$0x1DC00] =	vst v63  }
0x36: {  	_ =	swait.ge [sflag:s26], $0x2800  }
0x37: {  	[sflag:s26] =	ssyncset.done $0x0  }
0x38: {  	s23 =	rddreg [dreg:$0x5];
	[sflag:s26] =	ssyncadd.s32 $0xFFFFD800  }
0x39: {  	[spmem:s23] =	stream.linear.scatter [tilespmem:s25], [sflag:$0x7], $0x2800, $0x38;
	[tilespmem:$0x1DC00] =	vst v63  }
0x3a: {  	_ =	swait.ge [sflag:s26], $0x2800  }
0x3b: {  	[sflag:s26] =	ssyncset.done $0x0  }
0x3c: {  	s24 =	rddreg [dreg:$0x6];
	[sflag:s26] =	ssyncadd.s32 $0xFFFFD800  }
0x3d: {  	[spmem:s24] =	stream.linear.scatter [tilespmem:s25], [sflag:$0x7], $0x2800, $0x38;
	[tilespmem:$0x1DC00] =	vst v63  }
0x3e: {  	_ =	swait.ge [sflag:s26], $0x2800  }
0x3f: {  	[sflag:s26] =	ssyncset.done $0x0  }
0x40: {  	s19 =	rddreg [dreg:$0x7];
	[sflag:s26] =	ssyncadd.s32 $0xFFFFD800  }
0x41: {  	[spmem:s19] =	stream.linear.scatter [tilespmem:s25], [sflag:$0x7], $0x2800, $0x38;
	[tilespmem:$0x1DC00] =	vst v63  }
0x42: {  	_ =	swait.ge [sflag:s26], $0x2800  }
0x43: {  	[sflag:s26] =	ssyncset.done $0x0  }
0x44: {  	s20 =	rddreg [dreg:$0x8];
	[sflag:s26] =	ssyncadd.s32 $0xFFFFD800  }
0x45: {  	[spmem:s20] =	stream.linear.scatter [tilespmem:s25], [sflag:$0x7], $0x2800, $0x38;
	[tilespmem:$0x1DC00] =	vst v63  }
0x46: {  	_ =	swait.ge [sflag:s26], $0x2800  }
0x47: {  	[sflag:s26] =	ssyncset.done $0x0  }
0x48: {  	s21 =	rddreg [dreg:$0x9];
	[sflag:s26] =	ssyncadd.s32 $0xFFFFD800  }
0x49: {  	[spmem:s21] =	stream.linear.scatter [tilespmem:s25], [sflag:$0x7], $0x2000, $0x38;
	[tilespmem:$0x1DC00] =	vst v63  }
0x4a: {  	_ =	swait.ge [sflag:s26], $0x2000  }
0x4b: {  	[sflag:s26] =	ssyncset.done $0x0  }
0x4c: {  	s19 =	simm.s32 @!p0 $0x2780;
	[sflag:s26] =	ssyncadd.s32 $0xFFFFE000  }
0x4d: {  	[spmem:s16] =	stream.linear.scatter @!p0 [tilespmem:s19], [sflag:$0x7], $0x800, $0x38;
	[tilespmem:$0x1DC00] =	vst v63  }
0x4e: {  	s19 =	simm.s32 @!p0 $0x7  }
0x4f: {  	_ =	swait.ge @!p0 [sflag:s19], $0x800  }
0x50: {  	[sflag:s19] =	ssyncset.done @!p0 $0x0  }
0x51: {  	[sflag:s19] =	ssyncadd.s32 @!p0 $0xFFFFF800  }
0x52: {  	[bflag:$0x0] =	sbarrier.arrive $0xFFFF  }
0x53: {  	s19 =	simm.s32 $0x0;
	s22 =	rddreg [dreg:$0xa]  }
0x54: {  	[tilespmem:s19], [sflag:$0x7] =	stream.linear.gather [hbm4b:s22+s19], $0x2710, $0x38;
	[tilespmem:$0x1DC00] =	vst v63  }
0x55: {  	_ =	swait.ge [sflag:s26], $0x2710  }
0x56: {  	[sflag:s26] =	ssyncset.done $0x0  }
0x57: {  	[sflag:s26] =	ssyncadd.s32 $0xFFFFD8F0  }
0x58: {  	[tilespmem:s25], [sflag:$0x1] =	stream.indirect.gather [hbm4b:s5+s28], $0x80, s19, s28, $0xb8;
	[tilespmem:$0x1DC00] =	vst v63  }
0x59: {  	s23 =	rddreg [dreg:$0xb]  }
0x5a: {  	[tilespmem:s29], [sflag:$0x1] =	stream.linear.gather [hbm4b:s23+s19], $0x50, $0x38;
	[tilespmem:$0x1DC00] =	vst v63  }
0x5b: {  	s20 =	simm.s32 $0x0;
	s24 =	rddreg [dreg:$0xc]  }
0x5c: {  	[tilespmem:s30], [sflag:$0x1] =	stream.linear.gather [hbm4b:s24+s19], $0x50, $0x38;
	[tilespmem:$0x1DC00] =	vst v63  }
.LBB2_4:
0x5d: {  	p1 =	seq.s32 s20, $0x0  }
0x5e: {  	s21 =	smul.u32 $0xF0, s20;
	s22 =	simm.s32 @!p1 $0x5  }
0x5f: {  	_ =	swait.ge @!p1 [sflag:s22], $0x2800  }
0x60: {  	s24 =	sadd.s32 $0x50, s21;
	[sflag:s22] =	ssyncset.done @!p1 $0x0  }
0x61: {  	[sflag:s22] =	ssyncadd.s32 @!p1 $0xFFFFD800;
	s22 =	sadd.s32 s4, s24  }
0x62: {  	[tilespmem:s31], [sflag:$0x2] =	stream.indirect.gather [hbm4b:s5+s28], $0x80, s24, s28, $0xb8;
	[tilespmem:$0x1DC00] =	vst v63  }
0x63: {  	s22 =	sshrl.u32 s22, $0x3  }
0x64: {  	s23 =	sadd.s32 s6, s22  }
0x65: {  	[tilespmem:s0], [sflag:$0x2] =	stream.linear.gather [hbm4b:s23+s19], $0x50, $0x38;
	[tilespmem:$0x1DC00] =	vst v63  }
0x66: {  	s22 =	sadd.s32 s7, s22  }
0x67: {  	[tilespmem:s1], [sflag:$0x2] =	stream.linear.gather [hbm4b:s22+s19], $0x50, $0x38;
	[tilespmem:$0x1DC00] =	vst v63  }
0x68: {  	_ =	swait.ge [sflag:s9], $0x2800  }
0x69: {  	[sflag:s9] =	ssyncset.done $0x0  }
0x6a: {  	[sflag:s9] =	ssyncadd.s32 $0xFFFFD800  }
0x6b: {  	_ =	swait.ge [sflag:s9], $0x50  }
0x6c: {  	[sflag:s9] =	ssyncset.done $0x0  }
0x6d: {  	[sflag:s9] =	ssyncadd.s32 $0xFFFFFFB0  }
0x6e: {  	_ =	swait.ge [sflag:s9], $0x50  }
0x6f: {  	v1 =	vmov s19;
	[sflag:s9] =	ssyncset.done $0x0  }
0x70: {  	s22 =	simm.s32 $0x27C0;
	[sflag:s9] =	ssyncadd.s32 $0xFFFFFFB0  }
0x71: {  	v5 =	vld [tilespmem:s22+$0x30]  }
0x72: {  	v8 =	vld [tilespmem:s22+$0x10]  }
0x73: {  	v6 =	vld [tilespmem:s22+$0xFFFFFFC0]  }
0x74: {  	v2 =	vld.idx.msk [tilespmem:v1+s30+$0x0], $0xffff  }
0x75: {  	v10 =	vld [tilespmem:s22+$0xFFFFFFE0]  }
0x76: {  	v1 =	vld [tilespmem:s22+$0xFFFFFFF0]  }
0x77: {  	v3 =	vld [tilespmem:s22+$0x20]  }
0x78: {  	v4 =	vld [tilespmem:s22+$0xFFFFFFD0]  }
0x79: {  	v9 =	vmul.f32 v5, v2;
	v5 =	vld [tilespmem:s22+$0x0]  }
0x7a: {  	v7 =	vmul.f32 v6, v2  }
0x7b: {  	s24 =	simm.s32 $0x27C0;
	s23 =	simm.s32 $0x1;
	v6 =	vmul.f32 v10, v2;
	v8 =	vmul.f32 v8, v2  }
.LBB2_5:
0x7c: {  	p2 =	sne.s32 s23, $0x4F  }
0x7d: {  	v4 =	vmul.f32 v4, v2;
	v3 =	vmul.f32 v3, v2;
	[tilespmem:s22+$0x30] =	vst v9;
	s24 =	sadd.s32 $0x80, s24;
	s18 =	smov.u32 s23;
	s23 =	sadd.s32 $0x1, s23  }
0x7e: {  	[tilespmem:s22+$0xFFFFFFC0] =	vst v7;
	v7 =	vmul.f32 v1, v2;
	v2 =	vmul.f32 v5, v2  }
0x7f: {  	[tilespmem:s22+$0x10] =	vst v8  }
0x80: {  	v5 =	vmov s18;
	[tilespmem:s22+$0xFFFFFFE0] =	vst v6  }
0x81: {  	v1 =	vld [tilespmem:s24+$0xFFFFFFF0];
	[tilespmem:s22+$0xFFFFFFF0] =	vst v7  }
0x82: {  	v6 =	vld [tilespmem:s24+$0x30];
	[tilespmem:s22+$0x0] =	vst v2  }
0x83: {  	v8 =	vld [tilespmem:s24+$0x10];
	[tilespmem:s22+$0x20] =	vst v3  }
0x84: {  	v7 =	vld [tilespmem:s24+$0xFFFFFFC0];
	[tilespmem:s22+$0xFFFFFFD0] =	vst v4;
	s22 =	smov.u32 s24  }
0x85: {  	v2 =	vld.idx.msk [tilespmem:v5+s30+$0x0], $0xffff  }
0x86: {  	v10 =	vld [tilespmem:s24+$0xFFFFFFE0]  }
0x87: {  	v3 =	vld [tilespmem:s24+$0x20]  }
.Ltmp1:
0x88: {  	v4 =	vld [tilespmem:s24+$0xFFFFFFD0];
	(pc) =	sbr.rel @p2 .LBB2_5-.Ltmp1, $3  }
0x89: {  	v5 =	vld [tilespmem:s24+$0x0];
	_ =	sdelay $0x1  }
0x8a: {  	v7 =	vmul.f32 v7, v2;
	v9 =	vmul.f32 v6, v2  }
0x8b: {  	v8 =	vmul.f32 v8, v2;
	v6 =	vmul.f32 v10, v2  }
0x8c: {  	[tilespmem:s22+$0x30] =	vst v9  }
0x8d: {  	[tilespmem:s22+$0xFFFFFFC0] =	vst v7  }
0x8e: {  	v1 =	vmul.f32 v1, v2;
	[tilespmem:s22+$0x10] =	vst v8  }
0x8f: {  	v3 =	vmul.f32 v3, v2;
	[tilespmem:s22+$0xFFFFFFE0] =	vst v6  }
0x90: {  	v5 =	vmul.f32 v5, v2;
	[tilespmem:s22+$0xFFFFFFF0] =	vst v1  }
0x91: {  	v1 =	vmul.f32 v4, v2;
	[tilespmem:s22+$0x20] =	vst v3  }
0x92: {  	[tilespmem:s22+$0x0] =	vst v5  }
0x93: {  	s18 =	simm.s32 @!p1 $0x6;
	[tilespmem:s22+$0xFFFFFFD0] =	vst v1  }
0x94: {  	[spmem:s2] =	stream.indirect.scatter.add.f32 [tilespmem:s25], [sflag:$0x4], $0x80, s29, s28, $0xb8;
	[tilespmem:$0x1DC00] =	vst v63  }
0x95: {  	_ =	swait.ge @!p1 [sflag:s18], $0x2800  }
0x96: {  	s23 =	sadd.s32 $0xA0, s21;
	[sflag:s18] =	ssyncset.done @!p1 $0x0  }
0x97: {  	[sflag:s18] =	ssyncadd.s32 @!p1 $0xFFFFD800;
	s18 =	sadd.s32 s4, s23  }
0x98: {  	[tilespmem:s10], [sflag:$0x3] =	stream.indirect.gather [hbm4b:s5+s28], $0x80, s23, s28, $0xb8;
	[tilespmem:$0x1DC00] =	vst v63  }
0x99: {  	s18 =	sshrl.u32 s18, $0x3  }
0x9a: {  	s23 =	simm.s32 $0x0;
	s24 =	sadd.s32 s6, s18  }
0x9b: {  	[tilespmem:s11], [sflag:$0x3] =	stream.linear.gather [hbm4b:s24+s23], $0x50, $0x38;
	[tilespmem:$0x1DC00] =	vst v63  }
0x9c: {  	s18 =	sadd.s32 s7, s18  }
0x9d: {  	[tilespmem:s12], [sflag:$0x3] =	stream.linear.gather [hbm4b:s18+s23], $0x50, $0x38;
	[tilespmem:$0x1DC00] =	vst v63  }
0x9e: {  	_ =	swait.ge [sflag:s13], $0x2800  }
0x9f: {  	[sflag:s13] =	ssyncset.done $0x0  }
0xa0: {  	[sflag:s13] =	ssyncadd.s32 $0xFFFFD800  }
0xa1: {  	_ =	swait.ge [sflag:s13], $0x50  }
0xa2: {  	[sflag:s13] =	ssyncset.done $0x0  }
0xa3: {  	[sflag:s13] =	ssyncadd.s32 $0xFFFFFFB0  }
0xa4: {  	_ =	swait.ge [sflag:s13], $0x50  }
0xa5: {  	v1 =	vmov s23;
	[sflag:s13] =	ssyncset.done $0x0  }
0xa6: {  	s22 =	simm.s32 $0x4FC0;
	[sflag:s13] =	ssyncadd.s32 $0xFFFFFFB0  }
0xa7: {  	v5 =	vld [tilespmem:s22+$0x30]  }
0xa8: {  	v8 =	vld [tilespmem:s22+$0x10]  }
0xa9: {  	v6 =	vld [tilespmem:s22+$0xFFFFFFC0]  }
0xaa: {  	v2 =	vld.idx.msk [tilespmem:v1+s1+$0x0], $0xffff  }
0xab: {  	v10 =	vld [tilespmem:s22+$0xFFFFFFE0]  }
0xac: {  	v1 =	vld [tilespmem:s22+$0xFFFFFFF0]  }
0xad: {  	v3 =	vld [tilespmem:s22+$0x20]  }
0xae: {  	v4 =	vld [tilespmem:s22+$0xFFFFFFD0]  }
0xaf: {  	v9 =	vmul.f32 v5, v2;
	v5 =	vld [tilespmem:s22+$0x0]  }
0xb0: {  	v7 =	vmul.f32 v6, v2  }
0xb1: {  	s24 =	simm.s32 $0x4FC0;
	s23 =	simm.s32 $0x1;
	v6 =	vmul.f32 v10, v2;
	v8 =	vmul.f32 v8, v2  }
.LBB2_7:
0xb2: {  	p1 =	sne.s32 s23, $0x4F  }
0xb3: {  	v4 =	vmul.f32 v4, v2;
	v3 =	vmul.f32 v3, v2;
	[tilespmem:s22+$0x30] =	vst v9;
	s24 =	sadd.s32 $0x80, s24;
	s18 =	smov.u32 s23;
	s23 =	sadd.s32 $0x1, s23  }
0xb4: {  	[tilespmem:s22+$0xFFFFFFC0] =	vst v7;
	v7 =	vmul.f32 v1, v2;
	v2 =	vmul.f32 v5, v2  }
0xb5: {  	[tilespmem:s22+$0x10] =	vst v8  }
0xb6: {  	v5 =	vmov s18;
	[tilespmem:s22+$0xFFFFFFE0] =	vst v6  }
0xb7: {  	v1 =	vld [tilespmem:s24+$0xFFFFFFF0];
	[tilespmem:s22+$0xFFFFFFF0] =	vst v7  }
0xb8: {  	v6 =	vld [tilespmem:s24+$0x30];
	[tilespmem:s22+$0x0] =	vst v2  }
0xb9: {  	v8 =	vld [tilespmem:s24+$0x10];
	[tilespmem:s22+$0x20] =	vst v3  }
0xba: {  	v7 =	vld [tilespmem:s24+$0xFFFFFFC0];
	[tilespmem:s22+$0xFFFFFFD0] =	vst v4;
	s22 =	smov.u32 s24  }
0xbb: {  	v2 =	vld.idx.msk [tilespmem:v5+s1+$0x0], $0xffff  }
0xbc: {  	v10 =	vld [tilespmem:s24+$0xFFFFFFE0]  }
0xbd: {  	v3 =	vld [tilespmem:s24+$0x20]  }
.Ltmp2:
0xbe: {  	v4 =	vld [tilespmem:s24+$0xFFFFFFD0];
	(pc) =	sbr.rel @p1 .LBB2_7-.Ltmp2, $3  }
0xbf: {  	v5 =	vld [tilespmem:s24+$0x0];
	_ =	sdelay $0x1  }
0xc0: {  	v7 =	vmul.f32 v7, v2;
	v9 =	vmul.f32 v6, v2  }
0xc1: {  	v8 =	vmul.f32 v8, v2;
	v6 =	vmul.f32 v10, v2  }
0xc2: {  	[tilespmem:s22+$0x30] =	vst v9  }
0xc3: {  	[tilespmem:s22+$0xFFFFFFC0] =	vst v7  }
0xc4: {  	v1 =	vmul.f32 v1, v2;
	[tilespmem:s22+$0x10] =	vst v8  }
0xc5: {  	v3 =	vmul.f32 v3, v2;
	[tilespmem:s22+$0xFFFFFFE0] =	vst v6  }
0xc6: {  	v5 =	vmul.f32 v5, v2;
	[tilespmem:s22+$0xFFFFFFF0] =	vst v1  }
0xc7: {  	v1 =	vmul.f32 v4, v2;
	[tilespmem:s22+$0x20] =	vst v3  }
0xc8: {  	[tilespmem:s22+$0x0] =	vst v5  }
0xc9: {  	[tilespmem:s22+$0xFFFFFFD0] =	vst v1  }
0xca: {  	[spmem:s2] =	stream.indirect.scatter.add.f32 [tilespmem:s31], [sflag:$0x5], $0x80, s0, s28, $0xb8;
	[tilespmem:$0x1DC00] =	vst v63  }
0xcb: {  	_ =	swait.ge [sflag:s14], $0x2800  }
0xcc: {  	[sflag:s14] =	ssyncset.done $0x0  }
0xcd: {  	s18 =	sadd.s32 $0xF0, s21;
	[sflag:s14] =	ssyncadd.s32 $0xFFFFD800  }
0xce: {  	[tilespmem:s25], [sflag:$0x1] =	stream.indirect.gather [hbm4b:s5+s28], $0x80, s18, s28, $0xb8;
	[tilespmem:$0x1DC00] =	vst v63  }
0xcf: {  	s18 =	sadd.s32 s4, s18  }
0xd0: {  	s18 =	sshrl.u32 s18, $0x3  }
0xd1: {  	s24 =	simm.s32 $0x0;
	s23 =	sadd.s32 s6, s18  }
0xd2: {  	[tilespmem:s29], [sflag:$0x1] =	stream.linear.gather [hbm4b:s23+s24], $0x50, $0x38;
	[tilespmem:$0x1DC00] =	vst v63  }
0xd3: {  	s18 =	sadd.s32 s7, s18  }
0xd4: {  	[tilespmem:s30], [sflag:$0x1] =	stream.linear.gather [hbm4b:s18+s24], $0x50, $0x38;
	[tilespmem:$0x1DC00] =	vst v63  }
0xd5: {  	_ =	swait.ge [sflag:s15], $0x2800  }
0xd6: {  	[sflag:s15] =	ssyncset.done $0x0  }
0xd7: {  	[sflag:s15] =	ssyncadd.s32 $0xFFFFD800  }
0xd8: {  	_ =	swait.ge [sflag:s15], $0x50  }
0xd9: {  	[sflag:s15] =	ssyncset.done $0x0  }
0xda: {  	[sflag:s15] =	ssyncadd.s32 $0xFFFFFFB0  }
0xdb: {  	_ =	swait.ge [sflag:s15], $0x50  }
0xdc: {  	v1 =	vmov s24;
	[sflag:s15] =	ssyncset.done $0x0  }
0xdd: {  	s21 =	simm.s32 $0x77C0;
	[sflag:s15] =	ssyncadd.s32 $0xFFFFFFB0  }
0xde: {  	v5 =	vld [tilespmem:s21+$0x30]  }
0xdf: {  	v8 =	vld [tilespmem:s21+$0x10]  }
0xe0: {  	v6 =	vld [tilespmem:s21+$0xFFFFFFC0]  }
0xe1: {  	v2 =	vld.idx.msk [tilespmem:v1+s12+$0x0], $0xffff  }
0xe2: {  	v10 =	vld [tilespmem:s21+$0xFFFFFFE0]  }
0xe3: {  	v1 =	vld [tilespmem:s21+$0xFFFFFFF0]  }
0xe4: {  	v3 =	vld [tilespmem:s21+$0x20]  }
0xe5: {  	v4 =	vld [tilespmem:s21+$0xFFFFFFD0]  }
0xe6: {  	v9 =	vmul.f32 v5, v2;
	v5 =	vld [tilespmem:s21+$0x0]  }
0xe7: {  	v7 =	vmul.f32 v6, v2  }
0xe8: {  	s22 =	simm.s32 $0x1;
	s23 =	simm.s32 $0x77C0;
	v6 =	vmul.f32 v10, v2;
	v8 =	vmul.f32 v8, v2  }
.LBB2_9:
0xe9: {  	p1 =	sne.s32 s22, $0x4F  }
0xea: {  	v4 =	vmul.f32 v4, v2;
	v3 =	vmul.f32 v3, v2;
	[tilespmem:s21+$0x30] =	vst v9;
	s23 =	sadd.s32 $0x80, s23;
	s18 =	smov.u32 s22;
	s22 =	sadd.s32 $0x1, s22  }
0xeb: {  	[tilespmem:s21+$0xFFFFFFC0] =	vst v7;
	v7 =	vmul.f32 v1, v2;
	v2 =	vmul.f32 v5, v2  }
0xec: {  	[tilespmem:s21+$0x10] =	vst v8  }
0xed: {  	v5 =	vmov s18;
	[tilespmem:s21+$0xFFFFFFE0] =	vst v6  }
0xee: {  	v1 =	vld [tilespmem:s23+$0xFFFFFFF0];
	[tilespmem:s21+$0xFFFFFFF0] =	vst v7  }
0xef: {  	v6 =	vld [tilespmem:s23+$0x30];
	[tilespmem:s21+$0x0] =	vst v2  }
0xf0: {  	v8 =	vld [tilespmem:s23+$0x10];
	[tilespmem:s21+$0x20] =	vst v3  }
0xf1: {  	v7 =	vld [tilespmem:s23+$0xFFFFFFC0];
	[tilespmem:s21+$0xFFFFFFD0] =	vst v4;
	s21 =	smov.u32 s23  }
0xf2: {  	v2 =	vld.idx.msk [tilespmem:v5+s12+$0x0], $0xffff  }
0xf3: {  	v10 =	vld [tilespmem:s23+$0xFFFFFFE0]  }
0xf4: {  	v3 =	vld [tilespmem:s23+$0x20]  }
.Ltmp3:
0xf5: {  	v4 =	vld [tilespmem:s23+$0xFFFFFFD0];
	(pc) =	sbr.rel @p1 .LBB2_9-.Ltmp3, $3  }
0xf6: {  	v5 =	vld [tilespmem:s23+$0x0];
	_ =	sdelay $0x1  }
0xf7: {  	v7 =	vmul.f32 v7, v2;
	v9 =	vmul.f32 v6, v2  }
0xf8: {  	v8 =	vmul.f32 v8, v2;
	v6 =	vmul.f32 v10, v2  }
0xf9: {  	[tilespmem:s21+$0x30] =	vst v9  }
0xfa: {  	[tilespmem:s21+$0xFFFFFFC0] =	vst v7  }
0xfb: {  	v1 =	vmul.f32 v1, v2;
	s20 =	sadd.s32 $0x1, s20;
	[tilespmem:s21+$0x10] =	vst v8  }
0xfc: {  	v3 =	vmul.f32 v3, v2;
	[tilespmem:s21+$0xFFFFFFE0] =	vst v6;
	p1 =	sne.s32 s20, $0x29  }
.Ltmp4:
0xfd: {  	v5 =	vmul.f32 v5, v2;
	[tilespmem:s21+$0xFFFFFFF0] =	vst v1;
	(pc) =	sbr.rel @p1 .LBB2_4-.Ltmp4, $4  }
0xfe: {  	v1 =	vmul.f32 v4, v2;
	[tilespmem:s21+$0x20] =	vst v3  }
0xff: {  	[tilespmem:s21+$0x0] =	vst v5  }
0x100: {  	[tilespmem:s21+$0xFFFFFFD0] =	vst v1  }
0x101: {  	[spmem:s2] =	stream.indirect.scatter.add.f32 [tilespmem:s10], [sflag:$0x6], $0x80, s11, s28, $0xb8;
	[tilespmem:$0x1DC00] =	vst v63  }
0x102: {  	_ =	swait.ge [sflag:s17], $0x2800  }
0x103: {  	[sflag:s17] =	ssyncset.done $0x0  }
0x104: {  	s18 =	simm.s32 $0x26C0;
	[sflag:s17] =	ssyncadd.s32 $0xFFFFD800  }
0x105: {  	[tilespmem:s31], [sflag:$0x2] =	stream.indirect.gather [hbm4b:s5+s28], $0x80, s18, s28, $0xb8;
	[tilespmem:$0x1DC00] =	vst v63  }
0x106: {  	s23 =	simm.s32 $0x0;
	s19 =	rddreg [dreg:$0xd]  }
0x107: {  	[tilespmem:s0], [sflag:$0x2] =	stream.linear.gather [hbm4b:s19+s23], $0x50, $0x38;
	[tilespmem:$0x1DC00] =	vst v63  }
0x108: {  	s24 =	rddreg [dreg:$0xe]  }
0x109: {  	[tilespmem:s1], [sflag:$0x2] =	stream.linear.gather [hbm4b:s24+s23], $0x50, $0x38;
	[tilespmem:$0x1DC00] =	vst v63  }
0x10a: {  	_ =	swait.ge [sflag:s9], $0x2800  }
0x10b: {  	[sflag:s9] =	ssyncset.done $0x0  }
0x10c: {  	[sflag:s9] =	ssyncadd.s32 $0xFFFFD800  }
0x10d: {  	_ =	swait.ge [sflag:s9], $0x50  }
0x10e: {  	[sflag:s9] =	ssyncset.done $0x0  }
0x10f: {  	[sflag:s9] =	ssyncadd.s32 $0xFFFFFFB0  }
0x110: {  	_ =	swait.ge [sflag:s9], $0x50  }
0x111: {  	v1 =	vmov s23;
	[sflag:s9] =	ssyncset.done $0x0  }
0x112: {  	s19 =	simm.s32 $0x27C0;
	[sflag:s9] =	ssyncadd.s32 $0xFFFFFFB0  }
0x113: {  	v5 =	vld [tilespmem:s19+$0x30]  }
0x114: {  	v8 =	vld [tilespmem:s19+$0x10]  }
0x115: {  	v6 =	vld [tilespmem:s19+$0xFFFFFFC0]  }
0x116: {  	v2 =	vld.idx.msk [tilespmem:v1+s30+$0x0], $0xffff  }
0x117: {  	v10 =	vld [tilespmem:s19+$0xFFFFFFE0]  }
0x118: {  	v1 =	vld [tilespmem:s19+$0xFFFFFFF0]  }
0x119: {  	v3 =	vld [tilespmem:s19+$0x20]  }
0x11a: {  	v4 =	vld [tilespmem:s19+$0xFFFFFFD0]  }
0x11b: {  	v9 =	vmul.f32 v5, v2;
	v5 =	vld [tilespmem:s19+$0x0]  }
0x11c: {  	v7 =	vmul.f32 v6, v2  }
0x11d: {  	s20 =	simm.s32 $0x1;
	s21 =	simm.s32 $0x27C0;
	v6 =	vmul.f32 v10, v2;
	v8 =	vmul.f32 v8, v2  }
.LBB2_12:
0x11e: {  	p1 =	sne.s32 s20, $0x4F  }
0x11f: {  	v4 =	vmul.f32 v4, v2;
	v3 =	vmul.f32 v3, v2;
	[tilespmem:s19+$0x30] =	vst v9;
	s21 =	sadd.s32 $0x80, s21;
	s18 =	smov.u32 s20;
	s20 =	sadd.s32 $0x1, s20  }
0x120: {  	[tilespmem:s19+$0xFFFFFFC0] =	vst v7;
	v7 =	vmul.f32 v1, v2;
	v2 =	vmul.f32 v5, v2  }
0x121: {  	[tilespmem:s19+$0x10] =	vst v8  }
0x122: {  	v5 =	vmov s18;
	[tilespmem:s19+$0xFFFFFFE0] =	vst v6  }
0x123: {  	v1 =	vld [tilespmem:s21+$0xFFFFFFF0];
	[tilespmem:s19+$0xFFFFFFF0] =	vst v7  }
0x124: {  	v6 =	vld [tilespmem:s21+$0x30];
	[tilespmem:s19+$0x0] =	vst v2  }
0x125: {  	v8 =	vld [tilespmem:s21+$0x10];
	[tilespmem:s19+$0x20] =	vst v3  }
0x126: {  	v7 =	vld [tilespmem:s21+$0xFFFFFFC0];
	[tilespmem:s19+$0xFFFFFFD0] =	vst v4;
	s19 =	smov.u32 s21  }
0x127: {  	v2 =	vld.idx.msk [tilespmem:v5+s30+$0x0], $0xffff  }
0x128: {  	v10 =	vld [tilespmem:s21+$0xFFFFFFE0]  }
0x129: {  	v3 =	vld [tilespmem:s21+$0x20]  }
.Ltmp5:
0x12a: {  	v4 =	vld [tilespmem:s21+$0xFFFFFFD0];
	(pc) =	sbr.rel @p1 .LBB2_12-.Ltmp5, $3  }
0x12b: {  	v5 =	vld [tilespmem:s21+$0x0];
	_ =	sdelay $0x1  }
0x12c: {  	v7 =	vmul.f32 v7, v2;
	v9 =	vmul.f32 v6, v2  }
0x12d: {  	v8 =	vmul.f32 v8, v2;
	v6 =	vmul.f32 v10, v2  }
0x12e: {  	[tilespmem:s19+$0x30] =	vst v9  }
0x12f: {  	[tilespmem:s19+$0xFFFFFFC0] =	vst v7  }
0x130: {  	v1 =	vmul.f32 v1, v2;
	[tilespmem:s19+$0x10] =	vst v8  }
0x131: {  	v3 =	vmul.f32 v3, v2;
	[tilespmem:s19+$0xFFFFFFE0] =	vst v6  }
0x132: {  	v5 =	vmul.f32 v5, v2;
	[tilespmem:s19+$0xFFFFFFF0] =	vst v1  }
0x133: {  	v1 =	vmul.f32 v4, v2;
	[tilespmem:s19+$0x20] =	vst v3  }
0x134: {  	[tilespmem:s19+$0x0] =	vst v5  }
0x135: {  	s18 =	simm.s32 $0x6;
	[tilespmem:s19+$0xFFFFFFD0] =	vst v1  }
0x136: {  	[spmem:s2] =	stream.indirect.scatter.add.f32 [tilespmem:s25], [sflag:$0x4], $0x80, s29, s28, $0xb8;
	[tilespmem:$0x1DC00] =	vst v63  }
0x137: {  	_ =	swait.ge [sflag:s18], $0x2800  }
0x138: {  	[sflag:s18] =	ssyncset.done $0x0  }
0x139: {  	[sflag:s18] =	ssyncadd.s32 $0xFFFFD800  }
0x13a: {  	_ =	swait.ge [sflag:s13], $0x2800  }
0x13b: {  	[sflag:s13] =	ssyncset.done $0x0  }
0x13c: {  	[sflag:s13] =	ssyncadd.s32 $0xFFFFD800  }
0x13d: {  	_ =	swait.ge [sflag:s13], $0x50  }
0x13e: {  	[sflag:s13] =	ssyncset.done $0x0  }
0x13f: {  	[sflag:s13] =	ssyncadd.s32 $0xFFFFFFB0  }
0x140: {  	s24 =	simm.s32 $0x0;
	_ =	swait.ge [sflag:s13], $0x50  }
0x141: {  	v1 =	vmov s24;
	[sflag:s13] =	ssyncset.done $0x0  }
0x142: {  	s19 =	simm.s32 $0x4FC0;
	[sflag:s13] =	ssyncadd.s32 $0xFFFFFFB0  }
0x143: {  	v5 =	vld [tilespmem:s19+$0x30]  }
0x144: {  	v8 =	vld [tilespmem:s19+$0x10]  }
0x145: {  	v6 =	vld [tilespmem:s19+$0xFFFFFFC0]  }
0x146: {  	v2 =	vld.idx.msk [tilespmem:v1+s1+$0x0], $0xffff  }
0x147: {  	v10 =	vld [tilespmem:s19+$0xFFFFFFE0]  }
0x148: {  	v1 =	vld [tilespmem:s19+$0xFFFFFFF0]  }
0x149: {  	v3 =	vld [tilespmem:s19+$0x20]  }
0x14a: {  	v4 =	vld [tilespmem:s19+$0xFFFFFFD0]  }
0x14b: {  	v9 =	vmul.f32 v5, v2;
	v5 =	vld [tilespmem:s19+$0x0]  }
0x14c: {  	v7 =	vmul.f32 v6, v2  }
0x14d: {  	s20 =	simm.s32 $0x1;
	s21 =	simm.s32 $0x4FC0;
	v6 =	vmul.f32 v10, v2;
	v8 =	vmul.f32 v8, v2  }
.LBB2_14:
0x14e: {  	p1 =	sne.s32 s20, $0x4F  }
0x14f: {  	v4 =	vmul.f32 v4, v2;
	v3 =	vmul.f32 v3, v2;
	[tilespmem:s19+$0x30] =	vst v9;
	s21 =	sadd.s32 $0x80, s21;
	s18 =	smov.u32 s20;
	s20 =	sadd.s32 $0x1, s20  }
0x150: {  	[tilespmem:s19+$0xFFFFFFC0] =	vst v7;
	v7 =	vmul.f32 v1, v2;
	v2 =	vmul.f32 v5, v2  }
0x151: {  	[tilespmem:s19+$0x10] =	vst v8  }
0x152: {  	v5 =	vmov s18;
	[tilespmem:s19+$0xFFFFFFE0] =	vst v6  }
0x153: {  	v1 =	vld [tilespmem:s21+$0xFFFFFFF0];
	[tilespmem:s19+$0xFFFFFFF0] =	vst v7  }
0x154: {  	v6 =	vld [tilespmem:s21+$0x30];
	[tilespmem:s19+$0x0] =	vst v2  }
0x155: {  	v8 =	vld [tilespmem:s21+$0x10];
	[tilespmem:s19+$0x20] =	vst v3  }
0x156: {  	v7 =	vld [tilespmem:s21+$0xFFFFFFC0];
	[tilespmem:s19+$0xFFFFFFD0] =	vst v4;
	s19 =	smov.u32 s21  }
0x157: {  	v2 =	vld.idx.msk [tilespmem:v5+s1+$0x0], $0xffff  }
0x158: {  	v10 =	vld [tilespmem:s21+$0xFFFFFFE0]  }
0x159: {  	v3 =	vld [tilespmem:s21+$0x20]  }
.Ltmp6:
0x15a: {  	v4 =	vld [tilespmem:s21+$0xFFFFFFD0];
	(pc) =	sbr.rel @p1 .LBB2_14-.Ltmp6, $3  }
0x15b: {  	v5 =	vld [tilespmem:s21+$0x0];
	_ =	sdelay $0x1  }
0x15c: {  	v7 =	vmul.f32 v7, v2;
	v9 =	vmul.f32 v6, v2  }
0x15d: {  	v8 =	vmul.f32 v8, v2;
	v6 =	vmul.f32 v10, v2  }
0x15e: {  	[tilespmem:s19+$0x30] =	vst v9  }
0x15f: {  	[tilespmem:s19+$0xFFFFFFC0] =	vst v7  }
0x160: {  	v1 =	vmul.f32 v1, v2;
	[tilespmem:s19+$0x10] =	vst v8  }
0x161: {  	v3 =	vmul.f32 v3, v2;
	[tilespmem:s19+$0xFFFFFFE0] =	vst v6  }
0x162: {  	v5 =	vmul.f32 v5, v2;
	[tilespmem:s19+$0xFFFFFFF0] =	vst v1  }
0x163: {  	v1 =	vmul.f32 v4, v2;
	[tilespmem:s19+$0x20] =	vst v3  }
0x164: {  	[tilespmem:s19+$0x0] =	vst v5  }
0x165: {  	[tilespmem:s19+$0xFFFFFFD0] =	vst v1  }
0x166: {  	[spmem:s2] =	stream.indirect.scatter.add.f32 [tilespmem:s31], [sflag:$0x5], $0x80, s0, s28, $0xb8;
	[tilespmem:$0x1DC00] =	vst v63  }
0x167: {  	_ =	swait.ge [sflag:s14], $0x2800  }
0x168: {  	[sflag:s14] =	ssyncset.done $0x0  }
0x169: {  	[sflag:s14] =	ssyncadd.s32 $0xFFFFD800  }
0x16a: {  	_ =	swait.ge [sflag:s17], $0x2800  }
0x16b: {  	[sflag:s17] =	ssyncset.done $0x0  }
0x16c: {  	s18 =	stileid.u32;
	[sflag:s17] =	ssyncadd.s32 $0xFFFFD800  }
0x16d: {  	s18 =	sshll.u32 s18, $0x6;
	[bflag:$0x0] =	sbarrier.arrive $0xFFFF  }
0x16e: {  	s23 =	sshrl.u32 s8, $0x3;
	s18 =	sor.u32 $0x1C07, s18;
	s20 =	rddreg [dreg:$0xf]  }
0x16f: {  	[hbm:s20], [sflag:s18] =	dma.local [spmem:s23], $0x2700  }
0x170: {  	_ =	swait.ge [sflag:s26], $0x2700  }
0x171: {  	[sflag:s26] =	ssyncset.done $0x0  }
0x172: {  	s19 =	sshrl.u32 @!p0 s16, $0x3;
	s20 =	rddreg [dreg:$0x10];
	[sflag:s26] =	ssyncadd.s32 $0xFFFFD900  }
0x173: {  	[hbm:s20], [sflag:s18] =	dma.local @!p0 [spmem:s19], $0x100  }
0x174: {  	s18 =	simm.s32 @!p0 $0x7  }
0x175: {  	_ =	swait.ge @!p0 [sflag:s18], $0x100  }
0x176: {  	s3 =	sadd.s32 $0x1, s3;
	s24 =	rddreg [dreg:$0x11]  }
0x177: {  	p1 =	sne.s32 s3, s24  }
.Ltmp7:
0x178: {  	_ = 	snop;
	(pc) =	sbr.rel @p1 .LBB2_1-.Ltmp7, $3  }
0x179: {  	_ =	sdelay $0x1  }
0x17a: {  	[sflag:s18] =	ssyncset.done @!p0 $0x0  }
0x17b: {  	[sflag:s18] =	ssyncadd.s32 @!p0 $0xFFFFFF00  }
0x17c: {  	_ =	sfence.sel $0x180000  }
0x17d: {  	[bflag:$0x0] =	sbarrier.arrive $0xFFFF  }
0x17e: {  	_ =	strace $0x9000004A  }
0x17f: {  	s0 =	stileid.u32;
	[bflag:$0x2] =	sbarrier.arrive $0xFFFF  }
0x180: {  	p0 =	sne.s32 s0, $0x0;
	s0 =	rddreg [dreg:$0x2]  }
0x181: {  	s0 =	sadd.s32 @!p0 $0x100000, s0  }
0x182: {  	[sflag:s0] =	ssyncadd.tile.s32 @!p0 $0x1;
	_ =	shalt  }
.Lfunc_end2:
_tile_overlayer_lowered:
.L_overlay_start_2:
0x183: {  	(tag) =	ssettag $0x2  }
0x184: {  	s0 =	rddreg [dreg:$0x0];
	s2 =	stileid.u32  }
0x185: {  	s1 =	rddreg [dreg:$0x1];
	p0 =	sne.s32 s2, $0x0  }
0x186: {  	s3 =	rddreg [dreg:$0x2];
	[bflag:$0x3] =	sbarrier.arrive $0xFFFF;
	s2 =	simm.s32 @!p0 $0x1C07  }
0x187: {  	[timem:s3], [sflag:s2] =	dma.local @!p0 [hbm:s0], s1  }
0x188: {  	s0 =	simm.s32 @!p0 $0x7  }
0x189: {  	_ =	swait.ge @!p0 [sflag:s0], s1  }
0x18a: {  	s1 =	ssub.s32 @!p0 $0x0, s1;
	[sflag:s0] =	ssyncset.done @!p0 $0x0  }
0x18b: {  	[sflag:s0] =	ssyncadd.s32 @!p0 s1  }
0x18c: {  	[bflag:$0x3] =	sbarrier.arrive $0xFFFF  }
0x18d: {  	_ =	shalt  }

</sc_bundles>
